<compile_context>
chip_gen: v7x
topology: tpu7x:2x2x1
jax: 0.10.2.dev20260603
libtpu: 0.0.44.dev20260713+nightly
codegen_flags: <defaults>
</compile_context>

<pallas_src>
import functools

import jax
import jax.numpy as jnp
from jax import lax
from jax.experimental import pallas as pl
from jax.experimental.pallas import tpu as pltpu
from jax.experimental.pallas import tpu_sc as plsc

_LANES = 16
_CHUNK = 128
_REPACK_W = 16384
_SH_BLK = _REPACK_W.bit_length() - 1
_SH_HALF = _SH_BLK - 1
_HALF_MASK = (1 << _SH_HALF) - 1


@functools.lru_cache(maxsize=None)
def _build(n_tokens: int, seq_len: int, dim: int):
    info = plsc.get_sparse_core_info()
    n_workers = info.num_cores * info.num_subcores
    assert n_tokens % (n_workers * 2 * _CHUNK) == 0
    per_worker = n_tokens // n_workers
    n_chunks = per_worker // _CHUNK
    n_groups = n_chunks // 2
    nblk = dim // _LANES
    inv_dim = 1.0 / dim
    mesh = plsc.VectorSubcoreMesh(core_axis_name="c", subcore_axis_name="s")

    def body(ids_hbm, tt_hbm, tok_hbm, pos_hbm, seg_hbm, g_hbm, b_hbm,
             out_hbm, pos_v, seg_v, g_v, b_v, raw_all, tt_all,
             idx0, idx1, rows0, rows1, outv0, outv1,
             semg0, semg1, semo0, semo1):
        idx = (idx0, idx1)
        rows = (rows0, rows1)
        outv = (outv0, outv1)
        semg = (semg0, semg1)
        semo = (semo0, semo1)
        wid = lax.axis_index("s") * info.num_cores + lax.axis_index("c")
        w_base = wid * per_worker
        pltpu.sync_copy(pos_hbm, pos_v)
        pltpu.sync_copy(seg_hbm, seg_v)
        pltpu.sync_copy(g_hbm, g_v)
        pltpu.sync_copy(b_hbm, b_v)
        pltpu.sync_copy(ids_hbm.at[pl.ds(w_base, per_worker)],
                        raw_all.at[pl.ds(0, per_worker)])
        pltpu.sync_copy(tt_hbm.at[pl.ds(w_base, per_worker)],
                        tt_all.at[pl.ds(0, per_worker)])
        seg0 = [seg_v[0, pl.ds(i * _LANES, _LANES)] for i in range(nblk)]
        segd = [seg_v[1, pl.ds(i * _LANES, _LANES)] - seg0[i] for i in range(nblk)]
        gam = [g_v[pl.ds(i * _LANES, _LANES)] for i in range(nblk)]
        bet = [b_v[pl.ds(i * _LANES, _LANES)] for i in range(nblk)]

        def build_idx(c, b):
            coff = c * _CHUNK
            for i in range(_CHUNK // _LANES):
                v = raw_all[pl.ds(coff + i * _LANES, _LANES)]
                idx[b][pl.ds(i * _LANES, _LANES)] = (
                    lax.shift_left(lax.shift_right_logical(v, _SH_BLK),
                                   _SH_HALF)
                    | (v & _HALF_MASK))

        def tok_body(c, rows_b, out_b, t):
            coff = c * _CHUNK
            s = lax.rem(w_base + coff + t, seq_len)
            off = (lax.shift_right_logical(
                raw_all[pl.ds(coff + t, _LANES)][0], _SH_HALF) & 1) * dim
            ttf = tt_all[pl.ds(coff + t, _LANES)][0].astype(jnp.float32)
            e = []
            for i in range(nblk):
                w = rows_b[t, pl.ds(off + i * _LANES, _LANES)]
                p = pos_v[s, pl.ds(i * _LANES, _LANES)]
                e.append((w + p) + (seg0[i] + ttf * segd[i]))
            s1 = (e[0] + e[1]) + (e[2] + e[3])
            s2 = (e[0] * e[0] + e[1] * e[1]) + (e[2] * e[2] + e[3] * e[3])
            mean = jnp.sum(s1) * inv_dim
            x = jnp.sum(s2) * inv_dim - mean * mean + 1e-12
            ib = 0x5F3759DF - lax.shift_right_logical(
                lax.bitcast_convert_type(x, jnp.int32), 1)
            y = lax.bitcast_convert_type(ib, jnp.float32)
            for _ in range(3):
                y = y * (1.5 - 0.5 * x * y * y)
            for i in range(nblk):
                out_b[t, pl.ds(i * _LANES, _LANES)] = (
                    (e[i] - mean) * (y * gam[i]) + bet[i])

        build_idx(0, 0)
        pltpu.async_copy(tok_hbm.at[idx[0]], rows[0], semg[0]).wait()

        def group_body(g, _):
            for b in (0, 1):
                c = 2 * g + b
                nb = 1 - b
                base = w_base + c * _CHUNK
                have_next = (g < n_groups - 1) if b else True

                def fire_next():
                    build_idx(c + 1, nb)
                    pltpu.async_copy(tok_hbm.at[idx[nb]], rows[nb], semg[nb])

                if b == 0:
                    fire_next()
                else:
                    pl.when(g < n_groups - 1)(fire_next)

                @pl.when(g >= 1)
                def _():
                    pltpu.make_async_copy(
                        outv[b],
                        out_hbm.at[pl.ds(base - 2 * _CHUNK, _CHUNK)],
                        semo[b]).wait()

                plsc.parallel_loop(0, _CHUNK, unroll=8)(
                    functools.partial(tok_body, c, rows[b], outv[b]))
                pltpu.async_copy(outv[b], out_hbm.at[pl.ds(base, _CHUNK)],
                                 semo[b])

                def wait_next():
                    pltpu.make_async_copy(tok_hbm.at[idx[nb]], rows[nb],
                                          semg[nb]).wait()

                if b == 0:
                    wait_next()
                else:
                    pl.when(g < n_groups - 1)(wait_next)
            return 0

        lax.fori_loop(0, n_groups, group_body, 0)
        pltpu.make_async_copy(
            outv[0], out_hbm.at[pl.ds(w_base + (n_chunks - 2) * _CHUNK, _CHUNK)],
            semo[0]).wait()
        pltpu.make_async_copy(
            outv[1], out_hbm.at[pl.ds(w_base + (n_chunks - 1) * _CHUNK, _CHUNK)],
            semo[1]).wait()

    return pl.kernel(
        body,
        out_type=jax.ShapeDtypeStruct((n_tokens, dim), jnp.float32),
        mesh=mesh,
        compiler_params=pltpu.CompilerParams(needs_layout_passes=False),
        scratch_types=[
            pltpu.VMEM((seq_len, dim), jnp.float32),
            pltpu.VMEM((2, dim), jnp.float32),
            pltpu.VMEM((dim,), jnp.float32),
            pltpu.VMEM((dim,), jnp.float32),
            pltpu.VMEM((per_worker + _LANES,), jnp.int32),
            pltpu.VMEM((per_worker + _LANES,), jnp.int32),
            pltpu.VMEM((_CHUNK,), jnp.int32),
            pltpu.VMEM((_CHUNK,), jnp.int32),
            pltpu.VMEM((_CHUNK, 2 * dim), jnp.float32),
            pltpu.VMEM((_CHUNK, 2 * dim), jnp.float32),
            pltpu.VMEM((_CHUNK, dim), jnp.float32),
            pltpu.VMEM((_CHUNK, dim), jnp.float32),
            pltpu.SemaphoreType.DMA,
            pltpu.SemaphoreType.DMA,
            pltpu.SemaphoreType.DMA,
            pltpu.SemaphoreType.DMA,
        ],
    )


@functools.lru_cache(maxsize=None)
def _build_tc_repack(vocab: int, dim: int):
    w = _REPACK_W
    n_blocks = (vocab + w - 1) // w

    def tkernel(x_ref, o_ref):
        x = x_ref[...]
        xt = jnp.swapaxes(x, 0, 1)
        d = x.shape[0]
        o_ref[:, 0:d] = xt[0:w // 2]
        o_ref[:, d:2 * d] = xt[w // 2:w]

    return pl.pallas_call(
        tkernel,
        grid=(n_blocks,),
        in_specs=[pl.BlockSpec((dim, w), lambda i: (0, i))],
        out_specs=pl.BlockSpec((w // 2, 2 * dim), lambda i: (i, 0)),
        out_shape=jax.ShapeDtypeStruct((n_blocks * (w // 2), 2 * dim),
                                       jnp.float32),
    )


def kernel(input_ids, token_type_ids, token_table, pos_table, seg_table,
           ln_gamma, ln_beta):
    bsz, seq = input_ids.shape
    vocab, dim = token_table.shape
    n = bsz * seq
    ids = input_ids.reshape(n).astype(jnp.int32)
    tts = token_type_ids.reshape(n).astype(jnp.int32)
    tok2 = _build_tc_repack(vocab, dim)(token_table.T)
    out = _build(n, seq, dim)(ids, tts, tok2, pos_table[:seq],
                              seg_table, ln_gamma, ln_beta)
    return out.reshape(bsz, seq, dim)

# --- scband reference (transcript-rebuilt; emitter-appended) ---
"""Pipeline reference for scband-bert-embeding-76201309765791 (READ-ONLY COPY).

The authoritative reference and input builder live on the scoring server;
editing this copy changes nothing except your own understanding.
"""

import jax, jax.numpy as jnp
import numpy as np

VOCAB = 1000000
DIM = 64
MAX_POS = 512
SEG = 2
B, S = 1024, 200


def setup_inputs(seed: int = 0) -> dict:
    key = jax.random.key(seed)
    k1, k2, k3, k4, k5, k6 = jax.random.split(key, 6)
    input_ids = jax.random.randint(k1, (B, S), 0, VOCAB, dtype=jnp.int64) if jax.config.jax_enable_x64 else jax.random.randint(k1, (B, S), 0, VOCAB, dtype=jnp.int32)
    token_type_ids = jax.random.randint(k2, (B, S), 0, SEG, dtype=input_ids.dtype)
    token_table = jax.random.normal(k3, (VOCAB, DIM), dtype=jnp.float32)
    pos_table = jax.random.normal(k4, (MAX_POS, DIM), dtype=jnp.float32)
    seg_table = jax.random.normal(k5, (SEG, DIM), dtype=jnp.float32)
    ln_gamma = jnp.ones((DIM,), dtype=jnp.float32)
    ln_beta = jnp.zeros((DIM,), dtype=jnp.float32)
    return {
        "input_ids": input_ids,
        "token_type_ids": token_type_ids,
        "token_table": token_table,
        "pos_table": pos_table,
        "seg_table": seg_table,
        "ln_gamma": ln_gamma,
        "ln_beta": ln_beta,
    }


def reference(input_ids, token_type_ids, token_table, pos_table, seg_table, ln_gamma, ln_beta):
    seq_len = input_ids.shape[1]
    pos_ids = jnp.arange(seq_len)
    word_embedding = jnp.take(token_table, input_ids, axis=0)          # [B, S, D]
    position_embedding = jnp.take(pos_table, pos_ids, axis=0)[None]    # [1, S, D]
    segment_embedding = jnp.take(seg_table, token_type_ids, axis=0)    # [B, S, D]
    embeddings = word_embedding + position_embedding + segment_embedding
    # LayerNorm (torch uses biased variance), eps=1e-12
    mean = jnp.mean(embeddings, axis=-1, keepdims=True)
    var = jnp.mean(jnp.square(embeddings - mean), axis=-1, keepdims=True)
    normed = (embeddings - mean) / jnp.sqrt(var + 1e-12)
    out = normed * ln_gamma + ln_beta
    # dropout is identity in eval mode
    return out

if __name__ == "__main__":
    import jax
    _d = setup_inputs()
    print(jax.jit(kernel)(*tuple(_d.values())))

</pallas_src>

<mosaic_0001>
#map = affine_map<(d0, d1) -> (0)>
#map1 = affine_map<(d0, d1) -> (0, 0)>
module attributes {stable_mosaic.version = 14 : i64} {
  func.func @body(%arg0: i32, %arg1: i32, %arg2: memref<204800xi32, #tpu.memory_space<hbm>>, %arg3: memref<204800xi32, #tpu.memory_space<hbm>>, %arg4: memref<507904x128xf32, #tpu.memory_space<hbm>>, %arg5: memref<200x64xf32, #tpu.memory_space<hbm>>, %arg6: memref<2x64xf32, #tpu.memory_space<hbm>>, %arg7: memref<64xf32, #tpu.memory_space<hbm>>, %arg8: memref<64xf32, #tpu.memory_space<hbm>>, %arg9: memref<204800x64xf32, #tpu.memory_space<hbm>>, %arg10: memref<200x64xf32, #tpu.memory_space<vmem>>, %arg11: memref<2x64xf32, #tpu.memory_space<vmem>>, %arg12: memref<64xf32, #tpu.memory_space<vmem>>, %arg13: memref<64xf32, #tpu.memory_space<vmem>>, %arg14: memref<6416xi32, #tpu.memory_space<vmem>>, %arg15: memref<6416xi32, #tpu.memory_space<vmem>>, %arg16: memref<128xi32, #tpu.memory_space<vmem>>, %arg17: memref<128xi32, #tpu.memory_space<vmem>>, %arg18: memref<128x128xf32, #tpu.memory_space<vmem>>, %arg19: memref<128x128xf32, #tpu.memory_space<vmem>>, %arg20: memref<128x64xf32, #tpu.memory_space<vmem>>, %arg21: memref<128x64xf32, #tpu.memory_space<vmem>>, %arg22: memref<!tpu.dma_semaphore, #tpu.memory_space<semaphore_mem>>, %arg23: memref<!tpu.dma_semaphore, #tpu.memory_space<semaphore_mem>>, %arg24: memref<!tpu.dma_semaphore, #tpu.memory_space<semaphore_mem>>, %arg25: memref<!tpu.dma_semaphore, #tpu.memory_space<semaphore_mem>>) attributes {dimension_semantics = [#tpu.dimension_semantics<core_parallel>, #tpu.dimension_semantics<subcore_parallel>], iteration_bounds = array<i64: 2, 16>, scalar_prefetch = 0 : i64, scratch_operands = 16 : i64, tpu.core_type = #tpu.core_type<sc_vector_subcore>, window_params = [{transform_indices = #map}, {transform_indices = #map}, {transform_indices = #map1}, {transform_indices = #map1}, {transform_indices = #map1}, {transform_indices = #map}, {transform_indices = #map}, {transform_indices = #map1}]} {
    %mul3A = arith.constant 2 : i32
    %mul3A_0 = arith.muli %arg1, %mul3A : i32
    %add3A = arith.addi %mul3A_0, %arg0 : i32
    %mul3A_1 = arith.constant 6400 : i32
    %mul3A_2 = arith.muli %add3A, %mul3A_1 : i32
    "tpu.region"() ({
      %run_scoped3A = tpu.sem_alloc : memref<!tpu.dma_semaphore, #tpu.memory_space<semaphore_mem>>
      tpu.enqueue_dma source(%arg5 : memref<200x64xf32, #tpu.memory_space<hbm>>) target(%arg10 : memref<200x64xf32, #tpu.memory_space<vmem>>) target_semaphore(%run_scoped3A : memref<!tpu.dma_semaphore, #tpu.memory_space<semaphore_mem>>)
      tpu.wait_dma2 semaphore(%run_scoped3A : memref<!tpu.dma_semaphore, #tpu.memory_space<semaphore_mem>>) src(%arg5 : memref<200x64xf32, #tpu.memory_space<hbm>>) dst(%arg10 : memref<200x64xf32, #tpu.memory_space<vmem>>)
      tpu.yield
    }) : () -> ()
    "tpu.region"() ({
      %run_scoped3A = tpu.sem_alloc : memref<!tpu.dma_semaphore, #tpu.memory_space<semaphore_mem>>
      tpu.enqueue_dma source(%arg6 : memref<2x64xf32, #tpu.memory_space<hbm>>) target(%arg11 : memref<2x64xf32, #tpu.memory_space<vmem>>) target_semaphore(%run_scoped3A : memref<!tpu.dma_semaphore, #tpu.memory_space<semaphore_mem>>)
      tpu.wait_dma2 semaphore(%run_scoped3A : memref<!tpu.dma_semaphore, #tpu.memory_space<semaphore_mem>>) src(%arg6 : memref<2x64xf32, #tpu.memory_space<hbm>>) dst(%arg11 : memref<2x64xf32, #tpu.memory_space<vmem>>)
      tpu.yield
    }) : () -> ()
    "tpu.region"() ({
      %run_scoped3A = tpu.sem_alloc : memref<!tpu.dma_semaphore, #tpu.memory_space<semaphore_mem>>
      tpu.enqueue_dma source(%arg7 : memref<64xf32, #tpu.memory_space<hbm>>) target(%arg12 : memref<64xf32, #tpu.memory_space<vmem>>) target_semaphore(%run_scoped3A : memref<!tpu.dma_semaphore, #tpu.memory_space<semaphore_mem>>)
      tpu.wait_dma2 semaphore(%run_scoped3A : memref<!tpu.dma_semaphore, #tpu.memory_space<semaphore_mem>>) src(%arg7 : memref<64xf32, #tpu.memory_space<hbm>>) dst(%arg12 : memref<64xf32, #tpu.memory_space<vmem>>)
      tpu.yield
    }) : () -> ()
    "tpu.region"() ({
      %run_scoped3A = tpu.sem_alloc : memref<!tpu.dma_semaphore, #tpu.memory_space<semaphore_mem>>
      tpu.enqueue_dma source(%arg8 : memref<64xf32, #tpu.memory_space<hbm>>) target(%arg13 : memref<64xf32, #tpu.memory_space<vmem>>) target_semaphore(%run_scoped3A : memref<!tpu.dma_semaphore, #tpu.memory_space<semaphore_mem>>)
      tpu.wait_dma2 semaphore(%run_scoped3A : memref<!tpu.dma_semaphore, #tpu.memory_space<semaphore_mem>>) src(%arg8 : memref<64xf32, #tpu.memory_space<hbm>>) dst(%arg13 : memref<64xf32, #tpu.memory_space<vmem>>)
      tpu.yield
    }) : () -> ()
    "tpu.region"() ({
      %run_scoped3A = tpu.sem_alloc : memref<!tpu.dma_semaphore, #tpu.memory_space<semaphore_mem>>
      %dma_start3A_182 = arith.constant 0 : i32
      %dma_start3A_183 = tpu.memref_slice %arg14[%dma_start3A_182] : memref<6416xi32, #tpu.memory_space<vmem>> -> memref<6400xi32, #tpu.memory_space<vmem>>
      %dma_start3A_184 = tpu.memref_slice %arg2[%mul3A_2] : memref<204800xi32, #tpu.memory_space<hbm>> -> memref<6400xi32, #tpu.memory_space<hbm>>
      %dma_start3A_185 = arith.constant 0 : i32
      %dma_start3A_186 = tpu.memref_slice %arg14[%dma_start3A_185] : memref<6416xi32, #tpu.memory_space<vmem>> -> memref<6400xi32, #tpu.memory_space<vmem>>
      %dma_start3A_187 = tpu.memref_slice %arg2[%mul3A_2] : memref<204800xi32, #tpu.memory_space<hbm>> -> memref<6400xi32, #tpu.memory_space<hbm>>
      tpu.enqueue_dma source(%dma_start3A_187 : memref<6400xi32, #tpu.memory_space<hbm>>) target(%dma_start3A_186 : memref<6400xi32, #tpu.memory_space<vmem>>) target_semaphore(%run_scoped3A : memref<!tpu.dma_semaphore, #tpu.memory_space<semaphore_mem>>)
      %dma_wait3A_188 = arith.constant 0 : i32
      %dma_wait3A_189 = tpu.memref_slice %arg14[%dma_wait3A_188] : memref<6416xi32, #tpu.memory_space<vmem>> -> memref<6400xi32, #tpu.memory_space<vmem>>
      %dma_wait3A_190 = tpu.memref_slice %arg2[%mul3A_2] : memref<204800xi32, #tpu.memory_space<hbm>> -> memref<6400xi32, #tpu.memory_space<hbm>>
      %dma_wait3A_191 = arith.constant 0 : i32
      %dma_wait3A_192 = tpu.memref_slice %arg14[%dma_wait3A_191] : memref<6416xi32, #tpu.memory_space<vmem>> -> memref<6400xi32, #tpu.memory_space<vmem>>
      %dma_wait3A_193 = tpu.memref_slice %arg2[%mul3A_2] : memref<204800xi32, #tpu.memory_space<hbm>> -> memref<6400xi32, #tpu.memory_space<hbm>>
      tpu.wait_dma2 semaphore(%run_scoped3A : memref<!tpu.dma_semaphore, #tpu.memory_space<semaphore_mem>>) src(%dma_wait3A_193 : memref<6400xi32, #tpu.memory_space<hbm>>) dst(%dma_wait3A_192 : memref<6400xi32, #tpu.memory_space<vmem>>)
      tpu.yield
    }) : () -> ()
    "tpu.region"() ({
      %run_scoped3A = tpu.sem_alloc : memref<!tpu.dma_semaphore, #tpu.memory_space<semaphore_mem>>
      %dma_start3A_182 = arith.constant 0 : i32
      %dma_start3A_183 = tpu.memref_slice %arg15[%dma_start3A_182] : memref<6416xi32, #tpu.memory_space<vmem>> -> memref<6400xi32, #tpu.memory_space<vmem>>
      %dma_start3A_184 = tpu.memref_slice %arg3[%mul3A_2] : memref<204800xi32, #tpu.memory_space<hbm>> -> memref<6400xi32, #tpu.memory_space<hbm>>
      %dma_start3A_185 = arith.constant 0 : i32
      %dma_start3A_186 = tpu.memref_slice %arg15[%dma_start3A_185] : memref<6416xi32, #tpu.memory_space<vmem>> -> memref<6400xi32, #tpu.memory_space<vmem>>
      %dma_start3A_187 = tpu.memref_slice %arg3[%mul3A_2] : memref<204800xi32, #tpu.memory_space<hbm>> -> memref<6400xi32, #tpu.memory_space<hbm>>
      tpu.enqueue_dma source(%dma_start3A_187 : memref<6400xi32, #tpu.memory_space<hbm>>) target(%dma_start3A_186 : memref<6400xi32, #tpu.memory_space<vmem>>) target_semaphore(%run_scoped3A : memref<!tpu.dma_semaphore, #tpu.memory_space<semaphore_mem>>)
      %dma_wait3A_188 = arith.constant 0 : i32
      %dma_wait3A_189 = tpu.memref_slice %arg15[%dma_wait3A_188] : memref<6416xi32, #tpu.memory_space<vmem>> -> memref<6400xi32, #tpu.memory_space<vmem>>
      %dma_wait3A_190 = tpu.memref_slice %arg3[%mul3A_2] : memref<204800xi32, #tpu.memory_space<hbm>> -> memref<6400xi32, #tpu.memory_space<hbm>>
      %dma_wait3A_191 = arith.constant 0 : i32
      %dma_wait3A_192 = tpu.memref_slice %arg15[%dma_wait3A_191] : memref<6416xi32, #tpu.memory_space<vmem>> -> memref<6400xi32, #tpu.memory_space<vmem>>
      %dma_wait3A_193 = tpu.memref_slice %arg3[%mul3A_2] : memref<204800xi32, #tpu.memory_space<hbm>> -> memref<6400xi32, #tpu.memory_space<hbm>>
      tpu.wait_dma2 semaphore(%run_scoped3A : memref<!tpu.dma_semaphore, #tpu.memory_space<semaphore_mem>>) src(%dma_wait3A_193 : memref<6400xi32, #tpu.memory_space<hbm>>) dst(%dma_wait3A_192 : memref<6400xi32, #tpu.memory_space<vmem>>)
      tpu.yield
    }) : () -> ()
    %get3A = arith.constant 0 : i32
    %get3A_3 = arith.index_cast %get3A : i32 to index
    %get3A_4 = arith.constant 0 : index
    %get3A_5 = tpu.vector_load %arg11[%get3A_3, %get3A_4] {strides = array<i32>} : memref<2x64xf32, #tpu.memory_space<vmem>>, vector<16xf32>,
    %get3A_6 = arith.constant 0 : i32
    %get3A_7 = arith.index_cast %get3A_6 : i32 to index
    %get3A_8 = arith.constant 16 : index
    %get3A_9 = tpu.vector_load %arg11[%get3A_7, %get3A_8] {strides = array<i32>} : memref<2x64xf32, #tpu.memory_space<vmem>>, vector<16xf32>,
    %get3A_10 = arith.constant 0 : i32
    %get3A_11 = arith.index_cast %get3A_10 : i32 to index
    %get3A_12 = arith.constant 32 : index
    %get3A_13 = tpu.vector_load %arg11[%get3A_11, %get3A_12] {strides = array<i32>} : memref<2x64xf32, #tpu.memory_space<vmem>>, vector<16xf32>,
    %get3A_14 = arith.constant 0 : i32
    %get3A_15 = arith.index_cast %get3A_14 : i32 to index
    %get3A_16 = arith.constant 48 : index
    %get3A_17 = tpu.vector_load %arg11[%get3A_15, %get3A_16] {strides = array<i32>} : memref<2x64xf32, #tpu.memory_space<vmem>>, vector<16xf32>,
    %get3A_18 = arith.constant 1 : i32
    %get3A_19 = arith.index_cast %get3A_18 : i32 to index
    %get3A_20 = arith.constant 0 : index
    %get3A_21 = tpu.vector_load %arg11[%get3A_19, %get3A_20] {strides = array<i32>} : memref<2x64xf32, #tpu.memory_space<vmem>>, vector<16xf32>,
    %sub3A = arith.subf %get3A_21, %get3A_5 : vector<16xf32>
    %get3A_22 = arith.constant 1 : i32
    %get3A_23 = arith.index_cast %get3A_22 : i32 to index
    %get3A_24 = arith.constant 16 : index
    %get3A_25 = tpu.vector_load %arg11[%get3A_23, %get3A_24] {strides = array<i32>} : memref<2x64xf32, #tpu.memory_space<vmem>>, vector<16xf32>,
    %sub3A_26 = arith.subf %get3A_25, %get3A_9 : vector<16xf32>
    %get3A_27 = arith.constant 1 : i32
    %get3A_28 = arith.index_cast %get3A_27 : i32 to index
    %get3A_29 = arith.constant 32 : index
    %get3A_30 = tpu.vector_load %arg11[%get3A_28, %get3A_29] {strides = array<i32>} : memref<2x64xf32, #tpu.memory_space<vmem>>, vector<16xf32>,
    %sub3A_31 = arith.subf %get3A_30, %get3A_13 : vector<16xf32>
    %get3A_32 = arith.constant 1 : i32
    %get3A_33 = arith.index_cast %get3A_32 : i32 to index
    %get3A_34 = arith.constant 48 : index
    %get3A_35 = tpu.vector_load %arg11[%get3A_33, %get3A_34] {strides = array<i32>} : memref<2x64xf32, #tpu.memory_space<vmem>>, vector<16xf32>,
    %sub3A_36 = arith.subf %get3A_35, %get3A_17 : vector<16xf32>
    %get3A_37 = arith.constant 0 : index
    %get3A_38 = tpu.vector_load %arg12[%get3A_37] {strides = array<i32>} : memref<64xf32, #tpu.memory_space<vmem>>, vector<16xf32>,
    %get3A_39 = arith.constant 16 : index
    %get3A_40 = tpu.vector_load %arg12[%get3A_39] {strides = array<i32>} : memref<64xf32, #tpu.memory_space<vmem>>, vector<16xf32>,
    %get3A_41 = arith.constant 32 : index
    %get3A_42 = tpu.vector_load %arg12[%get3A_41] {strides = array<i32>} : memref<64xf32, #tpu.memory_space<vmem>>, vector<16xf32>,
    %get3A_43 = arith.constant 48 : index
    %get3A_44 = tpu.vector_load %arg12[%get3A_43] {strides = array<i32>} : memref<64xf32, #tpu.memory_space<vmem>>, vector<16xf32>,
    %get3A_45 = arith.constant 0 : index
    %get3A_46 = tpu.vector_load %arg13[%get3A_45] {strides = array<i32>} : memref<64xf32, #tpu.memory_space<vmem>>, vector<16xf32>,
    %get3A_47 = arith.constant 16 : index
    %get3A_48 = tpu.vector_load %arg13[%get3A_47] {strides = array<i32>} : memref<64xf32, #tpu.memory_space<vmem>>, vector<16xf32>,
    %get3A_49 = arith.constant 32 : index
    %get3A_50 = tpu.vector_load %arg13[%get3A_49] {strides = array<i32>} : memref<64xf32, #tpu.memory_space<vmem>>, vector<16xf32>,
    %get3A_51 = arith.constant 48 : index
    %get3A_52 = tpu.vector_load %arg13[%get3A_51] {strides = array<i32>} : memref<64xf32, #tpu.memory_space<vmem>>, vector<16xf32>,
    %get3A_53 = arith.constant 0 : index
    %get3A_54 = tpu.vector_load %arg14[%get3A_53] {strides = array<i32>} : memref<6416xi32, #tpu.memory_space<vmem>>, vector<16xi32>,
    %shift_right_logical3A = arith.constant 14 : i32
    %shift_right_logical3A_55 = vector.broadcast %shift_right_logical3A : i32 to vector<16xi32>
    %shift_right_logical3A_56 = arith.shrui %get3A_54, %shift_right_logical3A_55 : vector<16xi32>
    %shift_left3A = arith.constant 13 : i32
    %shift_left3A_57 = vector.broadcast %shift_left3A : i32 to vector<16xi32>
    %shift_left3A_58 = arith.shli %shift_right_logical3A_56, %shift_left3A_57 : vector<16xi32>
    %and3A = arith.constant 8191 : i32
    %and3A_59 = vector.broadcast %and3A : i32 to vector<16xi32>
    %and3A_60 = arith.andi %get3A_54, %and3A_59 : vector<16xi32>
    %or3A = arith.ori %shift_left3A_58, %and3A_60 : vector<16xi32>
    %swap3A = arith.constant 0 : index
    %swap3A_61 = tpu.vector_load %arg16[%swap3A] {strides = array<i32>} : memref<128xi32, #tpu.memory_space<vmem>>, vector<16xi32>,
    tpu.vector_store %arg16[%swap3A], %or3A {strides = array<i32>} : memref<128xi32, #tpu.memory_space<vmem>>, vector<16xi32>,
    %get3A_62 = arith.constant 16 : index
    %get3A_63 = tpu.vector_load %arg14[%get3A_62] {strides = array<i32>} : memref<6416xi32, #tpu.memory_space<vmem>>, vector<16xi32>,
    %shift_right_logical3A_64 = arith.constant 14 : i32
    %shift_right_logical3A_65 = vector.broadcast %shift_right_logical3A_64 : i32 to vector<16xi32>
    %shift_right_logical3A_66 = arith.shrui %get3A_63, %shift_right_logical3A_65 : vector<16xi32>
    %shift_left3A_67 = arith.constant 13 : i32
    %shift_left3A_68 = vector.broadcast %shift_left3A_67 : i32 to vector<16xi32>
    %shift_left3A_69 = arith.shli %shift_right_logical3A_66, %shift_left3A_68 : vector<16xi32>
    %and3A_70 = arith.constant 8191 : i32
    %and3A_71 = vector.broadcast %and3A_70 : i32 to vector<16xi32>
    %and3A_72 = arith.andi %get3A_63, %and3A_71 : vector<16xi32>
    %or3A_73 = arith.ori %shift_left3A_69, %and3A_72 : vector<16xi32>
    %swap3A_74 = arith.constant 16 : index
    %swap3A_75 = tpu.vector_load %arg16[%swap3A_74] {strides = array<i32>} : memref<128xi32, #tpu.memory_space<vmem>>, vector<16xi32>,
    tpu.vector_store %arg16[%swap3A_74], %or3A_73 {strides = array<i32>} : memref<128xi32, #tpu.memory_space<vmem>>, vector<16xi32>,
    %get3A_76 = arith.constant 32 : index
    %get3A_77 = tpu.vector_load %arg14[%get3A_76] {strides = array<i32>} : memref<6416xi32, #tpu.memory_space<vmem>>, vector<16xi32>,
    %shift_right_logical3A_78 = arith.constant 14 : i32
    %shift_right_logical3A_79 = vector.broadcast %shift_right_logical3A_78 : i32 to vector<16xi32>
    %shift_right_logical3A_80 = arith.shrui %get3A_77, %shift_right_logical3A_79 : vector<16xi32>
    %shift_left3A_81 = arith.constant 13 : i32
    %shift_left3A_82 = vector.broadcast %shift_left3A_81 : i32 to vector<16xi32>
    %shift_left3A_83 = arith.shli %shift_right_logical3A_80, %shift_left3A_82 : vector<16xi32>
    %and3A_84 = arith.constant 8191 : i32
    %and3A_85 = vector.broadcast %and3A_84 : i32 to vector<16xi32>
    %and3A_86 = arith.andi %get3A_77, %and3A_85 : vector<16xi32>
    %or3A_87 = arith.ori %shift_left3A_83, %and3A_86 : vector<16xi32>
    %swap3A_88 = arith.constant 32 : index
    %swap3A_89 = tpu.vector_load %arg16[%swap3A_88] {strides = array<i32>} : memref<128xi32, #tpu.memory_space<vmem>>, vector<16xi32>,
    tpu.vector_store %arg16[%swap3A_88], %or3A_87 {strides = array<i32>} : memref<128xi32, #tpu.memory_space<vmem>>, vector<16xi32>,
    %get3A_90 = arith.constant 48 : index
    %get3A_91 = tpu.vector_load %arg14[%get3A_90] {strides = array<i32>} : memref<6416xi32, #tpu.memory_space<vmem>>, vector<16xi32>,
    %shift_right_logical3A_92 = arith.constant 14 : i32
    %shift_right_logical3A_93 = vector.broadcast %shift_right_logical3A_92 : i32 to vector<16xi32>
    %shift_right_logical3A_94 = arith.shrui %get3A_91, %shift_right_logical3A_93 : vector<16xi32>
    %shift_left3A_95 = arith.constant 13 : i32
    %shift_left3A_96 = vector.broadcast %shift_left3A_95 : i32 to vector<16xi32>
    %shift_left3A_97 = arith.shli %shift_right_logical3A_94, %shift_left3A_96 : vector<16xi32>
    %and3A_98 = arith.constant 8191 : i32
    %and3A_99 = vector.broadcast %and3A_98 : i32 to vector<16xi32>
    %and3A_100 = arith.andi %get3A_91, %and3A_99 : vector<16xi32>
    %or3A_101 = arith.ori %shift_left3A_97, %and3A_100 : vector<16xi32>
    %swap3A_102 = arith.constant 48 : index
    %swap3A_103 = tpu.vector_load %arg16[%swap3A_102] {strides = array<i32>} : memref<128xi32, #tpu.memory_space<vmem>>, vector<16xi32>,
    tpu.vector_store %arg16[%swap3A_102], %or3A_101 {strides = array<i32>} : memref<128xi32, #tpu.memory_space<vmem>>, vector<16xi32>,
    %get3A_104 = arith.constant 64 : index
    %get3A_105 = tpu.vector_load %arg14[%get3A_104] {strides = array<i32>} : memref<6416xi32, #tpu.memory_space<vmem>>, vector<16xi32>,
    %shift_right_logical3A_106 = arith.constant 14 : i32
    %shift_right_logical3A_107 = vector.broadcast %shift_right_logical3A_106 : i32 to vector<16xi32>
    %shift_right_logical3A_108 = arith.shrui %get3A_105, %shift_right_logical3A_107 : vector<16xi32>
    %shift_left3A_109 = arith.constant 13 : i32
    %shift_left3A_110 = vector.broadcast %shift_left3A_109 : i32 to vector<16xi32>
    %shift_left3A_111 = arith.shli %shift_right_logical3A_108, %shift_left3A_110 : vector<16xi32>
    %and3A_112 = arith.constant 8191 : i32
    %and3A_113 = vector.broadcast %and3A_112 : i32 to vector<16xi32>
    %and3A_114 = arith.andi %get3A_105, %and3A_113 : vector<16xi32>
    %or3A_115 = arith.ori %shift_left3A_111, %and3A_114 : vector<16xi32>
    %swap3A_116 = arith.constant 64 : index
    %swap3A_117 = tpu.vector_load %arg16[%swap3A_116] {strides = array<i32>} : memref<128xi32, #tpu.memory_space<vmem>>, vector<16xi32>,
    tpu.vector_store %arg16[%swap3A_116], %or3A_115 {strides = array<i32>} : memref<128xi32, #tpu.memory_space<vmem>>, vector<16xi32>,
    %get3A_118 = arith.constant 80 : index
    %get3A_119 = tpu.vector_load %arg14[%get3A_118] {strides = array<i32>} : memref<6416xi32, #tpu.memory_space<vmem>>, vector<16xi32>,
    %shift_right_logical3A_120 = arith.constant 14 : i32
    %shift_right_logical3A_121 = vector.broadcast %shift_right_logical3A_120 : i32 to vector<16xi32>
    %shift_right_logical3A_122 = arith.shrui %get3A_119, %shift_right_logical3A_121 : vector<16xi32>
    %shift_left3A_123 = arith.constant 13 : i32
    %shift_left3A_124 = vector.broadcast %shift_left3A_123 : i32 to vector<16xi32>
    %shift_left3A_125 = arith.shli %shift_right_logical3A_122, %shift_left3A_124 : vector<16xi32>
    %and3A_126 = arith.constant 8191 : i32
    %and3A_127 = vector.broadcast %and3A_126 : i32 to vector<16xi32>
    %and3A_128 = arith.andi %get3A_119, %and3A_127 : vector<16xi32>
    %or3A_129 = arith.ori %shift_left3A_125, %and3A_128 : vector<16xi32>
    %swap3A_130 = arith.constant 80 : index
    %swap3A_131 = tpu.vector_load %arg16[%swap3A_130] {strides = array<i32>} : memref<128xi32, #tpu.memory_space<vmem>>, vector<16xi32>,
    tpu.vector_store %arg16[%swap3A_130], %or3A_129 {strides = array<i32>} : memref<128xi32, #tpu.memory_space<vmem>>, vector<16xi32>,
    %get3A_132 = arith.constant 96 : index
    %get3A_133 = tpu.vector_load %arg14[%get3A_132] {strides = array<i32>} : memref<6416xi32, #tpu.memory_space<vmem>>, vector<16xi32>,
    %shift_right_logical3A_134 = arith.constant 14 : i32
    %shift_right_logical3A_135 = vector.broadcast %shift_right_logical3A_134 : i32 to vector<16xi32>
    %shift_right_logical3A_136 = arith.shrui %get3A_133, %shift_right_logical3A_135 : vector<16xi32>
    %shift_left3A_137 = arith.constant 13 : i32
    %shift_left3A_138 = vector.broadcast %shift_left3A_137 : i32 to vector<16xi32>
    %shift_left3A_139 = arith.shli %shift_right_logical3A_136, %shift_left3A_138 : vector<16xi32>
    %and3A_140 = arith.constant 8191 : i32
    %and3A_141 = vector.broadcast %and3A_140 : i32 to vector<16xi32>
    %and3A_142 = arith.andi %get3A_133, %and3A_141 : vector<16xi32>
    %or3A_143 = arith.ori %shift_left3A_139, %and3A_142 : vector<16xi32>
    %swap3A_144 = arith.constant 96 : index
    %swap3A_145 = tpu.vector_load %arg16[%swap3A_144] {strides = array<i32>} : memref<128xi32, #tpu.memory_space<vmem>>, vector<16xi32>,
    tpu.vector_store %arg16[%swap3A_144], %or3A_143 {strides = array<i32>} : memref<128xi32, #tpu.memory_space<vmem>>, vector<16xi32>,
    %get3A_146 = arith.constant 112 : index
    %get3A_147 = tpu.vector_load %arg14[%get3A_146] {strides = array<i32>} : memref<6416xi32, #tpu.memory_space<vmem>>, vector<16xi32>,
    %shift_right_logical3A_148 = arith.constant 14 : i32
    %shift_right_logical3A_149 = vector.broadcast %shift_right_logical3A_148 : i32 to vector<16xi32>
    %shift_right_logical3A_150 = arith.shrui %get3A_147, %shift_right_logical3A_149 : vector<16xi32>
    %shift_left3A_151 = arith.constant 13 : i32
    %shift_left3A_152 = vector.broadcast %shift_left3A_151 : i32 to vector<16xi32>
    %shift_left3A_153 = arith.shli %shift_right_logical3A_150, %shift_left3A_152 : vector<16xi32>
    %and3A_154 = arith.constant 8191 : i32
    %and3A_155 = vector.broadcast %and3A_154 : i32 to vector<16xi32>
    %and3A_156 = arith.andi %get3A_147, %and3A_155 : vector<16xi32>
    %or3A_157 = arith.ori %shift_left3A_153, %and3A_156 : vector<16xi32>
    %swap3A_158 = arith.constant 112 : index
    %swap3A_159 = tpu.vector_load %arg16[%swap3A_158] {strides = array<i32>} : memref<128xi32, #tpu.memory_space<vmem>>, vector<16xi32>,
    tpu.vector_store %arg16[%swap3A_158], %or3A_157 {strides = array<i32>} : memref<128xi32, #tpu.memory_space<vmem>>, vector<16xi32>,
    %dma_start3A = arith.constant 0 : i32
    %dma_start3A_160 = arith.constant 0 : i32
    %dma_start3A_161 = tpu.memref_slice %arg4[%dma_start3A, %dma_start3A_160] : memref<507904x128xf32, #tpu.memory_space<hbm>> -> memref<507904x128xf32, #tpu.memory_space<hbm>>
    tpu.enqueue_indirect_dma source(%dma_start3A_161 : memref<507904x128xf32, #tpu.memory_space<hbm>>) target(%arg18 : memref<128x128xf32, #tpu.memory_space<vmem>>) offsets(%arg16 : memref<128xi32, #tpu.memory_space<vmem>>) semaphore(%arg22 : memref<!tpu.dma_semaphore, #tpu.memory_space<semaphore_mem>>)
    %dma_wait3A = arith.constant 0 : i32
    %dma_wait3A_162 = arith.constant 0 : i32
    %dma_wait3A_163 = tpu.memref_slice %arg4[%dma_wait3A, %dma_wait3A_162] : memref<507904x128xf32, #tpu.memory_space<hbm>> -> memref<507904x128xf32, #tpu.memory_space<hbm>>
    tpu.wait_indirect_dma semaphore(%arg22 : memref<!tpu.dma_semaphore, #tpu.memory_space<semaphore_mem>>) src(%dma_wait3A_163 : memref<507904x128xf32, #tpu.memory_space<hbm>>) dst(%arg18 : memref<128x128xf32, #tpu.memory_space<vmem>>)
    %scan3A = arith.constant 0 : i32
    %scan3A_164 = arith.constant 0 : i32
    %scan3A_165 = arith.constant 25 : i32
    %scan3A_166 = arith.addi %scan3A_164, %scan3A_165 : i32
    %scan3A_167 = arith.constant 1 : i32
    %scan3A_168 = scf.for %scan3A_182 = %scan3A_164 to %scan3A_166 step %scan3A_167 iter_args(%scan3A_183 = %scan3A) -> (i32)  : i32 {
      %mul3A_184 = arith.constant 2 : i32
      %mul3A_185 = arith.muli %mul3A_184, %scan3A_182 : i32
      %add3A_186 = arith.constant 0 : i32
      %add3A_187 = arith.addi %mul3A_185, %add3A_186 : i32
      %mul3A_188 = arith.constant 128 : i32
      %mul3A_189 = arith.muli %add3A_187, %mul3A_188 : i32
      %add3A_190 = arith.addi %mul3A_2, %mul3A_189 : i32
      %add3A_191 = arith.constant 1 : i32
      %add3A_192 = arith.addi %add3A_187, %add3A_191 : i32
      %mul3A_193 = arith.constant 128 : i32
      %mul3A_194 = arith.muli %add3A_192, %mul3A_193 : i32
      %add3A_195 = arith.constant 0 : i32
      %add3A_196 = arith.addi %mul3A_194, %add3A_195 : i32
      %get3A_197 = arith.index_cast %add3A_196 : i32 to index
      %get3A_198 = tpu.vector_load %arg14[%get3A_197] {strides = array<i32>} : memref<6416xi32, #tpu.memory_space<vmem>>, vector<16xi32>,
      %shift_right_logical3A_199 = arith.constant 14 : i32
      %shift_right_logical3A_200 = vector.broadcast %shift_right_logical3A_199 : i32 to vector<16xi32>
      %shift_right_logical3A_201 = arith.shrui %get3A_198, %shift_right_logical3A_200 : vector<16xi32>
      %shift_left3A_202 = arith.constant 13 : i32
      %shift_left3A_203 = vector.broadcast %shift_left3A_202 : i32 to vector<16xi32>
      %shift_left3A_204 = arith.shli %shift_right_logical3A_201, %shift_left3A_203 : vector<16xi32>
      %and3A_205 = arith.constant 8191 : i32
      %and3A_206 = vector.broadcast %and3A_205 : i32 to vector<16xi32>
      %and3A_207 = arith.andi %get3A_198, %and3A_206 : vector<16xi32>
      %or3A_208 = arith.ori %shift_left3A_204, %and3A_207 : vector<16xi32>
      %swap3A_209 = arith.constant 0 : index
      %swap3A_210 = tpu.vector_load %arg17[%swap3A_209] {strides = array<i32>} : memref<128xi32, #tpu.memory_space<vmem>>, vector<16xi32>,
      tpu.vector_store %arg17[%swap3A_209], %or3A_208 {strides = array<i32>} : memref<128xi32, #tpu.memory_space<vmem>>, vector<16xi32>,
      %add3A_211 = arith.constant 16 : i32
      %add3A_212 = arith.addi %mul3A_194, %add3A_211 : i32
      %get3A_213 = arith.index_cast %add3A_212 : i32 to index
      %get3A_214 = tpu.vector_load %arg14[%get3A_213] {strides = array<i32>} : memref<6416xi32, #tpu.memory_space<vmem>>, vector<16xi32>,
      %shift_right_logical3A_215 = arith.constant 14 : i32
      %shift_right_logical3A_216 = vector.broadcast %shift_right_logical3A_215 : i32 to vector<16xi32>
      %shift_right_logical3A_217 = arith.shrui %get3A_214, %shift_right_logical3A_216 : vector<16xi32>
      %shift_left3A_218 = arith.constant 13 : i32
      %shift_left3A_219 = vector.broadcast %shift_left3A_218 : i32 to vector<16xi32>
      %shift_left3A_220 = arith.shli %shift_right_logical3A_217, %shift_left3A_219 : vector<16xi32>
      %and3A_221 = arith.constant 8191 : i32
      %and3A_222 = vector.broadcast %and3A_221 : i32 to vector<16xi32>
      %and3A_223 = arith.andi %get3A_214, %and3A_222 : vector<16xi32>
      %or3A_224 = arith.ori %shift_left3A_220, %and3A_223 : vector<16xi32>
      %swap3A_225 = arith.constant 16 : index
      %swap3A_226 = tpu.vector_load %arg17[%swap3A_225] {strides = array<i32>} : memref<128xi32, #tpu.memory_space<vmem>>, vector<16xi32>,
      tpu.vector_store %arg17[%swap3A_225], %or3A_224 {strides = array<i32>} : memref<128xi32, #tpu.memory_space<vmem>>, vector<16xi32>,
      %add3A_227 = arith.constant 32 : i32
      %add3A_228 = arith.addi %mul3A_194, %add3A_227 : i32
      %get3A_229 = arith.index_cast %add3A_228 : i32 to index
      %get3A_230 = tpu.vector_load %arg14[%get3A_229] {strides = array<i32>} : memref<6416xi32, #tpu.memory_space<vmem>>, vector<16xi32>,
      %shift_right_logical3A_231 = arith.constant 14 : i32
      %shift_right_logical3A_232 = vector.broadcast %shift_right_logical3A_231 : i32 to vector<16xi32>
      %shift_right_logical3A_233 = arith.shrui %get3A_230, %shift_right_logical3A_232 : vector<16xi32>
      %shift_left3A_234 = arith.constant 13 : i32
      %shift_left3A_235 = vector.broadcast %shift_left3A_234 : i32 to vector<16xi32>
      %shift_left3A_236 = arith.shli %shift_right_logical3A_233, %shift_left3A_235 : vector<16xi32>
      %and3A_237 = arith.constant 8191 : i32
      %and3A_238 = vector.broadcast %and3A_237 : i32 to vector<16xi32>
      %and3A_239 = arith.andi %get3A_230, %and3A_238 : vector<16xi32>
      %or3A_240 = arith.ori %shift_left3A_236, %and3A_239 : vector<16xi32>
      %swap3A_241 = arith.constant 32 : index
      %swap3A_242 = tpu.vector_load %arg17[%swap3A_241] {strides = array<i32>} : memref<128xi32, #tpu.memory_space<vmem>>, vector<16xi32>,
      tpu.vector_store %arg17[%swap3A_241], %or3A_240 {strides = array<i32>} : memref<128xi32, #tpu.memory_space<vmem>>, vector<16xi32>,
      %add3A_243 = arith.constant 48 : i32
      %add3A_244 = arith.addi %mul3A_194, %add3A_243 : i32
      %get3A_245 = arith.index_cast %add3A_244 : i32 to index
      %get3A_246 = tpu.vector_load %arg14[%get3A_245] {strides = array<i32>} : memref<6416xi32, #tpu.memory_space<vmem>>, vector<16xi32>,
      %shift_right_logical3A_247 = arith.constant 14 : i32
      %shift_right_logical3A_248 = vector.broadcast %shift_right_logical3A_247 : i32 to vector<16xi32>
      %shift_right_logical3A_249 = arith.shrui %get3A_246, %shift_right_logical3A_248 : vector<16xi32>
      %shift_left3A_250 = arith.constant 13 : i32
      %shift_left3A_251 = vector.broadcast %shift_left3A_250 : i32 to vector<16xi32>
      %shift_left3A_252 = arith.shli %shift_right_logical3A_249, %shift_left3A_251 : vector<16xi32>
      %and3A_253 = arith.constant 8191 : i32
      %and3A_254 = vector.broadcast %and3A_253 : i32 to vector<16xi32>
      %and3A_255 = arith.andi %get3A_246, %and3A_254 : vector<16xi32>
      %or3A_256 = arith.ori %shift_left3A_252, %and3A_255 : vector<16xi32>
      %swap3A_257 = arith.constant 48 : index
      %swap3A_258 = tpu.vector_load %arg17[%swap3A_257] {strides = array<i32>} : memref<128xi32, #tpu.memory_space<vmem>>, vector<16xi32>,
      tpu.vector_store %arg17[%swap3A_257], %or3A_256 {strides = array<i32>} : memref<128xi32, #tpu.memory_space<vmem>>, vector<16xi32>,
      %add3A_259 = arith.constant 64 : i32
      %add3A_260 = arith.addi %mul3A_194, %add3A_259 : i32
      %get3A_261 = arith.index_cast %add3A_260 : i32 to index
      %get3A_262 = tpu.vector_load %arg14[%get3A_261] {strides = array<i32>} : memref<6416xi32, #tpu.memory_space<vmem>>, vector<16xi32>,
      %shift_right_logical3A_263 = arith.constant 14 : i32
      %shift_right_logical3A_264 = vector.broadcast %shift_right_logical3A_263 : i32 to vector<16xi32>
      %shift_right_logical3A_265 = arith.shrui %get3A_262, %shift_right_logical3A_264 : vector<16xi32>
      %shift_left3A_266 = arith.constant 13 : i32
      %shift_left3A_267 = vector.broadcast %shift_left3A_266 : i32 to vector<16xi32>
      %shift_left3A_268 = arith.shli %shift_right_logical3A_265, %shift_left3A_267 : vector<16xi32>
      %and3A_269 = arith.constant 8191 : i32
      %and3A_270 = vector.broadcast %and3A_269 : i32 to vector<16xi32>
      %and3A_271 = arith.andi %get3A_262, %and3A_270 : vector<16xi32>
      %or3A_272 = arith.ori %shift_left3A_268, %and3A_271 : vector<16xi32>
      %swap3A_273 = arith.constant 64 : index
      %swap3A_274 = tpu.vector_load %arg17[%swap3A_273] {strides = array<i32>} : memref<128xi32, #tpu.memory_space<vmem>>, vector<16xi32>,
      tpu.vector_store %arg17[%swap3A_273], %or3A_272 {strides = array<i32>} : memref<128xi32, #tpu.memory_space<vmem>>, vector<16xi32>,
      %add3A_275 = arith.constant 80 : i32
      %add3A_276 = arith.addi %mul3A_194, %add3A_275 : i32
      %get3A_277 = arith.index_cast %add3A_276 : i32 to index
      %get3A_278 = tpu.vector_load %arg14[%get3A_277] {strides = array<i32>} : memref<6416xi32, #tpu.memory_space<vmem>>, vector<16xi32>,
      %shift_right_logical3A_279 = arith.constant 14 : i32
      %shift_right_logical3A_280 = vector.broadcast %shift_right_logical3A_279 : i32 to vector<16xi32>
      %shift_right_logical3A_281 = arith.shrui %get3A_278, %shift_right_logical3A_280 : vector<16xi32>
      %shift_left3A_282 = arith.constant 13 : i32
      %shift_left3A_283 = vector.broadcast %shift_left3A_282 : i32 to vector<16xi32>
      %shift_left3A_284 = arith.shli %shift_right_logical3A_281, %shift_left3A_283 : vector<16xi32>
      %and3A_285 = arith.constant 8191 : i32
      %and3A_286 = vector.broadcast %and3A_285 : i32 to vector<16xi32>
      %and3A_287 = arith.andi %get3A_278, %and3A_286 : vector<16xi32>
      %or3A_288 = arith.ori %shift_left3A_284, %and3A_287 : vector<16xi32>
      %swap3A_289 = arith.constant 80 : index
      %swap3A_290 = tpu.vector_load %arg17[%swap3A_289] {strides = array<i32>} : memref<128xi32, #tpu.memory_space<vmem>>, vector<16xi32>,
      tpu.vector_store %arg17[%swap3A_289], %or3A_288 {strides = array<i32>} : memref<128xi32, #tpu.memory_space<vmem>>, vector<16xi32>,
      %add3A_291 = arith.constant 96 : i32
      %add3A_292 = arith.addi %mul3A_194, %add3A_291 : i32
      %get3A_293 = arith.index_cast %add3A_292 : i32 to index
      %get3A_294 = tpu.vector_load %arg14[%get3A_293] {strides = array<i32>} : memref<6416xi32, #tpu.memory_space<vmem>>, vector<16xi32>,
      %shift_right_logical3A_295 = arith.constant 14 : i32
      %shift_right_logical3A_296 = vector.broadcast %shift_right_logical3A_295 : i32 to vector<16xi32>
      %shift_right_logical3A_297 = arith.shrui %get3A_294, %shift_right_logical3A_296 : vector<16xi32>
      %shift_left3A_298 = arith.constant 13 : i32
      %shift_left3A_299 = vector.broadcast %shift_left3A_298 : i32 to vector<16xi32>
      %shift_left3A_300 = arith.shli %shift_right_logical3A_297, %shift_left3A_299 : vector<16xi32>
      %and3A_301 = arith.constant 8191 : i32
      %and3A_302 = vector.broadcast %and3A_301 : i32 to vector<16xi32>
      %and3A_303 = arith.andi %get3A_294, %and3A_302 : vector<16xi32>
      %or3A_304 = arith.ori %shift_left3A_300, %and3A_303 : vector<16xi32>
      %swap3A_305 = arith.constant 96 : index
      %swap3A_306 = tpu.vector_load %arg17[%swap3A_305] {strides = array<i32>} : memref<128xi32, #tpu.memory_space<vmem>>, vector<16xi32>,
      tpu.vector_store %arg17[%swap3A_305], %or3A_304 {strides = array<i32>} : memref<128xi32, #tpu.memory_space<vmem>>, vector<16xi32>,
      %add3A_307 = arith.constant 112 : i32
      %add3A_308 = arith.addi %mul3A_194, %add3A_307 : i32
      %get3A_309 = arith.index_cast %add3A_308 : i32 to index
      %get3A_310 = tpu.vector_load %arg14[%get3A_309] {strides = array<i32>} : memref<6416xi32, #tpu.memory_space<vmem>>, vector<16xi32>,
      %shift_right_logical3A_311 = arith.constant 14 : i32
      %shift_right_logical3A_312 = vector.broadcast %shift_right_logical3A_311 : i32 to vector<16xi32>
      %shift_right_logical3A_313 = arith.shrui %get3A_310, %shift_right_logical3A_312 : vector<16xi32>
      %shift_left3A_314 = arith.constant 13 : i32
      %shift_left3A_315 = vector.broadcast %shift_left3A_314 : i32 to vector<16xi32>
      %shift_left3A_316 = arith.shli %shift_right_logical3A_313, %shift_left3A_315 : vector<16xi32>
      %and3A_317 = arith.constant 8191 : i32
      %and3A_318 = vector.broadcast %and3A_317 : i32 to vector<16xi32>
      %and3A_319 = arith.andi %get3A_310, %and3A_318 : vector<16xi32>
      %or3A_320 = arith.ori %shift_left3A_316, %and3A_319 : vector<16xi32>
      %swap3A_321 = arith.constant 112 : index
      %swap3A_322 = tpu.vector_load %arg17[%swap3A_321] {strides = array<i32>} : memref<128xi32, #tpu.memory_space<vmem>>, vector<16xi32>,
      tpu.vector_store %arg17[%swap3A_321], %or3A_320 {strides = array<i32>} : memref<128xi32, #tpu.memory_space<vmem>>, vector<16xi32>,
      %dma_start3A_323 = arith.constant 0 : i32
      %dma_start3A_324 = arith.constant 0 : i32
      %dma_start3A_325 = tpu.memref_slice %arg4[%dma_start3A_323, %dma_start3A_324] : memref<507904x128xf32, #tpu.memory_space<hbm>> -> memref<507904x128xf32, #tpu.memory_space<hbm>>
      tpu.enqueue_indirect_dma source(%dma_start3A_325 : memref<507904x128xf32, #tpu.memory_space<hbm>>) target(%arg19 : memref<128x128xf32, #tpu.memory_space<vmem>>) offsets(%arg17 : memref<128xi32, #tpu.memory_space<vmem>>) semaphore(%arg23 : memref<!tpu.dma_semaphore, #tpu.memory_space<semaphore_mem>>)
      %ge3A = arith.constant 1 : i32
      %ge3A_326 = arith.cmpi sge, %scan3A_182, %ge3A : i32
      %convert_element_type3A = arith.extui %ge3A_326 : i1 to i32
      %cond3A = arith.constant 0 : i32
      %cond3A_327 = arith.cmpi ne, %convert_element_type3A, %cond3A : i32
      scf.if %cond3A_327 {
        %sub3A_368 = arith.constant 256 : i32
        %sub3A_369 = arith.subi %add3A_190, %sub3A_368 : i32
        %dma_wait3A_370 = arith.constant 0 : i32
        %dma_wait3A_371 = tpu.memref_slice %arg9[%sub3A_369, %dma_wait3A_370] : memref<204800x64xf32, #tpu.memory_space<hbm>> -> memref<128x64xf32, #tpu.memory_space<hbm>>
        %dma_wait3A_372 = arith.constant 0 : i32
        %dma_wait3A_373 = tpu.memref_slice %arg9[%sub3A_369, %dma_wait3A_372] : memref<204800x64xf32, #tpu.memory_space<hbm>> -> memref<128x64xf32, #tpu.memory_space<hbm>>
        tpu.wait_dma2 semaphore(%arg24 : memref<!tpu.dma_semaphore, #tpu.memory_space<semaphore_mem>>) src(%arg20 : memref<128x64xf32, #tpu.memory_space<vmem>>) dst(%dma_wait3A_373 : memref<128x64xf32, #tpu.memory_space<hbm>>)
      } else {
      }
      %parallel_loop3A = arith.constant 0 : i32
      %parallel_loop3A_328 = arith.constant 128 : i32
      %parallel_loop3A_329 = arith.constant 1 : i32
      scf.for %parallel_loop3A_368 = %parallel_loop3A to %parallel_loop3A_328 step %parallel_loop3A_329  : i32 {
        %parallel_loop3A_369 = arith.constant 128 : i32
        %parallel_loop3A_370 = arith.muli %add3A_187, %parallel_loop3A_369 : i32
        %parallel_loop3A_371 = arith.addi %mul3A_2, %parallel_loop3A_370 : i32
        %parallel_loop3A_372 = arith.addi %parallel_loop3A_371, %parallel_loop3A_368 : i32
        %parallel_loop3A_373 = arith.constant 200 : i32
        %parallel_loop3A_374 = arith.remsi %parallel_loop3A_372, %parallel_loop3A_373 : i32
        %parallel_loop3A_375 = arith.addi %parallel_loop3A_370, %parallel_loop3A_368 : i32
        %parallel_loop3A_376 = arith.index_cast %parallel_loop3A_375 : i32 to index
        %parallel_loop3A_377 = tpu.vector_load %arg14[%parallel_loop3A_376] {strides = array<i32>} : memref<6416xi32, #tpu.memory_space<vmem>>, vector<16xi32>,
        %parallel_loop3A_378 = vector.extract_strided_slice %parallel_loop3A_377 {offsets = [0], sizes = [1], strides = [1]} : vector<16xi32> to vector<1xi32>
        %parallel_loop3A_379 = vector.extract %parallel_loop3A_378[0] : i32 from vector<1xi32>
        %parallel_loop3A_380 = arith.constant 13 : i32
        %parallel_loop3A_381 = arith.shrui %parallel_loop3A_379, %parallel_loop3A_380 : i32
        %parallel_loop3A_382 = arith.constant 1 : i32
        %parallel_loop3A_383 = arith.andi %parallel_loop3A_381, %parallel_loop3A_382 : i32
        %parallel_loop3A_384 = arith.constant 64 : i32
        %parallel_loop3A_385 = arith.muli %parallel_loop3A_383, %parallel_loop3A_384 : i32
        %parallel_loop3A_386 = arith.addi %parallel_loop3A_370, %parallel_loop3A_368 : i32
        %parallel_loop3A_387 = arith.index_cast %parallel_loop3A_386 : i32 to index
        %parallel_loop3A_388 = tpu.vector_load %arg15[%parallel_loop3A_387] {strides = array<i32>} : memref<6416xi32, #tpu.memory_space<vmem>>, vector<16xi32>,
        %parallel_loop3A_389 = vector.extract_strided_slice %parallel_loop3A_388 {offsets = [0], sizes = [1], strides = [1]} : vector<16xi32> to vector<1xi32>
        %parallel_loop3A_390 = vector.extract %parallel_loop3A_389[0] : i32 from vector<1xi32>
        %parallel_loop3A_391 = arith.sitofp %parallel_loop3A_390 : i32 to f32
        %parallel_loop3A_392 = arith.constant 0 : i32
        %parallel_loop3A_393 = arith.addi %parallel_loop3A_385, %parallel_loop3A_392 : i32
        %parallel_loop3A_394 = arith.index_cast %parallel_loop3A_368 : i32 to index
        %parallel_loop3A_395 = arith.index_cast %parallel_loop3A_393 : i32 to index
        %parallel_loop3A_396 = tpu.vector_load %arg18[%parallel_loop3A_394, %parallel_loop3A_395] {strides = array<i32>} : memref<128x128xf32, #tpu.memory_space<vmem>>, vector<16xf32>,
        %parallel_loop3A_397 = arith.index_cast %parallel_loop3A_374 : i32 to index
        %parallel_loop3A_398 = arith.constant 0 : index
        %parallel_loop3A_399 = tpu.vector_load %arg10[%parallel_loop3A_397, %parallel_loop3A_398] {strides = array<i32>} : memref<200x64xf32, #tpu.memory_space<vmem>>, vector<16xf32>,
        %parallel_loop3A_400 = arith.addf %parallel_loop3A_396, %parallel_loop3A_399 : vector<16xf32>
        %parallel_loop3A_401 = vector.broadcast %parallel_loop3A_391 : f32 to vector<16xf32>
        %parallel_loop3A_402 = arith.mulf %parallel_loop3A_401, %sub3A : vector<16xf32>
        %parallel_loop3A_403 = arith.addf %get3A_5, %parallel_loop3A_402 : vector<16xf32>
        %parallel_loop3A_404 = arith.addf %parallel_loop3A_400, %parallel_loop3A_403 : vector<16xf32>
        %parallel_loop3A_405 = arith.constant 16 : i32
        %parallel_loop3A_406 = arith.addi %parallel_loop3A_385, %parallel_loop3A_405 : i32
        %parallel_loop3A_407 = arith.index_cast %parallel_loop3A_368 : i32 to index
        %parallel_loop3A_408 = arith.index_cast %parallel_loop3A_406 : i32 to index
        %parallel_loop3A_409 = tpu.vector_load %arg18[%parallel_loop3A_407, %parallel_loop3A_408] {strides = array<i32>} : memref<128x128xf32, #tpu.memory_space<vmem>>, vector<16xf32>,
        %parallel_loop3A_410 = arith.index_cast %parallel_loop3A_374 : i32 to index
        %parallel_loop3A_411 = arith.constant 16 : index
        %parallel_loop3A_412 = tpu.vector_load %arg10[%parallel_loop3A_410, %parallel_loop3A_411] {strides = array<i32>} : memref<200x64xf32, #tpu.memory_space<vmem>>, vector<16xf32>,
        %parallel_loop3A_413 = arith.addf %parallel_loop3A_409, %parallel_loop3A_412 : vector<16xf32>
        %parallel_loop3A_414 = vector.broadcast %parallel_loop3A_391 : f32 to vector<16xf32>
        %parallel_loop3A_415 = arith.mulf %parallel_loop3A_414, %sub3A_26 : vector<16xf32>
        %parallel_loop3A_416 = arith.addf %get3A_9, %parallel_loop3A_415 : vector<16xf32>
        %parallel_loop3A_417 = arith.addf %parallel_loop3A_413, %parallel_loop3A_416 : vector<16xf32>
        %parallel_loop3A_418 = arith.constant 32 : i32
        %parallel_loop3A_419 = arith.addi %parallel_loop3A_385, %parallel_loop3A_418 : i32
        %parallel_loop3A_420 = arith.index_cast %parallel_loop3A_368 : i32 to index
        %parallel_loop3A_421 = arith.index_cast %parallel_loop3A_419 : i32 to index
        %parallel_loop3A_422 = tpu.vector_load %arg18[%parallel_loop3A_420, %parallel_loop3A_421] {strides = array<i32>} : memref<128x128xf32, #tpu.memory_space<vmem>>, vector<16xf32>,
        %parallel_loop3A_423 = arith.index_cast %parallel_loop3A_374 : i32 to index
        %parallel_loop3A_424 = arith.constant 32 : index
        %parallel_loop3A_425 = tpu.vector_load %arg10[%parallel_loop3A_423, %parallel_loop3A_424] {strides = array<i32>} : memref<200x64xf32, #tpu.memory_space<vmem>>, vector<16xf32>,
        %parallel_loop3A_426 = arith.addf %parallel_loop3A_422, %parallel_loop3A_425 : vector<16xf32>
        %parallel_loop3A_427 = vector.broadcast %parallel_loop3A_391 : f32 to vector<16xf32>
        %parallel_loop3A_428 = arith.mulf %parallel_loop3A_427, %sub3A_31 : vector<16xf32>
        %parallel_loop3A_429 = arith.addf %get3A_13, %parallel_loop3A_428 : vector<16xf32>
        %parallel_loop3A_430 = arith.addf %parallel_loop3A_426, %parallel_loop3A_429 : vector<16xf32>
        %parallel_loop3A_431 = arith.constant 48 : i32
        %parallel_loop3A_432 = arith.addi %parallel_loop3A_385, %parallel_loop3A_431 : i32
        %parallel_loop3A_433 = arith.index_cast %parallel_loop3A_368 : i32 to index
        %parallel_loop3A_434 = arith.index_cast %parallel_loop3A_432 : i32 to index
        %parallel_loop3A_435 = tpu.vector_load %arg18[%parallel_loop3A_433, %parallel_loop3A_434] {strides = array<i32>} : memref<128x128xf32, #tpu.memory_space<vmem>>, vector<16xf32>,
        %parallel_loop3A_436 = arith.index_cast %parallel_loop3A_374 : i32 to index
        %parallel_loop3A_437 = arith.constant 48 : index
        %parallel_loop3A_438 = tpu.vector_load %arg10[%parallel_loop3A_436, %parallel_loop3A_437] {strides = array<i32>} : memref<200x64xf32, #tpu.memory_space<vmem>>, vector<16xf32>,
        %parallel_loop3A_439 = arith.addf %parallel_loop3A_435, %parallel_loop3A_438 : vector<16xf32>
        %parallel_loop3A_440 = vector.broadcast %parallel_loop3A_391 : f32 to vector<16xf32>
        %parallel_loop3A_441 = arith.mulf %parallel_loop3A_440, %sub3A_36 : vector<16xf32>
        %parallel_loop3A_442 = arith.addf %get3A_17, %parallel_loop3A_441 : vector<16xf32>
        %parallel_loop3A_443 = arith.addf %parallel_loop3A_439, %parallel_loop3A_442 : vector<16xf32>
        %parallel_loop3A_444 = arith.addf %parallel_loop3A_404, %parallel_loop3A_417 : vector<16xf32>
        %parallel_loop3A_445 = arith.addf %parallel_loop3A_430, %parallel_loop3A_443 : vector<16xf32>
        %parallel_loop3A_446 = arith.addf %parallel_loop3A_444, %parallel_loop3A_445 : vector<16xf32>
        %parallel_loop3A_447 = arith.mulf %parallel_loop3A_404, %parallel_loop3A_404 : vector<16xf32>
        %parallel_loop3A_448 = arith.mulf %parallel_loop3A_417, %parallel_loop3A_417 : vector<16xf32>
        %parallel_loop3A_449 = arith.addf %parallel_loop3A_447, %parallel_loop3A_448 : vector<16xf32>
        %parallel_loop3A_450 = arith.mulf %parallel_loop3A_430, %parallel_loop3A_430 : vector<16xf32>
        %parallel_loop3A_451 = arith.mulf %parallel_loop3A_443, %parallel_loop3A_443 : vector<16xf32>
        %parallel_loop3A_452 = arith.addf %parallel_loop3A_450, %parallel_loop3A_451 : vector<16xf32>
        %parallel_loop3A_453 = arith.addf %parallel_loop3A_449, %parallel_loop3A_452 : vector<16xf32>
        %parallel_loop3A_454 = arith.constant true
        %parallel_loop3A_455 = vector.broadcast %parallel_loop3A_454 : i1 to vector<16xi1>
        %parallel_loop3A_456 = tpu.scan <sum>, %parallel_loop3A_446 masked %parallel_loop3A_455 : vector<16xf32>, vector<16xi1> -> vector<16xf32>
        %parallel_loop3A_457 = vector.extract %parallel_loop3A_456[15] : f32 from vector<16xf32>
        %parallel_loop3A_458 = arith.constant 1.562500e-02 : f32
        %parallel_loop3A_459 = arith.mulf %parallel_loop3A_457, %parallel_loop3A_458 : f32
        %parallel_loop3A_460 = arith.constant true
        %parallel_loop3A_461 = vector.broadcast %parallel_loop3A_460 : i1 to vector<16xi1>
        %parallel_loop3A_462 = tpu.scan <sum>, %parallel_loop3A_453 masked %parallel_loop3A_461 : vector<16xf32>, vector<16xi1> -> vector<16xf32>
        %parallel_loop3A_463 = vector.extract %parallel_loop3A_462[15] : f32 from vector<16xf32>
        %parallel_loop3A_464 = arith.constant 1.562500e-02 : f32
        %parallel_loop3A_465 = arith.mulf %parallel_loop3A_463, %parallel_loop3A_464 : f32
        %parallel_loop3A_466 = arith.mulf %parallel_loop3A_459, %parallel_loop3A_459 : f32
        %parallel_loop3A_467 = arith.subf %parallel_loop3A_465, %parallel_loop3A_466 : f32
        %parallel_loop3A_468 = arith.constant 9.99999996E-13 : f32
        %parallel_loop3A_469 = arith.addf %parallel_loop3A_467, %parallel_loop3A_468 : f32
        %parallel_loop3A_470 = arith.bitcast %parallel_loop3A_469 : f32 to i32
        %parallel_loop3A_471 = arith.constant 1 : i32
        %parallel_loop3A_472 = arith.shrui %parallel_loop3A_470, %parallel_loop3A_471 : i32
        %parallel_loop3A_473 = arith.constant 1597463007 : i32
        %parallel_loop3A_474 = arith.subi %parallel_loop3A_473, %parallel_loop3A_472 : i32
        %parallel_loop3A_475 = arith.bitcast %parallel_loop3A_474 : i32 to f32
        %parallel_loop3A_476 = arith.constant 5.000000e-01 : f32
        %parallel_loop3A_477 = arith.mulf %parallel_loop3A_476, %parallel_loop3A_469 : f32
        %parallel_loop3A_478 = arith.mulf %parallel_loop3A_477, %parallel_loop3A_475 : f32
        %parallel_loop3A_479 = arith.mulf %parallel_loop3A_478, %parallel_loop3A_475 : f32
        %parallel_loop3A_480 = arith.constant 1.500000e+00 : f32
        %parallel_loop3A_481 = arith.subf %parallel_loop3A_480, %parallel_loop3A_479 : f32
        %parallel_loop3A_482 = arith.mulf %parallel_loop3A_475, %parallel_loop3A_481 : f32
        %parallel_loop3A_483 = arith.constant 5.000000e-01 : f32
        %parallel_loop3A_484 = arith.mulf %parallel_loop3A_483, %parallel_loop3A_469 : f32
        %parallel_loop3A_485 = arith.mulf %parallel_loop3A_484, %parallel_loop3A_482 : f32
        %parallel_loop3A_486 = arith.mulf %parallel_loop3A_485, %parallel_loop3A_482 : f32
        %parallel_loop3A_487 = arith.constant 1.500000e+00 : f32
        %parallel_loop3A_488 = arith.subf %parallel_loop3A_487, %parallel_loop3A_486 : f32
        %parallel_loop3A_489 = arith.mulf %parallel_loop3A_482, %parallel_loop3A_488 : f32
        %parallel_loop3A_490 = arith.constant 5.000000e-01 : f32
        %parallel_loop3A_491 = arith.mulf %parallel_loop3A_490, %parallel_loop3A_469 : f32
        %parallel_loop3A_492 = arith.mulf %parallel_loop3A_491, %parallel_loop3A_489 : f32
        %parallel_loop3A_493 = arith.mulf %parallel_loop3A_492, %parallel_loop3A_489 : f32
        %parallel_loop3A_494 = arith.constant 1.500000e+00 : f32
        %parallel_loop3A_495 = arith.subf %parallel_loop3A_494, %parallel_loop3A_493 : f32
        %parallel_loop3A_496 = arith.mulf %parallel_loop3A_489, %parallel_loop3A_495 : f32
        %parallel_loop3A_497 = vector.broadcast %parallel_loop3A_459 : f32 to vector<16xf32>
        %parallel_loop3A_498 = arith.subf %parallel_loop3A_404, %parallel_loop3A_497 : vector<16xf32>
        %parallel_loop3A_499 = vector.broadcast %parallel_loop3A_496 : f32 to vector<16xf32>
        %parallel_loop3A_500 = arith.mulf %parallel_loop3A_499, %get3A_38 : vector<16xf32>
        %parallel_loop3A_501 = arith.mulf %parallel_loop3A_498, %parallel_loop3A_500 : vector<16xf32>
        %parallel_loop3A_502 = arith.addf %parallel_loop3A_501, %get3A_46 : vector<16xf32>
        %parallel_loop3A_503 = arith.index_cast %parallel_loop3A_368 : i32 to index
        %parallel_loop3A_504 = arith.constant 0 : index
        %parallel_loop3A_505 = tpu.vector_load %arg20[%parallel_loop3A_503, %parallel_loop3A_504] {strides = array<i32>} : memref<128x64xf32, #tpu.memory_space<vmem>>, vector<16xf32>,
        tpu.vector_store %arg20[%parallel_loop3A_503, %parallel_loop3A_504], %parallel_loop3A_502 {strides = array<i32>} : memref<128x64xf32, #tpu.memory_space<vmem>>, vector<16xf32>,
        %parallel_loop3A_506 = vector.broadcast %parallel_loop3A_459 : f32 to vector<16xf32>
        %parallel_loop3A_507 = arith.subf %parallel_loop3A_417, %parallel_loop3A_506 : vector<16xf32>
        %parallel_loop3A_508 = vector.broadcast %parallel_loop3A_496 : f32 to vector<16xf32>
        %parallel_loop3A_509 = arith.mulf %parallel_loop3A_508, %get3A_40 : vector<16xf32>
        %parallel_loop3A_510 = arith.mulf %parallel_loop3A_507, %parallel_loop3A_509 : vector<16xf32>
        %parallel_loop3A_511 = arith.addf %parallel_loop3A_510, %get3A_48 : vector<16xf32>
        %parallel_loop3A_512 = arith.index_cast %parallel_loop3A_368 : i32 to index
        %parallel_loop3A_513 = arith.constant 16 : index
        %parallel_loop3A_514 = tpu.vector_load %arg20[%parallel_loop3A_512, %parallel_loop3A_513] {strides = array<i32>} : memref<128x64xf32, #tpu.memory_space<vmem>>, vector<16xf32>,
        tpu.vector_store %arg20[%parallel_loop3A_512, %parallel_loop3A_513], %parallel_loop3A_511 {strides = array<i32>} : memref<128x64xf32, #tpu.memory_space<vmem>>, vector<16xf32>,
        %parallel_loop3A_515 = vector.broadcast %parallel_loop3A_459 : f32 to vector<16xf32>
        %parallel_loop3A_516 = arith.subf %parallel_loop3A_430, %parallel_loop3A_515 : vector<16xf32>
        %parallel_loop3A_517 = vector.broadcast %parallel_loop3A_496 : f32 to vector<16xf32>
        %parallel_loop3A_518 = arith.mulf %parallel_loop3A_517, %get3A_42 : vector<16xf32>
        %parallel_loop3A_519 = arith.mulf %parallel_loop3A_516, %parallel_loop3A_518 : vector<16xf32>
        %parallel_loop3A_520 = arith.addf %parallel_loop3A_519, %get3A_50 : vector<16xf32>
        %parallel_loop3A_521 = arith.index_cast %parallel_loop3A_368 : i32 to index
        %parallel_loop3A_522 = arith.constant 32 : index
        %parallel_loop3A_523 = tpu.vector_load %arg20[%parallel_loop3A_521, %parallel_loop3A_522] {strides = array<i32>} : memref<128x64xf32, #tpu.memory_space<vmem>>, vector<16xf32>,
        tpu.vector_store %arg20[%parallel_loop3A_521, %parallel_loop3A_522], %parallel_loop3A_520 {strides = array<i32>} : memref<128x64xf32, #tpu.memory_space<vmem>>, vector<16xf32>,
        %parallel_loop3A_524 = vector.broadcast %parallel_loop3A_459 : f32 to vector<16xf32>
        %parallel_loop3A_525 = arith.subf %parallel_loop3A_443, %parallel_loop3A_524 : vector<16xf32>
        %parallel_loop3A_526 = vector.broadcast %parallel_loop3A_496 : f32 to vector<16xf32>
        %parallel_loop3A_527 = arith.mulf %parallel_loop3A_526, %get3A_44 : vector<16xf32>
        %parallel_loop3A_528 = arith.mulf %parallel_loop3A_525, %parallel_loop3A_527 : vector<16xf32>
        %parallel_loop3A_529 = arith.addf %parallel_loop3A_528, %get3A_52 : vector<16xf32>
        %parallel_loop3A_530 = arith.index_cast %parallel_loop3A_368 : i32 to index
        %parallel_loop3A_531 = arith.constant 48 : index
        %parallel_loop3A_532 = tpu.vector_load %arg20[%parallel_loop3A_530, %parallel_loop3A_531] {strides = array<i32>} : memref<128x64xf32, #tpu.memory_space<vmem>>, vector<16xf32>,
        tpu.vector_store %arg20[%parallel_loop3A_530, %parallel_loop3A_531], %parallel_loop3A_529 {strides = array<i32>} : memref<128x64xf32, #tpu.memory_space<vmem>>, vector<16xf32>,
      } {sc.loop_unroll_factor = 8 : i64, sc.parallel_access}
      %dma_start3A_330 = arith.constant 0 : i32
      %dma_start3A_331 = tpu.memref_slice %arg9[%add3A_190, %dma_start3A_330] : memref<204800x64xf32, #tpu.memory_space<hbm>> -> memref<128x64xf32, #tpu.memory_space<hbm>>
      %dma_start3A_332 = arith.constant 0 : i32
      %dma_start3A_333 = tpu.memref_slice %arg9[%add3A_190, %dma_start3A_332] : memref<204800x64xf32, #tpu.memory_space<hbm>> -> memref<128x64xf32, #tpu.memory_space<hbm>>
      tpu.enqueue_dma source(%arg20 : memref<128x64xf32, #tpu.memory_space<vmem>>) target(%dma_start3A_333 : memref<128x64xf32, #tpu.memory_space<hbm>>) target_semaphore(%arg24 : memref<!tpu.dma_semaphore, #tpu.memory_space<semaphore_mem>>)
      %dma_wait3A_334 = arith.constant 0 : i32
      %dma_wait3A_335 = arith.constant 0 : i32
      %dma_wait3A_336 = tpu.memref_slice %arg4[%dma_wait3A_334, %dma_wait3A_335] : memref<507904x128xf32, #tpu.memory_space<hbm>> -> memref<507904x128xf32, #tpu.memory_space<hbm>>
      tpu.wait_indirect_dma semaphore(%arg23 : memref<!tpu.dma_semaphore, #tpu.memory_space<semaphore_mem>>) src(%dma_wait3A_336 : memref<507904x128xf32, #tpu.memory_space<hbm>>) dst(%arg19 : memref<128x128xf32, #tpu.memory_space<vmem>>)
      %mul3A_337 = arith.constant 2 : i32
      %mul3A_338 = arith.muli %mul3A_337, %scan3A_182 : i32
      %add3A_339 = arith.constant 1 : i32
      %add3A_340 = arith.addi %mul3A_338, %add3A_339 : i32
      %mul3A_341 = arith.constant 128 : i32
      %mul3A_342 = arith.muli %add3A_340, %mul3A_341 : i32
      %add3A_343 = arith.addi %mul3A_2, %mul3A_342 : i32
      %lt3A = arith.constant 24 : i32
      %lt3A_344 = arith.cmpi slt, %scan3A_182, %lt3A : i32
      %lt3A_345 = arith.constant 24 : i32
      %lt3A_346 = arith.cmpi slt, %scan3A_182, %lt3A_345 : i32
      %convert_element_type3A_347 = arith.extui %lt3A_346 : i1 to i32
      %cond3A_348 = arith.constant 0 : i32
      %cond3A_349 = arith.cmpi ne, %convert_element_type3A_347, %cond3A_348 : i32
      scf.if %cond3A_349 {
        %add3A_368 = arith.constant 1 : i32
        %add3A_369 = arith.addi %add3A_340, %add3A_368 : i32
        %mul3A_370 = arith.constant 128 : i32
        %mul3A_371 = arith.muli %add3A_369, %mul3A_370 : i32
        %add3A_372 = arith.constant 0 : i32
        %add3A_373 = arith.addi %mul3A_371, %add3A_372 : i32
        %get3A_374 = arith.index_cast %add3A_373 : i32 to index
        %get3A_375 = tpu.vector_load %arg14[%get3A_374] {strides = array<i32>} : memref<6416xi32, #tpu.memory_space<vmem>>, vector<16xi32>,
        %shift_right_logical3A_376 = arith.constant 14 : i32
        %shift_right_logical3A_377 = vector.broadcast %shift_right_logical3A_376 : i32 to vector<16xi32>
        %shift_right_logical3A_378 = arith.shrui %get3A_375, %shift_right_logical3A_377 : vector<16xi32>
        %shift_left3A_379 = arith.constant 13 : i32
        %shift_left3A_380 = vector.broadcast %shift_left3A_379 : i32 to vector<16xi32>
        %shift_left3A_381 = arith.shli %shift_right_logical3A_378, %shift_left3A_380 : vector<16xi32>
        %and3A_382 = arith.constant 8191 : i32
        %and3A_383 = vector.broadcast %and3A_382 : i32 to vector<16xi32>
        %and3A_384 = arith.andi %get3A_375, %and3A_383 : vector<16xi32>
        %or3A_385 = arith.ori %shift_left3A_381, %and3A_384 : vector<16xi32>
        %swap3A_386 = arith.constant 0 : index
        %swap3A_387 = tpu.vector_load %arg16[%swap3A_386] {strides = array<i32>} : memref<128xi32, #tpu.memory_space<vmem>>, vector<16xi32>,
        tpu.vector_store %arg16[%swap3A_386], %or3A_385 {strides = array<i32>} : memref<128xi32, #tpu.memory_space<vmem>>, vector<16xi32>,
        %add3A_388 = arith.constant 16 : i32
        %add3A_389 = arith.addi %mul3A_371, %add3A_388 : i32
        %get3A_390 = arith.index_cast %add3A_389 : i32 to index
        %get3A_391 = tpu.vector_load %arg14[%get3A_390] {strides = array<i32>} : memref<6416xi32, #tpu.memory_space<vmem>>, vector<16xi32>,
        %shift_right_logical3A_392 = arith.constant 14 : i32
        %shift_right_logical3A_393 = vector.broadcast %shift_right_logical3A_392 : i32 to vector<16xi32>
        %shift_right_logical3A_394 = arith.shrui %get3A_391, %shift_right_logical3A_393 : vector<16xi32>
        %shift_left3A_395 = arith.constant 13 : i32
        %shift_left3A_396 = vector.broadcast %shift_left3A_395 : i32 to vector<16xi32>
        %shift_left3A_397 = arith.shli %shift_right_logical3A_394, %shift_left3A_396 : vector<16xi32>
        %and3A_398 = arith.constant 8191 : i32
        %and3A_399 = vector.broadcast %and3A_398 : i32 to vector<16xi32>
        %and3A_400 = arith.andi %get3A_391, %and3A_399 : vector<16xi32>
        %or3A_401 = arith.ori %shift_left3A_397, %and3A_400 : vector<16xi32>
        %swap3A_402 = arith.constant 16 : index
        %swap3A_403 = tpu.vector_load %arg16[%swap3A_402] {strides = array<i32>} : memref<128xi32, #tpu.memory_space<vmem>>, vector<16xi32>,
        tpu.vector_store %arg16[%swap3A_402], %or3A_401 {strides = array<i32>} : memref<128xi32, #tpu.memory_space<vmem>>, vector<16xi32>,
        %add3A_404 = arith.constant 32 : i32
        %add3A_405 = arith.addi %mul3A_371, %add3A_404 : i32
        %get3A_406 = arith.index_cast %add3A_405 : i32 to index
        %get3A_407 = tpu.vector_load %arg14[%get3A_406] {strides = array<i32>} : memref<6416xi32, #tpu.memory_space<vmem>>, vector<16xi32>,
        %shift_right_logical3A_408 = arith.constant 14 : i32
        %shift_right_logical3A_409 = vector.broadcast %shift_right_logical3A_408 : i32 to vector<16xi32>
        %shift_right_logical3A_410 = arith.shrui %get3A_407, %shift_right_logical3A_409 : vector<16xi32>
        %shift_left3A_411 = arith.constant 13 : i32
        %shift_left3A_412 = vector.broadcast %shift_left3A_411 : i32 to vector<16xi32>
        %shift_left3A_413 = arith.shli %shift_right_logical3A_410, %shift_left3A_412 : vector<16xi32>
        %and3A_414 = arith.constant 8191 : i32
        %and3A_415 = vector.broadcast %and3A_414 : i32 to vector<16xi32>
        %and3A_416 = arith.andi %get3A_407, %and3A_415 : vector<16xi32>
        %or3A_417 = arith.ori %shift_left3A_413, %and3A_416 : vector<16xi32>
        %swap3A_418 = arith.constant 32 : index
        %swap3A_419 = tpu.vector_load %arg16[%swap3A_418] {strides = array<i32>} : memref<128xi32, #tpu.memory_space<vmem>>, vector<16xi32>,
        tpu.vector_store %arg16[%swap3A_418], %or3A_417 {strides = array<i32>} : memref<128xi32, #tpu.memory_space<vmem>>, vector<16xi32>,
        %add3A_420 = arith.constant 48 : i32
        %add3A_421 = arith.addi %mul3A_371, %add3A_420 : i32
        %get3A_422 = arith.index_cast %add3A_421 : i32 to index
        %get3A_423 = tpu.vector_load %arg14[%get3A_422] {strides = array<i32>} : memref<6416xi32, #tpu.memory_space<vmem>>, vector<16xi32>,
        %shift_right_logical3A_424 = arith.constant 14 : i32
        %shift_right_logical3A_425 = vector.broadcast %shift_right_logical3A_424 : i32 to vector<16xi32>
        %shift_right_logical3A_426 = arith.shrui %get3A_423, %shift_right_logical3A_425 : vector<16xi32>
        %shift_left3A_427 = arith.constant 13 : i32
        %shift_left3A_428 = vector.broadcast %shift_left3A_427 : i32 to vector<16xi32>
        %shift_left3A_429 = arith.shli %shift_right_logical3A_426, %shift_left3A_428 : vector<16xi32>
        %and3A_430 = arith.constant 8191 : i32
        %and3A_431 = vector.broadcast %and3A_430 : i32 to vector<16xi32>
        %and3A_432 = arith.andi %get3A_423, %and3A_431 : vector<16xi32>
        %or3A_433 = arith.ori %shift_left3A_429, %and3A_432 : vector<16xi32>
        %swap3A_434 = arith.constant 48 : index
        %swap3A_435 = tpu.vector_load %arg16[%swap3A_434] {strides = array<i32>} : memref<128xi32, #tpu.memory_space<vmem>>, vector<16xi32>,
        tpu.vector_store %arg16[%swap3A_434], %or3A_433 {strides = array<i32>} : memref<128xi32, #tpu.memory_space<vmem>>, vector<16xi32>,
        %add3A_436 = arith.constant 64 : i32
        %add3A_437 = arith.addi %mul3A_371, %add3A_436 : i32
        %get3A_438 = arith.index_cast %add3A_437 : i32 to index
        %get3A_439 = tpu.vector_load %arg14[%get3A_438] {strides = array<i32>} : memref<6416xi32, #tpu.memory_space<vmem>>, vector<16xi32>,
        %shift_right_logical3A_440 = arith.constant 14 : i32
        %shift_right_logical3A_441 = vector.broadcast %shift_right_logical3A_440 : i32 to vector<16xi32>
        %shift_right_logical3A_442 = arith.shrui %get3A_439, %shift_right_logical3A_441 : vector<16xi32>
        %shift_left3A_443 = arith.constant 13 : i32
        %shift_left3A_444 = vector.broadcast %shift_left3A_443 : i32 to vector<16xi32>
        %shift_left3A_445 = arith.shli %shift_right_logical3A_442, %shift_left3A_444 : vector<16xi32>
        %and3A_446 = arith.constant 8191 : i32
        %and3A_447 = vector.broadcast %and3A_446 : i32 to vector<16xi32>
        %and3A_448 = arith.andi %get3A_439, %and3A_447 : vector<16xi32>
        %or3A_449 = arith.ori %shift_left3A_445, %and3A_448 : vector<16xi32>
        %swap3A_450 = arith.constant 64 : index
        %swap3A_451 = tpu.vector_load %arg16[%swap3A_450] {strides = array<i32>} : memref<128xi32, #tpu.memory_space<vmem>>, vector<16xi32>,
        tpu.vector_store %arg16[%swap3A_450], %or3A_449 {strides = array<i32>} : memref<128xi32, #tpu.memory_space<vmem>>, vector<16xi32>,
        %add3A_452 = arith.constant 80 : i32
        %add3A_453 = arith.addi %mul3A_371, %add3A_452 : i32
        %get3A_454 = arith.index_cast %add3A_453 : i32 to index
        %get3A_455 = tpu.vector_load %arg14[%get3A_454] {strides = array<i32>} : memref<6416xi32, #tpu.memory_space<vmem>>, vector<16xi32>,
        %shift_right_logical3A_456 = arith.constant 14 : i32
        %shift_right_logical3A_457 = vector.broadcast %shift_right_logical3A_456 : i32 to vector<16xi32>
        %shift_right_logical3A_458 = arith.shrui %get3A_455, %shift_right_logical3A_457 : vector<16xi32>
        %shift_left3A_459 = arith.constant 13 : i32
        %shift_left3A_460 = vector.broadcast %shift_left3A_459 : i32 to vector<16xi32>
        %shift_left3A_461 = arith.shli %shift_right_logical3A_458, %shift_left3A_460 : vector<16xi32>
        %and3A_462 = arith.constant 8191 : i32
        %and3A_463 = vector.broadcast %and3A_462 : i32 to vector<16xi32>
        %and3A_464 = arith.andi %get3A_455, %and3A_463 : vector<16xi32>
        %or3A_465 = arith.ori %shift_left3A_461, %and3A_464 : vector<16xi32>
        %swap3A_466 = arith.constant 80 : index
        %swap3A_467 = tpu.vector_load %arg16[%swap3A_466] {strides = array<i32>} : memref<128xi32, #tpu.memory_space<vmem>>, vector<16xi32>,
        tpu.vector_store %arg16[%swap3A_466], %or3A_465 {strides = array<i32>} : memref<128xi32, #tpu.memory_space<vmem>>, vector<16xi32>,
        %add3A_468 = arith.constant 96 : i32
        %add3A_469 = arith.addi %mul3A_371, %add3A_468 : i32
        %get3A_470 = arith.index_cast %add3A_469 : i32 to index
        %get3A_471 = tpu.vector_load %arg14[%get3A_470] {strides = array<i32>} : memref<6416xi32, #tpu.memory_space<vmem>>, vector<16xi32>,
        %shift_right_logical3A_472 = arith.constant 14 : i32
        %shift_right_logical3A_473 = vector.broadcast %shift_right_logical3A_472 : i32 to vector<16xi32>
        %shift_right_logical3A_474 = arith.shrui %get3A_471, %shift_right_logical3A_473 : vector<16xi32>
        %shift_left3A_475 = arith.constant 13 : i32
        %shift_left3A_476 = vector.broadcast %shift_left3A_475 : i32 to vector<16xi32>
        %shift_left3A_477 = arith.shli %shift_right_logical3A_474, %shift_left3A_476 : vector<16xi32>
        %and3A_478 = arith.constant 8191 : i32
        %and3A_479 = vector.broadcast %and3A_478 : i32 to vector<16xi32>
        %and3A_480 = arith.andi %get3A_471, %and3A_479 : vector<16xi32>
        %or3A_481 = arith.ori %shift_left3A_477, %and3A_480 : vector<16xi32>
        %swap3A_482 = arith.constant 96 : index
        %swap3A_483 = tpu.vector_load %arg16[%swap3A_482] {strides = array<i32>} : memref<128xi32, #tpu.memory_space<vmem>>, vector<16xi32>,
        tpu.vector_store %arg16[%swap3A_482], %or3A_481 {strides = array<i32>} : memref<128xi32, #tpu.memory_space<vmem>>, vector<16xi32>,
        %add3A_484 = arith.constant 112 : i32
        %add3A_485 = arith.addi %mul3A_371, %add3A_484 : i32
        %get3A_486 = arith.index_cast %add3A_485 : i32 to index
        %get3A_487 = tpu.vector_load %arg14[%get3A_486] {strides = array<i32>} : memref<6416xi32, #tpu.memory_space<vmem>>, vector<16xi32>,
        %shift_right_logical3A_488 = arith.constant 14 : i32
        %shift_right_logical3A_489 = vector.broadcast %shift_right_logical3A_488 : i32 to vector<16xi32>
        %shift_right_logical3A_490 = arith.shrui %get3A_487, %shift_right_logical3A_489 : vector<16xi32>
        %shift_left3A_491 = arith.constant 13 : i32
        %shift_left3A_492 = vector.broadcast %shift_left3A_491 : i32 to vector<16xi32>
        %shift_left3A_493 = arith.shli %shift_right_logical3A_490, %shift_left3A_492 : vector<16xi32>
        %and3A_494 = arith.constant 8191 : i32
        %and3A_495 = vector.broadcast %and3A_494 : i32 to vector<16xi32>
        %and3A_496 = arith.andi %get3A_487, %and3A_495 : vector<16xi32>
        %or3A_497 = arith.ori %shift_left3A_493, %and3A_496 : vector<16xi32>
        %swap3A_498 = arith.constant 112 : index
        %swap3A_499 = tpu.vector_load %arg16[%swap3A_498] {strides = array<i32>} : memref<128xi32, #tpu.memory_space<vmem>>, vector<16xi32>,
        tpu.vector_store %arg16[%swap3A_498], %or3A_497 {strides = array<i32>} : memref<128xi32, #tpu.memory_space<vmem>>, vector<16xi32>,
        %dma_start3A_500 = arith.constant 0 : i32
        %dma_start3A_501 = arith.constant 0 : i32
        %dma_start3A_502 = tpu.memref_slice %arg4[%dma_start3A_500, %dma_start3A_501] : memref<507904x128xf32, #tpu.memory_space<hbm>> -> memref<507904x128xf32, #tpu.memory_space<hbm>>
        tpu.enqueue_indirect_dma source(%dma_start3A_502 : memref<507904x128xf32, #tpu.memory_space<hbm>>) target(%arg18 : memref<128x128xf32, #tpu.memory_space<vmem>>) offsets(%arg16 : memref<128xi32, #tpu.memory_space<vmem>>) semaphore(%arg22 : memref<!tpu.dma_semaphore, #tpu.memory_space<semaphore_mem>>)
      } else {
      }
      %ge3A_350 = arith.constant 1 : i32
      %ge3A_351 = arith.cmpi sge, %scan3A_182, %ge3A_350 : i32
      %convert_element_type3A_352 = arith.extui %ge3A_351 : i1 to i32
      %cond3A_353 = arith.constant 0 : i32
      %cond3A_354 = arith.cmpi ne, %convert_element_type3A_352, %cond3A_353 : i32
      scf.if %cond3A_354 {
        %sub3A_368 = arith.constant 256 : i32
        %sub3A_369 = arith.subi %add3A_343, %sub3A_368 : i32
        %dma_wait3A_370 = arith.constant 0 : i32
        %dma_wait3A_371 = tpu.memref_slice %arg9[%sub3A_369, %dma_wait3A_370] : memref<204800x64xf32, #tpu.memory_space<hbm>> -> memref<128x64xf32, #tpu.memory_space<hbm>>
        %dma_wait3A_372 = arith.constant 0 : i32
        %dma_wait3A_373 = tpu.memref_slice %arg9[%sub3A_369, %dma_wait3A_372] : memref<204800x64xf32, #tpu.memory_space<hbm>> -> memref<128x64xf32, #tpu.memory_space<hbm>>
        tpu.wait_dma2 semaphore(%arg25 : memref<!tpu.dma_semaphore, #tpu.memory_space<semaphore_mem>>) src(%arg21 : memref<128x64xf32, #tpu.memory_space<vmem>>) dst(%dma_wait3A_373 : memref<128x64xf32, #tpu.memory_space<hbm>>)
      } else {
      }
      %parallel_loop3A_355 = arith.constant 0 : i32
      %parallel_loop3A_356 = arith.constant 128 : i32
      %parallel_loop3A_357 = arith.constant 1 : i32
      scf.for %parallel_loop3A_368 = %parallel_loop3A_355 to %parallel_loop3A_356 step %parallel_loop3A_357  : i32 {
        %parallel_loop3A_369 = arith.constant 128 : i32
        %parallel_loop3A_370 = arith.muli %add3A_340, %parallel_loop3A_369 : i32
        %parallel_loop3A_371 = arith.addi %mul3A_2, %parallel_loop3A_370 : i32
        %parallel_loop3A_372 = arith.addi %parallel_loop3A_371, %parallel_loop3A_368 : i32
        %parallel_loop3A_373 = arith.constant 200 : i32
        %parallel_loop3A_374 = arith.remsi %parallel_loop3A_372, %parallel_loop3A_373 : i32
        %parallel_loop3A_375 = arith.addi %parallel_loop3A_370, %parallel_loop3A_368 : i32
        %parallel_loop3A_376 = arith.index_cast %parallel_loop3A_375 : i32 to index
        %parallel_loop3A_377 = tpu.vector_load %arg14[%parallel_loop3A_376] {strides = array<i32>} : memref<6416xi32, #tpu.memory_space<vmem>>, vector<16xi32>,
        %parallel_loop3A_378 = vector.extract_strided_slice %parallel_loop3A_377 {offsets = [0], sizes = [1], strides = [1]} : vector<16xi32> to vector<1xi32>
        %parallel_loop3A_379 = vector.extract %parallel_loop3A_378[0] : i32 from vector<1xi32>
        %parallel_loop3A_380 = arith.constant 13 : i32
        %parallel_loop3A_381 = arith.shrui %parallel_loop3A_379, %parallel_loop3A_380 : i32
        %parallel_loop3A_382 = arith.constant 1 : i32
        %parallel_loop3A_383 = arith.andi %parallel_loop3A_381, %parallel_loop3A_382 : i32
        %parallel_loop3A_384 = arith.constant 64 : i32
        %parallel_loop3A_385 = arith.muli %parallel_loop3A_383, %parallel_loop3A_384 : i32
        %parallel_loop3A_386 = arith.addi %parallel_loop3A_370, %parallel_loop3A_368 : i32
        %parallel_loop3A_387 = arith.index_cast %parallel_loop3A_386 : i32 to index
        %parallel_loop3A_388 = tpu.vector_load %arg15[%parallel_loop3A_387] {strides = array<i32>} : memref<6416xi32, #tpu.memory_space<vmem>>, vector<16xi32>,
        %parallel_loop3A_389 = vector.extract_strided_slice %parallel_loop3A_388 {offsets = [0], sizes = [1], strides = [1]} : vector<16xi32> to vector<1xi32>
        %parallel_loop3A_390 = vector.extract %parallel_loop3A_389[0] : i32 from vector<1xi32>
        %parallel_loop3A_391 = arith.sitofp %parallel_loop3A_390 : i32 to f32
        %parallel_loop3A_392 = arith.constant 0 : i32
        %parallel_loop3A_393 = arith.addi %parallel_loop3A_385, %parallel_loop3A_392 : i32
        %parallel_loop3A_394 = arith.index_cast %parallel_loop3A_368 : i32 to index
        %parallel_loop3A_395 = arith.index_cast %parallel_loop3A_393 : i32 to index
        %parallel_loop3A_396 = tpu.vector_load %arg19[%parallel_loop3A_394, %parallel_loop3A_395] {strides = array<i32>} : memref<128x128xf32, #tpu.memory_space<vmem>>, vector<16xf32>,
        %parallel_loop3A_397 = arith.index_cast %parallel_loop3A_374 : i32 to index
        %parallel_loop3A_398 = arith.constant 0 : index
        %parallel_loop3A_399 = tpu.vector_load %arg10[%parallel_loop3A_397, %parallel_loop3A_398] {strides = array<i32>} : memref<200x64xf32, #tpu.memory_space<vmem>>, vector<16xf32>,
        %parallel_loop3A_400 = arith.addf %parallel_loop3A_396, %parallel_loop3A_399 : vector<16xf32>
        %parallel_loop3A_401 = vector.broadcast %parallel_loop3A_391 : f32 to vector<16xf32>
        %parallel_loop3A_402 = arith.mulf %parallel_loop3A_401, %sub3A : vector<16xf32>
        %parallel_loop3A_403 = arith.addf %get3A_5, %parallel_loop3A_402 : vector<16xf32>
        %parallel_loop3A_404 = arith.addf %parallel_loop3A_400, %parallel_loop3A_403 : vector<16xf32>
        %parallel_loop3A_405 = arith.constant 16 : i32
        %parallel_loop3A_406 = arith.addi %parallel_loop3A_385, %parallel_loop3A_405 : i32
        %parallel_loop3A_407 = arith.index_cast %parallel_loop3A_368 : i32 to index
        %parallel_loop3A_408 = arith.index_cast %parallel_loop3A_406 : i32 to index
        %parallel_loop3A_409 = tpu.vector_load %arg19[%parallel_loop3A_407, %parallel_loop3A_408] {strides = array<i32>} : memref<128x128xf32, #tpu.memory_space<vmem>>, vector<16xf32>,
        %parallel_loop3A_410 = arith.index_cast %parallel_loop3A_374 : i32 to index
        %parallel_loop3A_411 = arith.constant 16 : index
        %parallel_loop3A_412 = tpu.vector_load %arg10[%parallel_loop3A_410, %parallel_loop3A_411] {strides = array<i32>} : memref<200x64xf32, #tpu.memory_space<vmem>>, vector<16xf32>,
        %parallel_loop3A_413 = arith.addf %parallel_loop3A_409, %parallel_loop3A_412 : vector<16xf32>
        %parallel_loop3A_414 = vector.broadcast %parallel_loop3A_391 : f32 to vector<16xf32>
        %parallel_loop3A_415 = arith.mulf %parallel_loop3A_414, %sub3A_26 : vector<16xf32>
        %parallel_loop3A_416 = arith.addf %get3A_9, %parallel_loop3A_415 : vector<16xf32>
        %parallel_loop3A_417 = arith.addf %parallel_loop3A_413, %parallel_loop3A_416 : vector<16xf32>
        %parallel_loop3A_418 = arith.constant 32 : i32
        %parallel_loop3A_419 = arith.addi %parallel_loop3A_385, %parallel_loop3A_418 : i32
        %parallel_loop3A_420 = arith.index_cast %parallel_loop3A_368 : i32 to index
        %parallel_loop3A_421 = arith.index_cast %parallel_loop3A_419 : i32 to index
        %parallel_loop3A_422 = tpu.vector_load %arg19[%parallel_loop3A_420, %parallel_loop3A_421] {strides = array<i32>} : memref<128x128xf32, #tpu.memory_space<vmem>>, vector<16xf32>,
        %parallel_loop3A_423 = arith.index_cast %parallel_loop3A_374 : i32 to index
        %parallel_loop3A_424 = arith.constant 32 : index
        %parallel_loop3A_425 = tpu.vector_load %arg10[%parallel_loop3A_423, %parallel_loop3A_424] {strides = array<i32>} : memref<200x64xf32, #tpu.memory_space<vmem>>, vector<16xf32>,
        %parallel_loop3A_426 = arith.addf %parallel_loop3A_422, %parallel_loop3A_425 : vector<16xf32>
        %parallel_loop3A_427 = vector.broadcast %parallel_loop3A_391 : f32 to vector<16xf32>
        %parallel_loop3A_428 = arith.mulf %parallel_loop3A_427, %sub3A_31 : vector<16xf32>
        %parallel_loop3A_429 = arith.addf %get3A_13, %parallel_loop3A_428 : vector<16xf32>
        %parallel_loop3A_430 = arith.addf %parallel_loop3A_426, %parallel_loop3A_429 : vector<16xf32>
        %parallel_loop3A_431 = arith.constant 48 : i32
        %parallel_loop3A_432 = arith.addi %parallel_loop3A_385, %parallel_loop3A_431 : i32
        %parallel_loop3A_433 = arith.index_cast %parallel_loop3A_368 : i32 to index
        %parallel_loop3A_434 = arith.index_cast %parallel_loop3A_432 : i32 to index
        %parallel_loop3A_435 = tpu.vector_load %arg19[%parallel_loop3A_433, %parallel_loop3A_434] {strides = array<i32>} : memref<128x128xf32, #tpu.memory_space<vmem>>, vector<16xf32>,
        %parallel_loop3A_436 = arith.index_cast %parallel_loop3A_374 : i32 to index
        %parallel_loop3A_437 = arith.constant 48 : index
        %parallel_loop3A_438 = tpu.vector_load %arg10[%parallel_loop3A_436, %parallel_loop3A_437] {strides = array<i32>} : memref<200x64xf32, #tpu.memory_space<vmem>>, vector<16xf32>,
        %parallel_loop3A_439 = arith.addf %parallel_loop3A_435, %parallel_loop3A_438 : vector<16xf32>
        %parallel_loop3A_440 = vector.broadcast %parallel_loop3A_391 : f32 to vector<16xf32>
        %parallel_loop3A_441 = arith.mulf %parallel_loop3A_440, %sub3A_36 : vector<16xf32>
        %parallel_loop3A_442 = arith.addf %get3A_17, %parallel_loop3A_441 : vector<16xf32>
        %parallel_loop3A_443 = arith.addf %parallel_loop3A_439, %parallel_loop3A_442 : vector<16xf32>
        %parallel_loop3A_444 = arith.addf %parallel_loop3A_404, %parallel_loop3A_417 : vector<16xf32>
        %parallel_loop3A_445 = arith.addf %parallel_loop3A_430, %parallel_loop3A_443 : vector<16xf32>
        %parallel_loop3A_446 = arith.addf %parallel_loop3A_444, %parallel_loop3A_445 : vector<16xf32>
        %parallel_loop3A_447 = arith.mulf %parallel_loop3A_404, %parallel_loop3A_404 : vector<16xf32>
        %parallel_loop3A_448 = arith.mulf %parallel_loop3A_417, %parallel_loop3A_417 : vector<16xf32>
        %parallel_loop3A_449 = arith.addf %parallel_loop3A_447, %parallel_loop3A_448 : vector<16xf32>
        %parallel_loop3A_450 = arith.mulf %parallel_loop3A_430, %parallel_loop3A_430 : vector<16xf32>
        %parallel_loop3A_451 = arith.mulf %parallel_loop3A_443, %parallel_loop3A_443 : vector<16xf32>
        %parallel_loop3A_452 = arith.addf %parallel_loop3A_450, %parallel_loop3A_451 : vector<16xf32>
        %parallel_loop3A_453 = arith.addf %parallel_loop3A_449, %parallel_loop3A_452 : vector<16xf32>
        %parallel_loop3A_454 = arith.constant true
        %parallel_loop3A_455 = vector.broadcast %parallel_loop3A_454 : i1 to vector<16xi1>
        %parallel_loop3A_456 = tpu.scan <sum>, %parallel_loop3A_446 masked %parallel_loop3A_455 : vector<16xf32>, vector<16xi1> -> vector<16xf32>
        %parallel_loop3A_457 = vector.extract %parallel_loop3A_456[15] : f32 from vector<16xf32>
        %parallel_loop3A_458 = arith.constant 1.562500e-02 : f32
        %parallel_loop3A_459 = arith.mulf %parallel_loop3A_457, %parallel_loop3A_458 : f32
        %parallel_loop3A_460 = arith.constant true
        %parallel_loop3A_461 = vector.broadcast %parallel_loop3A_460 : i1 to vector<16xi1>
        %parallel_loop3A_462 = tpu.scan <sum>, %parallel_loop3A_453 masked %parallel_loop3A_461 : vector<16xf32>, vector<16xi1> -> vector<16xf32>
        %parallel_loop3A_463 = vector.extract %parallel_loop3A_462[15] : f32 from vector<16xf32>
        %parallel_loop3A_464 = arith.constant 1.562500e-02 : f32
        %parallel_loop3A_465 = arith.mulf %parallel_loop3A_463, %parallel_loop3A_464 : f32
        %parallel_loop3A_466 = arith.mulf %parallel_loop3A_459, %parallel_loop3A_459 : f32
        %parallel_loop3A_467 = arith.subf %parallel_loop3A_465, %parallel_loop3A_466 : f32
        %parallel_loop3A_468 = arith.constant 9.99999996E-13 : f32
        %parallel_loop3A_469 = arith.addf %parallel_loop3A_467, %parallel_loop3A_468 : f32
        %parallel_loop3A_470 = arith.bitcast %parallel_loop3A_469 : f32 to i32
        %parallel_loop3A_471 = arith.constant 1 : i32
        %parallel_loop3A_472 = arith.shrui %parallel_loop3A_470, %parallel_loop3A_471 : i32
        %parallel_loop3A_473 = arith.constant 1597463007 : i32
        %parallel_loop3A_474 = arith.subi %parallel_loop3A_473, %parallel_loop3A_472 : i32
        %parallel_loop3A_475 = arith.bitcast %parallel_loop3A_474 : i32 to f32
        %parallel_loop3A_476 = arith.constant 5.000000e-01 : f32
        %parallel_loop3A_477 = arith.mulf %parallel_loop3A_476, %parallel_loop3A_469 : f32
        %parallel_loop3A_478 = arith.mulf %parallel_loop3A_477, %parallel_loop3A_475 : f32
        %parallel_loop3A_479 = arith.mulf %parallel_loop3A_478, %parallel_loop3A_475 : f32
        %parallel_loop3A_480 = arith.constant 1.500000e+00 : f32
        %parallel_loop3A_481 = arith.subf %parallel_loop3A_480, %parallel_loop3A_479 : f32
        %parallel_loop3A_482 = arith.mulf %parallel_loop3A_475, %parallel_loop3A_481 : f32
        %parallel_loop3A_483 = arith.constant 5.000000e-01 : f32
        %parallel_loop3A_484 = arith.mulf %parallel_loop3A_483, %parallel_loop3A_469 : f32
        %parallel_loop3A_485 = arith.mulf %parallel_loop3A_484, %parallel_loop3A_482 : f32
        %parallel_loop3A_486 = arith.mulf %parallel_loop3A_485, %parallel_loop3A_482 : f32
        %parallel_loop3A_487 = arith.constant 1.500000e+00 : f32
        %parallel_loop3A_488 = arith.subf %parallel_loop3A_487, %parallel_loop3A_486 : f32
        %parallel_loop3A_489 = arith.mulf %parallel_loop3A_482, %parallel_loop3A_488 : f32
        %parallel_loop3A_490 = arith.constant 5.000000e-01 : f32
        %parallel_loop3A_491 = arith.mulf %parallel_loop3A_490, %parallel_loop3A_469 : f32
        %parallel_loop3A_492 = arith.mulf %parallel_loop3A_491, %parallel_loop3A_489 : f32
        %parallel_loop3A_493 = arith.mulf %parallel_loop3A_492, %parallel_loop3A_489 : f32
        %parallel_loop3A_494 = arith.constant 1.500000e+00 : f32
        %parallel_loop3A_495 = arith.subf %parallel_loop3A_494, %parallel_loop3A_493 : f32
        %parallel_loop3A_496 = arith.mulf %parallel_loop3A_489, %parallel_loop3A_495 : f32
        %parallel_loop3A_497 = vector.broadcast %parallel_loop3A_459 : f32 to vector<16xf32>
        %parallel_loop3A_498 = arith.subf %parallel_loop3A_404, %parallel_loop3A_497 : vector<16xf32>
        %parallel_loop3A_499 = vector.broadcast %parallel_loop3A_496 : f32 to vector<16xf32>
        %parallel_loop3A_500 = arith.mulf %parallel_loop3A_499, %get3A_38 : vector<16xf32>
        %parallel_loop3A_501 = arith.mulf %parallel_loop3A_498, %parallel_loop3A_500 : vector<16xf32>
        %parallel_loop3A_502 = arith.addf %parallel_loop3A_501, %get3A_46 : vector<16xf32>
        %parallel_loop3A_503 = arith.index_cast %parallel_loop3A_368 : i32 to index
        %parallel_loop3A_504 = arith.constant 0 : index
        %parallel_loop3A_505 = tpu.vector_load %arg21[%parallel_loop3A_503, %parallel_loop3A_504] {strides = array<i32>} : memref<128x64xf32, #tpu.memory_space<vmem>>, vector<16xf32>,
        tpu.vector_store %arg21[%parallel_loop3A_503, %parallel_loop3A_504], %parallel_loop3A_502 {strides = array<i32>} : memref<128x64xf32, #tpu.memory_space<vmem>>, vector<16xf32>,
        %parallel_loop3A_506 = vector.broadcast %parallel_loop3A_459 : f32 to vector<16xf32>
        %parallel_loop3A_507 = arith.subf %parallel_loop3A_417, %parallel_loop3A_506 : vector<16xf32>
        %parallel_loop3A_508 = vector.broadcast %parallel_loop3A_496 : f32 to vector<16xf32>
        %parallel_loop3A_509 = arith.mulf %parallel_loop3A_508, %get3A_40 : vector<16xf32>
        %parallel_loop3A_510 = arith.mulf %parallel_loop3A_507, %parallel_loop3A_509 : vector<16xf32>
        %parallel_loop3A_511 = arith.addf %parallel_loop3A_510, %get3A_48 : vector<16xf32>
        %parallel_loop3A_512 = arith.index_cast %parallel_loop3A_368 : i32 to index
        %parallel_loop3A_513 = arith.constant 16 : index
        %parallel_loop3A_514 = tpu.vector_load %arg21[%parallel_loop3A_512, %parallel_loop3A_513] {strides = array<i32>} : memref<128x64xf32, #tpu.memory_space<vmem>>, vector<16xf32>,
        tpu.vector_store %arg21[%parallel_loop3A_512, %parallel_loop3A_513], %parallel_loop3A_511 {strides = array<i32>} : memref<128x64xf32, #tpu.memory_space<vmem>>, vector<16xf32>,
        %parallel_loop3A_515 = vector.broadcast %parallel_loop3A_459 : f32 to vector<16xf32>
        %parallel_loop3A_516 = arith.subf %parallel_loop3A_430, %parallel_loop3A_515 : vector<16xf32>
        %parallel_loop3A_517 = vector.broadcast %parallel_loop3A_496 : f32 to vector<16xf32>
        %parallel_loop3A_518 = arith.mulf %parallel_loop3A_517, %get3A_42 : vector<16xf32>
        %parallel_loop3A_519 = arith.mulf %parallel_loop3A_516, %parallel_loop3A_518 : vector<16xf32>
        %parallel_loop3A_520 = arith.addf %parallel_loop3A_519, %get3A_50 : vector<16xf32>
        %parallel_loop3A_521 = arith.index_cast %parallel_loop3A_368 : i32 to index
        %parallel_loop3A_522 = arith.constant 32 : index
        %parallel_loop3A_523 = tpu.vector_load %arg21[%parallel_loop3A_521, %parallel_loop3A_522] {strides = array<i32>} : memref<128x64xf32, #tpu.memory_space<vmem>>, vector<16xf32>,
        tpu.vector_store %arg21[%parallel_loop3A_521, %parallel_loop3A_522], %parallel_loop3A_520 {strides = array<i32>} : memref<128x64xf32, #tpu.memory_space<vmem>>, vector<16xf32>,
        %parallel_loop3A_524 = vector.broadcast %parallel_loop3A_459 : f32 to vector<16xf32>
        %parallel_loop3A_525 = arith.subf %parallel_loop3A_443, %parallel_loop3A_524 : vector<16xf32>
        %parallel_loop3A_526 = vector.broadcast %parallel_loop3A_496 : f32 to vector<16xf32>
        %parallel_loop3A_527 = arith.mulf %parallel_loop3A_526, %get3A_44 : vector<16xf32>
        %parallel_loop3A_528 = arith.mulf %parallel_loop3A_525, %parallel_loop3A_527 : vector<16xf32>
        %parallel_loop3A_529 = arith.addf %parallel_loop3A_528, %get3A_52 : vector<16xf32>
        %parallel_loop3A_530 = arith.index_cast %parallel_loop3A_368 : i32 to index
        %parallel_loop3A_531 = arith.constant 48 : index
        %parallel_loop3A_532 = tpu.vector_load %arg21[%parallel_loop3A_530, %parallel_loop3A_531] {strides = array<i32>} : memref<128x64xf32, #tpu.memory_space<vmem>>, vector<16xf32>,
        tpu.vector_store %arg21[%parallel_loop3A_530, %parallel_loop3A_531], %parallel_loop3A_529 {strides = array<i32>} : memref<128x64xf32, #tpu.memory_space<vmem>>, vector<16xf32>,
      } {sc.loop_unroll_factor = 8 : i64, sc.parallel_access}
      %dma_start3A_358 = arith.constant 0 : i32
      %dma_start3A_359 = tpu.memref_slice %arg9[%add3A_343, %dma_start3A_358] : memref<204800x64xf32, #tpu.memory_space<hbm>> -> memref<128x64xf32, #tpu.memory_space<hbm>>
      %dma_start3A_360 = arith.constant 0 : i32
      %dma_start3A_361 = tpu.memref_slice %arg9[%add3A_343, %dma_start3A_360] : memref<204800x64xf32, #tpu.memory_space<hbm>> -> memref<128x64xf32, #tpu.memory_space<hbm>>
      tpu.enqueue_dma source(%arg21 : memref<128x64xf32, #tpu.memory_space<vmem>>) target(%dma_start3A_361 : memref<128x64xf32, #tpu.memory_space<hbm>>) target_semaphore(%arg25 : memref<!tpu.dma_semaphore, #tpu.memory_space<semaphore_mem>>)
      %lt3A_362 = arith.constant 24 : i32
      %lt3A_363 = arith.cmpi slt, %scan3A_182, %lt3A_362 : i32
      %convert_element_type3A_364 = arith.extui %lt3A_363 : i1 to i32
      %cond3A_365 = arith.constant 0 : i32
      %cond3A_366 = arith.cmpi ne, %convert_element_type3A_364, %cond3A_365 : i32
      scf.if %cond3A_366 {
        %dma_wait3A_368 = arith.constant 0 : i32
        %dma_wait3A_369 = arith.constant 0 : i32
        %dma_wait3A_370 = tpu.memref_slice %arg4[%dma_wait3A_368, %dma_wait3A_369] : memref<507904x128xf32, #tpu.memory_space<hbm>> -> memref<507904x128xf32, #tpu.memory_space<hbm>>
        tpu.wait_indirect_dma semaphore(%arg22 : memref<!tpu.dma_semaphore, #tpu.memory_space<semaphore_mem>>) src(%dma_wait3A_370 : memref<507904x128xf32, #tpu.memory_space<hbm>>) dst(%arg18 : memref<128x128xf32, #tpu.memory_space<vmem>>)
      } else {
      }
      %scan3A_367 = arith.constant 0 : i32
      scf.yield %scan3A_367 : i32
    }
    %scan3A_169 = arith.constant 25 : i32
    %add3A_170 = arith.constant 6144 : i32
    %add3A_171 = arith.addi %mul3A_2, %add3A_170 : i32
    %dma_wait3A_172 = arith.constant 0 : i32
    %dma_wait3A_173 = tpu.memref_slice %arg9[%add3A_171, %dma_wait3A_172] : memref<204800x64xf32, #tpu.memory_space<hbm>> -> memref<128x64xf32, #tpu.memory_space<hbm>>
    %dma_wait3A_174 = arith.constant 0 : i32
    %dma_wait3A_175 = tpu.memref_slice %arg9[%add3A_171, %dma_wait3A_174] : memref<204800x64xf32, #tpu.memory_space<hbm>> -> memref<128x64xf32, #tpu.memory_space<hbm>>
    tpu.wait_dma2 semaphore(%arg24 : memref<!tpu.dma_semaphore, #tpu.memory_space<semaphore_mem>>) src(%arg20 : memref<128x64xf32, #tpu.memory_space<vmem>>) dst(%dma_wait3A_175 : memref<128x64xf32, #tpu.memory_space<hbm>>)
    %add3A_176 = arith.constant 6272 : i32
    %add3A_177 = arith.addi %mul3A_2, %add3A_176 : i32
    %dma_wait3A_178 = arith.constant 0 : i32
    %dma_wait3A_179 = tpu.memref_slice %arg9[%add3A_177, %dma_wait3A_178] : memref<204800x64xf32, #tpu.memory_space<hbm>> -> memref<128x64xf32, #tpu.memory_space<hbm>>
    %dma_wait3A_180 = arith.constant 0 : i32
    %dma_wait3A_181 = tpu.memref_slice %arg9[%add3A_177, %dma_wait3A_180] : memref<204800x64xf32, #tpu.memory_space<hbm>> -> memref<128x64xf32, #tpu.memory_space<hbm>>
    tpu.wait_dma2 semaphore(%arg25 : memref<!tpu.dma_semaphore, #tpu.memory_space<semaphore_mem>>) src(%arg21 : memref<128x64xf32, #tpu.memory_space<vmem>>) dst(%dma_wait3A_181 : memref<128x64xf32, #tpu.memory_space<hbm>>)
    return
  }
}

module attributes {stable_mosaic.version = 14 : i64} {
  func.func @tkernel(%arg0: i32, %arg1: memref<64x16384xf32, #tpu.memory_space<vmem>>, %arg2: memref<8192x128xf32, #tpu.memory_space<vmem>>) attributes {dimension_semantics = [#tpu.dimension_semantics<arbitrary>], iteration_bounds = array<i64: 62>, scalar_prefetch = 0 : i64, scratch_operands = 0 : i64, tpu.core_type = #tpu.core_type<tc>, window_params = [{transform_indices = @transform_0, window_bounds = array<i64: 64, 16384>}, {transform_indices = @transform_1, window_bounds = array<i64: 8192, 128>}]} {
    %get3A = arith.constant 0 : index
    %get3A_0 = arith.constant 0 : index
    %get3A_1 = vector.load %arg1[%get3A, %get3A_0] : memref<64x16384xf32, #tpu.memory_space<vmem>>, vector<64x16384xf32>
    %transpose3A = tpu.transpose %get3A_1, [1, 0] : vector<64x16384xf32> -> vector<16384x64xf32>
    %slice3A = vector.extract_strided_slice %transpose3A {offsets = [0, 0], sizes = [8192, 64], strides = [1, 1]} : vector<16384x64xf32> to vector<8192x64xf32>
    %swap3A = arith.constant 0 : index
    %swap3A_2 = arith.constant 0 : index
    %swap3A_3 = vector.load %arg2[%swap3A, %swap3A_2] : memref<8192x128xf32, #tpu.memory_space<vmem>>, vector<8192x64xf32>
    tpu.vector_store %arg2[%swap3A, %swap3A_2], %slice3A {strides = array<i32>} : memref<8192x128xf32, #tpu.memory_space<vmem>>, vector<8192x64xf32>,
    %slice3A_4 = vector.extract_strided_slice %transpose3A {offsets = [8192, 0], sizes = [8192, 64], strides = [1, 1]} : vector<16384x64xf32> to vector<8192x64xf32>
    %swap3A_5 = arith.constant 0 : index
    %swap3A_6 = arith.constant 64 : index
    %swap3A_7 = vector.load %arg2[%swap3A_5, %swap3A_6] : memref<8192x128xf32, #tpu.memory_space<vmem>>, vector<8192x64xf32>
    tpu.vector_store %arg2[%swap3A_5, %swap3A_6], %slice3A_4 {strides = array<i32>} : memref<8192x128xf32, #tpu.memory_space<vmem>>, vector<8192x64xf32>,
    return
  }
  func.func @transform_0(%arg0: i32) -> (i32, i32) {
    %c0_i32 = arith.constant 0 : i32
    %c0_i32_0 = arith.constant 0 : i32
    return %c0_i32, %arg0 : i32, i32
  }
  func.func @transform_1(%arg0: i32) -> (i32, i32) {
    %c0_i32 = arith.constant 0 : i32
    %c0_i32_0 = arith.constant 0 : i32
    return %arg0, %c0_i32 : i32, i32
  }
}

</mosaic_0001>

<sc_bundles>
// kernel: kernel.4.cloned.1.call-start
scs
__scs_entry_jumppad:
0x0: {  	(pc) =	sbr.rel $0x88, $3  }
0x1: {  	(tag) =	ssettag $0x0;
	lr =	simm.s32 $0x1  }
0x2: {  	[smem:$0x3F9A] =	sst lr;
	_ =	strace $0xD0000000  }
0x3: {  	_ = 	snop  }
0x4: {  	_ = 	snop  }
0x5: {  	_ = 	snop  }
0x6: {  	_ = 	snop  }
0x7: {  	_ = 	snop  }
__scs_overlays_trampoline_lowered:
0x8: {  	[smem:$0x3FA9] =	sst s0  }
0x9: {  	[smem:$0x3FAA] =	sst s1  }
0xa: {  	[smem:$0x3FAB] =	sst s2  }
0xb: {  	[smem:$0x3FAC] =	sst s3  }
0xc: {  	[smem:$0x3FAD] =	sst s4  }
0xd: {  	[smem:$0x3FAE] =	sst s5  }
0xe: {  	[smem:$0x3FAF] =	sst s6  }
0xf: {  	[smem:$0x3FB0] =	sst s7  }
0x10: {  	[smem:$0x3FB1] =	sst s8  }
0x11: {  	[smem:$0x3FB2] =	sst s9;
	s0 =	simm.s32 @!p0 $0x0  }
0x12: {  	s1 =	sld [smem:$0x3F98];
	s0 =	simm.s32 @p0 $0x1  }
0x13: {  	[smem:$0x3FB3] =	sst s0;
	s0 =	simm.s32 @!p1 $0x0  }
0x14: {  	s2 =	sld [smem:$0x3F97];
	s0 =	simm.s32 @p1 $0x1  }
0x15: {  	[smem:$0x3FB4] =	sst s0;
	s0 =	simm.s32 @!p2 $0x0  }
0x16: {  	s3 =	sld [smem:$0x3FDB];
	s0 =	simm.s32 @p2 $0x1  }
0x17: {  	s4 =	simm.s32 $0x1BF5;
	[smem:$0x3FB6] =	sst s0  }
0x18: {  	s0 =	sld [smem:$0x3F99];
	_ =	swait.ge [sflag:s4], $0x0  }
0x19: {  	s7 =	sld [smem:$0x3F9A]  }
0x1a: {  	s8 =	sadd.s32 $0xFFFFE003, lr  }
0x1b: {  	s9 =	sadd.s32 $0xFFFFFEF7, lr;
	s5 =	simm.s32 $0xFFFFFFFF;
	p2 =	slt.u32 s8, $0xFFFFF086  }
0x1c: {  	p1 =	slt.u32 s9, $0xF7A;
	s5 =	simm.s32 @!p2 $0x0  }
0x1d: {  	s5 =	simm.s32 @p1 $0x1;
	p0 =	seq.s32 s7, s2  }
0x1e: {  	s7 =	smul.u32 @!p0 $0xF7A, s2;
	p2 =	seq.s32 @!p0 s5, $0x0  }
0x1f: {  	s9 =	smul.u32 $0xF7A, s1;
	s8 =	simm.s32 @!p0 $0x1BF5;
	p2 =	por !p2, p0  }
0x20: {  	[sflag:s8] =	ssyncset.s32 @!p0 $0xFFFFF086;
	s6 =	sadd.s32 @!p0 s3, s7;
	s7 =	simm.s32 @!p0 $0x108  }
0x21: {  	s3 =	sadd.s32 s3, s9;
	s6 =	sadd.s32 @!p0 $0x88, s6;
	s7 =	simm.s32 @p2 $0x1082  }
0x22: {  	[simem:s7], [sflag:s8] =	dma.local @!p0 [hbm:s6], $0xF7A  }
0x23: {  	s9 =	sor.u32 $0xD0000000, s2;
	s6 =	simm.s32 $0x108;
	_ =	swait.ge @!p0 [sflag:s8], $0x0  }
0x24: {  	s3 =	sadd.s32 $0x88, s3;
	s6 =	simm.s32 @!p1 $0x1082;
	[sflag:s4] =	ssyncset.s32 $0xFFFFF086  }
0x25: {  	[simem:s6], [sflag:s4] =	dma.local [hbm:s3], $0xF7A  }
0x26: {  	[smem:$0x3F9A] =	sst s1;
	(tag) =	ssettag s2;
	_ =	strace s9  }
0x27: {  	s1 =	sld [smem:$0x3FAA]  }
0x28: {  	s2 =	sld [smem:$0x3FAB]  }
0x29: {  	s4 =	sld [smem:$0x3FAD]  }
0x2a: {  	p0 =	seq.s32 s5, $0x0;
	s5 =	sld [smem:$0x3FAE]  }
0x2b: {  	s6 =	sld [smem:$0x3FAF]  }
0x2c: {  	s7 =	sld [smem:$0x3FB0]  }
0x2d: {  	s3 =	simm.s32 $0x108;
	s8 =	sld [smem:$0x3FB1]  }
0x2e: {  	s3 =	simm.s32 @!p0 $0x1082;
	s9 =	sld [smem:$0x3FB2]  }
0x2f: {  	lr =	sadd.s32 s0, s3;
	s0 =	sld [smem:$0x3FA9]  }
0x30: {  	s3 =	sld [smem:$0x3FAC]  }
0x31: {  	[smem:$0x3FB5] =	sst s10  }
0x32: {  	s10 =	sld [smem:$0x3FB3];
	_ =	sdelay $0x3  }
0x33: {  	p0 =	seq.s32 s10, $0x1;
	s10 =	sld [smem:$0x3FB5];
	_ =	sdelay $0x3  }
0x34: {  	[smem:$0x3FB5] =	sst s10  }
0x35: {  	s10 =	sld [smem:$0x3FB4];
	_ =	sdelay $0x3  }
0x36: {  	p1 =	seq.s32 s10, $0x1;
	s10 =	sld [smem:$0x3FB5];
	_ =	sdelay $0x3  }
0x37: {  	[smem:$0x3FB5] =	sst s10  }
0x38: {  	s10 =	sld [smem:$0x3FB6]  }
0x39: {  	_ = 	snop;
	(pc) =	sbr.ind lr, $3  }
0x3a: {  	_ = 	snop  }
0x3b: {  	_ = 	snop  }
0x3c: {  	p2 =	seq.s32 s10, $0x1;
	s10 =	sld [smem:$0x3FB5]  }
0x3d: {  	_ =	shalt  }
0x3e: {  	_ =	shalt  }
0x3f: {  	_ =	shalt  }
0x40: {  	_ =	shalt  }
0x41: {  	_ =	shalt  }
0x42: {  	_ =	shalt  }
0x43: {  	_ =	shalt  }
0x44: {  	_ =	shalt  }
0x45: {  	_ =	shalt  }
0x46: {  	_ =	shalt  }
0x47: {  	_ =	shalt  }
0x48: {  	_ =	shalt  }
0x49: {  	_ =	shalt  }
0x4a: {  	_ =	shalt  }
0x4b: {  	_ =	shalt  }
0x4c: {  	_ =	shalt  }
0x4d: {  	_ =	shalt  }
0x4e: {  	_ =	shalt  }
0x4f: {  	_ =	shalt  }
0x50: {  	_ =	shalt  }
0x51: {  	_ =	shalt  }
0x52: {  	_ =	shalt  }
0x53: {  	_ =	shalt  }
0x54: {  	_ =	shalt  }
0x55: {  	_ =	shalt  }
0x56: {  	_ =	shalt  }
0x57: {  	_ =	shalt  }
0x58: {  	_ =	shalt  }
0x59: {  	_ =	shalt  }
0x5a: {  	_ =	shalt  }
0x5b: {  	_ =	shalt  }
0x5c: {  	_ =	shalt  }
0x5d: {  	_ =	shalt  }
0x5e: {  	_ =	shalt  }
0x5f: {  	_ =	shalt  }
0x60: {  	_ =	shalt  }
0x61: {  	_ =	shalt  }
0x62: {  	_ =	shalt  }
0x63: {  	_ =	shalt  }
0x64: {  	_ =	shalt  }
0x65: {  	_ =	shalt  }
0x66: {  	_ =	shalt  }
0x67: {  	_ =	shalt  }
0x68: {  	_ =	shalt  }
0x69: {  	_ =	shalt  }
0x6a: {  	_ =	shalt  }
0x6b: {  	_ =	shalt  }
0x6c: {  	_ =	shalt  }
0x6d: {  	_ =	shalt  }
0x6e: {  	_ =	shalt  }
0x6f: {  	_ =	shalt  }
0x70: {  	_ =	shalt  }
0x71: {  	_ =	shalt  }
0x72: {  	_ =	shalt  }
0x73: {  	_ =	shalt  }
0x74: {  	_ =	shalt  }
0x75: {  	_ =	shalt  }
0x76: {  	_ =	shalt  }
0x77: {  	_ =	shalt  }
0x78: {  	_ =	shalt  }
0x79: {  	_ =	shalt  }
0x7a: {  	_ =	shalt  }
0x7b: {  	_ =	shalt  }
0x7c: {  	_ =	shalt  }
0x7d: {  	_ =	shalt  }
0x7e: {  	_ =	shalt  }
0x7f: {  	_ =	shalt  }
0x80: {  	_ =	shalt  }
0x81: {  	_ =	shalt  }
0x82: {  	_ =	shalt  }
0x83: {  	_ =	shalt  }
0x84: {  	_ =	shalt  }
0x85: {  	_ =	shalt  }
0x86: {  	_ =	shalt  }
0x87: {  	_ =	shalt  }
.Lfunc_end0:
.L_simem_size_0:
called_computation.1_lowered:
.L_overlay_start_0:
0x88: {  	s2 =	sld [smem:$0x3FD9]  }
0x89: {  	s3 =	sld [smem:$0x3FFE];
	_ =	sdelay $0x1  }
0x8a: {  	s1 =	srdreg.scid  }
0x8b: {  	s0 =	sand.u32 $0x1, s1  }
0x8c: {  	s17 =	sshll.u32 s0, $0xA;
	s2 =	sadd.s32 s3, s2  }
0x8d: {  	s2 =	sadd.s32 s2, s17  }
0x8e: {  	[smem:$0x3FC1] =	sst s2  }
0x8f: {  	_ = 	snop  }
0x90: {  	s2 =	sld [smem:$0x3FC5]  }
0x91: {  	s18 =	sld [smem:$0x3FC4]  }
0x92: {  	s4 =	sld [smem:$0x3FC3]  }
0x93: {  	s5 =	sld [smem:$0x3FD0];
	(tm) =	ssettm $0x1  }
0x94: {  	s6 =	sld [smem:$0x3FFB];
	_ =	sdelay $0x3  }
0x95: {  	_ =	strace s6  }
0x96: {  	s6 =	sld [smem:$0x3FFC];
	_ =	sdelay $0x3  }
0x97: {  	_ =	strace s6  }
0x98: {  	s6 =	sld [smem:$0x3FFD];
	_ =	sdelay $0x3  }
0x99: {  	_ =	strace s6  }
0x9a: {  	_ =	strace $0x8FFFFFFF  }
0x9b: {  	s19 =	sld [smem:$0x3FDB];
	_ =	sdelay $0x1  }
0x9c: {  	s7 =	simm.s32 $_scs_section_size  }
0x9d: {  	s8 =	simm.s32 $_size__tile_overlayer_lowered;
	s9 =	simm.s32 $_tile_overlayer_lowered  }
0x9e: {  	s22 =	simm.s32 $0x1BFF;
	s21 =	sshll.u32 s9, $0x1;
	s6 =	sadd.s32 s7, s19  }
0x9f: {  	s10 =	simm.s32 $0x0;
	s20 =	sshll.u32 s8, $0x1;
	s8 =	sadd.s32 s21, s6  }
0xa0: {  	[timem:s10], [sflag:s22] =	dma.local [hbm:s8], s20  }
0xa1: {  	_ =	swait.ge [sflag:s22], s20  }
0xa2: {  	s7 =	ssub.s32 $0x0, s20;
	[sflag:s22] =	ssyncset.done $0x0  }
0xa3: {  	[sflag:s22] =	ssyncadd.s32 s7;
	_ =	sdelay $0x1  }
0xa4: {  	s23 =	simm.s32 $0x1B8B  }
0xa5: {  	_ =	swait.ge [sflag:s23], $0x1  }
0xa6: {  	[sflag:s23] =	ssyncset.done $0x0  }
0xa7: {  	s25 =	simm.s32 $0x1B8E;
	s24 =	sld [smem:$0x3FFE];
	[sflag:s23] =	ssyncadd.s32 $0xFFFFFFFF  }
0xa8: {  	s26 =	simm.s32 $execute0_lowered;
	[smem:$0x3FD2] =	sst s25  }
0xa9: {  	s8 =	sshll.u32 s26, $0x1;
	_ =	strace $0x80000046;
	[dreg:$0x1] =	wrdreg $0xFFFFFFFF  }
0xaa: {  	s28 =	simm.s32 $_size_execute0_lowered;
	s6 =	sadd.s32 s6, s8;
	[dreg:$0x0] =	wrdreg $0x0  }
0xab: {  	s8 =	sshll.u32 s28, $0x1;
	[dreg:$0x2] =	wrdreg s6  }
0xac: {  	[dreg:$0x3] =	wrdreg s8  }
0xad: {  	[dreg:$0x4] =	wrdreg $0xC0  }
0xae: {  	_ =	task [dreg:s10], $0x5FFFF  }
0xaf: {  	[dreg:$0x1] =	wrdreg $0xFFFFFFFF  }
0xb0: {  	[dreg:$0x0] =	wrdreg $0x60  }
0xb1: {  	[dreg:$0x2] =	wrdreg s5  }
0xb2: {  	[dreg:$0x3] =	wrdreg s24  }
0xb3: {  	[dreg:$0x4] =	wrdreg s2  }
0xb4: {  	[dreg:$0x5] =	wrdreg s18  }
0xb5: {  	[dreg:$0x6] =	wrdreg s4  }
0xb6: {  	[dreg:$0x7] =	wrdreg $0x9  }
0xb7: {  	_ =	task.clear_ibuf [dreg:s10], $0x8FFFF;
	_ =	strace $0x90000046  }
0xb8: {  	s29 =	simm.s32 $0x9;
	_ =	strace $0x80000048  }
0xb9: {  	_ =	swait.ge [sflag:s29], $0x1  }
0xba: {  	[sflag:s29] =	ssyncadd.s32 $0xFFFFFFFF  }
0xbb: {  	_ =	strace $0x90000048  }
0xbc: {  	_ =	sfence  }
0xbd: {  	s30 =	sld [smem:$0x0];
	_ =	sdelay $0x2  }
0xbe: {  	s31 =	sshll.u32 s1, $0xD;
	s1 =	sshrl.u32 s1, $0x2  }
0xbf: {  	s3 =	sand.u32 $0x4000, s31;
	s1 =	sadd.s32 s1, s30  }
0xc0: {  	s0 =	sor.u32 s3, s0;
	s1 =	sshll.u32 s1, $0x11  }
0xc1: {  	s0 =	sor.u32 s1, s0  }
0xc2: {  	s0 =	sadd.s32 $0x8F2B, s0  }
0xc3: {  	[sflag:s0] =	ssyncadd.remote.s32 $0x1  }
0xc4: {  	_ =	sfence.sel $0xFFFF  }
0xc5: {  	[dreg:$0x0] =	wrdreg $0xFFFFFFFF;
	(pc) =	sbr.abs _section_cstart, $3  }
0xc6: {  	[dreg:$0x1] =	wrdreg $0xFFFFFFFF  }
0xc7: {  	_ =	task.clear_ibuf [dreg:s10], $0x2FFFF;
	_ =	strace $0x9FFFFFFF  }
0xc8: {  	(tm) =	ssettm $0x7FFFFFFF  }
0xc9: {  	_ =	shalt  }
tec
execute0_lowered:
.L_overlay_start_1:
0x0: {  	(tag) =	ssettag $0x1  }
0x1: {  	s2 =	srdreg.scid;
	s8 =	stileid.u32  }
0x2: {  	s0 =	rddreg [dreg:$0x0];
	s2 =	sand.u32 $0x1, s2;
	s3 =	sshll.u32 s8, $0x1  }
0x3: {  	s1 =	rddreg [dreg:$0x1];
	s4 =	simm.s32 $0x0;
	s3 =	sor.u32 s2, s3  }
0x4: {  	[smem:$0x7FF] =	sst s4;
	s5 =	sadd.s32 $0x7A00, s1;
	s3 =	smul.u32 $0x1900, s3  }
0x5: {  	s6 =	smul.u32 $0x640000, s8;
	s7 =	sadd.s32 $0x800, s1;
	s22 =	ssub.s32 $0x2, s2  }
0x6: {  	s8 =	smul.u32 $0x3200, s8;
	s23 =	sshrl.u32 s22, $0x1;
	[dreg:$0x14] =	wrdreg s3  }
0x7: {  	s24 =	ssub.s32 s22, s23;
	_ =	strace $0x80000047;
	[dreg:$0x16] =	wrdreg s5  }
0x8: {  	s9 =	smul.u32 $0x320000, s2;
	s26 =	smax.u32 s24, $0x1;
	[dreg:$0x17] =	wrdreg s7  }
0x9: {  	s2 =	smul.u32 $0x1900, s2;
	[dreg:$0x1b] =	wrdreg s26  }
0xa: {  	s28 =	sshrl.u32 s6, $0x2;
	s29 =	sadd.s32 s9, s6;
	[dreg:$0x15] =	wrdreg s9  }
0xb: {  	s30 =	sshrl.u32 s29, $0x2;
	[dreg:$0x6] =	wrdreg s28  }
0xc: {  	s2 =	sadd.s32 s2, s8;
	s3 =	sshrl.u32 s3, $0x3;
	[dreg:$0x1d] =	wrdreg s30  }
.Ltmp0:
0xd: {  	s31 =	sor.u32 $0x80, s2;
	[dreg:$0x1c] =	wrdreg s2;
	(pc) =	sbr.rel .LBB2_1-.Ltmp0, $4  }
0xe: {  	s21 =	sadd.s32 s3, s1;
	s1 =	sadd.s32 $0x7C7A00, s1;
	[dreg:$0x1e] =	wrdreg s31  }
0xf: {  	s0 =	sadd.s32 s0, s3;
	[dreg:$0x18] =	wrdreg s1  }
0x10: {  	[dreg:$0x19] =	wrdreg s0;
	s25 =	sadd.s32 $0x1600, s21  }
0x11: {  	s2 =	simm.s32 $0x0;
	[dreg:$0x1a] =	wrdreg s25  }
.LBB2_8:
0x12: {  	s0 =	simm.s32 $0x3  }
0x13: {  	_ =	swait.ge [sflag:s0], $0x4000  }
0x14: {  	[sflag:s0] =	ssyncset.done $0x0  }
0x15: {  	s1 =	simm.s32 $0x4;
	[sflag:s0] =	ssyncadd.s32 $0xFFFFC000  }
0x16: {  	_ =	swait.ge [sflag:s1], $0x4000  }
0x17: {  	s2 =	rddreg [dreg:$0x1f]  }
0x18: {  	s31 =	rddreg [dreg:$0x1b];
	s2 =	sadd.s32 $0x1, s2  }
0x19: {  	p0 =	sne.s32 s2, s31  }
.Ltmp1:
0x1a: {  	_ = 	snop;
	(pc) =	sbr.rel @!p0 .LBB2_9-.Ltmp1, $3  }
0x1b: {  	_ =	sdelay $0x1  }
0x1c: {  	[sflag:s1] =	ssyncset.done $0x0  }
0x1d: {  	[sflag:s1] =	ssyncadd.s32 $0xFFFFC000  }
.LBB2_1:
0x1e: {  	[dreg:$0x1f] =	wrdreg s2  }
0x1f: {  	s1 =	simm.s32 $0x0;
	s0 =	rddreg [dreg:$0x17];
	s12 =	simm.s32 $0x5  }
0x20: {  	[tilespmem:s1], [sflag:$0x5] =	stream.linear.gather [hbm4b:s0+s1], $0x6400, $0x38;
	[tilespmem:$0x19A00] =	vst v63  }
0x21: {  	_ =	swait.ge [sflag:s12], $0x6400  }
0x22: {  	[sflag:s12] =	ssyncset.done $0x0  }
0x23: {  	[sflag:s12] =	ssyncadd.s32 $0xFFFF9C00  }
0x24: {  	s3 =	simm.s32 $0x6400;
	s13 =	rddreg [dreg:$0x2]  }
0x25: {  	[tilespmem:s3], [sflag:$0x5] =	stream.linear.gather [hbm4b:s13+s1], $0x100, $0x38;
	[tilespmem:$0x19A00] =	vst v63  }
0x26: {  	_ =	swait.ge [sflag:s12], $0x100  }
0x27: {  	[sflag:s12] =	ssyncset.done $0x0  }
0x28: {  	[sflag:s12] =	ssyncadd.s32 $0xFFFFFF00  }
0x29: {  	s15 =	simm.s32 $0x6500;
	s14 =	rddreg [dreg:$0x3]  }
0x2a: {  	[tilespmem:s15], [sflag:$0x5] =	stream.linear.gather [hbm4b:s14+s1], $0x80, $0x38;
	[tilespmem:$0x19A00] =	vst v63  }
0x2b: {  	_ =	swait.ge [sflag:s12], $0x80  }
0x2c: {  	[sflag:s12] =	ssyncset.done $0x0  }
0x2d: {  	[sflag:s12] =	ssyncadd.s32 $0xFFFFFF80  }
0x2e: {  	s17 =	simm.s32 $0x6580;
	s16 =	rddreg [dreg:$0x4]  }
0x2f: {  	[tilespmem:s17], [sflag:$0x5] =	stream.linear.gather [hbm4b:s16+s1], $0x80, $0x38;
	[tilespmem:$0x19A00] =	vst v63  }
0x30: {  	_ =	swait.ge [sflag:s12], $0x80  }
0x31: {  	[sflag:s12] =	ssyncset.done $0x0  }
0x32: {  	s19 =	simm.s32 $0x6600;
	s18 =	rddreg [dreg:$0x19];
	[sflag:s12] =	ssyncadd.s32 $0xFFFFFF80  }
0x33: {  	[tilespmem:s19], [sflag:$0x5] =	stream.linear.gather [hbm4b:s18+s1], $0x1900, $0x38;
	[tilespmem:$0x19A00] =	vst v63  }
0x34: {  	_ =	swait.ge [sflag:s12], $0x1900  }
0x35: {  	[sflag:s12] =	ssyncset.done $0x0  }
0x36: {  	s21 =	simm.s32 $0x7F80;
	s20 =	rddreg [dreg:$0x1a];
	[sflag:s12] =	ssyncadd.s32 $0xFFFFE700  }
0x37: {  	[tilespmem:s21], [sflag:$0x5] =	stream.linear.gather [hbm4b:s20+s1], $0x1900, $0x38;
	[tilespmem:$0x19A00] =	vst v63  }
0x38: {  	_ =	swait.ge [sflag:s12], $0x1900  }
0x39: {  	[sflag:s12] =	ssyncset.done $0x0  }
0x3a: {  	[sflag:s12] =	ssyncadd.s32 $0xFFFFE700  }
0x3b: {  	v2 =	vld [tilespmem:$0x6600]  }
0x3c: {  	v3 =	vld [tilespmem:$0x6610]  }
0x3d: {  	v4 =	vld [tilespmem:$0x6620]  }
0x3e: {  	v6 =	vld [tilespmem:$0x6630]  }
0x3f: {  	v8 =	vld [tilespmem:$0x6640]  }
0x40: {  	v10 =	vld [tilespmem:$0x6650]  }
0x41: {  	v13 =	vld [tilespmem:$0x6500]  }
0x42: {  	v42 =	vld [tilespmem:$0x6510]  }
0x43: {  	v45 =	vld [tilespmem:$0x6520]  }
0x44: {  	v48 =	vld [tilespmem:$0x6530]  }
0x45: {  	v52 =	vld [tilespmem:$0x6580]  }
0x46: {  	v56 =	vld [tilespmem:$0x6590];
	[tilespmem:$0x1FF00] =	vst v13  }
0x47: {  	v60 =	vld [tilespmem:$0x65A0];
	[tilespmem:$0x1FF10] =	vst v42  }
0x48: {  	v7 =	vshrl.u32 v2, $0x1;
	[tilespmem:$0x1FF20] =	vst v45  }
0x49: {  	v39 =	vld [tilespmem:$0x6670];
	v2 =	vand.u32 $0x1FFF, v2;
	v9 =	vshrl.u32 v3, $0x1;
	v36 =	vshrl.u32 v4, $0x1;
	[tilespmem:$0x1FF30] =	vst v48  }
0x4a: {  	v3 =	vand.u32 $0x1FFF, v3;
	v4 =	vand.u32 $0x1FFF, v4;
	v38 =	vshrl.u32 v6, $0x1;
	[tilespmem:$0x1FF40] =	vst v52  }
0x4b: {  	v6 =	vand.u32 $0x1FFF, v6;
	v41 =	vshrl.u32 v8, $0x1;
	[tilespmem:$0x1FF50] =	vst v56;
	v7 =	vand.u32 $0x7FFFE000, v7  }
0x4c: {  	v12 =	vld [tilespmem:$0x6660];
	v44 =	vshrl.u32 v10, $0x1;
	[tilespmem:$0x1FF60] =	vst v60;
	v35 =	vand.u32 $0x7FFFE000, v9;
	v2 =	vor.u32 v2, v7  }
0x4d: {  	v34 =	vld [tilespmem:$0x6400];
	v46 =	vand.u32 $0x1FFF, v8;
	v9 =	vand.u32 $0x7FFFE000, v36;
	v3 =	vor.u32 v3, v35;
	[tilespmem:$0x9900] =	vst v2  }
0x4e: {  	v37 =	vld [tilespmem:$0x6410];
	v55 =	vshrl.u32 v39, $0x1;
	v43 =	vand.u32 $0x7FFFE000, v41;
	v4 =	vor.u32 v4, v9;
	[tilespmem:$0x9910] =	vst v3  }
0x4f: {  	v57 =	vld [tilespmem:$0x6420];
	v59 =	vand.u32 $0x1FFF, v39;
	v58 =	vand.u32 $0x7FFFE000, v55;
	v49 =	vor.u32 v46, v43;
	[tilespmem:$0x9920] =	vst v4  }
0x50: {  	v63 =	vld [tilespmem:$0x65B0];
	v47 =	vand.u32 $0x1FFF, v10;
	v40 =	vand.u32 $0x7FFFE000, v38;
	v61 =	vor.u32 v59, v58;
	[tilespmem:$0x9940] =	vst v49  }
0x51: {  	v62 =	vld [tilespmem:$0x6430];
	v51 =	vshrl.u32 v12, $0x1;
	v2 =	vor.u32 v6, v40;
	v6 =	vand.u32 $0x7FFFE000, v44;
	[tilespmem:$0x9970] =	vst v61  }
0x52: {  	v0 =	vld [tilespmem:$0x6480];
	v54 =	vand.u32 $0x1FFF, v12;
	v53 =	vand.u32 $0x7FFFE000, v51;
	[tilespmem:$0x9930] =	vst v2;
	v50 =	vor.u32 v47, v6  }
0x53: {  	s23 =	simm.s32 $0x80;
	s24 =	simm.s32 $0x9900;
	v1 =	vld [tilespmem:$0x6490];
	v2 =	vor.u32 v54, v53;
	[tilespmem:$0x9950] =	vst v50  }
0x54: {  	s25 =	simm.s32 $0x9A00;
	s26 =	simm.s32 $0x1;
	s22 =	rddreg [dreg:$0x16];
	v5 =	vld [tilespmem:$0x64A0];
	[tilespmem:$0x9960] =	vst v2  }
0x55: {  	[tilespmem:$0x1FF70] =	vst v63;
	v11 =	vld [tilespmem:$0x64B0];
	[tilespmem:s25], [sflag:$0x1] =	stream.indirect.gather [hbm4b:s22+s23], $0x80, s24, s23, $0xb8  }
0x56: {  	_ =	swait.ge [sflag:s26], $0x4000  }
0x57: {  	s28 =	simm.s32 $0x6687;
	[tilespmem:$0x1FF80] =	vst v34  }
0x58: {  	s29 =	simm.s32 $0x8007;
	[smem:$0x7FB] =	sst s28;
	[tilespmem:$0x1FF90] =	vst v37  }
0x59: {  	v58 =	vsub.f32 v0, v34;
	[smem:$0x7FC] =	sst s29;
	[tilespmem:$0x1FFA0] =	vst v57  }
0x5a: {  	v59 =	vsub.f32 v1, v37;
	s30 =	rddreg [dreg:$0x1e];
	[tilespmem:$0x1FFB0] =	vst v62  }
0x5b: {  	v60 =	vsub.f32 v5, v57;
	s31 =	rddreg [dreg:$0x1d];
	[tilespmem:$0x1FFC0] =	vst v58  }
0x5c: {  	s8 =	simm.s32 $0x6604;
	s9 =	simm.s32 $0x7F84;
	v61 =	vsub.f32 v11, v62;
	s11 =	rddreg [dreg:$0x1c];
	[tilespmem:$0x1FFD0] =	vst v59  }
0x5d: {  	s4 =	simm.s32 $0x0;
	[sflag:s26] =	ssyncset.done $0x0;
	[tilespmem:$0x1FFE0] =	vst v60;
	[smem:$0x7FD] =	sst s30  }
0x5e: {  	s5 =	simm.s32 $0x0;
	[tilespmem:$0x1FFF0] =	vst v61;
	[sflag:s26] =	ssyncadd.s32 $0xFFFFC000;
	[dreg:$0x7] =	wrdreg s31  }
.LBB2_2:
0x5f: {  	s26 =	sshll.u32 s5, $0x8  }
0x60: {  	v0 =	vld [tilespmem:s26+$0x6680];
	_ =	sdelay $0x4  }
0x61: {  	v1 =	vshrl.u32 v0, $0x1  }
0x62: {  	v0 =	vand.u32 $0x1FFF, v0;
	v1 =	vand.u32 $0x7FFFE000, v1  }
0x63: {  	v0 =	vor.u32 v0, v1  }
0x64: {  	[tilespmem:$0x9980] =	vst v0  }
0x65: {  	v0 =	vld [tilespmem:s26+$0x6690];
	_ =	sdelay $0x4  }
0x66: {  	v1 =	vshrl.u32 v0, $0x1  }
0x67: {  	v0 =	vand.u32 $0x1FFF, v0;
	v1 =	vand.u32 $0x7FFFE000, v1  }
0x68: {  	v0 =	vor.u32 v0, v1  }
0x69: {  	[tilespmem:$0x9990] =	vst v0  }
0x6a: {  	v0 =	vld [tilespmem:s26+$0x66A0];
	_ =	sdelay $0x4  }
0x6b: {  	v1 =	vshrl.u32 v0, $0x1  }
0x6c: {  	v0 =	vand.u32 $0x1FFF, v0;
	v1 =	vand.u32 $0x7FFFE000, v1  }
0x6d: {  	v0 =	vor.u32 v0, v1  }
0x6e: {  	[tilespmem:$0x99A0] =	vst v0  }
0x6f: {  	v0 =	vld [tilespmem:s26+$0x66B0];
	_ =	sdelay $0x4  }
0x70: {  	v1 =	vshrl.u32 v0, $0x1  }
0x71: {  	v0 =	vand.u32 $0x1FFF, v0;
	v1 =	vand.u32 $0x7FFFE000, v1  }
0x72: {  	v0 =	vor.u32 v0, v1  }
0x73: {  	[tilespmem:$0x99B0] =	vst v0  }
0x74: {  	v0 =	vld [tilespmem:s26+$0x66C0];
	_ =	sdelay $0x4  }
0x75: {  	v1 =	vshrl.u32 v0, $0x1  }
0x76: {  	v0 =	vand.u32 $0x1FFF, v0;
	v1 =	vand.u32 $0x7FFFE000, v1  }
0x77: {  	v0 =	vor.u32 v0, v1  }
0x78: {  	[tilespmem:$0x99C0] =	vst v0  }
0x79: {  	v0 =	vld [tilespmem:s26+$0x66D0];
	_ =	sdelay $0x4  }
0x7a: {  	v1 =	vshrl.u32 v0, $0x1  }
0x7b: {  	v0 =	vand.u32 $0x1FFF, v0;
	v1 =	vand.u32 $0x7FFFE000, v1  }
0x7c: {  	v0 =	vor.u32 v0, v1  }
0x7d: {  	[tilespmem:$0x99D0] =	vst v0  }
0x7e: {  	v0 =	vld [tilespmem:s26+$0x66E0];
	_ =	sdelay $0x4  }
0x7f: {  	v1 =	vshrl.u32 v0, $0x1  }
0x80: {  	v0 =	vand.u32 $0x1FFF, v0;
	v1 =	vand.u32 $0x7FFFE000, v1  }
0x81: {  	v0 =	vor.u32 v0, v1  }
0x82: {  	[tilespmem:$0x99E0] =	vst v0  }
0x83: {  	v0 =	vld [tilespmem:s26+$0x66F0];
	_ =	sdelay $0x4  }
0x84: {  	v1 =	vshrl.u32 v0, $0x1  }
0x85: {  	v0 =	vand.u32 $0x1FFF, v0;
	v1 =	vand.u32 $0x7FFFE000, v1  }
0x86: {  	s0 =	rddreg [dreg:$0x16];
	s1 =	simm.s32 $0x80;
	v0 =	vor.u32 v0, v1  }
0x87: {  	s2 =	simm.s32 $0x9980;
	s3 =	simm.s32 $0xDA00;
	p0 =	seq.s32 s5, $0x0;
	[tilespmem:$0x99F0] =	vst v0  }
0x88: {  	[tilespmem:s3], [sflag:$0x2] =	stream.indirect.gather [hbm4b:s0+s1], $0x80, s2, s1, $0xb8;
	[tilespmem:$0x19A00] =	vst v63  }
0x89: {  	[smem:$0x7F3] =	sst s5;
	s0 =	simm.s32 @!p0 $0x3  }
0x8a: {  	_ =	swait.ge @!p0 [sflag:s0], $0x4000  }
0x8b: {  	[sflag:s0] =	ssyncset.done @!p0 $0x0  }
0x8c: {  	[sflag:s0] =	ssyncadd.s32 @!p0 $0xFFFFC000  }
0x8d: {  	v0 =	vld [tilespmem:s8+$0x3];
	_ =	sdelay $0x2  }
0x8e: {  	v1 =	vld [tilespmem:s8+$0xFFFFFFFC]  }
0x8f: {  	v2 =	vld [tilespmem:s8+$0xFFFFFFFD]  }
0x90: {  	v3 =	vld [tilespmem:s8+$0xFFFFFFFE];
	(v2sf) =	vpush v0, $0x0  }
0x91: {  	v0 =	vld [tilespmem:s9+$0x3];
	_ =	sdelay $0x1  }
0x92: {  	(v2sf) =	vpush v1, $0x0  }
0x93: {  	v4 =	vld [tilespmem:s9+$0xFFFFFFFC];
	(v2sf) =	vpush v2, $0x0  }
0x94: {  	s7 =	smulhi.u32 $0x51EB851F, s11;
	v5 =	vld [tilespmem:s9+$0xFFFFFFFD];
	(v2sf) =	vpush v3, $0x0  }
0x95: {  	v6 =	vld [tilespmem:s9+$0xFFFFFFFE];
	(v2sf) =	vpush v0, $0x0  }
0x96: {  	s0 =	sshrl.u32 s7, $0x6;
	v7 =	vld [tilespmem:s9+$0xFFFFFFFF]  }
0x97: {  	s0 =	smul.u32 $0xFFFE7000, s0;
	v8 =	vld [tilespmem:s9+$0x0]  }
0x98: {  	s10 =	rddreg [dreg:$0x6];
	v1 =	vld [tilespmem:s8+$0xFFFFFFFF]  }
0x99: {  	s12 =	rddreg [dreg:$0x15];
	s0 =	sshra.s32 s0, $0x2;
	v2 =	vld [tilespmem:s8+$0x0]  }
0x9a: {  	s17 =	sshrl.u32 s12, $0x2;
	s0 =	sadd.s32 s0, s10;
	v3 =	vld [tilespmem:s8+$0x1]  }
0x9b: {  	s18 =	sshra.s32 s4, $0x2;
	s0 =	sadd.s32 s17, s0;
	v0 =	vld [tilespmem:s8+$0x2];
	[smem:$0x7F4] =	sst s4  }
0x9c: {  	s0 =	sadd.s32 s18, s0;
	v9 =	vld [tilespmem:s9+$0x1]  }
0x9d: {  	s0 =	sadd.s32 $0x0, s0;
	v10 =	vld [tilespmem:s9+$0x2]  }
0x9e: {  	(v2sf) =	vpush v1, $0x0;
	v1 =	vld [tilespmem:s0+$0x380];
	s13 =	spop (v2sf)  }
0x9f: {  	v12 =	vld [tilespmem:s0+$0x0];
	(v2sf) =	vpush v2, $0x0;
	s1 =	sshrl.u32 s13, $0x7  }
0xa0: {  	v13 =	vld [tilespmem:s0+$0x10];
	(v2sf) =	vpush v3, $0x0;
	s1 =	sand.u32 $0x40, s1  }
0xa1: {  	v2 =	vld [tilespmem:s0+$0x390];
	(v2sf) =	vpush v0, $0x0;
	s14 =	spop (v2sf);
	s1 =	sadd.s32 $0x0, s1  }
0xa2: {  	(v2sf) =	vpush v4, $0x0;
	s15 =	spop (v2sf);
	v4 =	vld [tilespmem:s1+$0x9D80]  }
0xa3: {  	s16 =	spop (v2sf);
	v11 =	vld [tilespmem:s1+$0x9D90]  }
0xa4: {  	(v2sf) =	vpush v5, $0x0;
	s20 =	sshrl.u32 s14, $0x7;
	v5 =	vld [tilespmem:s1+$0x9DA0];
	s19 =	spop (v2sf)  }
0xa5: {  	(v2sf) =	vpush v6, $0x0;
	v6 =	vld [tilespmem:s1+$0x9DB0];
	s1 =	sand.u32 $0x40, s20;
	s5 =	scvt.s32.f32 s19  }
0xa6: {  	v15 =	vld [tilespmem:s0+$0x20];
	s1 =	sadd.s32 $0x0, s1  }
0xa7: {  	(v2sf) =	vpush v7, $0x0;
	v7 =	vmul.f32 s5, v58;
	v4 =	vadd.f32 v1, v4;
	v1 =	vld [tilespmem:s1+$0x9A30]  }
0xa8: {  	v3 =	vld [tilespmem:s0+$0x3A0];
	(v2sf) =	vpush v8, $0x0;
	v8 =	vmul.f32 s5, v59  }
0xa9: {  	v0 =	vld [tilespmem:s0+$0x3B0];
	v7 =	vadd.f32 v7, v34  }
0xaa: {  	v19 =	vld [tilespmem:s1+$0x9A00];
	v2 =	vadd.f32 v2, v11;
	v8 =	vadd.f32 v8, v37  }
0xab: {  	v20 =	vld [tilespmem:s1+$0x9A10];
	v4 =	vadd.f32 v7, v4  }
0xac: {  	s21 =	sshrl.u32 s15, $0x7;
	v11 =	vld [tilespmem:s1+$0x9A20];
	[tilespmem:$0x1FBC0] =	vst v1;
	v1 =	vadd.f32 v8, v2  }
0xad: {  	s2 =	sand.u32 $0x40, s21;
	[tilespmem:$0x1FC40] =	vst v4  }
0xae: {  	s2 =	sadd.s32 $0x0, s2;
	[tilespmem:$0x1FC50] =	vst v1  }
0xaf: {  	v14 =	vmul.f32 s5, v61;
	v2 =	vld [tilespmem:s2+$0x9A80]  }
0xb0: {  	(v2sf) =	vpush v9, $0x0;
	v9 =	vmul.f32 s5, v60  }
0xb1: {  	v0 =	vadd.f32 v0, v6;
	v14 =	vadd.f32 v14, v62  }
0xb2: {  	v3 =	vadd.f32 v3, v5;
	v9 =	vadd.f32 v9, v57  }
0xb3: {  	v0 =	vadd.f32 v0, v14  }
0xb4: {  	[tilespmem:$0x1FBD0] =	vst v2;
	v2 =	vadd.f32 v3, v9  }
0xb5: {  	[tilespmem:$0x1FC30] =	vst v0  }
0xb6: {  	[tilespmem:$0x1FC60] =	vst v2  }
0xb7: {  	v3 =	vld [tilespmem:s2+$0x9A90];
	_ =	sdelay $0x4  }
0xb8: {  	[tilespmem:$0x1FBE0] =	vst v3  }
0xb9: {  	v3 =	vld [tilespmem:s2+$0x9AB0];
	_ =	sdelay $0x1  }
0xba: {  	s22 =	spop (v2sf)  }
0xbb: {  	s3 =	sshrl.u32 s22, $0x7  }
0xbc: {  	s23 =	sshrl.u32 s16, $0x7;
	s3 =	sand.u32 $0x40, s3  }
0xbd: {  	(v2sf) =	vpush v10, $0x0;
	s25 =	sand.u32 $0x40, s23;
	s3 =	sadd.s32 $0x0, s3;
	v7 =	vmul.f32 v4, v4;
	v10 =	vmul.f32 v0, v0;
	v18 =	vld [tilespmem:s2+$0x9AA0];
	[tilespmem:$0x1FBF0] =	vst v3  }
0xbe: {  	s5 =	sadd.s32 $0x0, s25;
	v8 =	vmul.f32 v1, v1;
	v9 =	vmul.f32 v2, v2;
	v21 =	vadd.f32 v0, v2;
	v0 =	vld [tilespmem:s3+$0x9B90]  }
0xbf: {  	v33 =	vadd.f32 v1, v4;
	v16 =	vld [tilespmem:s5+$0x9B00]  }
0xc0: {  	v22 =	vadd.f32 v8, v7;
	v9 =	vadd.f32 v10, v9;
	v7 =	vld [tilespmem:s5+$0x9B10]  }
0xc1: {  	v10 =	vadd.f32 v21, v33;
	v8 =	vld [tilespmem:s5+$0x9B20]  }
0xc2: {  	v22 =	vadd.f32 v9, v22;
	v9 =	vld [tilespmem:s5+$0x9B30]  }
0xc3: {  	(xrf2) =	vadd.scan.msk.f32 $0xffff, v10;
	v10 =	vld [tilespmem:s3+$0x9B80];
	[tilespmem:$0x1FC00] =	vst v0  }
0xc4: {  	v0 =	vld [tilespmem:s3+$0x9BA0];
	_ =	sdelay $0x2  }
0xc5: {  	s24 =	spop (v2sf)  }
0xc6: {  	s6 =	spop (v2sf)  }
0xc7: {  	s31 =	spop (v2sf);
	[tilespmem:$0x1FC10] =	vst v0  }
0xc8: {  	s7 =	spop (v2sf);
	v0 =	vld [tilespmem:s3+$0x9BB0]  }
0xc9: {  	s2 =	scvt.s32.f32 s7;
	_ =	sdelay $0x1  }
0xca: {  	s12 =	sshrl.u32 s24, $0x7;
	v35 =	vmul.f32 s2, v58;
	v21 =	vmul.f32 s2, v59  }
0xcb: {  	v12 =	vadd.f32 v12, v19;
	v19 =	vmul.f32 s2, v60;
	v23 =	vmul.f32 s2, v61;
	s2 =	sand.u32 $0x40, s12  }
0xcc: {  	s7 =	spop (v2sf);
	s2 =	sadd.s32 $0x0, s2;
	[tilespmem:$0x1FC20] =	vst v0;
	v0 =	vld [tilespmem:$0x1FBC0]  }
0xcd: {  	(xrf2) =	vadd.scan.msk.f32 $0xffff, v22;
	s10 =	spop (v2sf);
	v38 =	vld [tilespmem:s2+$0x9C00]  }
0xce: {  	s16 =	sshrl.u32 s6, $0x7;
	s7 =	scvt.s32.f32 s7;
	s13 =	scvt.s32.f32 s10;
	v39 =	vld [tilespmem:s2+$0x9C10]  }
0xcf: {  	s4 =	sand.u32 $0x40, s16;
	v13 =	vadd.f32 v13, v20;
	v11 =	vadd.f32 v15, v11;
	v40 =	vld [tilespmem:s2+$0x9C20]  }
0xd0: {  	s4 =	sadd.s32 $0x0, s4;
	v25 =	vmul.f32 s7, v60;
	v26 =	vmul.f32 s13, v58;
	v14 =	vadd.f32 v35, v34;
	v17 =	vld [tilespmem:s2+$0x9C30]  }
0xd1: {  	s14 =	spop (v2sf);
	v27 =	vmul.f32 s13, v59;
	v21 =	vadd.f32 v21, v37;
	v19 =	vadd.f32 v19, v57;
	v43 =	vld [tilespmem:s4+$0x9C80]  }
0xd2: {  	s1 =	sshrl.u32 s31, $0x7;
	s15 =	spop (v2sf);
	v29 =	vmul.f32 s13, v61;
	v4 =	vadd.f32 v23, v62;
	v42 =	vadd.f32 v25, v57;
	s5 =	scvt.s32.f32 s14;
	v46 =	vld [tilespmem:s4+$0x9C90]  }
0xd3: {  	s1 =	sand.u32 $0x40, s1;
	v44 =	vadd.f32 v26, v34;
	v45 =	vadd.f32 v27, v37;
	s3 =	scvt.s32.f32 s15;
	v49 =	vld [tilespmem:s4+$0x9CA0]  }
0xd4: {  	s1 =	sadd.s32 $0x0, s1;
	s19 =	spop (v2sf);
	v48 =	vadd.f32 v29, v62;
	v30 =	vmul.f32 s5, v58;
	v32 =	vmul.f32 s5, v59;
	v51 =	vld [tilespmem:s4+$0x9CB0]  }
0xd5: {  	s20 =	spop (v2sf);
	v41 =	vadd.f32 v11, v19;
	v27, _, _ =	vpop (xrf2);
	v35 =	vmul.f32 s3, v58;
	v36 =	vmul.f32 s3, v59;
	v53 =	vld [tilespmem:s1+$0x9D00]  }
0xd6: {  	(v2sf) =	vpush v27, $0xF;
	v25 =	vmul.f32 s3, v60;
	v26 =	vmul.f32 s3, v61;
	s3 =	scvt.s32.f32 s20;
	v56 =	vld [tilespmem:s1+$0x9D10]  }
0xd7: {  	v33 =	vmul.f32 s5, v60;
	v27, _, _ =	vpop (xrf2);
	v50 =	vadd.f32 v30, v34;
	v1 =	vadd.f32 v35, v34;
	v35 =	vld [tilespmem:s1+$0x9D20]  }
0xd8: {  	(v2sf) =	vpush v27, $0xF;
	v30 =	vmul.f32 s3, v58;
	v5 =	vadd.f32 v26, v62;
	s2 =	scvt.s32.f32 s19;
	v26 =	vld [tilespmem:s0+$0x30]  }
0xd9: {  	v54 =	vadd.f32 v33, v57;
	v3 =	vadd.f32 v25, v57;
	v25 =	vmul.f32 s3, v59;
	v33 =	vld [tilespmem:s1+$0x9D30]  }
0xda: {  	v52 =	vadd.f32 v32, v37;
	v31 =	vadd.f32 v30, v34;
	v30 =	vld [tilespmem:s0+$0x90];
	v29 =	vmul.f32 s2, v59  }
0xdb: {  	v32 =	vadd.f32 v25, v37;
	v25 =	vadd.f32 v14, v12;
	v12 =	vld [tilespmem:s0+$0xA0];
	v27 =	vmul.f32 s2, v60  }
0xdc: {  	v2 =	vadd.f32 v36, v37;
	v36 =	vld [tilespmem:s0+$0xB0];
	v6 =	vadd.f32 v29, v37;
	v29 =	vmul.f32 s3, v61  }
0xdd: {  	v19 =	vld [tilespmem:s0+$0x100];
	v22 =	vadd.f32 v27, v57;
	v11 =	vadd.f32 v26, v0  }
0xde: {  	v27 =	vld [tilespmem:s0+$0x80];
	v14 =	vadd.f32 v29, v62;
	v29 =	vadd.f32 v21, v13  }
0xdf: {  	v26 =	vadd.f32 v11, v4;
	v4 =	vld [tilespmem:$0x1FBE0]  }
0xe0: {  	[tilespmem:$0x1FC70] =	vst v25;
	v0 =	vmov v25;
	v21 =	vadd.f32 v29, v25;
	v25 =	vld [tilespmem:$0x1FBD0];
	_ =	sdelay $0x3  }
0xe1: {  	v20 =	vmul.f32 s7, v58;
	v11 =	vadd.f32 v30, v4;
	v4 =	vld [tilespmem:$0x1FBF0]  }
0xe2: {  	v24 =	vmul.f32 s7, v59;
	v25 =	vadd.f32 v27, v25;
	v27 =	vld [tilespmem:s0+$0x110]  }
0xe3: {  	v28 =	vmul.f32 s13, v60;
	v20 =	vadd.f32 v20, v34;
	v30 =	vld [tilespmem:s0+$0x120]  }
0xe4: {  	v24 =	vadd.f32 v24, v37;
	v12 =	vadd.f32 v12, v18;
	v18 =	vld [tilespmem:s0+$0x130]  }
0xe5: {  	v47 =	vadd.f32 v28, v57;
	v25 =	vadd.f32 v20, v25  }
0xe6: {  	v20 =	vadd.f32 v24, v11;
	v11 =	vadd.f32 v36, v4;
	v36 =	vld [tilespmem:s0+$0x180]  }
0xe7: {  	v4 =	vadd.f32 v12, v42;
	v7 =	vadd.f32 v27, v7  }
0xe8: {  	v15 =	vmul.f32 s7, v61;
	v42 =	vadd.f32 v19, v16;
	v8 =	vadd.f32 v30, v8  }
0xe9: {  	v19 =	vadd.f32 v45, v7;
	v7 =	vadd.f32 v18, v9  }
0xea: {  	v15 =	vadd.f32 v15, v62;
	v16 =	vld [tilespmem:s0+$0x190];
	v30 =	vadd.f32 v8, v47  }
0xeb: {  	v8 =	vadd.f32 v36, v10;
	v36 =	vadd.f32 v7, v48;
	v7 =	vld [tilespmem:$0x1FC00]  }
0xec: {  	v12 =	vld [tilespmem:s0+$0x280]  }
0xed: {  	v24 =	vadd.f32 v11, v15;
	v11 =	vld [tilespmem:s0+$0x1A0]  }
0xee: {  	v42 =	vadd.f32 v44, v42;
	v44 =	vld [tilespmem:s0+$0x1B0]  }
0xef: {  	v23 =	vmul.f32 s5, v61;
	v18 =	vadd.f32 v50, v8;
	v8 =	vld [tilespmem:$0x1FC10]  }
0xf0: {  	v28 =	vmul.f32 s2, v58;
	v45 =	vld [tilespmem:s0+$0x2B0];
	v7 =	vadd.f32 v16, v7  }
0xf1: {  	v55 =	vadd.f32 v23, v62;
	v23 =	vmul.f32 s2, v61;
	v9 =	vld [tilespmem:s0+$0x200]  }
0xf2: {  	v63 =	vadd.f32 v28, v34;
	v28 =	vmul.f32 s3, v60;
	v27 =	vadd.f32 v52, v7;
	v7 =	vld [tilespmem:$0x1FC20]  }
0xf3: {  	v23 =	vadd.f32 v23, v62;
	v13 =	vld [tilespmem:s0+$0x220]  }
0xf4: {  	v28 =	vadd.f32 v28, v57;
	v10 =	vld [tilespmem:s0+$0x210];
	v8 =	vadd.f32 v11, v8  }
0xf5: {  	v12 =	vadd.f32 v12, v43;
	v16 =	vmul.f32 v0, v0;
	v0 =	vadd.f32 v45, v51  }
0xf6: {  	v11 =	vld [tilespmem:s0+$0x230];
	v52 =	vadd.f32 v8, v54;
	v8 =	vadd.f32 v9, v38  }
0xf7: {  	v45 =	vadd.f32 v27, v18;
	v7 =	vadd.f32 v44, v7  }
0xf8: {  	v9 =	vld [tilespmem:s0+$0x290];
	v38 =	vmul.f32 v29, v29;
	v50 =	vadd.f32 v1, v8;
	v8 =	vadd.f32 v13, v40  }
0xf9: {  	v40 =	vmul.f32 v26, v26;
	v47 =	vadd.f32 v7, v55;
	v7 =	vadd.f32 v10, v39  }
0xfa: {  	v15 =	vld [tilespmem:s0+$0x310];
	v16 =	vadd.f32 v38, v16;
	v44 =	vadd.f32 v36, v30;
	v39 =	vmul.f32 v41, v41  }
0xfb: {  	v48 =	vadd.f32 v2, v7;
	v7 =	vadd.f32 v11, v17  }
0xfc: {  	v8 =	vadd.f32 v8, v3;
	v10 =	vld [tilespmem:s0+$0x2A0];
	v39 =	vadd.f32 v40, v39  }
0xfd: {  	v2 =	vadd.f32 v7, v5;
	v7 =	vadd.f32 v9, v46  }
0xfe: {  	v9 =	vadd.f32 v63, v12;
	v63 =	vadd.f32 v0, v23  }
0xff: {  	v3 =	vmov v29;
	v11 =	vld [tilespmem:s0+$0x300];
	v0 =	vadd.f32 v15, v56;
	v12 =	vadd.f32 v26, v41  }
0x100: {  	v29 =	vmovc v42;
	v5 =	vmul.f32 v42, v42;
	v42 =	vadd.f32 v19, v42;
	v16 =	vadd.f32 v39, v16  }
0x101: {  	v43 =	vmul.f32 v30, v30;
	v55 =	vmovc v52;
	v17 =	vld [tilespmem:s0+$0x320];
	v10 =	vadd.f32 v10, v49;
	v7 =	vadd.f32 v6, v7  }
0x102: {  	v55 =	vmul.f32 v55, v55;
	v49 =	vld [tilespmem:s0+$0x330];
	v23 =	vadd.f32 v32, v0;
	v32 =	vmovc v47;
	v47 =	vadd.f32 v47, v52  }
0x103: {  	v15 =	vmul.f32 v20, v20;
	v6 =	vadd.f32 v12, v21;
	v10 =	vadd.f32 v10, v22  }
0x104: {  	[tilespmem:$0x1FD50] =	vst v48;
	v1 =	vadd.f32 v11, v53;
	v22 =	vmov v48;
	v48 =	vadd.f32 v48, v50  }
0x105: {  	v46 =	vmul.f32 v36, v36;
	v51 =	vadd.f32 v7, v9;
	(xrf2) =	vadd.scan.msk.f32 $0xffff, v6;
	v6 =	vadd.f32 v44, v42  }
0x106: {  	[tilespmem:$0x1FD00] =	vst v52;
	v11 =	vmul.f32 v25, v25;
	v13 =	vadd.f32 v31, v1;
	v1 =	vadd.f32 v17, v35  }
0x107: {  	v52 =	vmul.f32 v27, v27;
	v31 =	vmovc v41;
	v41 =	vadd.f32 v20, v25;
	v0 =	vadd.f32 v49, v33  }
0x108: {  	v56 =	vmul.f32 v32, v32;
	v35 =	vmovc v4;
	v53 =	vadd.f32 v63, v10;
	v11 =	vadd.f32 v15, v11  }
0x109: {  	v17 =	vmul.f32 v4, v4;
	v33 =	vadd.f32 v0, v14;
	v14 =	vadd.f32 v24, v35  }
0x10a: {  	[tilespmem:$0x1FD30] =	vst v50;
	v4 =	vmul.f32 v24, v24;
	v15 =	vadd.f32 v47, v45;
	v1 =	vadd.f32 v1, v28  }
0x10b: {  	v49 =	vmul.f32 v18, v18;
	v28 =	vmovc v50;
	v50 =	vadd.f32 v2, v8;
	v14 =	vadd.f32 v14, v41  }
0x10c: {  	v40 =	vmul.f32 v22, v22;
	v54 =	vadd.f32 v23, v13;
	v4 =	vadd.f32 v4, v17  }
0x10d: {  	v0 =	vmul.f32 v19, v19;
	v45 =	vadd.f32 v52, v49;
	v17 =	vadd.f32 v50, v48;
	(xrf2) =	vadd.scan.msk.f32 $0xffff, v14  }
0x10e: {  	v38 =	vmul.f32 v28, v28;
	v4 =	vadd.f32 v4, v11;
	v12 =	vadd.f32 v33, v1;
	(xrf2) =	vadd.scan.msk.f32 $0xffff, v6  }
0x10f: {  	v11 =	vmul.f32 v63, v63;
	v0 =	vadd.f32 v0, v5;
	v5 =	vadd.f32 v53, v51;
	(xrf2) =	vadd.scan.msk.f32 $0xffff, v15  }
0x110: {  	v53 =	vadd.f32 v46, v43;
	v14 =	vmul.f32 v8, v8;
	v12 =	vadd.f32 v12, v54;
	(xrf2) =	vadd.scan.msk.f32 $0xffff, v17  }
0x111: {  	v46 =	vadd.f32 v56, v55;
	v6 =	vmul.f32 v2, v2;
	v15 =	vmul.f32 v9, v9;
	(xrf2) =	vadd.scan.msk.f32 $0xffff, v5  }
0x112: {  	v0 =	vadd.f32 v53, v0;
	v17 =	vmul.f32 v7, v7;
	v5 =	vmul.f32 v10, v10;
	(xrf2) =	vadd.scan.msk.f32 $0xffff, v12  }
0x113: {  	v47 =	vadd.f32 v40, v38;
	v6 =	vadd.f32 v6, v14;
	(xrf2) =	vadd.scan.msk.f32 $0xffff, v16  }
0x114: {  	v48 =	vadd.f32 v17, v15;
	(xrf2) =	vadd.scan.msk.f32 $0xffff, v4;
	v4 =	vadd.f32 v11, v5  }
0x115: {  	v5 =	vadd.f32 v46, v45;
	(xrf2) =	vadd.scan.msk.f32 $0xffff, v0  }
0x116: {  	v6 =	vadd.f32 v6, v47;
	v0, _, _ =	vpop (xrf2);
	v4 =	vadd.f32 v4, v48  }
0x117: {  	(v2sf) =	vpush v0, $0xF;
	v0, _, _ =	vpop (xrf2);
	(xrf2) =	vadd.scan.msk.f32 $0xffff, v5  }
0x118: {  	(v2sf) =	vpush v0, $0xF;
	v0, _, _ =	vpop (xrf2);
	(xrf2) =	vadd.scan.msk.f32 $0xffff, v6  }
0x119: {  	(v2sf) =	vpush v0, $0xF;
	v0, _, _ =	vpop (xrf2);
	(xrf2) =	vadd.scan.msk.f32 $0xffff, v4  }
0x11a: {  	v4, _, _ =	vpop (xrf2);
	(v2sf) =	vpush v0, $0xF  }
0x11b: {  	v0, _, _ =	vpop (xrf2);
	(v2sf) =	vpush v4, $0xF  }
0x11c: {  	(v2sf) =	vpush v0, $0xF;
	v0, _, _ =	vpop (xrf2)  }
0x11d: {  	(v2sf) =	vpush v0, $0xF;
	v0, _, _ =	vpop (xrf2)  }
0x11e: {  	(v2sf) =	vpush v0, $0xF;
	v0, _, _ =	vpop (xrf2)  }
0x11f: {  	s30 =	sadd.s32 $0x8, s8;
	[smem:$0x7F5] =	sst s8;
	(v2sf) =	vpush v0, $0xF;
	v0, _, _ =	vpop (xrf2)  }
0x120: {  	(v2sf) =	vpush v0, $0xF;
	v0 =	vld [tilespmem:s30+$0x3]  }
0x121: {  	v4, _, _ =	vpop (xrf2)  }
0x122: {  	(v2sf) =	vpush v4, $0xF;
	v4, _, _ =	vpop (xrf2)  }
0x123: {  	s21 =	spop (v2sf);
	v5 =	vld [tilespmem:s30+$0xFFFFFFFC];
	(v2sf) =	vpush v4, $0xF;
	v4, _, _ =	vpop (xrf2)  }
0x124: {  	s22 =	smul.f32 $1.562500000e-02, s21;
	(v2sf) =	vpush v4, $0xF;
	v4 =	vld [tilespmem:s30+$0xFFFFFFFD]  }
0x125: {  	s23 =	spop (v2sf);
	s21 =	sadd.s32 $0x8, s9;
	(v2sf) =	vpush v0, $0x0;
	v0 =	vld [tilespmem:s30+$0xFFFFFFFE];
	[smem:$0x7F6] =	sst s9  }
0x126: {  	v6 =	vld [tilespmem:s21+$0x3]  }
0x127: {  	s25 =	spop (v2sf)  }
0x128: {  	s31 =	spop (v2sf);
	(v2sf) =	vpush v5, $0x0  }
0x129: {  	s13 =	spop (v2sf);
	(v2sf) =	vpush v4, $0x0  }
0x12a: {  	v11 =	vmul.f32 v33, v33;
	s14 =	spop (v2sf);
	v4 =	vmul.f32 v23, v23;
	(v2sf) =	vpush v0, $0x0  }
0x12b: {  	s10 =	spop (v2sf);
	v0 =	vmul.f32 v13, v13;
	(v2sf) =	vpush v6, $0x0;
	v6 =	vmul.f32 v1, v1;
	_ =	sdelay $0x1  }
0x12c: {  	v0 =	vadd.f32 v4, v0;
	v4 =	vadd.f32 v11, v6  }
0x12d: {  	s24 =	smul.f32 s22, s22  }
0x12e: {  	s0 =	smul.f32 $1.562500000e-02, s23;
	v4 =	vadd.f32 v4, v0;
	v0 =	vld [tilespmem:$0x1FC40];
	_ =	sdelay $0x1  }
0x12f: {  	s0 =	ssub.f32 s0, s24;
	_ =	sdelay $0x1  }
0x130: {  	s0 =	sadd.f32 $9.999999960e-13, s0;
	v50 =	vmov s22  }
0x131: {  	v41 =	vsub.f32 v0, v50;
	v0 =	vld [tilespmem:$0x1FC50]  }
0x132: {  	s19 =	sshrl.u32 s0, $0x1;
	s0 =	smul.f32 $5.000000000e-01, s0  }
0x133: {  	s12 =	ssub.s32 $0x5F3759DF, s19  }
0x134: {  	s1 =	smul.f32 s12, s0;
	_ =	sdelay $0x1  }
0x135: {  	s1 =	smul.f32 s12, s1;
	[smem:$0x7F7] =	sst s11;
	v39 =	vsub.f32 v0, v50;
	v0 =	vld [tilespmem:$0x1FC60]  }
0x136: {  	v5 =	vld [tilespmem:s30+$0xFFFFFFFF]  }
0x137: {  	s28 =	sadd.s32 $0x8, s11;
	s15 =	ssub.f32 $1.500000000e+00, s1;
	v49 =	vld [tilespmem:s30+$0x0]  }
0x138: {  	s20 =	smulhi.u32 $0x51EB851F, s28;
	v11 =	vld [tilespmem:$0x1FC30]  }
0x139: {  	s15 =	smul.f32 s12, s15;
	v15 =	vld [tilespmem:s30+$0x1]  }
0x13a: {  	s11 =	smul.f32 $1.562500000e-02, s25;
	v38 =	vsub.f32 v0, v50;
	v0 =	vld [tilespmem:$0x1FC70]  }
0x13b: {  	v17 =	vld [tilespmem:s21+$0xFFFFFFFC];
	s12 =	smul.f32 $1.562500000e-02, s31  }
0x13c: {  	v51 =	vld [tilespmem:s21+$0xFFFFFFFD]  }
0x13d: {  	s16 =	rddreg [dreg:$0x6];
	s5 =	sshrl.u32 s20, $0x6;
	v16 =	vmovc v23;
	v44 =	vld [tilespmem:s21+$0xFFFFFFFE];
	v23 =	vmov s12;
	v42 =	vsub.f32 v11, v50;
	v11 =	vmov s11  }
0x13e: {  	s22 =	smul.u32 $0xFFFE7000, s5;
	s9 =	spop (v2sf);
	v6 =	vld [tilespmem:s30+$0x2];
	v54 =	vsub.f32 v3, v11;
	v3 =	vsub.f32 v20, v23  }
0x13f: {  	s8 =	spop (v2sf);
	v46 =	vsub.f32 v31, v11;
	v40 =	vsub.f32 v0, v11;
	v0 =	vld [tilespmem:s21+$0xFFFFFFFF];
	[dreg:$0x8] =	wrdreg s17  }
0x140: {  	s13 =	smul.f32 $1.562500000e-02, s13;
	s7 =	spop (v2sf);
	v55 =	vsub.f32 v26, v11;
	v11 =	vld [tilespmem:s21+$0x0];
	[tilespmem:$0x1FEF0] =	vst v3;
	v3 =	vsub.f32 v35, v23  }
0x141: {  	s2 =	sshra.s32 s22, $0x2;
	s6 =	spop (v2sf);
	[dreg:$0x9] =	wrdreg s18  }
0x142: {  	s2 =	sadd.s32 s2, s16;
	s1 =	spop (v2sf);
	v12 =	vld [tilespmem:s21+$0x1];
	[tilespmem:$0x1FC80] =	vst v3;
	v3 =	vsub.f32 v24, v23  }
0x143: {  	s2 =	sadd.s32 s17, s2;
	v21 =	vmov s13;
	s5 =	spop (v2sf)  }
0x144: {  	s2 =	sadd.s32 s18, s2;
	s3 =	spop (v2sf);
	[tilespmem:$0x1FC90] =	vst v3;
	v3 =	vsub.f32 v29, v21  }
0x145: {  	s2 =	sadd.s32 $0x400, s2;
	s4 =	spop (v2sf)  }
0x146: {  	v56 =	vsub.f32 v25, v23;
	s24 =	spop (v2sf);
	v23 =	vld [tilespmem:s2+$0x380];
	[tilespmem:$0x1FCA0] =	vst v3;
	v3 =	vsub.f32 v19, v21  }
0x147: {  	s17 =	sshrl.u32 s24, $0x7  }
0x148: {  	s17 =	sand.u32 $0x40, s17;
	[tilespmem:$0x1FCB0] =	vst v3;
	v3 =	vsub.f32 v30, v21  }
0x149: {  	s14 =	smul.f32 $1.562500000e-02, s14;
	s17 =	sadd.s32 $0x400, s17  }
0x14a: {  	v25 =	vld [tilespmem:s17+$0x9D80];
	[tilespmem:$0x1FCC0] =	vst v3;
	v3 =	vsub.f32 v36, v21  }
0x14b: {  	v26 =	vmov s14  }
0x14c: {  	[tilespmem:$0x1FCD0] =	vst v3;
	v3 =	vsub.f32 v18, v26;
	_ =	sdelay $0x1  }
0x14d: {  	s25 =	spop (v2sf);
	v21 =	vld [tilespmem:s17+$0x9D90];
	[tilespmem:$0x1FCE0] =	vst v3;
	v3 =	vsub.f32 v27, v26  }
0x14e: {  	s19 =	spop (v2sf);
	(v2sf) =	vpush v5, $0x0;
	v5 =	vld [tilespmem:s17+$0x9DA0]  }
0x14f: {  	[tilespmem:$0x1FCF0] =	vst v3;
	v3 =	vld [tilespmem:$0x1FD00];
	_ =	sdelay $0x4  }
0x150: {  	v3 =	vsub.f32 v3, v26;
	_ =	sdelay $0x1  }
0x151: {  	(v2sf) =	vpush v49, $0x0;
	v35 =	vld [tilespmem:s17+$0x9DB0];
	[tilespmem:$0x1FD10] =	vst v3;
	v3 =	vsub.f32 v32, v26  }
0x152: {  	(v2sf) =	vpush v15, $0x0;
	v15 =	vld [tilespmem:s2+$0x390]  }
0x153: {  	s31 =	spop (v2sf);
	[tilespmem:$0x1FD20] =	vst v3;
	v3 =	vld [tilespmem:$0x1FD30]  }
0x154: {  	s20 =	spop (v2sf);
	(v2sf) =	vpush v6, $0x0;
	v6 =	vld [tilespmem:s2+$0x3A0]  }
0x155: {  	(v2sf) =	vpush v17, $0x0;
	s17 =	scvt.s32.f32 s20;
	v17 =	vld [tilespmem:s2+$0x3B0]  }
0x156: {  	v26 =	vld [tilespmem:s21+$0x2]  }
0x157: {  	s22 =	sshrl.u32 s25, $0x7;
	v22 =	vmul.f32 s17, v58;
	v24 =	vmul.f32 s17, v59;
	v29 =	vld [tilespmem:s2+$0x0]  }
0x158: {  	s10 =	smul.f32 $1.562500000e-02, s10;
	v27 =	vmul.f32 s17, v60;
	v28 =	vmul.f32 s17, v61;
	s17 =	sand.u32 $0x40, s22;
	v30 =	vld [tilespmem:s2+$0x10]  }
0x159: {  	v23 =	vadd.f32 v23, v25;
	s17 =	sadd.s32 $0x400, s17;
	v31 =	vld [tilespmem:s2+$0x20]  }
0x15a: {  	v24 =	vadd.f32 v24, v37;
	v25 =	vld [tilespmem:s17+$0x9A00];
	v15 =	vadd.f32 v15, v21;
	v21 =	vmov s10  }
0x15b: {  	s23 =	smul.f32 s15, s0;
	v36 =	vld [tilespmem:s17+$0x9A10];
	v3 =	vsub.f32 v3, v21;
	v5 =	vadd.f32 v6, v5  }
0x15c: {  	v6 =	vadd.f32 v17, v35;
	v17 =	vadd.f32 v24, v15;
	v24 =	vld [tilespmem:s17+$0x9A20]  }
0x15d: {  	s16 =	smul.f32 s23, s15;
	[tilespmem:$0x1FD40] =	vst v3;
	v3 =	vld [tilespmem:$0x1FD50];
	_ =	sdelay $0x1  }
0x15e: {  	s16 =	ssub.f32 $1.500000000e+00, s16;
	s23 =	sshrl.u32 s19, $0x7;
	v22 =	vadd.f32 v22, v34;
	v27 =	vadd.f32 v27, v57  }
0x15f: {  	s18 =	smul.f32 s11, s11;
	s11 =	sand.u32 $0x40, s23;
	v28 =	vadd.f32 v28, v62  }
0x160: {  	s15 =	smul.f32 s16, s15;
	s24 =	sadd.s32 $0x400, s11;
	v43 =	vadd.f32 v22, v23;
	v47 =	vadd.f32 v5, v27;
	v5 =	vld [tilespmem:s17+$0x9A30]  }
0x161: {  	v48 =	vadd.f32 v6, v28;
	v27 =	vld [tilespmem:s24+$0x9A80];
	v3 =	vsub.f32 v3, v21  }
0x162: {  	s0 =	smul.f32 s15, s0;
	(v2sf) =	vpush v51, $0x0;
	v20 =	vadd.f32 v17, v43;
	v28 =	vld [tilespmem:s24+$0x9A90]  }
0x163: {  	s25 =	smul.f32 $1.562500000e-02, s9;
	s16 =	sshrl.u32 s31, $0x7;
	v22 =	vld [tilespmem:s24+$0x9AA0];
	v23 =	vadd.f32 v48, v47;
	[tilespmem:$0x1FD60] =	vst v3;
	v3 =	vsub.f32 v8, v21  }
0x164: {  	s0 =	smul.f32 s0, s15;
	(xrf2) =	vadd.scan.msk.f32 $0xffff, v4;
	s16 =	sand.u32 $0x40, s16;
	v2 =	vsub.f32 v2, v21;
	v4 =	vmul.f32 v47, v47;
	v15 =	vmul.f32 v48, v48  }
0x165: {  	s16 =	sadd.s32 $0x400, s16;
	v19 =	vadd.f32 v23, v20;
	v20 =	vmov s25;
	v53 =	vld [tilespmem:s24+$0x9AB0];
	[tilespmem:$0x1FD70] =	vst v3  }
0x166: {  	s0 =	ssub.f32 $1.500000000e+00, s0;
	v4 =	vadd.f32 v15, v4;
	v15 =	vld [tilespmem:s16+$0x9B00];
	[tilespmem:$0x1FD80] =	vst v2;
	v2 =	vsub.f32 v9, v20;
	_ =	sdelay $0x1  }
0x167: {  	s0 =	smul.f32 s0, s15;
	v6 =	vmul.f32 v43, v43;
	v52 =	vmul.f32 v17, v17;
	[tilespmem:$0x1FD90] =	vst v2;
	v2 =	vsub.f32 v7, v20  }
0x168: {  	s15 =	smul.f32 s12, s12  }
0x169: {  	s31 =	smul.f32 $1.562500000e-02, s8;
	v6 =	vadd.f32 v52, v6;
	v8 =	vld [tilespmem:s16+$0x9B10];
	[tilespmem:$0x1FDA0] =	vst v2;
	v2 =	vsub.f32 v10, v20  }
0x16a: {  	s13 =	smul.f32 s13, s13;
	(v2sf) =	vpush v44, $0x0  }
0x16b: {  	s6 =	smul.f32 $1.562500000e-02, s6;
	v4 =	vadd.f32 v4, v6;
	v6 =	vmov s31;
	[tilespmem:$0x1FDB0] =	vst v2;
	v2 =	vsub.f32 v63, v20  }
0x16c: {  	s11 =	smul.f32 s14, s14;
	s14 =	spop (v2sf);
	(v2sf) =	vpush v0, $0x0;
	v0 =	vsub.f32 v13, v6  }
0x16d: {  	s9 =	smul.f32 s10, s10;
	s19 =	sshrl.u32 s14, $0x7;
	s20 =	spop (v2sf);
	v21 =	vld [tilespmem:s16+$0x9B20];
	[tilespmem:$0x1FDC0] =	vst v2  }
0x16e: {  	s22 =	sand.u32 $0x40, s19;
	s17 =	smul.f32 $1.562500000e-02, s7;
	s7 =	spop (v2sf);
	v23 =	vld [tilespmem:s16+$0x9B30];
	[tilespmem:$0x1FDD0] =	vst v0;
	v0 =	vsub.f32 v16, v6  }
0x16f: {  	s8 =	smul.f32 s31, s31;
	s23 =	sadd.s32 $0x400, s22;
	s12 =	spop (v2sf);
	(xrf2) =	vadd.scan.msk.f32 $0xffff, v19;
	v1 =	vsub.f32 v1, v6  }
0x170: {  	s10 =	smul.f32 s25, s25;
	s24 =	spop (v2sf);
	(xrf2) =	vadd.scan.msk.f32 $0xffff, v4;
	v9 =	vld [tilespmem:s23+$0x9B80];
	[tilespmem:$0x1FDE0] =	vst v0  }
0x171: {  	(v2sf) =	vpush v11, $0x0;
	s14 =	ssub.f32 s17, s18;
	s31 =	spop (v2sf);
	v35 =	vld [tilespmem:s23+$0x9B90];
	[tilespmem:$0x1FDF0] =	vst v1;
	v1 =	vsub.f32 v33, v6  }
0x172: {  	(v2sf) =	vpush v12, $0x0;
	s17 =	sshrl.u32 s20, $0x7;
	s18 =	scvt.s32.f32 s31;
	s16 =	scvt.s32.f32 s24  }
0x173: {  	s6 =	ssub.f32 s6, s15;
	s17 =	sand.u32 $0x40, s17;
	s25 =	smul.f32 $1.562500000e-02, s1;
	(v2sf) =	vpush v26, $0x0;
	v4 =	vld [tilespmem:s23+$0x9BA0];
	[tilespmem:$0x1FE00] =	vst v1  }
0x174: {  	s14 =	sadd.f32 $9.999999960e-13, s14;
	s17 =	sadd.s32 $0x400, s17;
	v20 =	vadd.f32 v31, v24;
	v24 =	vmul.f32 s18, v59;
	v2 =	vmul.f32 s16, v59;
	v10 =	vld [tilespmem:s23+$0x9BB0]  }
0x175: {  	s5 =	smul.f32 $1.562500000e-02, s5;
	s15 =	ssub.f32 s25, s13;
	v7 =	vadd.f32 v30, v36;
	v18 =	vmul.f32 s18, v58;
	v3 =	vmul.f32 s16, v60;
	v6 =	vld [tilespmem:s17+$0x9C00]  }
0x176: {  	s20 =	sadd.f32 $9.999999960e-13, s6;
	s1 =	smul.f32 $5.000000000e-01, s14;
	v24 =	vadd.f32 v24, v37;
	v36 =	vmul.f32 s16, v61;
	v0, _, _ =	vpop (xrf2);
	v2 =	vadd.f32 v2, v37;
	v19 =	vld [tilespmem:s2+$0x30]  }
0x177: {  	s13 =	smul.f32 $1.562500000e-02, s3;
	s25 =	sadd.f32 $9.999999960e-13, s15;
	v3 =	vadd.f32 v3, v57;
	(v2sf) =	vpush v0, $0xF;
	v0 =	vmul.f32 s16, v58;
	v11 =	vld [tilespmem:s17+$0x9C10]  }
0x178: {  	s22 =	ssub.f32 s5, s11;
	s3 =	smul.f32 $5.000000000e-01, s20;
	v1 =	vadd.f32 v29, v25;
	v25 =	vadd.f32 v36, v62;
	v26 =	vld [tilespmem:s2+$0x80]  }
0x179: {  	s14 =	sshrl.u32 s14, $0x1;
	s5 =	smul.f32 $5.000000000e-01, s25;
	s11 =	sshrl.u32 s25, $0x1;
	v44, _, _ =	vpop (xrf2);
	v29 =	vadd.f32 v18, v34;
	v30 =	vld [tilespmem:s2+$0x90];
	v0 =	vadd.f32 v0, v34  }
0x17a: {  	s19 =	ssub.s32 $0x5F3759DF, s14;
	s14 =	smul.f32 $1.562500000e-02, s4;
	s11 =	ssub.s32 $0x5F3759DF, s11;
	(v2sf) =	vpush v44, $0xF;
	v45, _, _ =	vpop (xrf2);
	v20 =	vadd.f32 v20, v3;
	v50 =	vld [tilespmem:s2+$0x130]  }
0x17b: {  	s31 =	spop (v2sf);
	s25 =	smul.f32 s11, s5;
	s24 =	sshrl.u32 s20, $0x1;
	v31 =	vld [tilespmem:s2+$0xA0];
	(v2sf) =	vpush v45, $0xF;
	v18 =	vadd.f32 v0, v1;
	v1 =	vmul.f32 s18, v60  }
0x17c: {  	s4 =	ssub.s32 $0x5F3759DF, s24;
	s23 =	smul.f32 s19, s1;
	v3 =	vmul.f32 s18, v61;
	v0 =	vadd.f32 v19, v5;
	v19 =	vadd.f32 v2, v7;
	v2 =	vld [tilespmem:s2+$0xB0]  }
0x17d: {  	s20 =	sadd.f32 $9.999999960e-13, s22;
	s22 =	smul.f32 s4, s3;
	v5 =	vadd.f32 v26, v27;
	v7 =	vld [tilespmem:s2+$0x100];
	v26 =	vadd.f32 v1, v57  }
0x17e: {  	s15 =	scvt.s32.f32 s31;
	v49 =	vld [tilespmem:s17+$0x9C20];
	s23 =	smul.f32 s19, s23;
	v27 =	vadd.f32 v30, v28;
	v30 =	vadd.f32 v3, v62  }
0x17f: {  	s6 =	smul.f32 $5.000000000e-01, s20;
	v14 =	vadd.f32 v50, v23;
	v1 =	vadd.f32 v29, v5;
	v29 =	vld [tilespmem:s2+$0x110]  }
0x180: {  	s31 =	smul.f32 s4, s22;
	s16 =	ssub.f32 $1.500000000e+00, s23;
	v28 =	vmul.f32 s15, v58;
	v16 =	vadd.f32 v0, v25;
	v5 =	vadd.f32 v31, v22;
	v31 =	vld [tilespmem:s2+$0x120]  }
0x181: {  	s24 =	sshrl.u32 s20, $0x1;
	s23 =	smul.f32 s11, s25;
	v25 =	vld [tilespmem:s17+$0x9C30];
	v3 =	vadd.f32 v24, v27;
	v22 =	vmul.f32 s15, v59;
	v2 =	vadd.f32 v2, v53  }
0x182: {  	s13 =	ssub.f32 s13, s9;
	s17 =	smul.f32 s19, s16;
	s16 =	ssub.s32 $0x5F3759DF, s24;
	v24 =	vadd.f32 v28, v34;
	v28 =	vld [tilespmem:s2+$0x190];
	v7 =	vadd.f32 v7, v15  }
0x183: {  	s7 =	sshrl.u32 s7, $0x7;
	s25 =	spop (v2sf);
	s22 =	smul.f32 s16, s6;
	v27 =	vadd.f32 v22, v37;
	v15 =	vmul.f32 s15, v60;
	v22 =	vadd.f32 v2, v30  }
0x184: {  	s7 =	sand.u32 $0x40, s7;
	s13 =	sadd.f32 $9.999999960e-13, s13;
	s19 =	scvt.s32.f32 s25;
	v2 =	vld [tilespmem:s2+$0x180];
	v8 =	vadd.f32 v29, v8;
	v7 =	vadd.f32 v24, v7  }
0x185: {  	s20 =	sadd.s32 $0x400, s7;
	s24 =	ssub.f32 $1.500000000e+00, s31;
	s7 =	smul.f32 s16, s22;
	v15 =	vadd.f32 v15, v57;
	v21 =	vadd.f32 v31, v21;
	v30 =	vld [tilespmem:s2+$0x1A0]  }
0x186: {  	s31 =	ssub.f32 $1.500000000e+00, s23;
	v24 =	vmul.f32 s15, v61;
	v8 =	vadd.f32 v27, v8;
	v27 =	vmul.f32 s19, v58  }
0x187: {  	v32 =	vld [tilespmem:s20+$0x9CB0];
	s9 =	smul.f32 s4, s24;
	s7 =	ssub.f32 $1.500000000e+00, s7;
	v12 =	vadd.f32 v28, v35;
	v23 =	vadd.f32 v21, v15;
	v21 =	vmul.f32 s19, v59  }
0x188: {  	v63 =	vld [tilespmem:s2+$0x280];
	s4 =	smul.f32 s11, s31;
	s22 =	spop (v2sf);
	v24 =	vadd.f32 v24, v62;
	v27 =	vadd.f32 v27, v34  }
0x189: {  	v51 =	vmul.f32 s19, v60;
	s15 =	spop (v2sf);
	s23 =	smul.f32 s16, s7;
	v15 =	vld [tilespmem:s2+$0x1B0];
	v21 =	vadd.f32 v21, v37;
	v2 =	vadd.f32 v2, v9  }
0x18a: {  	s11 =	spop (v2sf);
	s7 =	smul.f32 $5.000000000e-01, s13;
	v9 =	vadd.f32 v14, v24;
	v24 =	vld [tilespmem:s2+$0x200];
	v30 =	vadd.f32 v30, v4  }
0x18b: {  	s24 =	sshrl.u32 s13, $0x1;
	s13 =	scvt.s32.f32 s22;
	s25 =	spop (v2sf);
	v14 =	vadd.f32 v51, v57;
	v2 =	vadd.f32 v27, v2;
	v27 =	vld [tilespmem:s2+$0x210]  }
0x18c: {  	s12 =	sshrl.u32 s12, $0x7;
	v5 =	vadd.f32 v5, v26;
	v26 =	vld [tilespmem:s20+$0x9C80];
	v28 =	vmul.f32 s19, v61;
	s16 =	ssub.s32 $0x5F3759DF, s24;
	s24 =	smul.f32 $1.562500000e-02, s25  }
0x18d: {  	s12 =	sand.u32 $0x40, s12;
	v29 =	vld [tilespmem:s20+$0x9C90];
	s25 =	spop (v2sf);
	s31 =	smul.f32 s16, s7;
	v4 =	vadd.f32 v21, v12;
	v21 =	vadd.f32 v30, v14;
	v30 =	vmul.f32 s13, v59  }
0x18e: {  	s10 =	ssub.f32 s14, s10;
	v31 =	vld [tilespmem:s20+$0x9CA0];
	s20 =	sadd.s32 $0x400, s12;
	v53 =	vadd.f32 v28, v62;
	s12 =	smul.f32 $1.562500000e-02, s25;
	v10 =	vadd.f32 v15, v10  }
0x18f: {  	s22 =	ssub.f32 s24, s8;
	s18 =	smul.f32 s16, s31;
	v15 =	vld [tilespmem:s2+$0x220];
	v35 =	vadd.f32 v30, v37;
	v24 =	vadd.f32 v24, v6  }
0x190: {  	v28 =	vld [tilespmem:s2+$0x230];
	s31 =	spop (v2sf);
	s24 =	smul.f32 s12, s12;
	v6 =	vadd.f32 v10, v53;
	v10 =	vadd.f32 v27, v11  }
0x191: {  	s10 =	sadd.f32 $9.999999960e-13, s10;
	v52 =	vmul.f32 s13, v58;
	s19 =	smul.f32 $1.562500000e-02, s31  }
0x192: {  	v33 =	vld [tilespmem:s20+$0x9D00];
	s15 =	scvt.s32.f32 s15;
	s18 =	ssub.f32 $1.500000000e+00, s18;
	v44 =	vadd.f32 v35, v10  }
0x193: {  	s8 =	smul.f32 $5.000000000e-01, s10;
	v12 =	vadd.f32 v52, v34;
	s31 =	sshrl.u32 s10, $0x1;
	s25 =	ssub.f32 s19, s24;
	v11 =	vmul.f32 s13, v60;
	v27 =	vld [tilespmem:s2+$0x290]  }
0x194: {  	v36 =	vmul.f32 s15, v58;
	v14 =	vadd.f32 v63, v26;
	s24 =	sadd.f32 $9.999999960e-13, s22;
	s14 =	smul.f32 s16, s18;
	s18 =	ssub.s32 $0x5F3759DF, s31;
	v13 =	vadd.f32 v15, v49;
	v15 =	vld [tilespmem:s20+$0x9D10];
	[tilespmem:$0x1FE10] =	vst v44  }
0x195: {  	v30 =	vmul.f32 s13, v61;
	s19 =	smul.f32 s18, s8;
	v11 =	vadd.f32 v11, v57;
	v10 =	vadd.f32 v28, v25;
	v25 =	vld [tilespmem:s2+$0x2A0]  }
0x196: {  	s11 =	scvt.s32.f32 s11;
	v26 =	vmul.f32 s15, v59;
	s10 =	smul.f32 $5.000000000e-01, s24;
	s16 =	sshrl.u32 s24, $0x1;
	v24 =	vadd.f32 v12, v24;
	v12 =	vadd.f32 v36, v34;
	v45 =	vld [tilespmem:s2+$0x2B0]  }
0x197: {  	s13 =	sadd.f32 $9.999999960e-13, s25;
	s16 =	ssub.s32 $0x5F3759DF, s16;
	s22 =	smul.f32 s18, s19;
	v35 =	vadd.f32 v13, v11;
	v11 =	vadd.f32 v30, v62;
	v28 =	vld [tilespmem:s20+$0x9D20]  }
0x198: {  	v51 =	vmul.f32 s11, v58;
	v49 =	vadd.f32 v26, v37;
	s25 =	smul.f32 s16, s10;
	v52 =	vld [tilespmem:s2+$0x320]  }
0x199: {  	v53 =	vadd.f32 v12, v14;
	s24 =	sshrl.u32 s13, $0x1;
	s19 =	smul.f32 $5.000000000e-01, s13;
	v36 =	vadd.f32 v10, v11;
	v11 =	vmul.f32 s15, v60  }
0x19a: {  	v12 =	vadd.f32 v51, v34;
	s13 =	ssub.s32 $0x5F3759DF, s24;
	s24 =	smul.f32 s16, s25;
	v10 =	vadd.f32 v27, v29;
	v27 =	vld [tilespmem:s2+$0x300]  }
0x19b: {  	v34 =	vadd.f32 v16, v20;
	s31 =	smul.f32 s13, s19;
	v11 =	vadd.f32 v11, v57  }
0x19c: {  	s25 =	ssub.f32 $1.500000000e+00, s22;
	s22 =	smul.f32 s4, s5;
	v50 =	vld [tilespmem:s2+$0x310];
	v63 =	vadd.f32 v49, v10;
	v25 =	vadd.f32 v25, v31  }
0x19d: {  	v26 =	vmul.f32 s15, v61;
	v29 =	vld [tilespmem:s20+$0x9D30];
	s20 =	smul.f32 s13, s31;
	v10 =	vadd.f32 v45, v32;
	v13 =	vadd.f32 v52, v28  }
0x19e: {  	s31 =	smul.f32 s17, s1;
	v31 =	vadd.f32 v44, v24;
	v0 =	vadd.f32 v25, v11  }
0x19f: {  	v30 =	vld [tilespmem:s2+$0x330];
	s18 =	smul.f32 s18, s25;
	s2 =	ssub.f32 $1.500000000e+00, s24;
	v11 =	vadd.f32 v26, v62;
	v25 =	vadd.f32 v27, v33  }
0x1a0: {  	s24 =	smul.f32 s31, s17;
	v26 =	vmul.f32 s11, v59;
	v33 =	vadd.f32 v19, v18;
	v27 =	vadd.f32 v9, v23  }
0x1a1: {  	s25 =	smul.f32 s16, s2;
	v59 =	vadd.f32 v10, v11;
	v10 =	vadd.f32 v50, v15  }
0x1a2: {  	s31 =	ssub.f32 $1.500000000e+00, s20;
	s20 =	smul.f32 s9, s3;
	v11 =	vmul.f32 s11, v60;
	v58 =	vadd.f32 v12, v25;
	v60 =	vadd.f32 v26, v37  }
0x1a3: {  	s2 =	smul.f32 s22, s4;
	v12 =	vadd.f32 v34, v33;
	v15 =	vadd.f32 v3, v1  }
0x1a4: {  	s22 =	smul.f32 s18, s8;
	v32 =	vmul.f32 s11, v61;
	s16 =	ssub.f32 $1.500000000e+00, s24;
	v25 =	vadd.f32 v22, v5;
	v26 =	vadd.f32 v8, v7  }
0x1a5: {  	v45 =	vmul.f32 v16, v16;
	s24 =	smul.f32 s23, s6;
	s2 =	ssub.f32 $1.500000000e+00, s2;
	v33 =	vadd.f32 v63, v53;
	v11 =	vadd.f32 v11, v57  }
0x1a6: {  	v28 =	vmul.f32 v8, v8;
	s16 =	smul.f32 s16, s17;
	v52 =	vadd.f32 v60, v10;
	v10 =	vadd.f32 v30, v29;
	(xrf2) =	vadd.scan.msk.f32 $0xffff, v12  }
0x1a7: {  	s4 =	smul.f32 s2, s4;
	v37 =	vmul.f32 v20, v20;
	v49 =	vadd.f32 v13, v11;
	v11 =	vadd.f32 v32, v62  }
0x1a8: {  	s11 =	smul.f32 s13, s31;
	v50 =	vadd.f32 v25, v15;
	v57 =	vmul.f32 v3, v3;
	v15 =	vmul.f32 v5, v5  }
0x1a9: {  	s13 =	smul.f32 s20, s9;
	v51 =	vadd.f32 v10, v11;
	v10 =	vmul.f32 v18, v18;
	v11 =	vmul.f32 v19, v19  }
0x1aa: {  	s31 =	smul.f32 s24, s23;
	v25 =	vmul.f32 v22, v22;
	v29 =	vmul.f32 v21, v21;
	v60 =	vadd.f32 v36, v35  }
0x1ab: {  	s20 =	smul.f32 s14, s7;
	v13 =	vadd.f32 v45, v37;
	(xrf2) =	vadd.scan.msk.f32 $0xffff, v50;
	v11 =	vadd.f32 v11, v10;
	v10 =	vmul.f32 v1, v1  }
0x1ac: {  	s1 =	smul.f32 s16, s1;
	v30 =	vmul.f32 v6, v6;
	v15 =	vadd.f32 v25, v15;
	v25 =	vadd.f32 v27, v26  }
0x1ad: {  	s15 =	smul.f32 s11, s19;
	v27 =	vadd.f32 v4, v2;
	v12 =	vadd.f32 v57, v10;
	v10 =	vmul.f32 v7, v7  }
0x1ae: {  	v61 =	vmul.f32 v44, v44;
	s5 =	smul.f32 s4, s5;
	s13 =	ssub.f32 $1.500000000e+00, s13;
	v29 =	vadd.f32 v30, v29;
	v30 =	vadd.f32 v60, v31;
	(xrf2) =	vadd.scan.msk.f32 $0xffff, v25  }
0x1af: {  	s17 =	ssub.f32 $1.500000000e+00, s31;
	s15 =	smul.f32 s15, s11;
	v26 =	vmul.f32 v9, v9;
	v14 =	vadd.f32 v28, v10;
	v28 =	vadd.f32 v6, v21  }
0x1b0: {  	s9 =	smul.f32 s13, s9;
	v32 =	vmul.f32 v35, v35;
	v62 =	vadd.f32 v59, v0;
	v25 =	vmul.f32 v2, v2;
	v31, _, _ =	vpop (xrf2)  }
0x1b1: {  	v44 =	vld [tilespmem:$0x1FF00];
	s2 =	smul.f32 s17, s23;
	(v2sf) =	vpush v31, $0xF;
	v27 =	vadd.f32 v28, v27;
	v28 =	vmul.f32 v4, v4  }
0x1b2: {  	v45 =	vld [tilespmem:$0x1FF30];
	s13 =	smul.f32 s20, s14;
	v50 =	vmul.f32 v36, v36;
	v60 =	vadd.f32 v51, v49;
	v57 =	vadd.f32 v52, v58  }
0x1b3: {  	s23 =	smul.f32 s25, s10;
	s15 =	ssub.f32 $1.500000000e+00, s15;
	v33 =	vadd.f32 v62, v33;
	v25 =	vadd.f32 v28, v25;
	v28 =	vmul.f32 v24, v24  }
0x1b4: {  	s6 =	smul.f32 s2, s6;
	v11 =	vadd.f32 v13, v11;
	v10 =	vmul.f32 v23, v23;
	v62 =	vadd.f32 v60, v57;
	(xrf2) =	vadd.scan.msk.f32 $0xffff, v27  }
0x1b5: {  	s11 =	smul.f32 s15, s11;
	v57 =	vmul.f32 v59, v59;
	v12 =	vadd.f32 v15, v12;
	(xrf2) =	vadd.scan.msk.f32 $0xffff, v30;
	v28 =	vadd.f32 v61, v28;
	v61, _, _ =	vpop (xrf2)  }
0x1b6: {  	s6 =	smul.f32 s6, s2;
	v15 =	vmul.f32 v49, v49;
	v31 =	vmul.f32 s0, v44;
	(xrf2) =	vadd.scan.msk.f32 $0xffff, v33;
	(v2sf) =	vpush v61, $0xF  }
0x1b7: {  	s19 =	smul.f32 s11, s19;
	v60 =	vmul.f32 v51, v51;
	v26 =	vadd.f32 v26, v10;
	v10 =	vmul.f32 s0, v45;
	(xrf2) =	vadd.scan.msk.f32 $0xffff, v62  }
0x1b8: {  	s17 =	smul.f32 s23, s25;
	v31 =	vmul.f32 v31, v41;
	v41 =	vmul.f32 v53, v53;
	v27 =	vadd.f32 v50, v32;
	v50, _, _ =	vpop (xrf2)  }
0x1b9: {  	[tilespmem:$0x1FE70] =	vst v59;
	v37 =	vld [tilespmem:$0x1FF10];
	s6 =	ssub.f32 $1.500000000e+00, s6;
	s19 =	smul.f32 s19, s11;
	v10 =	vmul.f32 v10, v42;
	v42 =	vmul.f32 v63, v63;
	(v2sf) =	vpush v50, $0xF  }
0x1ba: {  	s15 =	smul.f32 s22, s18;
	v59 =	vmul.f32 v52, v52;
	v15 =	vadd.f32 v60, v15;
	v14 =	vadd.f32 v26, v14;
	(xrf2) =	vadd.scan.msk.f32 $0xffff, v11  }
0x1bb: {  	s2 =	smul.f32 s6, s2;
	s31 =	ssub.f32 $1.500000000e+00, s19;
	v33 =	vadd.f32 v42, v41;
	v62 =	vmov s12;
	v11 =	vmul.f32 v58, v58;
	(xrf2) =	vadd.scan.msk.f32 $0xffff, v12  }
0x1bc: {  	s13 =	ssub.f32 $1.500000000e+00, s13;
	s3 =	smul.f32 s9, s3;
	v42 =	vadd.f32 v29, v25;
	v26 =	vsub.f32 v48, v62  }
0x1bd: {  	[tilespmem:$0x1FE20] =	vst v35;
	s15 =	ssub.f32 $1.500000000e+00, s15;
	v35 =	vmul.f32 s2, v45;
	s11 =	smul.f32 s31, s11;
	v41 =	vld [tilespmem:$0x1FF20];
	v13 =	vadd.f32 v27, v28;
	v11 =	vadd.f32 v59, v11  }
0x1be: {  	[tilespmem:$0x1FEA0] =	vst v49;
	s23 =	smul.f32 s13, s14;
	v30 =	vmul.f32 s0, v37;
	v49 =	vsub.f32 v43, v62;
	v27 =	vsub.f32 v47, v62;
	v48, _, _ =	vpop (xrf2)  }
0x1bf: {  	[tilespmem:$0x1FE50] =	vst v63;
	s14 =	smul.f32 s15, s18;
	v63 =	vmul.f32 s11, v45;
	v11 =	vadd.f32 v15, v11;
	(v2sf) =	vpush v48, $0xF;
	v15, _, _ =	vpop (xrf2)  }
0x1c0: {  	v25 =	vmul.f32 s11, v44;
	s12 =	smul.f32 s1, s16;
	(xrf2) =	vadd.scan.msk.f32 $0xffff, v14;
	(v2sf) =	vpush v15, $0xF;
	v15 =	vsub.f32 v17, v62;
	s15 =	spop (v2sf);
	v17, _, _ =	vpop (xrf2)  }
0x1c1: {  	v28 =	vmul.f32 v63, v26;
	v26 =	vmul.f32 s11, v37;
	(v2sf) =	vpush v17, $0xF;
	s1 =	smul.f32 $1.562500000e-02, s15;
	v17, _, _ =	vpop (xrf2)  }
0x1c2: {  	s13 =	smul.f32 s3, s9;
	v61 =	vmul.f32 s0, v41;
	s0 =	ssub.f32 $1.500000000e+00, s12;
	(v2sf) =	vpush v17, $0xF;
	v17 =	vmul.f32 s11, v41  }
0x1c3: {  	[tilespmem:$0x1FE40] =	vst v53;
	s24 =	ssub.f32 $1.500000000e+00, s17;
	s17 =	smul.f32 s5, s4;
	v53 =	vmul.f32 v0, v0;
	v15 =	vmul.f32 v26, v15;
	v26 =	vmov s1  }
0x1c4: {  	v14 =	vmul.f32 v25, v49;
	s0 =	smul.f32 s0, s16;
	v25, _, _ =	vpop (xrf2);
	v50 =	vmul.f32 v17, v27;
	v17 =	vsub.f32 v19, v26  }
0x1c5: {  	[tilespmem:$0x1FE60] =	vst v0;
	s18 =	smul.f32 s24, s25;
	v32 =	vadd.f32 v57, v53;
	v30 =	vmul.f32 v30, v39;
	(v2sf) =	vpush v25, $0xF;
	v0, _, _ =	vpop (xrf2);
	s20 =	spop (v2sf)  }
0x1c6: {  	s22 =	ssub.f32 $1.500000000e+00, s17;
	[tilespmem:$0x1FEC0] =	vst v17;
	v17 =	vsub.f32 v20, v26;
	(v2sf) =	vpush v0, $0xF;
	v0 =	vmul.f32 s0, v37;
	s24 =	smul.f32 $1.562500000e-02, s20  }
0x1c7: {  	[tilespmem:$0x1FE30] =	vst v36;
	s7 =	smul.f32 s23, s7;
	v39 =	vmul.f32 s2, v37;
	v12 =	vadd.f32 v32, v33;
	v36 =	vmul.f32 v61, v38  }
0x1c8: {  	s25 =	smul.f32 s22, s4;
	v38 =	vmul.f32 s2, v41;
	v53 =	vsub.f32 v18, v26;
	s31 =	spop (v2sf);
	[tilespmem:$0x1FED0] =	vst v17;
	v17 =	vmov s24  }
0x1c9: {  	s16 =	ssub.f32 $1.500000000e+00, s13;
	v25 =	vmul.f32 s0, v44;
	v47 =	vsub.f32 v16, v26;
	v18 =	vld [tilespmem:$0x1FF50];
	s4 =	smul.f32 $1.562500000e-02, s31;
	v1 =	vsub.f32 v1, v17  }
0x1ca: {  	s8 =	smul.f32 s14, s8;
	v63 =	vmul.f32 v0, v54;
	v61 =	vsub.f32 v3, v17;
	v29 =	vsub.f32 v5, v17;
	v0, _, _ =	vpop (xrf2)  }
0x1cb: {  	[tilespmem:$0x1FE80] =	vst v58;
	s19 =	smul.f32 s16, s9;
	v20 =	vld [tilespmem:$0x1FF60];
	v59 =	vsub.f32 v22, v17;
	(v2sf) =	vpush v0, $0xF;
	v0 =	vmov s4  }
0x1cc: {  	s10 =	smul.f32 s18, s10;
	[tilespmem:$0x1FEE0] =	vst v1;
	v1 =	vmul.f32 s0, v41;
	v26 =	vsub.f32 v7, v0;
	v58 =	vsub.f32 v8, v0;
	v8 =	vld [tilespmem:$0x1FF70]  }
0x1cd: {  	[tilespmem:$0x1FE90] =	vst v52;
	s11 =	smul.f32 s7, s23;
	v57 =	vsub.f32 v23, v0;
	v17 =	vsub.f32 v9, v0;
	v0 =	vmul.f32 s19, v44;
	v9 =	vld [tilespmem:$0x1FF40]  }
0x1ce: {  	[tilespmem:$0x1FEB0] =	vst v51;
	s12 =	smul.f32 s8, s14;
	v19 =	vmul.f32 v25, v40;
	v7 =	vadd.f32 v30, v18;
	v25 =	vmul.f32 v1, v46  }
0x1cf: {  	s17 =	simm.s32 $0x0;
	s13 =	smul.f32 s10, s18;
	(xrf2) =	vadd.scan.msk.f32 $0xffff, v42;
	v51 =	vadd.f32 v15, v18;
	v1 =	vmul.f32 s0, v45;
	v27 =	vmul.f32 v0, v56;
	s0 =	ssub.f32 $1.500000000e+00, s11;
	v0 =	vld [tilespmem:$0x1FEF0]  }
0x1d0: {  	s22 =	simm.s32 $0x400;
	v42 =	vmul.f32 s25, v44;
	s10 =	smul.f32 s1, s1;
	v40 =	vmul.f32 s25, v45;
	v15 =	vadd.f32 v50, v20;
	[tilespmem:s17+$0x11D90] =	vst v7  }
0x1d1: {  	s7 =	ssub.f32 $1.500000000e+00, s12;
	v3 =	vmul.f32 s19, v37;
	[tilespmem:s22+$0x11D90] =	vst v51;
	v52 =	vmul.f32 v1, v55;
	s15 =	smul.f32 s0, s23;
	v1 =	vadd.f32 v10, v8  }
0x1d2: {  	s1 =	smul.f32 s4, s4;
	s16 =	spop (v2sf);
	v7 =	vmul.f32 s25, v41;
	[tilespmem:s22+$0x11DA0] =	vst v15;
	v5 =	vadd.f32 v31, v9;
	v10 =	vmul.f32 s19, v41  }
0x1d3: {  	s20 =	smul.f32 $1.562500000e-02, s16;
	v16 =	vadd.f32 v28, v8;
	v8 =	vmul.f32 s25, v37;
	v33 =	vmul.f32 s15, v37;
	[tilespmem:s17+$0x11DB0] =	vst v1  }
0x1d4: {  	s23 =	smul.f32 s7, s14;
	v34 =	vmul.f32 s15, v41;
	v0 =	vmul.f32 v3, v0;
	v3 =	vadd.f32 v36, v20;
	[tilespmem:s17+$0x11D80] =	vst v5  }
0x1d5: {  	s7 =	smul.f32 s20, s20;
	v28 =	vmul.f32 s15, v45;
	v1 =	vadd.f32 v14, v9;
	v9 =	vmul.f32 s19, v45;
	s19 =	ssub.f32 $1.500000000e+00, s13;
	[tilespmem:s22+$0x11DB0] =	vst v16  }
0x1d6: {  	v32 =	vmul.f32 s23, v44;
	v5 =	vmul.f32 s2, v44;
	s2 =	smul.f32 s24, s24;
	[tilespmem:s17+$0x11DA0] =	vst v3;
	v3 =	vmov s20  }
0x1d7: {  	s29 =	simm.s32 $0x1000;
	v30 =	vmul.f32 s23, v37;
	v22 =	vmul.f32 s23, v41;
	s24 =	spop (v2sf);
	s5 =	smul.f32 s19, s18;
	[tilespmem:s22+$0x11D80] =	vst v1;
	v62 =	vsub.f32 v2, v3  }
0x1d8: {  	s30 =	sadd.s32 $0x8, s30;
	v36 =	vmul.f32 s15, v44;
	s3 =	smul.f32 $1.562500000e-02, s24;
	v56 =	vsub.f32 v4, v3;
	v16 =	vsub.f32 v21, v3;
	s25 =	rddreg [dreg:$0x14]  }
0x1d9: {  	(xrf2) =	vadd.scan.msk.f32 $0xffff, v13;
	s31 =	spop (v2sf);
	v55 =	vsub.f32 v6, v3;
	[smem:$0x7F9] =	sst s26;
	v21 =	vmul.f32 s23, v45;
	v1, _, _ =	vpop (xrf2);
	s0 =	sadd.s32 s25, s26;
	v23 =	vmul.f32 s5, v44  }
0x1da: {  	s8 =	smul.f32 s3, s3;
	s26 =	sor.u32 $0x80, s26;
	(xrf2) =	vadd.scan.msk.f32 $0xffff, v12;
	v44 =	vmul.f32 s5, v37;
	(v2sf) =	vpush v1, $0xF;
	[smem:$0x7F8] =	sst s0;
	v1 =	vmov s3  }
0x1db: {  	v50 =	vmul.f32 s5, v41;
	v43 =	vmul.f32 s5, v45;
	[smem:$0x7FA] =	sst s26;
	s0 =	simm.s32 $0x8;
	(xrf2) =	vadd.scan.msk.f32 $0xffff, v11;
	s3 =	smul.f32 $1.562500000e-02, s31;
	v24 =	vsub.f32 v24, v1  }
.LBB2_3:
0x1dc: {  	v3 =	vld [tilespmem:$0x1FE10];
	_ =	sdelay $0x3  }
0x1dd: {  	v6 =	vld [tilespmem:$0x1FE30]  }
0x1de: {  	v12 =	vsub.f32 v3, v1;
	v3 =	vld [tilespmem:$0x1FE20];
	_ =	sdelay $0x4  }
0x1df: {  	v20 =	vsub.f32 v6, v1;
	v18 =	vsub.f32 v3, v1;
	v3 =	vld [tilespmem:$0x1FC80];
	v1 =	vmov v29  }
0x1e0: {  	[tilespmem:$0x1FC80] =	vst v1;
	v1 =	vld [tilespmem:$0x1FE40];
	_ =	sdelay $0x3  }
0x1e1: {  	v6 =	vmov s3  }
0x1e2: {  	v31 =	vsub.f32 v1, v6;
	v1 =	vld [tilespmem:$0x1FE50];
	_ =	sdelay $0x3  }
0x1e3: {  	v4, _, _ =	vpop (xrf2)  }
0x1e4: {  	(v2sf) =	vpush v4, $0xF;
	v4 =	vmov v59;
	v37 =	vsub.f32 v1, v6;
	v1 =	vld [tilespmem:$0x1FC90]  }
0x1e5: {  	[tilespmem:$0x1FC90] =	vst v4;
	v4 =	vld [tilespmem:$0x1FE60];
	_ =	sdelay $0x4  }
0x1e6: {  	v41 =	vsub.f32 v4, v6;
	v4 =	vld [tilespmem:$0x1FE70]  }
0x1e7: {  	v2 =	vld [tilespmem:s30+$0x3]  }
0x1e8: {  	v11 =	vld [tilespmem:s30+$0xFFFFFFFD]  }
0x1e9: {  	v60 =	vld [tilespmem:s30+$0xFFFFFFFE]  }
0x1ea: {  	v46 =	vld [tilespmem:s30+$0xFFFFFFFF]  }
0x1eb: {  	v1 =	vmul.f32 v9, v1;
	v9 =	vmov v26;
	v45 =	vsub.f32 v4, v6;
	v6 =	vld [tilespmem:$0x1FCA0]  }
0x1ec: {  	[tilespmem:$0x1FCA0] =	vst v9;
	v9 =	vld [tilespmem:$0x1FEA0]  }
0x1ed: {  	[tilespmem:$0x1FB80] =	vst v53;
	v53 =	vld [tilespmem:s30+$0x1];
	s5 =	smul.f32 s3, s3;
	s20 =	spop (v2sf)  }
0x1ee: {  	s21 =	sadd.s32 $0x8, s21;
	v51 =	vld [tilespmem:$0x1FF90];
	s3 =	smul.f32 $1.562500000e-02, s20  }
0x1ef: {  	v14 =	vld [tilespmem:s21+$0x3]  }
0x1f0: {  	v13 =	vmov v61;
	v54 =	vld [tilespmem:s21+$0xFFFFFFFC];
	v61 =	vmov s3  }
0x1f1: {  	v4, _, _ =	vpop (xrf2);
	v49 =	vsub.f32 v9, v61;
	v9 =	vld [tilespmem:$0x1FCE0]  }
0x1f2: {  	[dreg:$0xf] =	wrdreg s22;
	s22 =	spop (v2sf);
	(v2sf) =	vpush v4, $0xF;
	v4 =	vld [tilespmem:$0x1FCB0]  }
0x1f3: {  	(v2sf) =	vpush v2, $0x0;
	v2 =	vld [tilespmem:$0x1FE80]  }
0x1f4: {  	v59 =	vmov v24;
	v24 =	vld [tilespmem:s21+$0xFFFFFFFE]  }
0x1f5: {  	v3 =	vmul.f32 v10, v3;
	v10 =	vld [tilespmem:s30+$0xFFFFFFFC]  }
0x1f6: {  	v26 =	vmov v17;
	v17 =	vld [tilespmem:s30+$0x2];
	v9 =	vmul.f32 v5, v9;
	v5 =	vmov v62  }
0x1f7: {  	[tilespmem:$0x1FCE0] =	vst v5;
	v5 =	vld [tilespmem:$0x1FEB0]  }
0x1f8: {  	[tilespmem:$0x1FBA0] =	vst v47;
	v4 =	vmul.f32 v8, v4;
	v8 =	vmov v58;
	v47 =	vsub.f32 v2, v61;
	v2 =	vld [tilespmem:$0x1FCC0]  }
0x1f9: {  	[tilespmem:$0x1FCB0] =	vst v8;
	v8 =	vld [tilespmem:$0x1FE90]  }
0x1fa: {  	(v2sf) =	vpush v10, $0x0;
	v10 =	vmov v16;
	v16 =	vld [tilespmem:s21+$0xFFFFFFFD]  }
0x1fb: {  	v62 =	vld [tilespmem:$0x1FD90]  }
0x1fc: {  	(v2sf) =	vpush v11, $0x0;
	v6 =	vmul.f32 v42, v6;
	v42 =	vsub.f32 v5, v61;
	v5 =	vld [tilespmem:$0x1FCF0]  }
0x1fd: {  	s23 =	spop (v2sf);
	(v2sf) =	vpush v60, $0x0;
	v60 =	vld [tilespmem:$0x1FD80]  }
0x1fe: {  	v7 =	vmul.f32 v7, v2;
	v2 =	vmov v57;
	v48 =	vsub.f32 v8, v61;
	v8 =	vld [tilespmem:$0x1FCD0]  }
0x1ff: {  	[tilespmem:$0x1FCC0] =	vst v2;
	v2 =	vld [tilespmem:s30+$0x0]  }
0x200: {  	v58 =	vmovc v12;
	v12 =	vmul.f32 v32, v62;
	v32 =	vld [tilespmem:$0x1FDA0];
	v61 =	vmov v20;
	v20 =	vmov v31  }
0x201: {  	[tilespmem:$0x1FD90] =	vst v20;
	v20 =	vld [tilespmem:s21+$0x0];
	v11 =	vmul.f32 v39, v5;
	v5 =	vmov v56  }
0x202: {  	(v2sf) =	vpush v14, $0x0;
	[tilespmem:$0x1FCF0] =	vst v5;
	v5 =	vld [tilespmem:$0x1FD10]  }
0x203: {  	(v2sf) =	vpush v46, $0x0;
	v8 =	vmul.f32 v40, v8;
	v40 =	vld [tilespmem:$0x1FDF0]  }
0x204: {  	s24 =	spop (v2sf);
	v18 =	vmov v18;
	(v2sf) =	vpush v2, $0x0;
	v2 =	vld [tilespmem:$0x1FD70]  }
0x205: {  	s28 =	sadd.s32 $0x8, s28;
	[tilespmem:$0x1FD70] =	vst v18;
	v18 =	vld [tilespmem:s21+$0xFFFFFFFF]  }
0x206: {  	s13 =	rddreg [dreg:$0x8];
	s9 =	smulhi.u32 $0x51EB851F, s28;
	[tilespmem:$0x1FCD0] =	vst v26;
	v26 =	vmul.f32 v28, v60;
	(v2sf) =	vpush v53, $0x0;
	v53 =	vld [tilespmem:$0x1FF50]  }
0x207: {  	s0 =	sadd.s32 $0x8, s0;
	s14 =	rddreg [dreg:$0x9];
	s4 =	smul.f32 s3, s3;
	v56 =	vmul.f32 v38, v5;
	v5 =	vld [tilespmem:$0x1FD20]  }
0x208: {  	[dreg:$0x10] =	wrdreg s0;
	s3 =	smul.f32 $1.562500000e-02, s22;
	[tilespmem:$0x1F9F0] =	vst v26;
	(v2sf) =	vpush v17, $0x0;
	v17 =	vmov v41;
	v41 =	vld [tilespmem:$0x1FE00]  }
0x209: {  	s9 =	sshrl.u32 s9, $0x6;
	[dreg:$0x13] =	wrdreg s4;
	s4 =	smul.f32 $1.562500000e-02, s23;
	[tilespmem:$0x1FAD0] =	vst v12;
	v26 =	vmul.f32 v30, v32;
	v2 =	vmul.f32 v34, v2;
	v34 =	vld [tilespmem:$0x1FDB0]  }
0x20a: {  	s31 =	smul.u32 $0xFFFE7000, s9;
	s3 =	ssub.f32 s3, s10;
	(v2sf) =	vpush v54, $0x0;
	[tilespmem:$0x1FD10] =	vst v10;
	v38 =	vld [tilespmem:$0x1FDE0]  }
0x20b: {  	s2 =	ssub.f32 s4, s2;
	s4 =	spop (v2sf);
	v39 =	vmov v48;
	v48 =	vld [tilespmem:$0x1FF80];
	[tilespmem:$0x1FAE0] =	vst v26;
	(v2sf) =	vpush v16, $0x0  }
0x20c: {  	p0 =	slt.u32 s0, $0x78;
	s0 =	rddreg [dreg:$0x6];
	s25 =	smul.f32 $1.562500000e-02, s24;
	[tilespmem:$0x1FDB0] =	vst v17;
	v17 =	vld [tilespmem:s21+$0x1];
	(v2sf) =	vpush v24, $0x0;
	v57 =	vmul.f32 v35, v5;
	v5 =	vmov v55  }
0x20d: {  	s3 =	sadd.f32 $9.999999960e-13, s3;
	s12 =	spop (v2sf);
	v16 =	vmov v49;
	(v2sf) =	vpush v18, $0x0;
	v18 =	vadd.f32 v63, v53;
	[tilespmem:$0x1FD20] =	vst v5;
	v5 =	vld [tilespmem:$0x1FD40]  }
0x20e: {  	s29 =	sadd.s32 $0x1000, s29;
	s10 =	ssub.f32 s25, s1;
	s6 =	smul.f32 $1.562500000e-02, s4;
	[tilespmem:$0x1FDF0] =	vst v16;
	v24 =	vld [tilespmem:$0x1FF70];
	v0 =	vadd.f32 v0, v53  }
0x20f: {  	s11 =	sshrl.u32 s3, $0x1;
	s23 =	smul.f32 $5.000000000e-01, s3;
	s16 =	spop (v2sf);
	[tilespmem:s17+$0x11A10] =	vst v18;
	v12 =	vmul.f32 v22, v34;
	v35 =	vld [tilespmem:$0x1FDC0];
	v22 =	vmul.f32 v44, v38  }
0x210: {  	s3 =	sshra.s32 s31, $0x2;
	s31 =	sadd.f32 $9.999999960e-13, s2;
	s18 =	spop (v2sf);
	v49 =	vld [tilespmem:$0x1FFA0];
	[tilespmem:s17+$0x11A90] =	vst v0  }
0x211: {  	s26 =	ssub.s32 $0x5F3759DF, s11;
	s11 =	sadd.s32 s3, s0;
	s19 =	sshrl.u32 s18, $0x7;
	v0 =	vadd.f32 v4, v53;
	[tilespmem:$0x1FB20] =	vst v22;
	v22 =	vmul.f32 v43, v41;
	v41 =	vld [tilespmem:$0x1FF60]  }
0x212: {  	s2 =	sshra.s32 s29, $0x2;
	s1 =	sadd.s32 s13, s11;
	s4 =	sand.u32 $0x40, s19;
	(v2sf) =	vpush v20, $0x0;
	[tilespmem:$0x1FDE0] =	vst v39;
	v10 =	vmul.f32 v36, v5;
	v5 =	vld [tilespmem:$0x1FD60]  }
0x213: {  	s1 =	sadd.s32 s14, s1;
	s4 =	sadd.s32 s2, s4;
	v63 =	vld [tilespmem:$0x1FFB0];
	(v2sf) =	vpush v17, $0x0;
	v17 =	vadd.f32 v52, v24;
	[tilespmem:s17+$0x11B10] =	vst v0  }
0x214: {  	s1 =	sadd.s32 s2, s1;
	v20 =	vld [tilespmem:s4+$0x9DB0];
	[tilespmem:$0x1FAF0] =	vst v12;
	v26 =	vmul.f32 v21, v35  }
0x215: {  	v18 =	vld [tilespmem:s1+$0x380];
	v1 =	vadd.f32 v1, v24;
	[tilespmem:s17+$0x11A30] =	vst v17  }
0x216: {  	[tilespmem:$0x1FB00] =	vst v26;
	v26 =	vld [tilespmem:$0x1FF40];
	v3 =	vadd.f32 v3, v41  }
0x217: {  	[tilespmem:s17+$0x11AB0] =	vst v1;
	v5 =	vmul.f32 v33, v5;
	v33 =	vmov v37;
	v37 =	vld [tilespmem:$0x1FDD0]  }
0x218: {  	v4 =	vld [tilespmem:s4+$0x9D80];
	v21 =	vmov v47;
	[tilespmem:s17+$0x11AA0] =	vst v3;
	v3 =	vadd.f32 v7, v41  }
0x219: {  	v39 =	vld [tilespmem:$0x1FFF0];
	v7 =	vadd.f32 v8, v24;
	[tilespmem:$0x1FDD0] =	vst v21  }
0x21a: {  	v17 =	vld [tilespmem:s1+$0x3A0];
	[tilespmem:s17+$0x11B20] =	vst v3  }
0x21b: {  	s20 =	spop (v2sf);
	v8 =	vld [tilespmem:s4+$0x9D90];
	[tilespmem:s17+$0x11B30] =	vst v7;
	v16 =	vadd.f32 v19, v26  }
0x21c: {  	s24 =	spop (v2sf);
	v21 =	vld [tilespmem:s21+$0x2];
	[tilespmem:$0x1FDA0] =	vst v33;
	v12 =	vmul.f32 v23, v37  }
0x21d: {  	s15 =	smul.f32 $1.562500000e-02, s12;
	s13 =	spop (v2sf);
	v19 =	vld [tilespmem:s1+$0x390];
	[tilespmem:s17+$0x11A00] =	vst v16;
	v16 =	vadd.f32 v25, v41  }
0x21e: {  	s3 =	ssub.f32 s6, s7;
	s14 =	spop (v2sf);
	v1 =	vadd.f32 v9, v26;
	v9 =	vadd.f32 v11, v53;
	v11 =	vld [tilespmem:s4+$0x9DA0];
	[tilespmem:$0x1FB10] =	vst v12;
	v12 =	vmul.f32 v50, v40  }
0x21f: {  	s8 =	ssub.f32 s15, s8;
	s15 =	spop (v2sf);
	v6 =	vadd.f32 v6, v26;
	v33 =	vld [tilespmem:$0x1FFE0];
	[tilespmem:s17+$0x11A20] =	vst v16  }
0x220: {  	s7 =	smul.f32 $1.562500000e-02, s16;
	s13 =	sshrl.u32 s13, $0x7;
	s16 =	spop (v2sf);
	v16 =	vadd.f32 v27, v26;
	[tilespmem:$0x1FB30] =	vst v12;
	v12 =	vld [tilespmem:$0x1FFC0]  }
0x221: {  	s14 =	scvt.s32.f32 s14;
	s13 =	sand.u32 $0x40, s13;
	v4 =	vadd.f32 v18, v4;
	s16 =	sshrl.u32 s16, $0x7;
	[tilespmem:s17+$0x11B00] =	vst v6;
	v27 =	vld [tilespmem:$0x1FFD0]  }
0x222: {  	v44 =	vadd.f32 v57, v24;
	s19 =	sand.u32 $0x40, s16;
	s16 =	sadd.s32 s2, s13;
	v3 =	vadd.f32 v5, v53;
	[tilespmem:s17+$0x11A80] =	vst v16;
	v16 =	vld [tilespmem:s1+$0x3B0]  }
0x223: {  	s22 =	sshrl.u32 s20, $0x7;
	[tilespmem:$0x1FB40] =	vst v22;
	v22 =	vmul.f32 s14, v39;
	v0 =	vadd.f32 v10, v26;
	v6 =	vadd.f32 v56, v41;
	v62 =	vld [tilespmem:s16+$0x9B30]  }
0x224: {  	v15, _, _ =	vpop (xrf2);
	s9 =	sand.u32 $0x40, s22;
	[tilespmem:s17+$0x11C10] =	vst v3;
	v3 =	vadd.f32 v2, v41;
	(v2sf) =	vpush v21, $0x0;
	v10 =	vld [tilespmem:s1+$0x0];
	v21 =	vmul.f32 s14, v33  }
0x225: {  	s6 =	sadd.s32 s2, s9;
	[tilespmem:s17+$0x11BB0] =	vst v44;
	v36 =	vmovc v45;
	(v2sf) =	vpush v15, $0xF;
	v23 =	vld [tilespmem:s1+$0x10];
	v8 =	vadd.f32 v19, v8;
	v45 =	vmul.f32 s14, v12  }
0x226: {  	[tilespmem:s17+$0x11B80] =	vst v1;
	v1 =	vld [tilespmem:s6+$0x9A00];
	v7 =	vadd.f32 v21, v49;
	v21 =	vadd.f32 v22, v63;
	v15 =	vmul.f32 s14, v27  }
0x227: {  	s15 =	sshrl.u32 s15, $0x7;
	[tilespmem:s17+$0x11B90] =	vst v9;
	v9 =	vld [tilespmem:s6+$0x9A10];
	v16 =	vadd.f32 v16, v20;
	v5 =	vadd.f32 v45, v48  }
0x228: {  	s11 =	sshrl.u32 s24, $0x7;
	s15 =	sand.u32 $0x40, s15;
	s25 =	spop (v2sf);
	[tilespmem:s17+$0x11BA0] =	vst v6;
	v11 =	vadd.f32 v17, v11;
	v6 =	vld [tilespmem:s6+$0x9A20];
	v46 =	vadd.f32 v15, v51  }
0x229: {  	s11 =	sand.u32 $0x40, s11;
	s18 =	sadd.s32 s2, s15;
	s0 =	spop (v2sf);
	[tilespmem:$0x1FDC0] =	vst v36;
	v36 =	vld [tilespmem:s6+$0x9A30];
	v47 =	vadd.f32 v16, v21;
	v17 =	vadd.f32 v5, v4  }
0x22a: {  	[tilespmem:$0x1FD80] =	vst v61;
	s20 =	spop (v2sf);
	v61 =	vld [tilespmem:s18+$0x9B80];
	s14 =	sshrl.u32 s0, $0x7;
	s0 =	sadd.s32 s2, s11;
	v5 =	vadd.f32 v46, v8;
	v8 =	vadd.f32 v11, v7  }
0x22b: {  	s20 =	scvt.s32.f32 s20;
	s4 =	sshrl.u32 s25, $0x7;
	s25 =	spop (v2sf);
	v57 =	vadd.f32 v10, v1;
	v2 =	vld [tilespmem:s0+$0x9A90];
	v10 =	vmul.f32 v47, v47;
	v7 =	vmul.f32 v17, v17  }
0x22c: {  	s13 =	spop (v2sf);
	v28 =	vld [tilespmem:s18+$0x9BB0];
	v11 =	vmul.f32 v5, v5;
	v1 =	vmul.f32 v8, v8  }
0x22d: {  	[dreg:$0xb] =	wrdreg s28;
	[tilespmem:$0x1FD40] =	vst v59;
	s28 =	scvt.s32.f32 s13;
	v19 =	vmul.f32 s20, v27;
	v59 =	vadd.f32 v23, v9;
	v23 =	vld [tilespmem:s18+$0x9BA0]  }
0x22e: {  	s4 =	sand.u32 $0x40, s4;
	[tilespmem:s17+$0x11C20] =	vst v3;
	v15 =	vld [tilespmem:s1+$0x20];
	v3 =	vmul.f32 s20, v12;
	v16 =	vadd.f32 v11, v7;
	v1 =	vadd.f32 v10, v1  }
0x22f: {  	[tilespmem:$0x1FD60] =	vst v58;
	s9 =	sadd.s32 s2, s4;
	v25 =	vmul.f32 s28, v33;
	v19 =	vadd.f32 v19, v51;
	v21 =	vld [tilespmem:s18+$0x9B90];
	s24 =	sand.u32 $0x40, s14;
	s14 =	sadd.s32 s2, s19  }
0x230: {  	s19 =	spop (v2sf);
	s4 =	sadd.s32 s2, s24;
	s24 =	scvt.s32.f32 s25;
	[tilespmem:$0x1FA00] =	vst v2;
	v2 =	vld [tilespmem:s16+$0x9B00];
	v1 =	vadd.f32 v1, v16;
	v16 =	vadd.f32 v3, v48;
	v3 =	vmul.f32 s28, v27  }
0x231: {  	[tilespmem:s17+$0x11C00] =	vst v0;
	v9 =	vmul.f32 s28, v39;
	v58 =	vld [tilespmem:s0+$0x9A80];
	s15 =	spop (v2sf);
	s19 =	scvt.s32.f32 s19;
	v0 =	vadd.f32 v5, v17;
	v4 =	vadd.f32 v47, v8  }
0x232: {  	[tilespmem:$0x1FA90] =	vst v47;
	s11 =	scvt.s32.f32 s15;
	v20 =	vmul.f32 s24, v12;
	v22 =	vmul.f32 s24, v33;
	v11 =	vadd.f32 v3, v51;
	v3 =	vld [tilespmem:s9+$0x9CB0]  }
0x233: {  	v56 =	vld [tilespmem:s0+$0x9AA0];
	v32 =	vmul.f32 s19, v12;
	v31 =	vmul.f32 s19, v33;
	[tilespmem:$0x1FAA0] =	vst v17;
	v0 =	vadd.f32 v4, v0  }
0x234: {  	v9 =	vadd.f32 v9, v63;
	v54 =	vld [tilespmem:s0+$0x9AB0];
	s22 =	spop (v2sf);
	v34 =	vmul.f32 s11, v12;
	v35 =	vmul.f32 s11, v33;
	[tilespmem:$0x1FAB0] =	vst v5  }
0x235: {  	s15 =	scvt.s32.f32 s22;
	v17 =	vadd.f32 v15, v6;
	v6 =	vmul.f32 s24, v39;
	(xrf2) =	vadd.scan.msk.f32 $0xffff, v0;
	[tilespmem:$0x1FA10] =	vst v2;
	v2 =	vld [tilespmem:s16+$0x9B10]  }
0x236: {  	v30 =	vld [tilespmem:s14+$0x9C00];
	v15 =	vmul.f32 s28, v12;
	v55 =	vadd.f32 v20, v48;
	v20 =	vmul.f32 s11, v27;
	(xrf2) =	vadd.scan.msk.f32 $0xffff, v1  }
0x237: {  	v47 =	vmul.f32 s15, v12;
	v5 =	vadd.f32 v22, v49;
	v50 =	vmul.f32 s15, v27;
	[tilespmem:$0x1FA40] =	vst v3;
	v3 =	vld [tilespmem:s4+$0x9D00]  }
0x238: {  	v38 =	vld [tilespmem:s14+$0x9C10];
	v18 =	vadd.f32 v31, v49;
	v4 =	vmul.f32 s20, v33;
	v14 =	vadd.f32 v6, v63  }
0x239: {  	v43 =	vmovc v42;
	v42 =	vld [tilespmem:s14+$0x9C20];
	[tilespmem:$0x1FAC0] =	vst v8;
	s6 =	spop (v2sf);
	v10 =	vmul.f32 s20, v39;
	v8 =	vadd.f32 v15, v48;
	v15 =	vadd.f32 v32, v48  }
0x23a: {  	s25 =	scvt.s32.f32 s6;
	v32 =	vadd.f32 v47, v48;
	v47 =	vadd.f32 v50, v51;
	v0 =	vmul.f32 s24, v27;
	[tilespmem:$0x1FA20] =	vst v2;
	v2 =	vld [tilespmem:s16+$0x9B20]  }
0x23b: {  	[tilespmem:$0x1FBB0] =	vst v13;
	v44 =	vld [tilespmem:s14+$0x9C30];
	v29 =	vadd.f32 v4, v49;
	v37 =	vadd.f32 v10, v63;
	v10 =	vmul.f32 s19, v39  }
0x23c: {  	v13 =	vadd.f32 v0, v51;
	v1 =	vmul.f32 s25, v12;
	v12 =	vadd.f32 v25, v49;
	[tilespmem:$0x1FA50] =	vst v3;
	v3 =	vld [tilespmem:s4+$0x9D10]  }
0x23d: {  	v22 =	vld [tilespmem:s1+$0x30];
	v0 =	vmul.f32 s15, v39;
	v31 =	vadd.f32 v10, v63;
	v10 =	vadd.f32 v34, v48  }
0x23e: {  	v60 =	vmul.f32 s25, v33;
	v25 =	vadd.f32 v20, v51;
	v7 =	vadd.f32 v17, v29;
	v17 =	vld [tilespmem:$0x1FA00]  }
0x23f: {  	v20 =	vadd.f32 v35, v49;
	v6, _, _ =	vpop (xrf2);
	[tilespmem:$0x1FA30] =	vst v2;
	v2 =	vmul.f32 s15, v33;
	v33 =	vadd.f32 v0, v63;
	v0 =	vld [tilespmem:s1+$0xA0]  }
0x240: {  	s22 =	spop (v2sf);
	v4 =	vmul.f32 s19, v27;
	v48 =	vadd.f32 v1, v48;
	v1 =	vld [tilespmem:s1+$0x90];
	(v2sf) =	vpush v6, $0xF;
	v6, _, _ =	vpop (xrf2)  }
0x241: {  	v35 =	vadd.f32 v60, v49;
	(v2sf) =	vpush v6, $0xF;
	[tilespmem:$0x1FA60] =	vst v3;
	v3 =	vld [tilespmem:s4+$0x9D20]  }
0x242: {  	v40 =	vmul.f32 s11, v39;
	v6 =	vadd.f32 v4, v51;
	v50 =	vadd.f32 v2, v49;
	v2 =	vld [tilespmem:s1+$0x80]  }
0x243: {  	v52 =	vmul.f32 s25, v27;
	v4 =	vadd.f32 v16, v57;
	v49 =	vadd.f32 v19, v59;
	v16 =	vld [tilespmem:s1+$0xB0]  }
0x244: {  	[tilespmem:$0x1FE00] =	vst v43;
	v27 =	vmul.f32 s25, v39;
	v19 =	vadd.f32 v22, v36;
	v22 =	vld [tilespmem:$0x1F9F0];
	v0 =	vadd.f32 v0, v56  }
0x245: {  	v43 =	vadd.f32 v40, v63;
	[tilespmem:$0x1FB60] =	vst v49;
	v36 =	vadd.f32 v49, v4;
	v59 =	vmul.f32 v49, v49;
	v49 =	vld [tilespmem:$0x1FA20]  }
0x246: {  	v34 =	vadd.f32 v27, v63;
	v63 =	vadd.f32 v0, v5;
	v0 =	vld [tilespmem:$0x1FA10];
	[tilespmem:$0x1FA70] =	vst v3;
	v3 =	vmul.f32 v4, v4  }
0x247: {  	[tilespmem:$0x1FB50] =	vst v4;
	v4 =	vld [tilespmem:s1+$0x110]  }
0x248: {  	v29 =	vadd.f32 v1, v17;
	[tilespmem:$0x1FA80] =	vst v3;
	v3 =	vld [tilespmem:s1+$0x100]  }
0x249: {  	v1 =	vld [tilespmem:s1+$0x120];
	v27 =	vadd.f32 v22, v24;
	v2 =	vadd.f32 v2, v58  }
0x24a: {  	v52 =	vadd.f32 v52, v51;
	v51 =	vadd.f32 v16, v54;
	v16 =	vld [tilespmem:s1+$0x180]  }
0x24b: {  	[tilespmem:s17+$0x11C30] =	vst v27;
	v27 =	vadd.f32 v55, v2;
	v2 =	vld [tilespmem:s1+$0x130]  }
0x24c: {  	s12 =	sshrl.u32 s31, $0x1;
	s5 =	ssub.f32 s7, s5;
	s7 =	smul.f32 $5.000000000e-01, s31;
	v55 =	vld [tilespmem:s1+$0x1A0];
	v4 =	vadd.f32 v4, v49  }
0x24d: {  	s12 =	ssub.s32 $0x5F3759DF, s12;
	v0 =	vadd.f32 v3, v0;
	v3 =	vld [tilespmem:s1+$0x190]  }
0x24e: {  	s31 =	sadd.f32 $9.999999960e-13, s3;
	s3 =	smul.f32 s12, s7;
	v54 =	vadd.f32 v11, v4;
	v11 =	vld [tilespmem:s1+$0x200]  }
0x24f: {  	s13 =	smul.f32 s26, s23;
	v58 =	vadd.f32 v8, v0;
	v8 =	vld [tilespmem:s1+$0x1B0]  }
0x250: {  	s10 =	sadd.f32 $9.999999960e-13, s10;
	s3 =	smul.f32 s12, s3;
	v4 =	vadd.f32 v2, v62;
	v0 =	vld [tilespmem:$0x1FA30]  }
0x251: {  	s8 =	sadd.f32 $9.999999960e-13, s8;
	s13 =	smul.f32 s26, s13;
	v60 =	vadd.f32 v51, v14;
	v51 =	vadd.f32 v16, v61  }
0x252: {  	v45 =	vld [tilespmem:s9+$0x9C80];
	s6 =	rddreg [dreg:$0x13];
	s0 =	smul.f32 $1.562500000e-02, s22;
	v62 =	vadd.f32 v4, v9;
	v3 =	vadd.f32 v3, v21  }
0x253: {  	v46 =	vld [tilespmem:s9+$0x9C90];
	s20 =	sshrl.u32 s31, $0x1;
	s31 =	smul.f32 $5.000000000e-01, s31;
	s22 =	sadd.f32 $9.999999960e-13, s5;
	v4 =	vadd.f32 v55, v23;
	v11 =	vadd.f32 v11, v30  }
0x254: {  	s0 =	ssub.f32 s0, s6;
	s6 =	smul.f32 $5.000000000e-01, s10;
	v61 =	vld [tilespmem:s1+$0x210];
	v3 =	vadd.f32 v6, v3;
	v6 =	vadd.f32 v8, v28  }
0x255: {  	s18 =	ssub.s32 $0x5F3759DF, s20;
	s24 =	sshrl.u32 s10, $0x1;
	s10 =	smul.f32 $5.000000000e-01, s22;
	v39 =	vld [tilespmem:s9+$0x9CA0];
	v16 =	vadd.f32 v4, v18;
	v0 =	vadd.f32 v1, v0  }
0x256: {  	s19 =	sshrl.u32 s22, $0x1;
	s22 =	smul.f32 s18, s31;
	v4 =	vadd.f32 v6, v31;
	v6 =	vadd.f32 v10, v11;
	v10 =	vld [tilespmem:s1+$0x2B0]  }
0x257: {  	s5 =	smul.f32 $5.000000000e-01, s8;
	s9 =	ssub.f32 $1.500000000e+00, s13;
	v57 =	vadd.f32 v0, v12;
	v0 =	vld [tilespmem:$0x1FA40]  }
0x258: {  	s0 =	sadd.f32 $9.999999960e-13, s0;
	s22 =	smul.f32 s18, s22;
	v9 =	vld [tilespmem:s1+$0x220]  }
0x259: {  	s13 =	ssub.f32 $1.500000000e+00, s3;
	s3 =	smul.f32 s26, s9;
	v30 =	vadd.f32 v61, v38;
	v8 =	vld [tilespmem:s1+$0x280]  }
0x25a: {  	s16 =	ssub.s32 $0x5F3759DF, s24;
	s24 =	sshrl.u32 s8, $0x1;
	s8 =	smul.f32 $5.000000000e-01, s0;
	v12 =	vld [tilespmem:s1+$0x230]  }
0x25b: {  	s20 =	ssub.s32 $0x5F3759DF, s24;
	s24 =	sshrl.u32 s0, $0x1;
	s0 =	smul.f32 s16, s6;
	v55 =	vadd.f32 v25, v30;
	v25 =	vld [tilespmem:s1+$0x300]  }
0x25c: {  	s11 =	ssub.s32 $0x5F3759DF, s19;
	s19 =	ssub.s32 $0x5F3759DF, s24;
	s14 =	smul.f32 s20, s5;
	v10 =	vadd.f32 v10, v0;
	v0 =	vld [tilespmem:$0x1FA50]  }
0x25d: {  	s24 =	smul.f32 s19, s8  }
0x25e: {  	v40 =	vld [tilespmem:s4+$0x9D30];
	s0 =	smul.f32 s16, s0;
	v9 =	vadd.f32 v9, v42  }
0x25f: {  	s14 =	smul.f32 s20, s14;
	v17 =	vadd.f32 v13, v29;
	v14 =	vld [tilespmem:s1+$0x290];
	v12 =	vadd.f32 v12, v44  }
0x260: {  	s15 =	smul.f32 s11, s10;
	v61 =	vadd.f32 v9, v20;
	v20 =	vld [tilespmem:s1+$0x310];
	v8 =	vadd.f32 v8, v45  }
0x261: {  	s24 =	smul.f32 s19, s24;
	v45 =	vadd.f32 v12, v43;
	v43 =	vadd.f32 v25, v0;
	v0 =	vld [tilespmem:$0x1FA60]  }
0x262: {  	s25 =	smul.f32 s11, s15;
	s15 =	ssub.f32 $1.500000000e+00, s14;
	v13 =	vmul.f32 v17, v17;
	[tilespmem:$0x1FB90] =	vst v17;
	v5 =	vmov v17;
	v17 =	vld [tilespmem:s1+$0x330]  }
0x263: {  	s0 =	ssub.f32 $1.500000000e+00, s0;
	s14 =	smul.f32 s12, s13;
	v31 =	vld [tilespmem:s1+$0x2A0]  }
0x264: {  	s22 =	ssub.f32 $1.500000000e+00, s22;
	s12 =	smul.f32 s20, s15  }
0x265: {  	s4 =	smul.f32 s16, s0;
	v14 =	vadd.f32 v14, v46;
	v30 =	vld [tilespmem:s1+$0x320]  }
0x266: {  	v37 =	vadd.f32 v19, v37;
	s16 =	smul.f32 s18, s22;
	s20 =	spop (v2sf);
	v20 =	vadd.f32 v20, v0;
	v0 =	vld [tilespmem:$0x1FA70]  }
0x267: {  	v17 =	vadd.f32 v17, v40;
	s9 =	smul.f32 $1.562500000e-02, s20;
	v47 =	vadd.f32 v47, v14;
	s22 =	spop (v2sf)  }
0x268: {  	s26 =	ssub.f32 $1.500000000e+00, s25;
	s0 =	smul.f32 $1.562500000e-02, s22;
	v46 =	vadd.f32 v32, v8;
	v8 =	vadd.f32 v31, v39  }
0x269: {  	s25 =	ssub.f32 $1.500000000e+00, s24;
	s24 =	smul.f32 s9, s9;
	v32 =	vadd.f32 v5, v27;
	v5 =	vadd.f32 v17, v34  }
0x26a: {  	[tilespmem:$0x1FE50] =	vst v47;
	v18 =	vadd.f32 v10, v33;
	v48 =	vadd.f32 v48, v43  }
0x26b: {  	s0 =	ssub.f32 s0, s24;
	v42 =	vmul.f32 v61, v61;
	[tilespmem:$0x1FE20] =	vst v61;
	v44 =	vadd.f32 v30, v0;
	v0 =	vadd.f32 v52, v20  }
0x26c: {  	v10 =	vmul.f32 v47, v47;
	v31 =	vmul.f32 v45, v45;
	[tilespmem:$0x1FE30] =	vst v45;
	v61 =	vadd.f32 v45, v61  }
0x26d: {  	s0 =	sadd.f32 $9.999999960e-13, s0;
	v45 =	vadd.f32 v47, v46;
	[tilespmem:$0x1FE90] =	vst v0;
	v17 =	vmul.f32 v0, v0;
	v47 =	vadd.f32 v0, v48;
	v0 =	vld [tilespmem:$0x1FA80];
	_ =	sdelay $0x1  }
0x26e: {  	v19 =	vmul.f32 v37, v37;
	s28 =	sshrl.u32 s0, $0x1;
	s18 =	smul.f32 $5.000000000e-01, s0  }
0x26f: {  	v51 =	vadd.f32 v15, v51;
	v2 =	vmul.f32 v58, v58;
	v1 =	vmul.f32 v54, v54;
	s0 =	ssub.s32 $0x5F3759DF, s28  }
0x270: {  	v22 =	vmul.f32 v7, v7;
	s28 =	smul.f32 s0, s18;
	v33 =	vadd.f32 v60, v63;
	v20 =	vadd.f32 v37, v7  }
0x271: {  	s26 =	smul.f32 s11, s26;
	v59 =	vadd.f32 v59, v0;
	v0 =	vadd.f32 v1, v2;
	v1 =	vld [tilespmem:$0x1FA90]  }
0x272: {  	v19 =	vadd.f32 v19, v22;
	v23 =	vmul.f32 v62, v62;
	s28 =	smul.f32 s0, s28;
	v20 =	vadd.f32 v20, v36  }
0x273: {  	s25 =	smul.f32 s19, s25;
	v28 =	vmul.f32 v51, v51;
	v40 =	vadd.f32 v3, v51;
	v22 =	vadd.f32 v33, v32  }
0x274: {  	s19 =	smul.f32 s26, s10;
	v15 =	vmul.f32 v3, v3;
	s1 =	ssub.f32 $1.500000000e+00, s28;
	v52 =	vadd.f32 v44, v35;
	v44 =	vadd.f32 v4, v16;
	(xrf2) =	vadd.scan.msk.f32 $0xffff, v20  }
0x275: {  	s13 =	smul.f32 s25, s8;
	v34 =	vadd.f32 v54, v58;
	v39 =	vadd.f32 v62, v57;
	(xrf2) =	vadd.scan.msk.f32 $0xffff, v22;
	v22 =	vmov s9  }
0x276: {  	v21 =	vmul.f32 v57, v57;
	s0 =	smul.f32 s0, s1;
	v20 =	vadd.f32 v44, v40;
	v40 =	vsub.f32 v1, v22;
	v1 =	vld [tilespmem:$0x1FAA0]  }
0x277: {  	[tilespmem:$0x1FB70] =	vst v7;
	v9 =	vmul.f32 v6, v6;
	s1 =	smul.f32 s19, s26;
	v12 =	vmul.f32 v55, v55;
	v7 =	vadd.f32 v39, v34  }
0x278: {  	v15 =	vadd.f32 v15, v28;
	s19 =	smul.f32 s0, s18;
	v2 =	vadd.f32 v23, v21  }
0x279: {  	s13 =	smul.f32 s13, s25;
	v9 =	vadd.f32 v12, v9;
	v28 =	vadd.f32 v31, v42;
	(xrf2) =	vadd.scan.msk.f32 $0xffff, v7  }
0x27a: {  	v49 =	vmul.f32 v63, v63;
	s28 =	ssub.f32 $1.500000000e+00, s1;
	s19 =	smul.f32 s19, s0;
	(xrf2) =	vadd.scan.msk.f32 $0xffff, v20;
	v20 =	vadd.f32 v2, v0  }
0x27b: {  	s11 =	smul.f32 s14, s7;
	s1 =	ssub.f32 $1.500000000e+00, s13;
	v0 =	vadd.f32 v28, v9;
	v9 =	vsub.f32 v1, v22;
	v1 =	vld [tilespmem:$0x1FAB0]  }
0x27c: {  	v29 =	vmul.f32 v60, v60;
	s13 =	ssub.f32 $1.500000000e+00, s19  }
0x27d: {  	s11 =	smul.f32 s11, s14;
	[tilespmem:$0x1FEB0] =	vst v5;
	v43 =	vmul.f32 v5, v5  }
0x27e: {  	s0 =	smul.f32 s13, s0;
	v35 =	vmul.f32 v52, v52;
	[tilespmem:$0x1FEA0] =	vst v52;
	v52 =	vadd.f32 v5, v52;
	v5 =	vadd.f32 v29, v49;
	v49, _, _ =	vpop (xrf2)  }
0x27f: {  	s11 =	ssub.f32 $1.500000000e+00, s11;
	v50 =	vadd.f32 v8, v50;
	(v2sf) =	vpush v49, $0xF;
	v2, _, _ =	vpop (xrf2)  }
0x280: {  	v8 =	vmul.f32 v46, v46;
	s19 =	smul.f32 s0, s18;
	(v2sf) =	vpush v2, $0xF;
	v2 =	vsub.f32 v1, v22;
	v1 =	vld [tilespmem:$0x1FAC0]  }
0x281: {  	s14 =	smul.f32 s11, s14;
	v25 =	vmul.f32 v50, v50;
	v30 =	vmul.f32 v18, v18  }
0x282: {  	s11 =	smul.f32 s19, s0  }
0x283: {  	v44 =	vld [tilespmem:$0x1FF00];
	v7 =	vadd.f32 v10, v8;
	v8 =	vadd.f32 v30, v25  }
0x284: {  	v14 =	vmul.f32 v48, v48;
	[tilespmem:$0x1FE80] =	vst v48;
	s11 =	ssub.f32 $1.500000000e+00, s11;
	v48 =	vld [tilespmem:$0x1FF30]  }
0x285: {  	v12 =	vadd.f32 v8, v7;
	v8 =	vsub.f32 v1, v22;
	v1 =	vld [tilespmem:$0x1FAD0]  }
0x286: {  	s0 =	smul.f32 s11, s0  }
0x287: {  	[tilespmem:$0x1FE40] =	vst v46  }
0x288: {  	[tilespmem:$0x1FE60] =	vst v50;
	v46 =	vadd.f32 v18, v50;
	v50 =	vmul.f32 s0, v44  }
0x289: {  	s15 =	smul.f32 s3, s23;
	v23 =	vmul.f32 s0, v48  }
0x28a: {  	v50 =	vmul.f32 v50, v9;
	v9 =	vadd.f32 v1, v26;
	v1 =	vld [tilespmem:$0x1FAE0]  }
0x28b: {  	s15 =	smul.f32 s15, s3;
	[tilespmem:$0x1FE10] =	vst v55;
	v55 =	vadd.f32 v55, v6;
	v10 =	vmul.f32 v23, v40;
	_ =	sdelay $0x1  }
0x28c: {  	s15 =	ssub.f32 $1.500000000e+00, s15;
	v21 =	vadd.f32 v61, v55;
	v55 =	vld [tilespmem:$0x1FF10];
	v10 =	vadd.f32 v10, v24;
	_ =	sdelay $0x1  }
0x28d: {  	s3 =	smul.f32 s15, s3;
	[tilespmem:s2+$0x11DB0] =	vst v10;
	v10 =	vadd.f32 v1, v53;
	v1 =	vld [tilespmem:$0x1FAF0]  }
0x28e: {  	s7 =	smul.f32 s14, s7  }
0x28f: {  	s20 =	smul.f32 s4, s6  }
0x290: {  	s7 =	smul.f32 s7, s14;
	v14 =	vadd.f32 v17, v14;
	v17 =	vmul.f32 s0, v55  }
0x291: {  	s22 =	smul.f32 s16, s31  }
0x292: {  	s24 =	smul.f32 s12, s5;
	v23 =	vadd.f32 v52, v47;
	v52 =	vmul.f32 v17, v2;
	v2 =	vadd.f32 v1, v41;
	v1 =	vld [tilespmem:$0x1FB00]  }
0x293: {  	s20 =	smul.f32 s20, s4  }
0x294: {  	s7 =	ssub.f32 $1.500000000e+00, s7;
	s24 =	smul.f32 s24, s12  }
0x295: {  	s22 =	smul.f32 s22, s16;
	s20 =	ssub.f32 $1.500000000e+00, s20  }
0x296: {  	s7 =	smul.f32 s7, s14;
	s24 =	ssub.f32 $1.500000000e+00, s24;
	v7, _, _ =	vpop (xrf2)  }
0x297: {  	s4 =	smul.f32 s20, s4;
	(v2sf) =	vpush v7, $0xF;
	v7 =	vadd.f32 v1, v24;
	v1 =	vld [tilespmem:$0x1FB10]  }
0x298: {  	s12 =	smul.f32 s24, s12  }
0x299: {  	s6 =	smul.f32 s4, s6  }
0x29a: {  	s5 =	smul.f32 s12, s5;
	v61 =	vld [tilespmem:$0x1FF20]  }
0x29b: {  	s22 =	ssub.f32 $1.500000000e+00, s22;
	s6 =	smul.f32 s6, s4  }
0x29c: {  	s5 =	smul.f32 s5, s12;
	(xrf2) =	vadd.scan.msk.f32 $0xffff, v21;
	v21 =	vadd.f32 v1, v26;
	v1 =	vld [tilespmem:$0x1FB20]  }
0x29d: {  	s16 =	smul.f32 s22, s16;
	s6 =	ssub.f32 $1.500000000e+00, s6;
	v31 =	vadd.f32 v46, v45  }
0x29e: {  	s24 =	smul.f32 s3, s23;
	s5 =	ssub.f32 $1.500000000e+00, s5  }
0x29f: {  	s6 =	smul.f32 s6, s4;
	v19 =	vadd.f32 v19, v59;
	v30 =	vmul.f32 s0, v61;
	(xrf2) =	vadd.scan.msk.f32 $0xffff, v31  }
0x2a0: {  	s14 =	smul.f32 s5, s12;
	(xrf2) =	vadd.scan.msk.f32 $0xffff, v23  }
0x2a1: {  	s20 =	smul.f32 s28, s26;
	v17 =	vmul.f32 v30, v8;
	v8, _, _ =	vpop (xrf2);
	(xrf2) =	vadd.scan.msk.f32 $0xffff, v19;
	v19 =	vadd.f32 v1, v53;
	v1 =	vld [tilespmem:$0x1FB30]  }
0x2a2: {  	s22 =	smul.f32 s1, s25  }
0x2a3: {  	s25 =	smul.f32 s16, s31  }
0x2a4: {  	s31 =	smul.f32 s24, s3  }
0x2a5: {  	s10 =	smul.f32 s20, s10  }
0x2a6: {  	s26 =	smul.f32 s22, s8;
	v22 =	vadd.f32 v1, v41;
	v1 =	vld [tilespmem:$0x1FB40]  }
0x2a7: {  	s9 =	smul.f32 s25, s16  }
0x2a8: {  	v56 =	vmul.f32 v27, v27;
	s8 =	ssub.f32 $1.500000000e+00, s31;
	s0 =	smul.f32 s26, s22  }
0x2a9: {  	s10 =	smul.f32 s10, s20;
	s9 =	ssub.f32 $1.500000000e+00, s9  }
0x2aa: {  	v13 =	vadd.f32 v13, v56;
	v38 =	vmul.f32 v16, v16;
	v11 =	vmul.f32 v4, v4;
	s3 =	smul.f32 s8, s3;
	s0 =	ssub.f32 $1.500000000e+00, s0  }
0x2ab: {  	s11 =	ssub.f32 $1.500000000e+00, s10;
	s13 =	smul.f32 s9, s16;
	(v2sf) =	vpush v8, $0xF;
	[tilespmem:s17+$0x11D00] =	vst v21;
	v21 =	vadd.f32 v1, v24;
	v1 =	vld [tilespmem:$0x1FB50]  }
0x2ac: {  	v11 =	vadd.f32 v11, v38;
	s16 =	smul.f32 s0, s22;
	s18 =	spop (v2sf)  }
0x2ad: {  	v25 =	vadd.f32 v43, v35;
	v5 =	vadd.f32 v5, v13;
	v45 =	vmul.f32 s3, v61;
	s0 =	smul.f32 $1.562500000e-02, s18  }
0x2ae: {  	s15 =	smul.f32 s11, s20;
	v38 =	vmul.f32 s13, v61;
	v34 =	vmul.f32 s14, v61;
	v13 =	vadd.f32 v50, v26;
	[tilespmem:s17+$0x11C90] =	vst v10  }
0x2af: {  	v50 =	vmul.f32 s16, v61;
	v56 =	vmov s0;
	v10 =	vmul.f32 s7, v61;
	[tilespmem:s17+$0x11CB0] =	vst v7  }
0x2b0: {  	v7 =	vmul.f32 s6, v61;
	[tilespmem:s17+$0x11D20] =	vst v22;
	v22 =	vmul.f32 s15, v61;
	v61 =	vsub.f32 v1, v56;
	v1 =	vld [tilespmem:$0x1FB60]  }
0x2b1: {  	v15 =	vadd.f32 v11, v15;
	v46 =	vmul.f32 s3, v48;
	v8, _, _ =	vpop (xrf2)  }
0x2b2: {  	v11 =	vadd.f32 v25, v14;
	v25 =	vmul.f32 s3, v44;
	(xrf2) =	vadd.scan.msk.f32 $0xffff, v5;
	(v2sf) =	vpush v8, $0xF  }
0x2b3: {  	v42 =	vmul.f32 s6, v44;
	v36 =	vmul.f32 s14, v44;
	v23, _, _ =	vpop (xrf2);
	(xrf2) =	vadd.scan.msk.f32 $0xffff, v20  }
0x2b4: {  	v28 =	vmul.f32 s14, v48;
	v32 =	vmul.f32 s15, v44;
	(v2sf) =	vpush v23, $0xF  }
0x2b5: {  	v35 =	vmul.f32 s13, v48;
	v39 =	vmul.f32 s13, v55;
	s20 =	spop (v2sf);
	v20 =	vsub.f32 v1, v56;
	v1 =	vld [tilespmem:$0x1FB80]  }
0x2b6: {  	v33 =	vmul.f32 s14, v55;
	v47 =	vmul.f32 s7, v44;
	s23 =	smul.f32 $1.562500000e-02, s20;
	[tilespmem:s17+$0x11D10] =	vst v19;
	v19, _, _ =	vpop (xrf2);
	(xrf2) =	vadd.scan.msk.f32 $0xffff, v15  }
0x2b7: {  	v40 =	vmul.f32 s6, v48;
	v31 =	vmul.f32 s3, v55;
	s24 =	spop (v2sf);
	s10 =	smul.f32 s0, s0;
	v59, _, _ =	vpop (xrf2);
	(xrf2) =	vadd.scan.msk.f32 $0xffff, v0;
	v0 =	vld [tilespmem:$0x1FB70]  }
0x2b8: {  	v43 =	vmul.f32 s16, v48;
	v30 =	vmul.f32 s15, v55;
	v17 =	vadd.f32 v17, v41;
	s0 =	smul.f32 $1.562500000e-02, s24  }
0x2b9: {  	s22 =	smov.u32 s2;
	v14 =	vadd.f32 v52, v53;
	v5 =	vmul.f32 s13, v44;
	v8 =	vmul.f32 s6, v55  }
0x2ba: {  	[tilespmem:s22+$0x11D80] =	vst v13;
	s1 =	smul.f32 s0, s0;
	s25 =	spop (v2sf);
	v15 =	vmov s23;
	(v2sf) =	vpush v19, $0xF;
	v19 =	vmul.f32 v25, v1;
	v1 =	vld [tilespmem:$0x1FB90]  }
0x2bb: {  	[tilespmem:s22+$0x11DA0] =	vst v17;
	v23 =	vmul.f32 s16, v44;
	v29 =	vsub.f32 v63, v15;
	v63 =	vld [tilespmem:$0x1FEC0];
	v24 =	vmov s0;
	s0 =	smul.f32 $1.562500000e-02, s25  }
0x2bc: {  	v44 =	vmul.f32 s16, v55;
	v13 =	vsub.f32 v37, v56;
	v17, _, _ =	vpop (xrf2);
	(xrf2) =	vadd.scan.msk.f32 $0xffff, v12;
	v0 =	vsub.f32 v0, v56  }
0x2bd: {  	(v2sf) =	vpush v59, $0xF;
	v59 =	vsub.f32 v60, v15;
	v37, _, _ =	vpop (xrf2);
	(xrf2) =	vadd.scan.msk.f32 $0xffff, v11;
	v11 =	vld [tilespmem:$0x1FEE0];
	v49 =	vmov s0  }
0x2be: {  	[tilespmem:s17+$0x11CA0] =	vst v2;
	v2 =	vmul.f32 s7, v55;
	(v2sf) =	vpush v17, $0xF;
	v55 =	vsub.f32 v4, v49;
	v4 =	vmovc v0;
	v0 =	vld [tilespmem:$0x1FBB0]  }
0x2bf: {  	[tilespmem:s17+$0x11C80] =	vst v9;
	v9 =	vmul.f32 s7, v48;
	v26 =	vsub.f32 v58, v24;
	v53 =	vmovc v61;
	v61 =	vsub.f32 v1, v15;
	v1 =	vld [tilespmem:$0x1FBA0]  }
0x2c0: {  	[tilespmem:$0x1FE70] =	vst v18;
	v41 =	vld [tilespmem:$0x1FED0];
	v63 =	vmul.f32 v31, v63;
	v58 =	vsub.f32 v54, v24;
	v57 =	vsub.f32 v57, v24;
	s7 =	smul.f32 s0, s0  }
.Ltmp2:
0x2c1: {  	s26 =	spop (v2sf);
	v17 =	vsub.f32 v62, v24;
	[tilespmem:s17+$0x11D30] =	vst v21;
	v21 =	vmul.f32 s15, v48;
	v48 =	vsub.f32 v27, v15;
	(pc) =	sbr.rel @p0 .LBB2_3-.Ltmp2, $4  }
0x2c2: {  	s28 =	rddreg [dreg:$0xb];
	[tilespmem:s22+$0x11D90] =	vst v14;
	s0 =	smul.f32 $1.562500000e-02, s26;
	v27 =	vmul.f32 v47, v11;
	v62 =	vsub.f32 v51, v49;
	v16 =	vsub.f32 v16, v49  }
0x2c3: {  	s2 =	smul.f32 s23, s23;
	s31 =	spop (v2sf);
	(v2sf) =	vpush v37, $0xF;
	[tilespmem:$0x1FED0] =	vst v4;
	v0 =	vmul.f32 v2, v0;
	v2 =	vmovc v48;
	v56 =	vsub.f32 v3, v49  }
0x2c4: {  	s30 =	sadd.s32 $0x8, s30;
	s19 =	rddreg [dreg:$0xf];
	s3 =	smul.f32 $1.562500000e-02, s31;
	[tilespmem:$0x1FEE0] =	vst v2;
	v3, _, _ =	vpop (xrf2);
	v11 =	vmov v20;
	v52 =	vmul.f32 v46, v1;
	v1 =	vmov s0  }
0x2c5: {  	s17 =	smov.u32 s19;
	v47 =	vmovc v13;
	s8 =	smul.f32 s0, s0;
	(v2sf) =	vpush v3, $0xF;
	[tilespmem:$0x1FEC0] =	vst v11;
	v25 =	vmul.f32 v45, v41;
	s0 =	rddreg [dreg:$0x10];
	v24 =	vsub.f32 v6, v1  }
0x2c6: {  	_ = 	snop  }
0x2c7: {  	v2, _, _ =	vpop (xrf2)  }
0x2c8: {  	(v2sf) =	vpush v2, $0xF;
	v2, _, _ =	vpop (xrf2)  }
0x2c9: {  	v41 =	vld [tilespmem:$0x1FF40];
	(v2sf) =	vpush v2, $0xF;
	_ =	sdelay $0x1  }
0x2ca: {  	v37 =	vld [tilespmem:$0x1FF50];
	v2, _, _ =	vpop (xrf2)  }
0x2cb: {  	s6 =	smul.f32 s3, s3;
	(v2sf) =	vpush v2, $0xF;
	s0 =	spop (v2sf)  }
0x2cc: {  	s5 =	smul.f32 $1.562500000e-02, s0;
	s4 =	spop (v2sf)  }
0x2cd: {  	v2 =	vadd.f32 v19, v41;
	s4 =	smul.f32 $1.562500000e-02, s4  }
0x2ce: {  	s12 =	smul.f32 s5, s5  }
0x2cf: {  	v3 =	vadd.f32 v63, v37;
	s14 =	spop (v2sf);
	[tilespmem:s17+$0x11A00] =	vst v2;
	s13 =	ssub.f32 s4, s10  }
0x2d0: {  	v45 =	vld [tilespmem:$0x1FF60];
	s4 =	smul.f32 $1.562500000e-02, s14  }
0x2d1: {  	[tilespmem:s17+$0x11A10] =	vst v3;
	s0 =	sadd.f32 $9.999999960e-13, s13;
	s9 =	spop (v2sf)  }
0x2d2: {  	v31 =	vld [tilespmem:$0x1FF70];
	s2 =	ssub.f32 s4, s2;
	s15 =	smul.f32 $1.562500000e-02, s9  }
0x2d3: {  	s9 =	smul.f32 $5.000000000e-01, s0  }
0x2d4: {  	v4 =	vld [tilespmem:$0x1FC80];
	s2 =	sadd.f32 $9.999999960e-13, s2;
	s0 =	sshrl.u32 s0, $0x1;
	s16 =	spop (v2sf)  }
0x2d5: {  	v2 =	vadd.f32 v25, v45;
	s0 =	ssub.s32 $0x5F3759DF, s0;
	s1 =	ssub.f32 s15, s1;
	s4 =	smul.f32 $1.562500000e-02, s16  }
0x2d6: {  	s14 =	smul.f32 s0, s9;
	s18 =	spop (v2sf)  }
0x2d7: {  	v3 =	vadd.f32 v52, v31;
	[tilespmem:s17+$0x11A20] =	vst v2;
	s10 =	smul.f32 $1.562500000e-02, s18;
	s11 =	spop (v2sf)  }
0x2d8: {  	v2 =	vadd.f32 v27, v41;
	v6 =	vld [tilespmem:$0x1FC90];
	s4 =	ssub.f32 s4, s7;
	s14 =	smul.f32 s0, s14  }
0x2d9: {  	v4 =	vmul.f32 v10, v4;
	[tilespmem:s17+$0x11A30] =	vst v3;
	s1 =	sadd.f32 $9.999999960e-13, s1;
	s19 =	smul.f32 $1.562500000e-02, s11  }
0x2da: {  	s23 =	sshrl.u32 s2, $0x1;
	v3 =	vld [tilespmem:$0x1FCA0];
	[tilespmem:s17+$0x11A80] =	vst v2;
	s20 =	spop (v2sf);
	s11 =	smul.f32 $5.000000000e-01, s2  }
0x2db: {  	s13 =	ssub.s32 $0x5F3759DF, s23;
	v2 =	vadd.f32 v4, v45;
	v4 =	vld [tilespmem:$0x1FCB0];
	s10 =	ssub.f32 s10, s8;
	s21 =	smul.f32 $1.562500000e-02, s20  }
0x2dc: {  	s8 =	smul.f32 $5.000000000e-01, s1;
	s25 =	sadd.f32 $9.999999960e-13, s4  }
0x2dd: {  	v0 =	vadd.f32 v0, v37;
	s1 =	sshrl.u32 s1, $0x1;
	s15 =	smul.f32 s13, s11;
	v6 =	vmul.f32 v9, v6  }
0x2de: {  	s14 =	ssub.f32 $1.500000000e+00, s14;
	s18 =	ssub.s32 $0x5F3759DF, s1;
	s7 =	smul.f32 $5.000000000e-01, s25  }
0x2df: {  	[tilespmem:s17+$0x11A90] =	vst v0;
	s6 =	ssub.f32 s19, s6;
	s19 =	smul.f32 s18, s8;
	v3 =	vmul.f32 v42, v3;
	v0 =	vadd.f32 v6, v31  }
0x2e0: {  	s10 =	sadd.f32 $9.999999960e-13, s10;
	s0 =	smul.f32 s0, s14;
	v4 =	vmul.f32 v8, v4;
	v6 =	vld [tilespmem:$0x1FCC0];
	[tilespmem:s17+$0x11AA0] =	vst v2  }
0x2e1: {  	s24 =	ssub.f32 s21, s12;
	s12 =	sshrl.u32 s25, $0x1;
	s15 =	smul.f32 s13, s15;
	v2 =	vadd.f32 v3, v41;
	v3 =	vld [tilespmem:$0x1FCD0];
	[tilespmem:s17+$0x11AB0] =	vst v0  }
0x2e2: {  	s12 =	ssub.s32 $0x5F3759DF, s12;
	s4 =	smul.f32 $5.000000000e-01, s10;
	v0 =	vadd.f32 v4, v37;
	v4 =	vld [tilespmem:$0x1FCE0]  }
0x2e3: {  	s20 =	smul.f32 s12, s7  }
0x2e4: {  	s6 =	sadd.f32 $9.999999960e-13, s6;
	s19 =	smul.f32 s18, s19  }
0x2e5: {  	s16 =	sadd.f32 $9.999999960e-13, s24;
	s21 =	smul.f32 s0, s9;
	v6 =	vmul.f32 v7, v6  }
0x2e6: {  	s10 =	sshrl.u32 s10, $0x1;
	s2 =	smul.f32 $5.000000000e-01, s6;
	[tilespmem:s17+$0x11B00] =	vst v2  }
0x2e7: {  	s10 =	ssub.s32 $0x5F3759DF, s10;
	s1 =	smul.f32 $5.000000000e-01, s16;
	v4 =	vmul.f32 v5, v4;
	v5 =	vadd.f32 v6, v45;
	v6 =	vld [tilespmem:$0x1FCF0];
	[tilespmem:s17+$0x11B10] =	vst v0  }
0x2e8: {  	s15 =	ssub.f32 $1.500000000e+00, s15;
	s26 =	smul.f32 s10, s4;
	v3 =	vmul.f32 v40, v3;
	v7 =	vld [tilespmem:$0x1FD10]  }
0x2e9: {  	s6 =	sshrl.u32 s6, $0x1;
	s20 =	smul.f32 s12, s20  }
0x2ea: {  	s6 =	ssub.s32 $0x5F3759DF, s6;
	s19 =	ssub.f32 $1.500000000e+00, s19;
	s13 =	smul.f32 s13, s15;
	v3 =	vadd.f32 v3, v31;
	[tilespmem:s17+$0x11B20] =	vst v5  }
0x2eb: {  	s29 =	sshrl.u32 s16, $0x1;
	s30 =	smul.f32 s6, s2;
	v5 =	vld [tilespmem:$0x1FD20]  }
0x2ec: {  	s15 =	ssub.s32 $0x5F3759DF, s29;
	s18 =	smul.f32 s18, s19;
	v4 =	vadd.f32 v4, v41;
	v8 =	vld [tilespmem:$0x1FD40];
	[tilespmem:s17+$0x11B30] =	vst v3;
	v6 =	vmul.f32 v39, v6  }
0x2ed: {  	s31 =	smul.f32 s15, s1;
	v9 =	vld [tilespmem:$0x1FD70];
	v7 =	vmul.f32 v38, v7  }
0x2ee: {  	s14 =	smul.f32 s10, s26;
	v3 =	vadd.f32 v6, v37;
	v6 =	vld [tilespmem:$0x1FD60];
	[tilespmem:s17+$0x11B80] =	vst v4  }
0x2ef: {  	s16 =	smul.f32 s6, s30;
	v4 =	vadd.f32 v7, v45;
	v7 =	vld [tilespmem:$0x1FD80]  }
0x2f0: {  	s20 =	ssub.f32 $1.500000000e+00, s20;
	s23 =	smul.f32 s13, s11;
	v10 =	vld [tilespmem:$0x1FD90];
	[tilespmem:s17+$0x11B90] =	vst v3  }
0x2f1: {  	s19 =	smul.f32 s15, s31;
	v3 =	vld [tilespmem:$0x1FDA0]  }
0x2f2: {  	s20 =	smul.f32 s12, s20;
	v5 =	vmul.f32 v35, v5  }
0x2f3: {  	s14 =	ssub.f32 $1.500000000e+00, s14;
	s24 =	smul.f32 s18, s8  }
0x2f4: {  	s12 =	smul.f32 s23, s13;
	v8 =	vmul.f32 v36, v8;
	v5 =	vadd.f32 v5, v31  }
0x2f5: {  	s14 =	smul.f32 s10, s14;
	[tilespmem:s17+$0x11BA0] =	vst v4;
	v6 =	vmul.f32 v33, v6  }
0x2f6: {  	s16 =	ssub.f32 $1.500000000e+00, s16;
	s10 =	smul.f32 s21, s0;
	v9 =	vmul.f32 v34, v9;
	v8 =	vadd.f32 v8, v41;
	v3 =	vmul.f32 v30, v3;
	v30 =	vld [tilespmem:$0x1FF00];
	[tilespmem:s17+$0x11BB0] =	vst v5  }
0x2f7: {  	s19 =	ssub.f32 $1.500000000e+00, s19;
	s25 =	smul.f32 s20, s7;
	v6 =	vadd.f32 v6, v37;
	v27 =	vld [tilespmem:$0x1FF10]  }
0x2f8: {  	s16 =	smul.f32 s6, s16;
	v7 =	vmul.f32 v28, v7;
	v28 =	vld [tilespmem:$0x1FF20];
	[tilespmem:s17+$0x11C00] =	vst v8;
	v8 =	vadd.f32 v9, v45  }
0x2f9: {  	s6 =	smul.f32 s15, s19;
	v10 =	vmul.f32 v32, v10;
	v25 =	vld [tilespmem:$0x1FF30];
	[tilespmem:s17+$0x11C10] =	vst v6  }
0x2fa: {  	s26 =	ssub.f32 $1.500000000e+00, s12;
	s15 =	smul.f32 s24, s18;
	v6 =	vadd.f32 v7, v31;
	v15 =	vld [tilespmem:$0x1FDB0];
	[tilespmem:s17+$0x11C20] =	vst v8  }
0x2fb: {  	s10 =	ssub.f32 $1.500000000e+00, s10;
	s29 =	smul.f32 s25, s20;
	v8 =	vadd.f32 v10, v41;
	v10 =	vld [tilespmem:$0x1FDC0]  }
0x2fc: {  	s13 =	smul.f32 s26, s13;
	v18 =	vld [tilespmem:$0x1FDD0];
	[tilespmem:s17+$0x11C30] =	vst v6  }
0x2fd: {  	s0 =	smul.f32 s10, s0;
	v3 =	vadd.f32 v3, v37;
	v6 =	vld [tilespmem:$0x1FDE0]  }
0x2fe: {  	s15 =	ssub.f32 $1.500000000e+00, s15;
	s11 =	smul.f32 s13, s11;
	[tilespmem:s17+$0x11C80] =	vst v8  }
0x2ff: {  	s9 =	smul.f32 s0, s9;
	[tilespmem:s17+$0x11C90] =	vst v3;
	v15 =	vmul.f32 v22, v15  }
0x300: {  	s31 =	smul.f32 s15, s18;
	v10 =	vmul.f32 v21, v10;
	v21 =	vld [tilespmem:$0x1FDF0]  }
0x301: {  	s21 =	smul.f32 s9, s0;
	v18 =	vmul.f32 v23, v18;
	v8 =	vadd.f32 v15, v45  }
0x302: {  	s8 =	smul.f32 s31, s8;
	v6 =	vmul.f32 v44, v6;
	v10 =	vadd.f32 v10, v31  }
0x303: {  	s30 =	ssub.f32 $1.500000000e+00, s29;
	s11 =	smul.f32 s11, s13;
	[tilespmem:s17+$0x11CA0] =	vst v8;
	v8 =	vadd.f32 v18, v41  }
0x304: {  	s25 =	ssub.f32 $1.500000000e+00, s21;
	s8 =	smul.f32 s8, s31;
	v6 =	vadd.f32 v6, v37;
	v18 =	vld [tilespmem:$0x1FE00];
	[tilespmem:s17+$0x11CB0] =	vst v10  }
0x305: {  	s29 =	ssub.f32 $1.500000000e+00, s11;
	v21 =	vmul.f32 v50, v21;
	[tilespmem:s17+$0x11D00] =	vst v8  }
0x306: {  	s0 =	smul.f32 s25, s0;
	s8 =	ssub.f32 $1.500000000e+00, s8;
	[tilespmem:s17+$0x11D10] =	vst v6  }
0x307: {  	v0 =	vmov s5;
	s5 =	smul.f32 s29, s13;
	v22 =	vld [tilespmem:$0x1FEC0];
	v8 =	vadd.f32 v21, v45  }
0x308: {  	s8 =	smul.f32 s8, s31;
	v4 =	vmul.f32 s0, v30;
	v5 =	vmul.f32 s0, v27  }
0x309: {  	v11 =	vmul.f32 s0, v28;
	v13 =	vmul.f32 s5, v28;
	[tilespmem:s17+$0x11D20] =	vst v8  }
0x30a: {  	v3 =	vmul.f32 s8, v27;
	v18 =	vmul.f32 v43, v18;
	v8 =	vld [tilespmem:$0x1FED0]  }
0x30b: {  	s10 =	smul.f32 s30, s20;
	v9 =	vmul.f32 s0, v25;
	v4 =	vmul.f32 v4, v53  }
0x30c: {  	v15 =	vmul.f32 s8, v30;
	v18 =	vadd.f32 v18, v31;
	v5 =	vmul.f32 v5, v22  }
0x30d: {  	s7 =	smul.f32 s10, s7;
	v19 =	vmul.f32 s8, v28;
	v13 =	vmul.f32 v13, v29;
	v4 =	vadd.f32 v4, v41  }
0x30e: {  	s19 =	smul.f32 s14, s4;
	v9 =	vmul.f32 v9, v47;
	v47 =	vmul.f32 v15, v26;
	[tilespmem:s17+$0x11D30] =	vst v18;
	v5 =	vadd.f32 v5, v37  }
0x30f: {  	s7 =	smul.f32 s7, s10;
	v3 =	vmul.f32 v3, v58;
	v13 =	vadd.f32 v13, v45;
	v8 =	vmul.f32 v11, v8;
	v11 =	vld [tilespmem:$0x1FEE0];
	[tilespmem:s22+$0x11A00] =	vst v4  }
0x310: {  	s15 =	smul.f32 s19, s14;
	v20 =	vmul.f32 s8, v25;
	v19 =	vmul.f32 v19, v57;
	v48 =	vadd.f32 v47, v41;
	[tilespmem:s22+$0x11A10] =	vst v5  }
0x311: {  	s31 =	ssub.f32 $1.500000000e+00, s7;
	v7 =	vmul.f32 s5, v27;
	v3 =	vadd.f32 v3, v37;
	[tilespmem:s22+$0x11AA0] =	vst v13  }
0x312: {  	s20 =	smul.f32 s16, s2;
	s15 =	ssub.f32 $1.500000000e+00, s15;
	v12 =	vmul.f32 s5, v30;
	v49 =	vmul.f32 v20, v17;
	v17 =	vadd.f32 v19, v45;
	[tilespmem:s22+$0x11B00] =	vst v48  }
0x313: {  	v14 =	vmul.f32 s5, v25;
	s5 =	smul.f32 s31, s10;
	v7 =	vmul.f32 v7, v61;
	v5 =	vadd.f32 v9, v31;
	[tilespmem:s22+$0x11B10] =	vst v3  }
0x314: {  	s23 =	smul.f32 s15, s14;
	[tilespmem:s22+$0x11B20] =	vst v17;
	v8 =	vadd.f32 v8, v45;
	v11 =	vmul.f32 v12, v11  }
0x315: {  	s18 =	smul.f32 s20, s16;
	v10 =	vmul.f32 s5, v30;
	[tilespmem:s22+$0x11A30] =	vst v5;
	v5 =	vadd.f32 v7, v37  }
0x316: {  	s4 =	smul.f32 s23, s4;
	[tilespmem:s22+$0x11A20] =	vst v8;
	v8 =	vadd.f32 v11, v41;
	v11 =	vmul.f32 v14, v59  }
0x317: {  	s24 =	ssub.f32 $1.500000000e+00, s18;
	v10 =	vmul.f32 v10, v62;
	v21 =	vmul.f32 s5, v27;
	[tilespmem:s22+$0x11A90] =	vst v5;
	v14 =	vadd.f32 v49, v31  }
0x318: {  	s4 =	smul.f32 s4, s23;
	v6 =	vmul.f32 s5, v28;
	[tilespmem:s22+$0x11A80] =	vst v8;
	v11 =	vadd.f32 v11, v31  }
0x319: {  	s26 =	smul.f32 s24, s16;
	v10 =	vadd.f32 v10, v41;
	v19 =	vmul.f32 v21, v56;
	[tilespmem:s22+$0x11B30] =	vst v14  }
0x31a: {  	s4 =	ssub.f32 $1.500000000e+00, s4;
	v6 =	vmul.f32 v6, v16;
	[tilespmem:s22+$0x11AB0] =	vst v11  }
0x31b: {  	s2 =	smul.f32 s26, s2;
	v17 =	vadd.f32 v19, v37;
	v14 =	vld [tilespmem:$0x1FE10];
	[tilespmem:s22+$0x11B80] =	vst v10  }
0x31c: {  	s4 =	smul.f32 s4, s23;
	v6 =	vadd.f32 v6, v45;
	v10 =	vld [tilespmem:$0x1FE20]  }
0x31d: {  	v22 =	vmul.f32 s5, v25;
	v19 =	vld [tilespmem:$0x1FE30];
	[tilespmem:s22+$0x11B90] =	vst v17  }
0x31e: {  	s2 =	smul.f32 s2, s26;
	v46 =	vmul.f32 s4, v30;
	[tilespmem:s22+$0x11BA0] =	vst v6  }
0x31f: {  	v16 =	vmul.f32 v22, v55;
	v6 =	vld [tilespmem:$0x1FE40]  }
0x320: {  	s2 =	ssub.f32 $1.500000000e+00, s2;
	v12 =	vmul.f32 v46, v24  }
0x321: {  	s30 =	smul.f32 s6, s1;
	v51 =	vadd.f32 v16, v31  }
0x322: {  	v2 =	vmov s3;
	s2 =	smul.f32 s2, s26;
	v12 =	vadd.f32 v12, v41;
	v14 =	vsub.f32 v14, v1  }
0x323: {  	s0 =	smul.f32 s30, s6;
	v9 =	vmul.f32 s4, v25;
	v10 =	vsub.f32 v10, v1;
	v1 =	vsub.f32 v19, v1  }
0x324: {  	v7 =	vmul.f32 s2, v30;
	[tilespmem:s22+$0x11BB0] =	vst v51;
	v6 =	vsub.f32 v6, v2  }
0x325: {  	s0 =	ssub.f32 $1.500000000e+00, s0;
	v4 =	vmul.f32 s4, v27;
	v1 =	vmul.f32 v9, v1;
	v9 =	vld [tilespmem:$0x1FE50];
	[tilespmem:s22+$0x11C00] =	vst v12  }
0x326: {  	v18 =	vmul.f32 s4, v28;
	v6 =	vmul.f32 v7, v6;
	v7 =	vld [tilespmem:$0x1FE60]  }
0x327: {  	s0 =	smul.f32 s0, s6;
	v4 =	vmul.f32 v4, v14  }
0x328: {  	v10 =	vmul.f32 v18, v10  }
0x329: {  	s1 =	smul.f32 s0, s1;
	v4 =	vadd.f32 v4, v37  }
0x32a: {  	v10 =	vadd.f32 v10, v45  }
0x32b: {  	v15 =	vmul.f32 s2, v28;
	s1 =	smul.f32 s1, s0;
	v12 =	vld [tilespmem:$0x1FE70];
	v1 =	vadd.f32 v1, v31;
	[tilespmem:s22+$0x11C10] =	vst v4;
	v7 =	vsub.f32 v7, v2  }
0x32c: {  	v6 =	vadd.f32 v6, v41;
	[tilespmem:s22+$0x11C20] =	vst v10  }
0x32d: {  	s1 =	ssub.f32 $1.500000000e+00, s1;
	v4 =	vmul.f32 v15, v7;
	v7 =	vld [tilespmem:$0x1FE80];
	[tilespmem:s22+$0x11C30] =	vst v1  }
0x32e: {  	v8 =	vmul.f32 s2, v27;
	v9 =	vsub.f32 v9, v2;
	v1 =	vld [tilespmem:$0x1FE90];
	[tilespmem:s22+$0x11C80] =	vst v6  }
0x32f: {  	s0 =	smul.f32 s1, s0;
	v6 =	vld [tilespmem:$0x1FEA0]  }
0x330: {  	v5 =	vmul.f32 s2, v25;
	v2 =	vsub.f32 v12, v2;
	v8 =	vmul.f32 v8, v9  }
0x331: {  	v11 =	vmul.f32 s0, v30  }
0x332: {  	v2 =	vmul.f32 v5, v2;
	v5 =	vadd.f32 v8, v37;
	v8 =	vld [tilespmem:$0x1FEB0];
	v7 =	vsub.f32 v7, v0  }
0x333: {  	v50 =	vmul.f32 s0, v27;
	v20 =	vmul.f32 s0, v28;
	v1 =	vsub.f32 v1, v0  }
0x334: {  	v4 =	vadd.f32 v4, v45;
	v7 =	vmul.f32 v11, v7;
	v6 =	vsub.f32 v6, v0  }
0x335: {  	v2 =	vadd.f32 v2, v31;
	[tilespmem:s22+$0x11C90] =	vst v5;
	v1 =	vmul.f32 v50, v1  }
0x336: {  	[tilespmem:s22+$0x11CA0] =	vst v4;
	v5 =	vmul.f32 v20, v6;
	v4 =	vadd.f32 v7, v41  }
0x337: {  	v3 =	vmul.f32 s0, v25;
	[tilespmem:s22+$0x11CB0] =	vst v2;
	v0 =	vsub.f32 v8, v0;
	v1 =	vadd.f32 v1, v37  }
0x338: {  	[tilespmem:s22+$0x11D00] =	vst v4;
	v2 =	vadd.f32 v5, v45  }
0x339: {  	v0 =	vmul.f32 v3, v0;
	[tilespmem:s22+$0x11D10] =	vst v1  }
0x33a: {  	[tilespmem:s22+$0x11D20] =	vst v2  }
0x33b: {  	v0 =	vadd.f32 v0, v31;
	s1 =	sld [smem:$0x7F8];
	_ =	sdelay $0x1  }
0x33c: {  	[tilespmem:s22+$0x11D30] =	vst v0  }
0x33d: {  	s3 =	simm.s32 $0x0;
	s2 =	rddreg [dreg:$0x18];
	s0 =	sshll.u32 s1, $0x4  }
0x33e: {  	s5 =	simm.s32 $0x2;
	s4 =	simm.s32 $0x11A00;
	s0 =	sadd.s32 s2, s0  }
0x33f: {  	[hbm4b:s0+s3] =	stream.linear.scatter [tilespmem:s4], [sflag:$0x3], $0x4000, $0x38;
	[tilespmem:$0x19A00] =	vst v63  }
0x340: {  	_ =	swait.ge [sflag:s5], $0x4000  }
0x341: {  	s4 =	sld [smem:$0x7F3]  }
0x342: {  	s0 =	sld [smem:$0x7F9]  }
0x343: {  	[sflag:s5] =	ssyncset.done $0x0  }
0x344: {  	[sflag:s5] =	ssyncadd.s32 $0xFFFFC000;
	p0 =	seq.s32 s4, $0x18  }
0x345: {  	v0 =	vld @!p0 [tilespmem:s0+$0x6700];
	_ =	sdelay $0x4  }
0x346: {  	v1 =	vshrl.u32 @!p0 v0, $0x1  }
0x347: {  	v0 =	vand.u32 @!p0 $0x1FFF, v0;
	v1 =	vand.u32 @!p0 $0x7FFFE000, v1  }
0x348: {  	v0 =	vor.u32 @!p0 v0, v1  }
0x349: {  	[tilespmem:$0x9900] =	vst @!p0 v0  }
0x34a: {  	v0 =	vld @!p0 [tilespmem:s0+$0x6710];
	_ =	sdelay $0x4  }
0x34b: {  	v1 =	vshrl.u32 @!p0 v0, $0x1  }
0x34c: {  	v0 =	vand.u32 @!p0 $0x1FFF, v0;
	v1 =	vand.u32 @!p0 $0x7FFFE000, v1  }
0x34d: {  	v0 =	vor.u32 @!p0 v0, v1  }
0x34e: {  	[tilespmem:$0x9910] =	vst @!p0 v0  }
0x34f: {  	v0 =	vld @!p0 [tilespmem:s0+$0x6720];
	_ =	sdelay $0x4  }
0x350: {  	v1 =	vshrl.u32 @!p0 v0, $0x1  }
0x351: {  	v0 =	vand.u32 @!p0 $0x1FFF, v0;
	v1 =	vand.u32 @!p0 $0x7FFFE000, v1  }
0x352: {  	v0 =	vor.u32 @!p0 v0, v1  }
0x353: {  	[tilespmem:$0x9920] =	vst @!p0 v0  }
0x354: {  	v0 =	vld @!p0 [tilespmem:s0+$0x6730];
	_ =	sdelay $0x4  }
0x355: {  	v1 =	vshrl.u32 @!p0 v0, $0x1  }
0x356: {  	v0 =	vand.u32 @!p0 $0x1FFF, v0;
	v1 =	vand.u32 @!p0 $0x7FFFE000, v1  }
0x357: {  	v0 =	vor.u32 @!p0 v0, v1  }
0x358: {  	[tilespmem:$0x9930] =	vst @!p0 v0  }
0x359: {  	v0 =	vld @!p0 [tilespmem:s0+$0x6740];
	_ =	sdelay $0x4  }
0x35a: {  	v1 =	vshrl.u32 @!p0 v0, $0x1  }
0x35b: {  	v0 =	vand.u32 @!p0 $0x1FFF, v0;
	v1 =	vand.u32 @!p0 $0x7FFFE000, v1  }
0x35c: {  	v0 =	vor.u32 @!p0 v0, v1  }
0x35d: {  	[tilespmem:$0x9940] =	vst @!p0 v0  }
0x35e: {  	v0 =	vld @!p0 [tilespmem:s0+$0x6750];
	_ =	sdelay $0x4  }
0x35f: {  	v1 =	vshrl.u32 @!p0 v0, $0x1  }
0x360: {  	v0 =	vand.u32 @!p0 $0x1FFF, v0;
	v1 =	vand.u32 @!p0 $0x7FFFE000, v1  }
0x361: {  	v0 =	vor.u32 @!p0 v0, v1  }
0x362: {  	[tilespmem:$0x9950] =	vst @!p0 v0  }
0x363: {  	v0 =	vld @!p0 [tilespmem:s0+$0x6760];
	_ =	sdelay $0x4  }
0x364: {  	v1 =	vshrl.u32 @!p0 v0, $0x1  }
0x365: {  	v0 =	vand.u32 @!p0 $0x1FFF, v0;
	v1 =	vand.u32 @!p0 $0x7FFFE000, v1  }
0x366: {  	v0 =	vor.u32 @!p0 v0, v1  }
0x367: {  	[tilespmem:$0x9960] =	vst @!p0 v0  }
0x368: {  	v0 =	vld @!p0 [tilespmem:s0+$0x6770];
	_ =	sdelay $0x4  }
0x369: {  	v1 =	vshrl.u32 @!p0 v0, $0x1  }
0x36a: {  	v0 =	vand.u32 @!p0 $0x1FFF, v0;
	v1 =	vand.u32 @!p0 $0x7FFFE000, v1  }
0x36b: {  	s3 =	rddreg [dreg:$0x16];
	s1 =	simm.s32 @!p0 $0x9900;
	p1 =	seq.s32 @!p0 s4, $0x0;
	v0 =	vor.u32 @!p0 v0, v1  }
0x36c: {  	s2 =	simm.s32 @!p0 $0x9A00;
	p1 =	por p0, !p1;
	s0 =	simm.s32 @!p0 $0x80;
	[tilespmem:$0x9970] =	vst @!p0 v0  }
0x36d: {  	[tilespmem:s2], [sflag:$0x1] =	stream.indirect.gather @!p0 [hbm4b:s3+s0], $0x80, s1, s0, $0xb8;
	[tilespmem:$0x19A00] =	vst v63  }
0x36e: {  	s0 =	simm.s32 @p1 $0x4  }
0x36f: {  	_ =	swait.ge @p1 [sflag:s0], $0x4000  }
0x370: {  	v36 =	vld [tilespmem:$0x1FFC0]  }
0x371: {  	s8 =	sld [smem:$0x7FB];
	v59 =	vld [tilespmem:$0x1FFD0]  }
0x372: {  	[sflag:s0] =	ssyncset.done @p1 $0x0;
	v62 =	vld [tilespmem:$0x1FFE0]  }
0x373: {  	v63 =	vld [tilespmem:$0x1FFF0];
	[sflag:s0] =	ssyncadd.s32 @p1 $0xFFFFC000  }
0x374: {  	v0 =	vld [tilespmem:s8+$0x0]  }
0x375: {  	v57 =	vld [tilespmem:$0x1FF80]  }
0x376: {  	v58 =	vld [tilespmem:$0x1FF90]  }
0x377: {  	s9 =	sld [smem:$0x7FC];
	v1 =	vld [tilespmem:s8+$0xFFFFFFF9]  }
0x378: {  	v2 =	vld [tilespmem:s8+$0xFFFFFFFA]  }
0x379: {  	v3 =	vld [tilespmem:s8+$0xFFFFFFFB];
	(v2sf) =	vpush v0, $0x0  }
0x37a: {  	v0 =	vld [tilespmem:s9+$0x0]  }
0x37b: {  	v60 =	vld [tilespmem:$0x1FFA0]  }
0x37c: {  	v61 =	vld [tilespmem:$0x1FFB0];
	(v2sf) =	vpush v1, $0x0  }
0x37d: {  	s11 =	sld [smem:$0x7FD];
	v4 =	vld [tilespmem:s9+$0xFFFFFFF9];
	(v2sf) =	vpush v2, $0x0  }
0x37e: {  	v5 =	vld [tilespmem:s9+$0xFFFFFFFA];
	(v2sf) =	vpush v3, $0x0  }
0x37f: {  	v6 =	vld [tilespmem:s9+$0xFFFFFFFB];
	(v2sf) =	vpush v0, $0x0  }
0x380: {  	s6 =	smulhi.u32 $0x51EB851F, s11;
	v7 =	vld [tilespmem:s9+$0xFFFFFFFC]  }
0x381: {  	v1 =	vld [tilespmem:s8+$0xFFFFFFFC]  }
0x382: {  	s0 =	sshrl.u32 s6, $0x6;
	v2 =	vld [tilespmem:s8+$0xFFFFFFFD]  }
0x383: {  	s0 =	smul.u32 $0xFFFE7000, s0;
	v3 =	vld [tilespmem:s8+$0xFFFFFFFE]  }
0x384: {  	v0 =	vld [tilespmem:s8+$0xFFFFFFFF]  }
0x385: {  	s26 =	rddreg [dreg:$0x7];
	v8 =	vld [tilespmem:s9+$0xFFFFFFFD];
	s0 =	sshra.s32 s0, $0x2  }
0x386: {  	v9 =	vld [tilespmem:s9+$0xFFFFFFFE];
	s0 =	sadd.s32 s0, s26;
	(v2sf) =	vpush v1, $0x0  }
0x387: {  	v10 =	vld [tilespmem:s9+$0xFFFFFFFF];
	s0 =	sadd.s32 $0x0, s0;
	(v2sf) =	vpush v2, $0x0  }
0x388: {  	v1 =	vld [tilespmem:s0+$0x4380];
	(v2sf) =	vpush v3, $0x0;
	s7 =	spop (v2sf)  }
0x389: {  	v2 =	vld [tilespmem:s0+$0x4390];
	(v2sf) =	vpush v0, $0x0;
	s1 =	sshrl.u32 s7, $0x7  }
0x38a: {  	v3 =	vld [tilespmem:s0+$0x43A0];
	(v2sf) =	vpush v4, $0x0;
	s1 =	sand.u32 $0x40, s1  }
0x38b: {  	v0 =	vld [tilespmem:s0+$0x43B0];
	(v2sf) =	vpush v5, $0x0;
	s10 =	spop (v2sf);
	s1 =	sadd.s32 $0x0, s1  }
0x38c: {  	(v2sf) =	vpush v6, $0x0;
	s12 =	spop (v2sf);
	v6 =	vld [tilespmem:s1+$0xDDB0]  }
0x38d: {  	s13 =	spop (v2sf);
	v4 =	vld [tilespmem:s1+$0xDD80]  }
0x38e: {  	s15 =	sshrl.u32 s10, $0x7;
	v11 =	vld [tilespmem:s1+$0xDD90];
	s14 =	spop (v2sf)  }
0x38f: {  	v5 =	vld [tilespmem:s1+$0xDDA0];
	s1 =	sand.u32 $0x40, s15;
	s5 =	scvt.s32.f32 s14  }
0x390: {  	v52 =	vld [tilespmem:s0+$0x4000];
	(v2sf) =	vpush v7, $0x0;
	s1 =	sadd.s32 $0x0, s1  }
0x391: {  	(v2sf) =	vpush v8, $0x0;
	v7 =	vmul.f32 s5, v36;
	v6 =	vadd.f32 v0, v6;
	v0 =	vld [tilespmem:s1+$0xDA30]  }
0x392: {  	v53 =	vld [tilespmem:s0+$0x4010];
	(v2sf) =	vpush v9, $0x0;
	v8 =	vmul.f32 s5, v59;
	v1 =	vadd.f32 v1, v4  }
0x393: {  	v15 =	vld [tilespmem:s0+$0x4020];
	v9 =	vmul.f32 s5, v62;
	v4 =	vadd.f32 v2, v11;
	v7 =	vadd.f32 v7, v57  }
0x394: {  	v18 =	vld [tilespmem:s1+$0xDA00];
	v54 =	vmul.f32 s5, v63;
	v5 =	vadd.f32 v3, v5;
	v8 =	vadd.f32 v8, v58  }
0x395: {  	v19 =	vld [tilespmem:s1+$0xDA10];
	v9 =	vadd.f32 v9, v60;
	v1 =	vadd.f32 v7, v1  }
0x396: {  	s16 =	sshrl.u32 s12, $0x7;
	v11 =	vld [tilespmem:s1+$0xDA20];
	v14 =	vadd.f32 v54, v61;
	[tilespmem:$0x1F6F0] =	vst v0;
	v0 =	vadd.f32 v8, v4  }
0x397: {  	s2 =	sand.u32 $0x40, s16;
	v2 =	vadd.f32 v5, v9;
	[tilespmem:$0x1F760] =	vst v1  }
0x398: {  	s2 =	sadd.s32 $0x0, s2;
	v3 =	vadd.f32 v6, v14;
	[tilespmem:$0x1F770] =	vst v0  }
0x399: {  	s18 =	sshrl.u32 s13, $0x7;
	v17 =	vld [tilespmem:s2+$0xDA80];
	[tilespmem:$0x1F780] =	vst v2  }
0x39a: {  	s20 =	sand.u32 $0x40, s18;
	[tilespmem:$0x1F750] =	vst v3  }
0x39b: {  	s5 =	sadd.s32 $0x0, s20;
	v16 =	vld [tilespmem:s2+$0xDA90]  }
0x39c: {  	v9 =	vmul.f32 v0, v0;
	v20 =	vadd.f32 v0, v1;
	v0 =	vld [tilespmem:s5+$0xDB30]  }
0x39d: {  	v5 =	vld [tilespmem:s2+$0xDAA0]  }
0x39e: {  	s17 =	spop (v2sf);
	v8 =	vmul.f32 v1, v1;
	v6 =	vld [tilespmem:s2+$0xDAB0]  }
0x39f: {  	s3 =	sshrl.u32 s17, $0x7;
	v7 =	vld [tilespmem:s5+$0xDB00]  }
0x3a0: {  	s3 =	sand.u32 $0x40, s3;
	v22 =	vadd.f32 v9, v8;
	v8 =	vld [tilespmem:s5+$0xDB10]  }
0x3a1: {  	s3 =	sadd.s32 $0x0, s3;
	v9 =	vld [tilespmem:s5+$0xDB20];
	[tilespmem:$0x1F700] =	vst v0  }
0x3a2: {  	v0 =	vld [tilespmem:s3+$0xDB80];
	_ =	sdelay $0x4  }
0x3a3: {  	[tilespmem:$0x1F710] =	vst v0  }
0x3a4: {  	v0 =	vld [tilespmem:s3+$0xDB90];
	_ =	sdelay $0x2  }
0x3a5: {  	s19 =	spop (v2sf)  }
0x3a6: {  	s21 =	spop (v2sf)  }
0x3a7: {  	s22 =	spop (v2sf);
	[tilespmem:$0x1F720] =	vst v0  }
0x3a8: {  	s23 =	spop (v2sf);
	v0 =	vld [tilespmem:s3+$0xDBA0]  }
0x3a9: {  	v21 =	vadd.f32 v3, v2;
	s2 =	scvt.s32.f32 s23  }
0x3aa: {  	(v2sf) =	vpush v10, $0x0  }
0x3ab: {  	s29 =	sshrl.u32 s19, $0x7;
	v55 =	vadd.f32 v21, v20;
	v20 =	vmul.f32 s2, v36;
	v21 =	vmul.f32 s2, v59  }
0x3ac: {  	v12 =	vadd.f32 v52, v18;
	v18 =	vmul.f32 s2, v62;
	v23 =	vmul.f32 s2, v63;
	s2 =	sand.u32 $0x40, s29  }
0x3ad: {  	s2 =	sadd.s32 $0x0, s2;
	[tilespmem:$0x1F730] =	vst v0  }
0x3ae: {  	v1 =	vld [tilespmem:s2+$0xDC00];
	_ =	sdelay $0x1  }
0x3af: {  	v10 =	vmul.f32 v2, v2;
	v14 =	vmul.f32 v3, v3;
	_ =	sdelay $0x1  }
0x3b0: {  	v10 =	vadd.f32 v14, v10;
	v14 =	vld [tilespmem:s3+$0xDBB0]  }
0x3b1: {  	s24 =	spop (v2sf);
	[tilespmem:$0x1F740] =	vst v1;
	v1 =	vld [tilespmem:$0x1F6F0]  }
0x3b2: {  	s10 =	sshrl.u32 s21, $0x7;
	s7 =	scvt.s32.f32 s24;
	v40 =	vld [tilespmem:s2+$0xDC10]  }
0x3b3: {  	s4 =	sand.u32 $0x40, s10;
	s25 =	spop (v2sf);
	(xrf2) =	vadd.scan.msk.f32 $0xffff, v55;
	v39 =	vld [tilespmem:s2+$0xDC20]  }
0x3b4: {  	v13 =	vadd.f32 v53, v19;
	s4 =	sadd.s32 $0x0, s4;
	s30 =	scvt.s32.f32 s25;
	s31 =	spop (v2sf);
	v19 =	vmul.f32 s7, v36;
	v24 =	vmul.f32 s7, v59;
	v38 =	vld [tilespmem:s2+$0xDC30]  }
0x3b5: {  	v11 =	vadd.f32 v15, v11;
	v25 =	vmul.f32 s7, v62;
	v15 =	vmul.f32 s7, v63;
	s7 =	spop (v2sf);
	s5 =	scvt.s32.f32 s31;
	v37 =	vld [tilespmem:s4+$0xDC80]  }
0x3b6: {  	s1 =	sshrl.u32 s22, $0x7;
	v27 =	vmul.f32 s30, v59;
	s3 =	scvt.s32.f32 s7;
	v45 =	vld [tilespmem:s4+$0xDC90]  }
0x3b7: {  	s1 =	sand.u32 $0x40, s1;
	v28 =	vmul.f32 s30, v62;
	s12 =	spop (v2sf);
	v3 =	vadd.f32 v25, v60;
	v32 =	vmul.f32 s5, v62;
	v49 =	vld [tilespmem:s4+$0xDCA0]  }
0x3b8: {  	s1 =	sadd.s32 $0x0, s1;
	v44 =	vadd.f32 v27, v58;
	s13 =	spop (v2sf);
	v34 =	vmul.f32 s3, v36;
	v41 =	vmul.f32 s3, v59;
	v50 =	vld [tilespmem:s4+$0xDCB0]  }
0x3b9: {  	v47 =	vadd.f32 v28, v60;
	v25 =	vmul.f32 s3, v62;
	v27 =	vmul.f32 s3, v63;
	s3 =	scvt.s32.f32 s13;
	v52 =	vld [tilespmem:s1+$0xDD00]  }
0x3ba: {  	v22 =	vadd.f32 v10, v22;
	v21 =	vadd.f32 v21, v58;
	v55 =	vld [tilespmem:s1+$0xDD10]  }
0x3bb: {  	v53 =	vadd.f32 v32, v60;
	v0 =	vadd.f32 v20, v57;
	v32 =	vmul.f32 s3, v36;
	s2 =	scvt.s32.f32 s12;
	v43 =	vld [tilespmem:s1+$0xDD20]  }
0x3bc: {  	v30 =	vmul.f32 s5, v36;
	v18 =	vadd.f32 v18, v60;
	v10 =	vadd.f32 v41, v58;
	v42 =	vld [tilespmem:s1+$0xDD30]  }
0x3bd: {  	v46, _, _ =	vpop (xrf2);
	v41 =	vadd.f32 v32, v57;
	v32 =	vadd.f32 v0, v12;
	v12 =	vld [tilespmem:s0+$0x40A0];
	v28 =	vmul.f32 s2, v36  }
0x3be: {  	v31 =	vmul.f32 s5, v59;
	(v2sf) =	vpush v46, $0xF;
	v0 =	vadd.f32 v21, v13;
	v13 =	vld [tilespmem:s0+$0x40B0]  }
0x3bf: {  	(xrf2) =	vadd.scan.msk.f32 $0xffff, v22;
	v46 =	vadd.f32 v30, v57;
	v30 =	vmul.f32 s2, v59;
	v22 =	vadd.f32 v28, v57;
	v28 =	vld [tilespmem:s0+$0x4030]  }
0x3c0: {  	v51 =	vadd.f32 v31, v58;
	v4 =	vadd.f32 v11, v18;
	v18 =	vld [tilespmem:s0+$0x4100];
	v31 =	vmul.f32 s2, v63  }
0x3c1: {  	v33 =	vadd.f32 v30, v58;
	v30 =	vld [tilespmem:s0+$0x4080]  }
0x3c2: {  	v19 =	vadd.f32 v19, v57;
	v35 =	vadd.f32 v31, v61;
	v31 =	vld [tilespmem:s0+$0x4090];
	[tilespmem:$0x1F7A0] =	vst v0  }
0x3c3: {  	v24 =	vadd.f32 v24, v58;
	v21 =	vadd.f32 v0, v32;
	[tilespmem:$0x1F790] =	vst v32  }
0x3c4: {  	v5 =	vadd.f32 v12, v5;
	v11 =	vadd.f32 v28, v1;
	v1 =	vmovc v0;
	v0 =	vmov v32;
	v32 =	vld [tilespmem:s0+$0x4110]  }
0x3c5: {  	v15 =	vadd.f32 v15, v61;
	v12 =	vld [tilespmem:s0+$0x4130];
	v6 =	vadd.f32 v13, v6  }
0x3c6: {  	v23 =	vadd.f32 v23, v61;
	v28 =	vadd.f32 v5, v3;
	v3 =	vld [tilespmem:$0x1F700]  }
0x3c7: {  	v13 =	vadd.f32 v6, v15;
	v17 =	vadd.f32 v30, v17  }
0x3c8: {  	v23 =	vadd.f32 v11, v23;
	v11 =	vadd.f32 v31, v16  }
0x3c9: {  	v5 =	vadd.f32 v18, v7;
	v16 =	vld [tilespmem:s0+$0x4120];
	v6 =	vadd.f32 v32, v8  }
0x3ca: {  	v26 =	vmul.f32 s30, v36;
	v30 =	vadd.f32 v19, v17;
	v19 =	vadd.f32 v24, v11;
	v11 =	vld [tilespmem:s0+$0x4180]  }
0x3cb: {  	v18 =	vadd.f32 v44, v6;
	v6 =	vadd.f32 v12, v3;
	v3 =	vld [tilespmem:$0x1F710]  }
0x3cc: {  	v26 =	vadd.f32 v26, v57;
	_ =	sdelay $0x1  }
0x3cd: {  	v31 =	vadd.f32 v26, v5;
	v5 =	vadd.f32 v16, v9  }
0x3ce: {  	v7 =	vld [tilespmem:s0+$0x4190]  }
0x3cf: {  	v32 =	vadd.f32 v5, v47;
	v5 =	vadd.f32 v11, v3;
	v3 =	vld [tilespmem:$0x1F720]  }
0x3d0: {  	v29 =	vmul.f32 s30, v63  }
0x3d1: {  	v56 =	vmul.f32 s5, v63  }
0x3d2: {  	v48 =	vadd.f32 v29, v61;
	v8 =	vld [tilespmem:s0+$0x41A0]  }
0x3d3: {  	v54 =	vadd.f32 v56, v61;
	v9 =	vld [tilespmem:s0+$0x41B0]  }
0x3d4: {  	v29, _, _ =	vpop (xrf2);
	v26 =	vadd.f32 v6, v48;
	v6 =	vadd.f32 v7, v3;
	v3 =	vld [tilespmem:$0x1F730]  }
0x3d5: {  	(v2sf) =	vpush v29, $0xF;
	v56 =	vadd.f32 v34, v57;
	v12 =	vld [tilespmem:s0+$0x4200]  }
0x3d6: {  	v2 =	vadd.f32 v25, v60;
	v20 =	vadd.f32 v27, v61;
	v11 =	vld [tilespmem:s0+$0x4210]  }
0x3d7: {  	v25 =	vmul.f32 s3, v59;
	v27 =	vmul.f32 s3, v62;
	v16 =	vld [tilespmem:s0+$0x4310];
	v24 =	vadd.f32 v46, v5  }
0x3d8: {  	v29 =	vmul.f32 s2, v62;
	v46 =	vadd.f32 v51, v6;
	v6 =	vadd.f32 v9, v14;
	v14 =	vld [tilespmem:s0+$0x4280]  }
0x3d9: {  	v25 =	vadd.f32 v25, v58;
	v5 =	vadd.f32 v8, v3;
	v3 =	vld [tilespmem:$0x1F740]  }
0x3da: {  	v27 =	vadd.f32 v27, v60;
	v34 =	vadd.f32 v29, v60;
	v29 =	vmul.f32 s3, v63;
	v8 =	vld [tilespmem:s0+$0x4230]  }
0x3db: {  	v7 =	vld [tilespmem:s0+$0x4220];
	v47 =	vadd.f32 v6, v54;
	v6 =	vadd.f32 v11, v40  }
0x3dc: {  	v29 =	vadd.f32 v29, v61;
	v15 =	vld [tilespmem:s0+$0x42A0];
	v44 =	vadd.f32 v26, v32  }
0x3dd: {  	v17 =	vmul.f32 v0, v0;
	v48 =	vadd.f32 v10, v6;
	v9 =	vadd.f32 v5, v53  }
0x3de: {  	v14 =	vadd.f32 v14, v37;
	v37 =	vmul.f32 v28, v28;
	v5 =	vadd.f32 v12, v3  }
0x3df: {  	v12 =	vld [tilespmem:s0+$0x4290];
	v6 =	vadd.f32 v8, v38;
	v38 =	vmul.f32 v1, v1;
	v1 =	vadd.f32 v16, v55  }
0x3e0: {  	v8 =	vld [tilespmem:s0+$0x4300];
	v3 =	vmul.f32 v13, v13;
	v11 =	vadd.f32 v56, v5;
	v5 =	vadd.f32 v7, v39  }
0x3e1: {  	v40 =	vmul.f32 v23, v23;
	v10 =	vadd.f32 v6, v20;
	v56 =	vadd.f32 v15, v49  }
0x3e2: {  	v7 =	vld [tilespmem:s0+$0x42B0];
	v39 =	vmul.f32 v4, v4;
	v17 =	vadd.f32 v38, v17;
	v3 =	vadd.f32 v3, v37  }
0x3e3: {  	v51 =	vadd.f32 v5, v2;
	v54 =	vadd.f32 v56, v34  }
0x3e4: {  	v38 =	vadd.f32 v40, v39;
	v6 =	vadd.f32 v12, v45  }
0x3e5: {  	v16 =	vmul.f32 v19, v19;
	v12 =	vadd.f32 v22, v14;
	v0 =	vadd.f32 v8, v52  }
0x3e6: {  	v15 =	vld [tilespmem:s0+$0x4330];
	v49 =	vmul.f32 v24, v24;
	v34 =	vmovc v46;
	v17 =	vadd.f32 v38, v17;
	v6 =	vadd.f32 v33, v6  }
0x3e7: {  	v45 =	vld [tilespmem:s0+$0x4320];
	v14 =	vmul.f32 v30, v30;
	[tilespmem:$0x1F850] =	vst v47;
	v7 =	vadd.f32 v7, v50;
	v0 =	vadd.f32 v41, v0  }
0x3e8: {  	v52 =	vmul.f32 v34, v34;
	v41 =	vadd.f32 v13, v28;
	v33 =	vmovc v47;
	v47 =	vadd.f32 v47, v9  }
0x3e9: {  	v50 =	vadd.f32 v10, v51;
	v14 =	vadd.f32 v16, v14  }
0x3ea: {  	v52 =	vadd.f32 v52, v49;
	v5 =	vadd.f32 v7, v35  }
0x3eb: {  	v7 =	vadd.f32 v25, v1;
	v1 =	vadd.f32 v15, v42  }
0x3ec: {  	v55 =	vmul.f32 v9, v9;
	v15 =	vadd.f32 v23, v4;
	v35 =	vmovc v4;
	v4 =	vadd.f32 v19, v30  }
0x3ed: {  	v22 =	vmovc v51;
	v33 =	vmul.f32 v33, v33;
	v42 =	vadd.f32 v18, v31;
	v51 =	vadd.f32 v6, v12  }
0x3ee: {  	v39 =	vmul.f32 v11, v11;
	v3 =	vadd.f32 v3, v14;
	v2 =	vadd.f32 v45, v43  }
0x3ef: {  	v37 =	vmul.f32 v22, v22;
	v45 =	vadd.f32 v46, v24;
	v56 =	vadd.f32 v33, v55  }
0x3f0: {  	v43 =	vmul.f32 v32, v32;
	v20 =	vadd.f32 v1, v29;
	v53 =	vadd.f32 v5, v54  }
0x3f1: {  	v25 =	vmovc v54;
	v1 =	vmul.f32 v18, v18;
	v54 =	vadd.f32 v7, v0;
	v15 =	vadd.f32 v15, v21  }
0x3f2: {  	v4 =	vadd.f32 v41, v4;
	v8 =	vadd.f32 v2, v27;
	v2 =	vmul.f32 v31, v31  }
0x3f3: {  	[tilespmem:$0x1F880] =	vst v48;
	v27 =	vmovc v48;
	v48 =	vadd.f32 v48, v11;
	(xrf2) =	vadd.scan.msk.f32 $0xffff, v15;
	v15 =	vadd.f32 v44, v42  }
0x3f4: {  	v46 =	vmul.f32 v26, v26;
	v1 =	vadd.f32 v1, v2;
	v2 =	vadd.f32 v47, v45;
	(xrf2) =	vadd.scan.msk.f32 $0xffff, v4  }
0x3f5: {  	v33 =	vmul.f32 v25, v25;
	v21 =	vadd.f32 v20, v8;
	v50 =	vadd.f32 v50, v48;
	(xrf2) =	vadd.scan.msk.f32 $0xffff, v15  }
0x3f6: {  	v40 =	vadd.f32 v46, v43;
	v16 =	vmul.f32 v27, v27;
	v53 =	vadd.f32 v53, v51;
	(xrf2) =	vadd.scan.msk.f32 $0xffff, v2  }
0x3f7: {  	v4 =	vmul.f32 v10, v10;
	v45 =	vmul.f32 v5, v5;
	v21 =	vadd.f32 v21, v54;
	(xrf2) =	vadd.scan.msk.f32 $0xffff, v50  }
0x3f8: {  	v15 =	vmul.f32 v12, v12;
	v16 =	vadd.f32 v16, v39;
	v2 =	vmul.f32 v6, v6;
	(xrf2) =	vadd.scan.msk.f32 $0xffff, v53  }
0x3f9: {  	v4 =	vadd.f32 v4, v37;
	v1 =	vadd.f32 v40, v1;
	(xrf2) =	vadd.scan.msk.f32 $0xffff, v21  }
0x3fa: {  	v46 =	vadd.f32 v45, v33;
	v2 =	vadd.f32 v2, v15;
	(xrf2) =	vadd.scan.msk.f32 $0xffff, v17  }
0x3fb: {  	v15 =	vadd.f32 v56, v52;
	(xrf2) =	vadd.scan.msk.f32 $0xffff, v3  }
0x3fc: {  	v2 =	vadd.f32 v46, v2;
	v3 =	vadd.f32 v4, v16;
	(xrf2) =	vadd.scan.msk.f32 $0xffff, v1  }
0x3fd: {  	v1, _, _ =	vpop (xrf2);
	(xrf2) =	vadd.scan.msk.f32 $0xffff, v15  }
0x3fe: {  	(v2sf) =	vpush v1, $0xF;
	v1, _, _ =	vpop (xrf2);
	(xrf2) =	vadd.scan.msk.f32 $0xffff, v3  }
0x3ff: {  	(v2sf) =	vpush v1, $0xF;
	v1, _, _ =	vpop (xrf2);
	(xrf2) =	vadd.scan.msk.f32 $0xffff, v2  }
0x400: {  	v2, _, _ =	vpop (xrf2);
	(v2sf) =	vpush v1, $0xF  }
0x401: {  	v1, _, _ =	vpop (xrf2);
	(v2sf) =	vpush v2, $0xF  }
0x402: {  	v2, _, _ =	vpop (xrf2);
	(v2sf) =	vpush v1, $0xF  }
0x403: {  	v47 =	vmov v10;
	v10 =	vld [tilespmem:$0x1F750];
	(v2sf) =	vpush v2, $0xF;
	v1, _, _ =	vpop (xrf2)  }
0x404: {  	s22 =	sadd.s32 $0x8, s8;
	s14 =	spop (v2sf);
	(v2sf) =	vpush v1, $0xF;
	v1, _, _ =	vpop (xrf2)  }
0x405: {  	s15 =	smul.f32 $1.562500000e-02, s14;
	v4 =	vld [tilespmem:s22+$0xFFFFFFFA];
	(v2sf) =	vpush v1, $0xF;
	v1, _, _ =	vpop (xrf2)  }
0x406: {  	v2 =	vld [tilespmem:s22+$0x0];
	(v2sf) =	vpush v1, $0xF;
	v1, _, _ =	vpop (xrf2)  }
0x407: {  	v16 =	vmov s15;
	v3 =	vld [tilespmem:s22+$0xFFFFFFF9];
	(v2sf) =	vpush v1, $0xF;
	v1, _, _ =	vpop (xrf2)  }
0x408: {  	v37 =	vsub.f32 v10, v16;
	v10 =	vld [tilespmem:$0x1F770];
	(v2sf) =	vpush v1, $0xF;
	v1, _, _ =	vpop (xrf2)  }
0x409: {  	(v2sf) =	vpush v1, $0xF;
	v1 =	vld [tilespmem:s22+$0xFFFFFFFB];
	v49, _, _ =	vpop (xrf2)  }
0x40a: {  	(v2sf) =	vpush v49, $0xF  }
0x40b: {  	(v2sf) =	vpush v2, $0x0  }
0x40c: {  	s16 =	spop (v2sf);
	v50 =	vmul.f32 v20, v20;
	(v2sf) =	vpush v3, $0x0  }
0x40d: {  	v41 =	vsub.f32 v10, v16;
	v2 =	vmul.f32 v7, v7;
	s19 =	spop (v2sf);
	(v2sf) =	vpush v4, $0x0  }
0x40e: {  	v10 =	vld [tilespmem:$0x1F780];
	v4 =	vmul.f32 v8, v8;
	s20 =	spop (v2sf);
	(v2sf) =	vpush v1, $0x0;
	v1 =	vmul.f32 v0, v0;
	_ =	sdelay $0x1  }
0x40f: {  	v1 =	vadd.f32 v2, v1;
	v2 =	vadd.f32 v50, v4;
	_ =	sdelay $0x1  }
0x410: {  	v1 =	vadd.f32 v2, v1;
	v2 =	vld [tilespmem:$0x1F760]  }
0x411: {  	v55 =	vsub.f32 v10, v16;
	v10 =	vld [tilespmem:$0x1F790]  }
0x412: {  	s28 =	sadd.s32 $0x8, s9  }
0x413: {  	v51 =	vld [tilespmem:s28+$0xFFFFFFF9];
	s12 =	smul.f32 $1.562500000e-02, s19  }
0x414: {  	v27 =	vld [tilespmem:s28+$0xFFFFFFFC]  }
0x415: {  	v15 =	vld [tilespmem:s28+$0x0];
	v40 =	vsub.f32 v2, v16;
	v16 =	vmov s12  }
0x416: {  	v46 =	vsub.f32 v10, v16;
	v10 =	vld [tilespmem:$0x1F7A0]  }
0x417: {  	s17 =	smul.f32 s15, s15;
	v48 =	vmov v25;
	v25 =	vld [tilespmem:s28+$0xFFFFFFFD]  }
0x418: {  	v21 =	vld [tilespmem:s28+$0xFFFFFFFB];
	s14 =	smul.f32 $1.562500000e-02, s20  }
0x419: {  	s0 =	smul.f32 $1.562500000e-02, s16;
	v17 =	vld [tilespmem:s22+$0xFFFFFFFE]  }
0x41a: {  	s11 =	sadd.s32 $0x8, s11;
	v3 =	vld [tilespmem:s22+$0xFFFFFFFC];
	s23 =	spop (v2sf);
	(v2sf) =	vpush v15, $0x0;
	v29 =	vmov s14  }
0x41b: {  	s25 =	smulhi.u32 $0x51EB851F, s11;
	s0 =	ssub.f32 s0, s17;
	v15 =	vld [tilespmem:s22+$0xFFFFFFFD];
	v56 =	vsub.f32 v10, v16;
	v10 =	vsub.f32 v30, v29  }
0x41c: {  	v4 =	vld [tilespmem:s22+$0xFFFFFFFF]  }
0x41d: {  	s29 =	sshrl.u32 s25, $0x6;
	s0 =	sadd.f32 $9.999999960e-13, s0;
	v2 =	vld [tilespmem:s28+$0xFFFFFFFA];
	[tilespmem:$0x1F9E0] =	vst v10;
	v10 =	vsub.f32 v19, v29  }
0x41e: {  	s1 =	smul.u32 $0xFFFE7000, s29  }
0x41f: {  	s18 =	sshrl.u32 s0, $0x1;
	s0 =	smul.f32 $5.000000000e-01, s0;
	[tilespmem:$0x1F7B0] =	vst v10;
	v10 =	vsub.f32 v28, v29  }
0x420: {  	s2 =	ssub.s32 $0x5F3759DF, s18;
	s15 =	smul.f32 $1.562500000e-02, s23  }
0x421: {  	s21 =	smul.f32 s2, s0;
	s24 =	spop (v2sf);
	v30 =	vld [tilespmem:s28+$0xFFFFFFFE];
	[tilespmem:$0x1F7C0] =	vst v10;
	v10 =	vsub.f32 v13, v29  }
0x422: {  	s1 =	sshra.s32 s1, $0x2;
	s10 =	spop (v2sf);
	v45 =	vmov s15  }
0x423: {  	s1 =	sadd.s32 s1, s26;
	s5 =	smul.f32 s2, s21;
	s8 =	spop (v2sf);
	[tilespmem:$0x1F7D0] =	vst v10;
	v10 =	vsub.f32 v31, v45  }
0x424: {  	s1 =	sadd.s32 $0x400, s1;
	s7 =	spop (v2sf)  }
0x425: {  	s5 =	ssub.f32 $1.500000000e+00, s5;
	s9 =	spop (v2sf);
	v28 =	vld [tilespmem:s1+$0x4380];
	[tilespmem:$0x1F7E0] =	vst v10;
	v10 =	vsub.f32 v18, v45  }
0x426: {  	s6 =	spop (v2sf)  }
0x427: {  	s30 =	smul.f32 s2, s5;
	s4 =	spop (v2sf);
	[tilespmem:$0x1F7F0] =	vst v10;
	v10 =	vsub.f32 v32, v45  }
0x428: {  	s16 =	smul.f32 $1.562500000e-02, s24;
	s2 =	spop (v2sf)  }
0x429: {  	s5 =	spop (v2sf);
	v29 =	vld [tilespmem:s1+$0x4390];
	[tilespmem:$0x1F800] =	vst v10;
	v10 =	vsub.f32 v26, v45  }
0x42a: {  	s3 =	spop (v2sf);
	v31 =	vmov s16  }
0x42b: {  	(v2sf) =	vpush v3, $0x0;
	s19 =	spop (v2sf);
	v3 =	vld [tilespmem:s1+$0x43A0];
	[tilespmem:$0x1F810] =	vst v10;
	v10 =	vsub.f32 v24, v31  }
0x42c: {  	s18 =	sshrl.u32 s19, $0x7  }
0x42d: {  	(v2sf) =	vpush v15, $0x0;
	s18 =	sand.u32 $0x40, s18;
	v15 =	vld [tilespmem:s1+$0x43B0];
	[tilespmem:$0x1F820] =	vst v10;
	v10 =	vsub.f32 v34, v31  }
0x42e: {  	s20 =	spop (v2sf);
	s18 =	sadd.s32 $0x400, s18  }
0x42f: {  	(v2sf) =	vpush v17, $0x0;
	s24 =	spop (v2sf);
	v9 =	vsub.f32 v9, v31;
	v17 =	vld [tilespmem:s18+$0xDD80];
	[tilespmem:$0x1F830] =	vst v10  }
0x430: {  	s31 =	smul.f32 s30, s0;
	(v2sf) =	vpush v4, $0x0;
	s21 =	spop (v2sf);
	v4 =	vld [tilespmem:s18+$0xDD90]  }
0x431: {  	s23 =	spop (v2sf);
	(v2sf) =	vpush v51, $0x0;
	[tilespmem:$0x1F840] =	vst v9;
	v9 =	vld [tilespmem:$0x1F850]  }
0x432: {  	s13 =	smul.f32 s31, s30;
	v38 =	vsub.f32 v35, v16;
	s23 =	scvt.s32.f32 s23;
	(v2sf) =	vpush v2, $0x0;
	v10 =	vld [tilespmem:s18+$0xDDA0]  }
0x433: {  	v16 =	vsub.f32 v23, v16;
	(v2sf) =	vpush v21, $0x0;
	v23 =	vld [tilespmem:s18+$0xDDB0]  }
0x434: {  	s13 =	ssub.f32 $1.500000000e+00, s13;
	v2 =	vmul.f32 s23, v36;
	v49 =	vmul.f32 s23, v59;
	(v2sf) =	vpush v27, $0x0;
	v26 =	vld [tilespmem:s28+$0xFFFFFFFF]  }
0x435: {  	s29 =	sshrl.u32 s24, $0x7;
	v21 =	vmul.f32 s23, v62;
	(v2sf) =	vpush v25, $0x0;
	v24 =	vmul.f32 s23, v63;
	v50 =	vld [tilespmem:s1+$0x4000]  }
0x436: {  	s13 =	smul.f32 s13, s30;
	s30 =	sand.u32 $0x40, s29;
	v2 =	vadd.f32 v2, v57;
	v14 =	vadd.f32 v49, v58;
	v51 =	vld [tilespmem:s1+$0x4010]  }
0x437: {  	s25 =	sshrl.u32 s20, $0x7;
	s20 =	sshrl.u32 s21, $0x7;
	s31 =	sadd.s32 $0x400, s30;
	v21 =	vadd.f32 v21, v60;
	v24 =	vadd.f32 v24, v61;
	v52 =	vld [tilespmem:s1+$0x4020]  }
0x438: {  	(xrf2) =	vadd.scan.msk.f32 $0xffff, v1;
	s23 =	sand.u32 $0x40, s20;
	v27 =	vld [tilespmem:s31+$0xDA80];
	v1 =	vadd.f32 v28, v17;
	v4 =	vadd.f32 v29, v4  }
0x439: {  	s17 =	sand.u32 $0x40, s25;
	s24 =	sadd.s32 $0x400, s23;
	v54 =	vld [tilespmem:s31+$0xDA90];
	v3 =	vadd.f32 v3, v10;
	v10 =	vadd.f32 v15, v23  }
0x43a: {  	s17 =	sadd.s32 $0x400, s17;
	v25 =	vld [tilespmem:s24+$0xDB00];
	v45 =	vadd.f32 v2, v1;
	v44 =	vadd.f32 v14, v4  }
0x43b: {  	v28 =	vld [tilespmem:s17+$0xDA00];
	v42 =	vadd.f32 v3, v21;
	v17 =	vadd.f32 v10, v24  }
0x43c: {  	v29 =	vld [tilespmem:s17+$0xDA10]  }
0x43d: {  	s21 =	smul.f32 $1.562500000e-02, s10;
	v1 =	vld [tilespmem:s31+$0xDAA0];
	v21 =	vadd.f32 v44, v45;
	v23 =	vadd.f32 v17, v42  }
0x43e: {  	v9 =	vsub.f32 v9, v31;
	v4 =	vld [tilespmem:s17+$0xDA20]  }
0x43f: {  	v3 =	vld [tilespmem:s17+$0xDA30];
	v39 =	vadd.f32 v23, v21;
	v23 =	vmov s21  }
0x440: {  	v24 =	vld [tilespmem:s31+$0xDAB0];
	[tilespmem:$0x1F860] =	vst v9;
	v9 =	vsub.f32 v11, v23  }
0x441: {  	v2 =	vmul.f32 v45, v45;
	v10 =	vmul.f32 v44, v44  }
0x442: {  	v53 =	vmul.f32 v42, v42;
	v15 =	vmul.f32 v17, v17;
	[tilespmem:$0x1F870] =	vst v9;
	v9 =	vld [tilespmem:$0x1F880];
	_ =	sdelay $0x1  }
0x443: {  	v2 =	vadd.f32 v10, v2;
	v10 =	vadd.f32 v15, v53;
	_ =	sdelay $0x1  }
0x444: {  	v2 =	vadd.f32 v10, v2  }
0x445: {  	s0 =	smul.f32 s13, s0;
	(xrf2) =	vadd.scan.msk.f32 $0xffff, v39;
	v9 =	vsub.f32 v9, v23  }
0x446: {  	s8 =	smul.f32 $1.562500000e-02, s8;
	(xrf2) =	vadd.scan.msk.f32 $0xffff, v2;
	v2 =	vsub.f32 v22, v23  }
0x447: {  	v15 =	vld [tilespmem:s24+$0xDB10];
	[tilespmem:$0x1F890] =	vst v9  }
0x448: {  	s0 =	smul.f32 s0, s13;
	v9 =	vsub.f32 v47, v23;
	v21 =	vld [tilespmem:s24+$0xDB20];
	[tilespmem:$0x1F8A0] =	vst v2;
	v2 =	vmov s8  }
0x449: {  	s25 =	spop (v2sf);
	v6 =	vsub.f32 v6, v2  }
0x44a: {  	s0 =	ssub.f32 $1.500000000e+00, s0;
	s17 =	smul.f32 s14, s14;
	s14 =	sshrl.u32 s25, $0x7;
	[tilespmem:$0x1F8B0] =	vst v9;
	v9 =	vsub.f32 v12, v2  }
0x44b: {  	s31 =	smul.f32 $1.562500000e-02, s7;
	s30 =	sand.u32 $0x40, s14;
	v23 =	vld [tilespmem:s24+$0xDB30];
	[tilespmem:$0x1F8D0] =	vst v6;
	v6 =	vsub.f32 v48, v2;
	v2 =	vsub.f32 v5, v2  }
0x44c: {  	s0 =	smul.f32 s0, s13;
	s19 =	sadd.s32 $0x400, s30;
	[tilespmem:$0x1F8C0] =	vst v9  }
0x44d: {  	s13 =	smul.f32 s16, s16;
	v43 =	vld [tilespmem:s19+$0xDB80];
	[tilespmem:$0x1F8F0] =	vst v2;
	v2 =	vmov s31  }
0x44e: {  	s9 =	smul.f32 $1.562500000e-02, s9;
	v0 =	vsub.f32 v0, v2  }
0x44f: {  	s6 =	smul.f32 $1.562500000e-02, s6;
	[tilespmem:$0x1F8E0] =	vst v6  }
0x450: {  	s4 =	smul.f32 $1.562500000e-02, s4;
	v47 =	vld [tilespmem:s19+$0xDB90];
	[tilespmem:$0x1F900] =	vst v0;
	v0 =	vsub.f32 v7, v2  }
0x451: {  	s2 =	smul.f32 $1.562500000e-02, s2;
	(v2sf) =	vpush v30, $0x0  }
0x452: {  	s29 =	spop (v2sf);
	s18 =	smul.f32 s12, s12;
	(v2sf) =	vpush v26, $0x0;
	v10, _, _ =	vpop (xrf2);
	[tilespmem:$0x1F910] =	vst v0;
	v0 =	vsub.f32 v8, v2  }
0x453: {  	s10 =	smul.f32 s21, s21;
	s14 =	spop (v2sf);
	(v2sf) =	vpush v10, $0xF  }
0x454: {  	s9 =	ssub.f32 s9, s18;
	s7 =	spop (v2sf);
	v10 =	vld [tilespmem:s19+$0xDBA0];
	[tilespmem:$0x1F920] =	vst v0;
	v0 =	vsub.f32 v20, v2  }
0x455: {  	s16 =	sshrl.u32 s29, $0x7;
	s12 =	smul.f32 s15, s15;
	s24 =	spop (v2sf)  }
0x456: {  	s18 =	sadd.f32 $9.999999960e-13, s9;
	s25 =	sand.u32 $0x40, s16;
	s15 =	scvt.s32.f32 s24;
	[tilespmem:$0x1F930] =	vst v0  }
0x457: {  	s6 =	ssub.f32 s6, s17;
	s21 =	sadd.s32 $0x400, s25;
	s29 =	spop (v2sf);
	v11 =	vld [tilespmem:s19+$0xDBB0]  }
0x458: {  	s9 =	smul.f32 s31, s31;
	s30 =	scvt.s32.f32 s29;
	v7 =	vmul.f32 s15, v62;
	v2 =	vld [tilespmem:s21+$0xDC00]  }
0x459: {  	s17 =	smul.f32 $1.562500000e-02, s3;
	s23 =	sadd.f32 $9.999999960e-13, s6;
	v4 =	vadd.f32 v52, v4;
	v5 =	vadd.f32 v50, v28;
	v19 =	vld [tilespmem:s1+$0x4030]  }
0x45a: {  	v49, _, _ =	vpop (xrf2);
	s24 =	smul.f32 $1.562500000e-02, s5;
	v6 =	vmul.f32 s15, v59;
	s31 =	spop (v2sf);
	v7 =	vadd.f32 v7, v60;
	v20 =	vmul.f32 s30, v59;
	v26 =	vld [tilespmem:s1+$0x4080]  }
0x45b: {  	s6 =	ssub.f32 s2, s13;
	s13 =	spop (v2sf);
	(v2sf) =	vpush v49, $0xF;
	v8 =	vadd.f32 v51, v29;
	v0 =	vmul.f32 s15, v36;
	v29 =	vld [tilespmem:s1+$0x4090]  }
0x45c: {  	s25 =	sshrl.u32 s18, $0x1;
	s2 =	smul.f32 $5.000000000e-01, s18;
	v48 =	vmul.f32 s15, v63;
	s10 =	ssub.f32 s24, s10;
	v30 =	vadd.f32 v20, v58;
	v20 =	vadd.f32 v4, v7;
	v4 =	vld [tilespmem:s1+$0x40B0]  }
0x45d: {  	s4 =	ssub.f32 s4, s12;
	s18 =	ssub.s32 $0x5F3759DF, s25;
	s8 =	smul.f32 s8, s8;
	v50, _, _ =	vpop (xrf2);
	v18 =	vmul.f32 s30, v36;
	v6 =	vadd.f32 v6, v58;
	v31 =	vld [tilespmem:s1+$0x4180];
	v0 =	vadd.f32 v0, v57  }
0x45e: {  	s5 =	smul.f32 $5.000000000e-01, s23;
	v22 =	vadd.f32 v48, v61;
	(v2sf) =	vpush v50, $0xF;
	s24 =	sadd.f32 $9.999999960e-13, s10;
	v9 =	vld [tilespmem:s21+$0xDC10]  }
0x45f: {  	s29 =	smul.f32 s18, s2;
	v28 =	vadd.f32 v18, v57;
	s15 =	spop (v2sf);
	v18 =	vadd.f32 v0, v5;
	v5 =	vld [tilespmem:s1+$0x40A0]  }
0x460: {  	s3 =	smul.f32 $5.000000000e-01, s24;
	v51 =	vld [tilespmem:s21+$0xDC20];
	s16 =	spop (v2sf);
	v0 =	vadd.f32 v19, v3;
	v19 =	vadd.f32 v6, v8  }
0x461: {  	s19 =	scvt.s32.f32 s31;
	s12 =	spop (v2sf);
	v7 =	vadd.f32 v26, v27;
	v8 =	vld [tilespmem:s1+$0x4100];
	v26 =	vadd.f32 v29, v54  }
0x462: {  	s31 =	smul.f32 s18, s29;
	s29 =	spop (v2sf);
	v3 =	vmul.f32 s30, v62;
	v27 =	vld [tilespmem:s21+$0xDC30];
	v4 =	vadd.f32 v4, v24;
	v12 =	vadd.f32 v31, v43  }
0x463: {  	v6 =	vmul.f32 s30, v63;
	s30 =	sshrl.u32 s23, $0x1;
	s21 =	smul.f32 $1.562500000e-02, s29;
	v22 =	vadd.f32 v0, v22;
	v0 =	vadd.f32 v28, v7;
	v7 =	vld [tilespmem:s1+$0x4110]  }
0x464: {  	s13 =	scvt.s32.f32 s13;
	v29 =	vmul.f32 s19, v36;
	v24 =	vld [tilespmem:s1+$0x4130];
	s29 =	sadd.f32 $9.999999960e-13, s6;
	s25 =	ssub.s32 $0x5F3759DF, s30;
	v3 =	vadd.f32 v3, v60;
	v5 =	vadd.f32 v5, v1  }
0x465: {  	s14 =	sshrl.u32 s14, $0x7;
	s30 =	ssub.f32 $1.500000000e+00, s31;
	v6 =	vadd.f32 v6, v61;
	v28 =	vld [tilespmem:s1+$0x4120];
	s23 =	smul.f32 s25, s5;
	v1 =	vadd.f32 v30, v26;
	v26 =	vmul.f32 s19, v59  }
0x466: {  	s14 =	sand.u32 $0x40, s14;
	v29 =	vadd.f32 v29, v57;
	s10 =	smul.f32 $5.000000000e-01, s29;
	v3 =	vadd.f32 v5, v3  }
0x467: {  	s14 =	sadd.s32 $0x400, s14;
	v31 =	vmul.f32 s13, v59;
	s31 =	sadd.f32 $9.999999960e-13, s4;
	s4 =	smul.f32 s18, s30;
	v8 =	vadd.f32 v8, v25;
	v26 =	vadd.f32 v26, v58  }
0x468: {  	s8 =	ssub.f32 s17, s8;
	s30 =	smul.f32 s25, s23;
	s23 =	sshrl.u32 s29, $0x1;
	v25 =	vmul.f32 s19, v62;
	v5 =	vadd.f32 v4, v6;
	v6 =	vadd.f32 v7, v15;
	v15 =	vld [tilespmem:s1+$0x4190]  }
0x469: {  	s6 =	smul.f32 $5.000000000e-01, s31;
	s20 =	sshrl.u32 s31, $0x1;
	v23 =	vadd.f32 v24, v23;
	v24 =	vld [tilespmem:s1+$0x41A0];
	s17 =	ssub.s32 $0x5F3759DF, s23;
	v4 =	vadd.f32 v29, v8;
	v7 =	vmul.f32 s19, v63  }
0x46a: {  	s31 =	ssub.f32 $1.500000000e+00, s30;
	s30 =	smul.f32 s17, s10;
	s19 =	ssub.s32 $0x5F3759DF, s20;
	v8 =	vadd.f32 v25, v60;
	v21 =	vadd.f32 v28, v21;
	v29 =	vld [tilespmem:s1+$0x41B0]  }
0x46b: {  	v32 =	vld [tilespmem:s14+$0xDCA0];
	s21 =	ssub.f32 s21, s9;
	v52 =	vadd.f32 v31, v58;
	s29 =	smul.f32 s19, s6;
	v28 =	vadd.f32 v7, v61  }
0x46c: {  	v33 =	vld [tilespmem:s14+$0xDCB0];
	s9 =	smul.f32 s25, s31;
	s25 =	scvt.s32.f32 s15;
	v6 =	vadd.f32 v26, v6;
	v26 =	vmul.f32 s13, v36;
	v7 =	vadd.f32 v21, v8  }
0x46d: {  	s7 =	sshrl.u32 s7, $0x7;
	s18 =	sadd.f32 $9.999999960e-13, s21;
	s23 =	smul.f32 s17, s30;
	v8 =	vadd.f32 v23, v28;
	v23 =	vld [tilespmem:s1+$0x4200];
	v13 =	vadd.f32 v15, v47;
	v15 =	vmul.f32 s13, v62  }
0x46e: {  	s7 =	sand.u32 $0x40, s7;
	v54 =	vld [tilespmem:s1+$0x4220];
	s20 =	sadd.f32 $9.999999960e-13, s8;
	s31 =	smul.f32 s19, s29;
	v10 =	vadd.f32 v24, v10;
	v53 =	vmul.f32 s25, v36;
	v21 =	vadd.f32 v26, v57  }
0x46f: {  	v31 =	vmul.f32 s13, v63;
	s15 =	sadd.s32 $0x400, s7;
	s30 =	sshrl.u32 s24, $0x1;
	s7 =	smul.f32 $5.000000000e-01, s18;
	v28 =	vld [tilespmem:s1+$0x4210];
	v11 =	vadd.f32 v29, v11;
	v15 =	vadd.f32 v15, v60  }
0x470: {  	v30 =	vld [tilespmem:s14+$0xDC80];
	s8 =	smul.f32 $5.000000000e-01, s20;
	s29 =	ssub.f32 $1.500000000e+00, s31;
	s13 =	ssub.s32 $0x5F3759DF, s30;
	v21 =	vadd.f32 v21, v12;
	v12 =	vadd.f32 v53, v57  }
0x471: {  	s21 =	ssub.f32 $1.500000000e+00, s23;
	v29 =	vmul.f32 s25, v59;
	s31 =	smul.f32 s13, s3;
	v26 =	vadd.f32 v10, v15;
	v10 =	vadd.f32 v31, v61;
	v15 =	vld [tilespmem:s1+$0x4230]  }
0x472: {  	v25 =	vld [tilespmem:s14+$0xDC90];
	s20 =	sshrl.u32 s20, $0x1;
	v24 =	vadd.f32 v52, v13;
	s14 =	smul.f32 s19, s29;
	v23 =	vadd.f32 v23, v2  }
0x473: {  	s20 =	ssub.s32 $0x5F3759DF, s20;
	s19 =	scvt.s32.f32 s16;
	s16 =	smul.f32 s17, s21;
	v35 =	vadd.f32 v29, v58;
	v2 =	vadd.f32 v11, v10;
	v10 =	vmul.f32 s25, v62;
	v11 =	vld [tilespmem:s1+$0x4280]  }
0x474: {  	s21 =	spop (v2sf);
	s29 =	smul.f32 s20, s8;
	v9 =	vadd.f32 v28, v9;
	v34 =	vadd.f32 v12, v23;
	v23 =	vld [tilespmem:s1+$0x4290]  }
0x475: {  	v13 =	vadd.f32 v54, v51;
	s17 =	smul.f32 $1.562500000e-02, s21;
	s24 =	spop (v2sf);
	v28 =	vmul.f32 s25, v63;
	v10 =	vadd.f32 v10, v60  }
0x476: {  	s21 =	smul.f32 $1.562500000e-02, s24;
	v39 =	vmul.f32 s19, v36;
	v35 =	vadd.f32 v35, v9;
	v9 =	vadd.f32 v15, v27;
	v15 =	vld [tilespmem:s1+$0x42A0]  }
0x477: {  	s18 =	sshrl.u32 s18, $0x1;
	v47 =	vld [tilespmem:s1+$0x42B0];
	s25 =	smul.f32 s17, s17;
	v43 =	vadd.f32 v13, v10;
	v10 =	vadd.f32 v28, v61  }
0x478: {  	s12 =	scvt.s32.f32 s12;
	s23 =	smul.f32 s13, s31;
	s24 =	ssub.s32 $0x5F3759DF, s18;
	v12 =	vadd.f32 v39, v57;
	v27 =	vmul.f32 s19, v59;
	v11 =	vadd.f32 v11, v30  }
0x479: {  	v31 =	vld [tilespmem:s15+$0xDD00];
	s30 =	smul.f32 s24, s7;
	s21 =	ssub.f32 s21, s25;
	v51 =	vadd.f32 v9, v10;
	v9 =	vadd.f32 v23, v25;
	v10 =	vmul.f32 s19, v62  }
0x47a: {  	s18 =	smul.f32 s20, s29;
	s23 =	ssub.f32 $1.500000000e+00, s23;
	v23 =	vld [tilespmem:s1+$0x4300];
	v52 =	vadd.f32 v12, v11;
	v11 =	vadd.f32 v27, v58  }
0x47b: {  	v50 =	vld [tilespmem:s1+$0x4310];
	s31 =	smul.f32 s24, s30;
	s21 =	sadd.f32 $9.999999960e-13, s21;
	v15 =	vadd.f32 v15, v32;
	v10 =	vadd.f32 v10, v60  }
0x47c: {  	v14 =	vld [tilespmem:s15+$0xDD10];
	s25 =	ssub.f32 $1.500000000e+00, s18;
	s18 =	smul.f32 s13, s23;
	v25 =	vmul.f32 s19, v63;
	v53 =	vadd.f32 v11, v9;
	v9 =	vadd.f32 v47, v33  }
0x47d: {  	s30 =	ssub.f32 $1.500000000e+00, s31;
	s23 =	smul.f32 $5.000000000e-01, s21;
	v27 =	vld [tilespmem:s15+$0xDD30];
	v11 =	vmul.f32 s12, v36;
	v47 =	vmul.f32 s12, v63;
	v36 =	vadd.f32 v15, v10  }
0x47e: {  	s19 =	smul.f32 s20, s25;
	v10 =	vadd.f32 v25, v61;
	v15 =	vld [tilespmem:s1+$0x4330];
	v25 =	vmul.f32 s12, v59;
	v59 =	vadd.f32 v22, v20  }
0x47f: {  	s29 =	sshrl.u32 s21, $0x1;
	s21 =	smul.f32 s24, s30;
	v23 =	vadd.f32 v23, v31;
	v11 =	vadd.f32 v11, v57  }
0x480: {  	s24 =	smul.f32 s4, s2;
	v57 =	vadd.f32 v47, v61;
	v54 =	vadd.f32 v9, v10  }
0x481: {  	v28 =	vld [tilespmem:s15+$0xDD20];
	s25 =	smul.f32 s9, s5;
	s13 =	ssub.s32 $0x5F3759DF, s29;
	v9 =	vadd.f32 v50, v14;
	v10 =	vadd.f32 v25, v58  }
0x482: {  	v39 =	vmul.f32 s12, v62;
	s31 =	smul.f32 s13, s23;
	v33 =	vld [tilespmem:s1+$0x4320];
	v61 =	vadd.f32 v5, v3;
	v58 =	vadd.f32 v19, v18  }
0x483: {  	v29 =	vmul.f32 v24, v24;
	s29 =	smul.f32 s25, s9;
	v49 =	vadd.f32 v10, v9;
	v9 =	vadd.f32 v15, v27  }
0x484: {  	v32 =	vmul.f32 v5, v5;
	s20 =	smul.f32 s13, s31;
	v10 =	vadd.f32 v39, v60;
	v60 =	vadd.f32 v1, v0  }
0x485: {  	v63 =	vmul.f32 v0, v0;
	s12 =	smul.f32 s24, s4;
	s24 =	ssub.f32 $1.500000000e+00, s29;
	v47 =	vadd.f32 v9, v57;
	v9 =	vadd.f32 v59, v58  }
0x486: {  	s31 =	smul.f32 s14, s6;
	s1 =	ssub.f32 $1.500000000e+00, s20;
	v48 =	vadd.f32 v11, v23;
	v23 =	vadd.f32 v8, v7;
	v15 =	vmul.f32 v1, v1  }
0x487: {  	s29 =	smul.f32 s16, s10;
	s12 =	ssub.f32 $1.500000000e+00, s12;
	v11 =	vadd.f32 v33, v28;
	v12 =	vadd.f32 v61, v60;
	(xrf2) =	vadd.scan.msk.f32 $0xffff, v9;
	v9 =	vmul.f32 v3, v3  }
0x488: {  	v25 =	vmul.f32 v8, v8;
	s1 =	smul.f32 s13, s1;
	v33 =	vadd.f32 v6, v4;
	v13 =	vadd.f32 v15, v63  }
0x489: {  	s12 =	smul.f32 s12, s4;
	v15 =	vmul.f32 v6, v6;
	(xrf2) =	vadd.scan.msk.f32 $0xffff, v12;
	v14 =	vadd.f32 v32, v9;
	v9 =	vmul.f32 v4, v4  }
0x48a: {  	s4 =	smul.f32 s24, s9;
	v28 =	vadd.f32 v2, v26;
	v12 =	vadd.f32 v23, v33;
	v23 =	vmul.f32 v7, v7  }
0x48b: {  	s9 =	smul.f32 s29, s16;
	v27 =	vadd.f32 v24, v21;
	v15 =	vadd.f32 v15, v9;
	v9 =	vmul.f32 v21, v21  }
0x48c: {  	v39 =	vmul.f32 v2, v2;
	s24 =	smul.f32 s21, s7;
	v23 =	vadd.f32 v25, v23  }
0x48d: {  	s30 =	smul.f32 s1, s23;
	v25 =	vadd.f32 v28, v27;
	v27 =	vadd.f32 v29, v9;
	v9 =	vmul.f32 v26, v26  }
0x48e: {  	v50 =	vadd.f32 v11, v10;
	v10 =	vmul.f32 v18, v18;
	v11 =	vmul.f32 v19, v19;
	s2 =	smul.f32 s12, s2  }
0x48f: {  	v30 =	vmul.f32 v35, v35;
	s5 =	smul.f32 s4, s5;
	(xrf2) =	vadd.scan.msk.f32 $0xffff, v12;
	v12 =	vadd.f32 v39, v9;
	v9 =	vmul.f32 v34, v34  }
0x490: {  	v62 =	vmul.f32 v22, v22;
	v58 =	vadd.f32 v54, v36;
	v63 =	vld [tilespmem:$0x1FF00];
	v10 =	vadd.f32 v11, v10;
	s25 =	smul.f32 s30, s1  }
0x491: {  	v31 =	vmul.f32 v51, v51;
	s30 =	smul.f32 s31, s14;
	v28 =	vadd.f32 v35, v34;
	v29 =	vadd.f32 v51, v43;
	v57, _, _ =	vpop (xrf2)  }
0x492: {  	v11 =	vmul.f32 v20, v20;
	s31 =	smul.f32 s18, s3;
	v59 =	vadd.f32 v47, v50;
	s13 =	ssub.f32 $1.500000000e+00, s25;
	(v2sf) =	vpush v57, $0xF  }
0x493: {  	[tilespmem:$0x1F970] =	vst v51;
	s2 =	smul.f32 s2, s12;
	v28 =	vadd.f32 v29, v28;
	v29 =	vmul.f32 v43, v43;
	v30 =	vadd.f32 v30, v9;
	v9, _, _ =	vpop (xrf2)  }
0x494: {  	[tilespmem:$0x1F990] =	vst v53;
	v11 =	vadd.f32 v62, v11;
	s13 =	smul.f32 s13, s1;
	(v2sf) =	vpush v9, $0xF  }
0x495: {  	s5 =	smul.f32 s5, s4;
	s15 =	ssub.f32 $1.500000000e+00, s30;
	v62 =	vmul.f32 s0, v63;
	(xrf2) =	vadd.scan.msk.f32 $0xffff, v25;
	v51 =	vld [tilespmem:$0x1FF30];
	v29 =	vadd.f32 v31, v29;
	v31 =	vadd.f32 v53, v52  }
0x496: {  	[tilespmem:$0x1F9A0] =	vst v36;
	v10 =	vadd.f32 v11, v10;
	v11 =	vmul.f32 v36, v36;
	s29 =	smul.f32 s13, s23;
	v25 =	vadd.f32 v49, v48;
	v39 =	vld [tilespmem:$0x1FF10]  }
0x497: {  	s14 =	smul.f32 s15, s14;
	v13 =	vadd.f32 v14, v13;
	v36 =	vmul.f32 v62, v40;
	(xrf2) =	vadd.scan.msk.f32 $0xffff, v28;
	v31 =	vadd.f32 v58, v31  }
0x498: {  	[tilespmem:$0x1F9B0] =	vst v54;
	s9 =	ssub.f32 $1.500000000e+00, s9;
	s20 =	smul.f32 s29, s13;
	v25 =	vadd.f32 v59, v25;
	v59 =	vadd.f32 v23, v15;
	v28 =	vmul.f32 v52, v52  }
0x499: {  	s15 =	smul.f32 s19, s8;
	v15 =	vmov s17;
	v53 =	vmul.f32 v53, v53;
	(xrf2) =	vadd.scan.msk.f32 $0xffff, v31;
	v31 =	vmul.f32 v54, v54;
	v54, _, _ =	vpop (xrf2)  }
0x49a: {  	s1 =	smul.f32 s9, s16;
	s30 =	ssub.f32 $1.500000000e+00, s20;
	v57 =	vmul.f32 v49, v49;
	v9 =	vmul.f32 s0, v51;
	(v2sf) =	vpush v54, $0xF  }
0x49b: {  	[tilespmem:$0x1F960] =	vst v43;
	s9 =	smul.f32 s15, s19;
	v17 =	vsub.f32 v17, v15;
	v58 =	vmul.f32 v47, v47;
	v43 =	vmul.f32 s0, v39  }
0x49c: {  	v62 =	vsub.f32 v44, v15;
	s13 =	smul.f32 s30, s13;
	v9 =	vmul.f32 v9, v37;
	(xrf2) =	vadd.scan.msk.f32 $0xffff, v25;
	v25 =	vmul.f32 v48, v48  }
0x49d: {  	s2 =	ssub.f32 $1.500000000e+00, s2;
	s15 =	smul.f32 s24, s21;
	v23 =	vadd.f32 v12, v27;
	v37 =	vmul.f32 v43, v41;
	v43 =	vld [tilespmem:$0x1FF20];
	(xrf2) =	vadd.scan.msk.f32 $0xffff, v10;
	v10 =	vmul.f32 v50, v50  }
0x49e: {  	s25 =	smul.f32 s31, s18;
	s5 =	ssub.f32 $1.500000000e+00, s5;
	v28 =	vadd.f32 v53, v28;
	v27 =	vmul.f32 s13, v51;
	v11 =	vadd.f32 v31, v11  }
0x49f: {  	s12 =	smul.f32 s2, s12;
	s15 =	ssub.f32 $1.500000000e+00, s15;
	v61, _, _ =	vpop (xrf2);
	v25 =	vadd.f32 v57, v25;
	v10 =	vadd.f32 v58, v10  }
0x4a0: {  	s4 =	smul.f32 s5, s4;
	v27 =	vmul.f32 v27, v17;
	(v2sf) =	vpush v61, $0xF;
	(xrf2) =	vadd.scan.msk.f32 $0xffff, v13;
	v12 =	vadd.f32 v11, v28  }
0x4a1: {  	s31 =	smul.f32 s15, s21;
	v11 =	vadd.f32 v10, v25;
	v10 =	vsub.f32 v45, v15;
	v17, _, _ =	vpop (xrf2);
	v25 =	vmul.f32 s13, v63;
	s15 =	spop (v2sf)  }
0x4a2: {  	(xrf2) =	vadd.scan.msk.f32 $0xffff, v59;
	v60 =	vmul.f32 s0, v43;
	(v2sf) =	vpush v17, $0xF;
	v17 =	vmul.f32 s13, v39;
	s2 =	smul.f32 $1.562500000e-02, s15  }
0x4a3: {  	s6 =	smul.f32 s14, s6;
	v15 =	vsub.f32 v42, v15;
	v25 =	vmul.f32 v25, v10;
	v10 =	vmul.f32 s13, v43;
	v28, _, _ =	vpop (xrf2);
	(xrf2) =	vadd.scan.msk.f32 $0xffff, v23;
	s17 =	spop (v2sf)  }
0x4a4: {  	[tilespmem:$0x1F950] =	vst v35;
	v35 =	vmul.f32 v60, v55;
	v14 =	vmul.f32 v17, v62;
	v17 =	vmov s2;
	s5 =	smul.f32 $1.562500000e-02, s17  }
0x4a5: {  	s0 =	smul.f32 s6, s14;
	v15 =	vmul.f32 v10, v15;
	v10 =	vsub.f32 v18, v17;
	v44 =	vsub.f32 v19, v17  }
0x4a6: {  	s9 =	ssub.f32 $1.500000000e+00, s9;
	v32 =	vsub.f32 v20, v17;
	v60 =	vsub.f32 v22, v17;
	v17 =	vmov s5  }
0x4a7: {  	[tilespmem:$0x1F9C0] =	vst v47;
	s0 =	ssub.f32 $1.500000000e+00, s0;
	v47 =	vsub.f32 v0, v17;
	v0 =	vmul.f32 s12, v39  }
0x4a8: {  	s9 =	smul.f32 s9, s19;
	(v2sf) =	vpush v28, $0xF;
	v23, _, _ =	vpop (xrf2);
	[tilespmem:$0x1F9D0] =	vst v10;
	v10 =	vmul.f32 s12, v63  }
0x4a9: {  	s19 =	smul.f32 s0, s14;
	(v2sf) =	vpush v23, $0xF;
	v23, _, _ =	vpop (xrf2);
	s20 =	spop (v2sf);
	v31 =	vmul.f32 v0, v56;
	v0 =	vmul.f32 s12, v51  }
0x4aa: {  	s16 =	ssub.f32 $1.500000000e+00, s25;
	(v2sf) =	vpush v23, $0xF;
	v18, _, _ =	vpop (xrf2);
	s0 =	smul.f32 $1.562500000e-02, s20;
	v61 =	vsub.f32 v1, v17;
	v1 =	vmul.f32 s12, v43  }
0x4ab: {  	(v2sf) =	vpush v18, $0xF;
	v53 =	vmul.f32 v10, v46  }
0x4ac: {  	s16 =	smul.f32 s16, s18;
	v46 =	vsub.f32 v3, v17;
	v3, _, _ =	vpop (xrf2);
	v23 =	vmul.f32 v1, v38;
	v1 =	vmov s0  }
0x4ad: {  	(v2sf) =	vpush v3, $0xF;
	v55 =	vsub.f32 v4, v1;
	v4 =	vld [tilespmem:$0x1FF70];
	v54 =	vmul.f32 v0, v16;
	v0, _, _ =	vpop (xrf2)  }
0x4ae: {  	s3 =	smul.f32 s16, s3;
	(v2sf) =	vpush v0, $0xF;
	v0 =	vld [tilespmem:$0x1F9E0]  }
0x4af: {  	s10 =	smul.f32 s1, s10  }
0x4b0: {  	s3 =	smul.f32 s3, s16  }
0x4b1: {  	[tilespmem:$0x1F980] =	vst v52;
	s7 =	smul.f32 s31, s7;
	v3 =	vmul.f32 s4, v63;
	v52 =	vsub.f32 v7, v1;
	v7 =	vld [tilespmem:$0x1FF40]  }
0x4b2: {  	s8 =	smul.f32 s9, s8;
	v16 =	vld [tilespmem:$0x1FF50]  }
0x4b3: {  	[tilespmem:$0x1F940] =	vst v34;
	s7 =	smul.f32 s7, s31;
	v34 =	vmul.f32 v3, v0;
	v0 =	vadd.f32 v9, v4  }
0x4b4: {  	s3 =	ssub.f32 $1.500000000e+00, s3;
	s6 =	smul.f32 s10, s1;
	s17 =	simm.s32 $0x0  }
0x4b5: {  	s8 =	smul.f32 s8, s9;
	s7 =	ssub.f32 $1.500000000e+00, s7;
	v59 =	vsub.f32 v5, v17;
	v40 =	vsub.f32 v6, v1;
	[tilespmem:s17+$0x15DB0] =	vst v0  }
0x4b6: {  	s3 =	smul.f32 s3, s16;
	s6 =	ssub.f32 $1.500000000e+00, s6;
	v33 =	vsub.f32 v8, v1;
	v1 =	vadd.f32 v36, v7;
	v17 =	vld [tilespmem:$0x1FF60]  }
0x4b7: {  	s21 =	ssub.f32 $1.500000000e+00, s8;
	v41 =	vmul.f32 s4, v51;
	s7 =	smul.f32 s7, s31;
	v3 =	vadd.f32 v37, v16  }
0x4b8: {  	v13 =	vadd.f32 v29, v30;
	v30 =	vmul.f32 s3, v51;
	s1 =	smul.f32 s6, s1;
	v5 =	vadd.f32 v27, v4;
	[tilespmem:s17+$0x15D80] =	vst v1  }
0x4b9: {  	v29 =	vmul.f32 s3, v43;
	s6 =	smul.f32 s21, s9;
	s21 =	simm.s32 $0x400;
	v28 =	vmul.f32 s3, v39;
	v14 =	vadd.f32 v14, v16;
	[tilespmem:s17+$0x15D90] =	vst v3  }
0x4ba: {  	v19 =	vmul.f32 s7, v39;
	v18 =	vmul.f32 s7, v43;
	v3 =	vadd.f32 v25, v7;
	[tilespmem:s21+$0x15DB0] =	vst v5  }
0x4bb: {  	s23 =	spop (v2sf);
	s8 =	smul.f32 s5, s5;
	v10 =	vmul.f32 s4, v39;
	v56 =	vmul.f32 s19, v51;
	[tilespmem:s21+$0x15D90] =	vst v14;
	v0 =	vadd.f32 v35, v17  }
0x4bc: {  	s24 =	smul.f32 $1.562500000e-02, s23;
	v38 =	vmul.f32 s1, v43;
	v8 =	vmul.f32 s19, v63;
	[tilespmem:s21+$0x15D80] =	vst v3;
	v5 =	vadd.f32 v15, v17  }
0x4bd: {  	s5 =	smul.f32 s0, s0;
	v6 =	vmul.f32 s19, v39;
	s25 =	spop (v2sf);
	v36 =	vmul.f32 s3, v63;
	[tilespmem:s17+$0x15DA0] =	vst v0  }
0x4be: {  	s0 =	smul.f32 $1.562500000e-02, s25;
	v27 =	vmul.f32 s6, v51;
	v9 =	vmul.f32 s4, v43;
	[tilespmem:s21+$0x15DA0] =	vst v5  }
0x4bf: {  	(xrf2) =	vadd.scan.msk.f32 $0xffff, v13;
	v4 =	vmul.f32 s1, v63;
	v7 =	vmul.f32 s19, v43;
	v3 =	vmov s24;
	s30 =	sld [smem:$0x7FA]  }
0x4c0: {  	s23 =	smul.f32 s0, s0;
	s31 =	spop (v2sf);
	v1 =	vmul.f32 s1, v39;
	v25 =	vmul.f32 s6, v39;
	v16 =	vsub.f32 v21, v3  }
0x4c1: {  	s22 =	sadd.s32 $0x8, s22;
	s4 =	smul.f32 s2, s2;
	v20 =	vsub.f32 v24, v3;
	v24 =	vmul.f32 s6, v63;
	v21 =	vsub.f32 v26, v3;
	s29 =	rddreg [dreg:$0x14]  }
0x4c2: {  	s12 =	simm.s32 $0x1000;
	(xrf2) =	vadd.scan.msk.f32 $0xffff, v12;
	v26 =	vmul.f32 s6, v43;
	v22 =	vsub.f32 v2, v3;
	s6 =	smul.f32 $1.562500000e-02, s31;
	v0 =	vmul.f32 s1, v51;
	s1 =	sadd.s32 s29, s30  }
0x4c3: {  	(xrf2) =	vadd.scan.msk.f32 $0xffff, v11;
	s3 =	simm.s32 $0x8;
	v63 =	vmul.f32 s7, v63;
	v2 =	vmov s0;
	v51 =	vmul.f32 s7, v51;
	[smem:$0x7F2] =	sst s1;
	s1 =	smul.f32 s24, s24  }
.LBB2_5:
0x4c4: {  	v5 =	vld [tilespmem:$0x1F940];
	_ =	sdelay $0x4  }
0x4c5: {  	v11, _, _ =	vpop (xrf2);
	v14 =	vsub.f32 v5, v2;
	v5 =	vld [tilespmem:$0x1F950]  }
0x4c6: {  	v12 =	vld [tilespmem:$0x1F960];
	(v2sf) =	vpush v11, $0xF;
	v11 =	vmov v47  }
0x4c7: {  	[tilespmem:$0x1F6E0] =	vst v11;
	v11 =	vld [tilespmem:$0x1F970];
	_ =	sdelay $0x2  }
0x4c8: {  	v15 =	vsub.f32 v5, v2;
	v5 =	vld [tilespmem:$0x1F7B0];
	_ =	sdelay $0x1  }
0x4c9: {  	v35 =	vsub.f32 v12, v2;
	v37 =	vsub.f32 v11, v2;
	v2 =	vld [tilespmem:$0x1F980];
	_ =	sdelay $0x1  }
0x4ca: {  	v3 =	vld [tilespmem:s22+$0x0]  }
0x4cb: {  	v5 =	vmul.f32 v10, v5;
	v10 =	vld [tilespmem:s22+$0xFFFFFFF9]  }
0x4cc: {  	v57 =	vmov s6  }
0x4cd: {  	[dreg:$0x11] =	wrdreg s21;
	s21 =	spop (v2sf);
	v11, _, _ =	vpop (xrf2);
	v39 =	vsub.f32 v2, v57;
	v2 =	vld [tilespmem:$0x1F7C0]  }
0x4ce: {  	s24 =	spop (v2sf);
	(v2sf) =	vpush v11, $0xF  }
0x4cf: {  	(v2sf) =	vpush v3, $0x0  }
0x4d0: {  	(v2sf) =	vpush v10, $0x0;
	v10 =	vld [tilespmem:$0x1F7F0];
	_ =	sdelay $0x1  }
0x4d1: {  	v58 =	vld [tilespmem:s22+$0xFFFFFFFA];
	v2 =	vmul.f32 v9, v2;
	v9 =	vmov v61  }
0x4d2: {  	[tilespmem:$0x1F7B0] =	vst v9;
	v9 =	vld [tilespmem:$0x1F990]  }
0x4d3: {  	v42 =	vld [tilespmem:s22+$0xFFFFFFFB]  }
0x4d4: {  	s0 =	smul.f32 s6, s6;
	v6 =	vmul.f32 v6, v10;
	v10 =	vld [tilespmem:$0x1F800]  }
0x4d5: {  	v17 =	vld [tilespmem:$0x1F9B0]  }
0x4d6: {  	v62 =	vld [tilespmem:s22+$0xFFFFFFFC];
	[dreg:$0x12] =	wrdreg s0;
	s0 =	smul.f32 $1.562500000e-02, s21  }
0x4d7: {  	v43 =	vsub.f32 v9, v57;
	v9 =	vld [tilespmem:$0x1F9A0]  }
0x4d8: {  	v13 =	vmov v60;
	v60 =	vmov s0;
	v3 =	vld [tilespmem:$0x1F7E0]  }
0x4d9: {  	v47 =	vsub.f32 v48, v60;
	v48 =	vsub.f32 v49, v60;
	v49 =	vld [tilespmem:s22+$0xFFFFFFFE];
	v7 =	vmul.f32 v7, v10;
	v10 =	vmovc v52  }
0x4da: {  	[tilespmem:$0x1F800] =	vst v10;
	v10 =	vld [tilespmem:$0x1F9C0]  }
0x4db: {  	s3 =	sadd.s32 $0x8, s3;
	s25 =	spop (v2sf);
	v45 =	vsub.f32 v17, v57;
	v17 =	vmovc v59;
	v59 =	vmov v33;
	v33 =	vmov v15;
	v15 =	vld [tilespmem:$0x1F8A0]  }
0x4dc: {  	[tilespmem:$0x1F680] =	vst v44;
	[dreg:$0xd] =	wrdreg s3;
	p1 =	slt.u32 s3, $0x78;
	s3 =	smul.f32 $1.562500000e-02, s25;
	v44 =	vsub.f32 v9, v57;
	v9 =	vld [tilespmem:$0x1F7D0]  }
0x4dd: {  	s7 =	smul.f32 s0, s0;
	v8 =	vmul.f32 v8, v3;
	v3 =	vmov v55;
	v55 =	vmov v40;
	v40 =	vld [tilespmem:$0x1FF60]  }
0x4de: {  	s30 =	spop (v2sf);
	s0 =	smul.f32 $1.562500000e-02, s24;
	v50 =	vsub.f32 v50, v60;
	[tilespmem:$0x1F7E0] =	vst v3;
	v3 =	vld [tilespmem:s22+$0xFFFFFFFD]  }
0x4df: {  	s29 =	ssub.f32 s3, s8;
	s3 =	smul.f32 $1.562500000e-02, s30;
	(v2sf) =	vpush v58, $0x0;
	v58 =	vsub.f32 v10, v60;
	v60 =	vld [tilespmem:$0x1F820]  }
0x4e0: {  	s28 =	sadd.s32 $0x8, s28;
	s0 =	ssub.f32 s0, s4;
	s4 =	spop (v2sf);
	v15 =	vmul.f32 v29, v15;
	v61 =	vmov v46;
	v52 =	vld [tilespmem:$0x1FF50]  }
0x4e1: {  	s13 =	spop (v2sf);
	v9 =	vmul.f32 v41, v9;
	v41 =	vld [tilespmem:s28+$0x0]  }
0x4e2: {  	s11 =	sadd.s32 $0x8, s11;
	s2 =	ssub.f32 s3, s5;
	[tilespmem:$0x1F4B0] =	vst v15;
	v15 =	vld [tilespmem:$0x1F8B0];
	s19 =	spop (v2sf)  }
0x4e3: {  	s12 =	sadd.s32 $0x1000, s12;
	s3 =	smul.f32 $1.562500000e-02, s4;
	[tilespmem:$0x1F7C0] =	vst v61;
	v61 =	vmov v16;
	v16 =	vld [tilespmem:s28+$0xFFFFFFFA];
	s20 =	spop (v2sf)  }
0x4e4: {  	[dreg:$0xc] =	wrdreg s11;
	s9 =	smulhi.u32 $0x51EB851F, s11;
	s21 =	sshrl.u32 s20, $0x7;
	v12 =	vmul.f32 v4, v60;
	v4 =	vld [tilespmem:$0x1F830]  }
0x4e5: {  	s24 =	sshra.s32 s12, $0x2;
	s11 =	ssub.f32 s3, s1;
	(v2sf) =	vpush v42, $0x0;
	s3 =	sand.u32 $0x40, s21;
	v57 =	vld [tilespmem:s22+$0xFFFFFFFF]  }
0x4e6: {  	s3 =	sadd.s32 s24, s3;
	[tilespmem:$0x1F7D0] =	vst v17;
	v17 =	vld [tilespmem:s28+$0xFFFFFFF9];
	v5 =	vadd.f32 v5, v52;
	(v2sf) =	vpush v41, $0x0  }
0x4e7: {  	v42 =	vld [tilespmem:s3+$0xDDA0];
	(v2sf) =	vpush v62, $0x0  }
0x4e8: {  	v10 =	vld [tilespmem:$0x1F810];
	[tilespmem:s17+$0x15A90] =	vst v5;
	v5 =	vadd.f32 v6, v52;
	(v2sf) =	vpush v3, $0x0  }
0x4e9: {  	v6 =	vadd.f32 v7, v40;
	v7 =	vld [tilespmem:s3+$0xDD90];
	(v2sf) =	vpush v49, $0x0;
	v4 =	vmul.f32 v1, v4;
	v1 =	vmovc v20  }
0x4ea: {  	(v2sf) =	vpush v57, $0x0;
	[tilespmem:$0x1F830] =	vst v1;
	v1 =	vld [tilespmem:$0x1F840]  }
0x4eb: {  	v3 =	vld [tilespmem:$0x1F890];
	(v2sf) =	vpush v17, $0x0  }
0x4ec: {  	(v2sf) =	vpush v16, $0x0;
	v16 =	vld [tilespmem:$0x1F900]  }
0x4ed: {  	v20 =	vmov v21;
	v21 =	vmov v35;
	v17 =	vld [tilespmem:$0x1F8E0]  }
0x4ee: {  	[tilespmem:$0x1F8A0] =	vst v21;
	v21 =	vld [tilespmem:$0x1F8C0]  }
0x4ef: {  	v62 =	vmul.f32 v38, v1;
	v1 =	vld [tilespmem:$0x1F860]  }
0x4f0: {  	[tilespmem:$0x1F840] =	vst v20;
	v20 =	vld [tilespmem:s28+$0xFFFFFFFB];
	v3 =	vmul.f32 v28, v3  }
0x4f1: {  	[tilespmem:s17+$0x15B20] =	vst v6;
	v6 =	vld [tilespmem:$0x1FFB0];
	v28 =	vmul.f32 v30, v15;
	v15 =	vmov v37;
	v16 =	vmul.f32 v63, v16  }
0x4f2: {  	[tilespmem:$0x1F8B0] =	vst v15;
	v15 =	vld [tilespmem:s28+$0xFFFFFFFD];
	v17 =	vmul.f32 v26, v17  }
0x4f3: {  	v21 =	vmul.f32 v24, v21;
	[tilespmem:$0x1F5F0] =	vst v16;
	v16 =	vld [tilespmem:$0x1F910]  }
0x4f4: {  	v26 =	vld [tilespmem:$0x1FFC0];
	[tilespmem:$0x1F5D0] =	vst v17;
	v0 =	vmul.f32 v0, v1;
	v1 =	vmov v22;
	v22 =	vmov v14  }
0x4f5: {  	v24 =	vmov v39;
	v39 =	vld [tilespmem:$0x1FF40];
	[tilespmem:$0x1F5B0] =	vst v21  }
0x4f6: {  	[tilespmem:$0x1F860] =	vst v1;
	v1 =	vld [tilespmem:$0x1F870]  }
0x4f7: {  	v17 =	vld [tilespmem:$0x1F8F0];
	[tilespmem:$0x1F870] =	vst v22;
	v22 =	vmov v44  }
0x4f8: {  	v38 =	vadd.f32 v23, v40;
	v21 =	vld [tilespmem:$0x1F8D0];
	[tilespmem:$0x1F8E0] =	vst v22;
	v22 =	vmul.f32 v19, v16;
	v16 =	vmov v48  }
0x4f9: {  	[tilespmem:$0x1F910] =	vst v16;
	v16 =	vld [tilespmem:$0x1F920]  }
0x4fa: {  	[tilespmem:s17+$0x15A20] =	vst v38;
	v38 =	vld [tilespmem:$0x1FFE0]  }
0x4fb: {  	v1 =	vmul.f32 v36, v1;
	v36 =	vld [tilespmem:s28+$0xFFFFFFFC]  }
0x4fc: {  	[tilespmem:$0x1F8C0] =	vst v24;
	v24 =	vmul.f32 v27, v17;
	v17 =	vmov v45;
	v27 =	vld [tilespmem:$0x1FFD0]  }
0x4fd: {  	v2 =	vadd.f32 v2, v40;
	v25 =	vmul.f32 v25, v21;
	v21 =	vmov v43;
	[tilespmem:$0x1F8F0] =	vst v17;
	v17 =	vld [tilespmem:s28+$0xFFFFFFFF]  }
0x4fe: {  	s5 =	sshrl.u32 s9, $0x6;
	[tilespmem:$0x1F8D0] =	vst v21;
	v21 =	vld [tilespmem:s28+$0xFFFFFFFE];
	v16 =	vmul.f32 v18, v16  }
0x4ff: {  	s4 =	smul.u32 $0xFFFE7000, s5;
	[tilespmem:s17+$0x15AA0] =	vst v2;
	(v2sf) =	vpush v20, $0x0;
	v37 =	vadd.f32 v53, v39;
	v48 =	vld [tilespmem:$0x1FFF0]  }
0x500: {  	s15 =	smul.f32 $1.562500000e-02, s13;
	v41 =	vadd.f32 v34, v39;
	(v2sf) =	vpush v36, $0x0;
	[tilespmem:$0x1F610] =	vst v16;
	v16 =	vld [tilespmem:$0x1F930]  }
0x501: {  	s14 =	sshra.s32 s4, $0x2;
	[tilespmem:s17+$0x15B10] =	vst v5;
	(v2sf) =	vpush v15, $0x0;
	v15 =	vadd.f32 v31, v52;
	v31 =	vld [tilespmem:$0x1FF70]  }
0x502: {  	s16 =	sadd.s32 s14, s26;
	s18 =	ssub.f32 s15, s23;
	s23 =	spop (v2sf);
	[tilespmem:s17+$0x15A00] =	vst v37;
	v5 =	vadd.f32 v1, v39;
	v1 =	vld [tilespmem:$0x1FFA0]  }
0x503: {  	s8 =	sadd.f32 $9.999999960e-13, s29;
	s1 =	sadd.s32 s24, s16;
	s29 =	spop (v2sf);
	[tilespmem:s17+$0x15A80] =	vst v41;
	v18 =	vmov v50;
	v50 =	vld [tilespmem:$0x1FF90]  }
0x504: {  	s13 =	spop (v2sf);
	v19 =	vmov v47;
	[tilespmem:$0x1F920] =	vst v18;
	v18 =	vld [tilespmem:s1+$0x43A0];
	(v2sf) =	vpush v21, $0x0  }
0x505: {  	v11, _, _ =	vpop (xrf2);
	s15 =	spop (v2sf);
	[tilespmem:$0x1F900] =	vst v19;
	(v2sf) =	vpush v17, $0x0;
	v17 =	vld [tilespmem:s1+$0x4390]  }
0x506: {  	s15 =	scvt.s32.f32 s15;
	[tilespmem:s17+$0x15A10] =	vst v15;
	(v2sf) =	vpush v11, $0xF;
	v11 =	vld [tilespmem:s3+$0xDD80];
	v19 =	vmul.f32 v51, v16;
	v16 =	vmovc v58;
	v15 =	vadd.f32 v54, v31  }
0x507: {  	[tilespmem:$0x1F930] =	vst v16;
	v16 =	vld [tilespmem:s1+$0x4380]  }
0x508: {  	v10 =	vmul.f32 v56, v10;
	v20 =	vmul.f32 s15, v38;
	v9 =	vadd.f32 v9, v31;
	[tilespmem:s17+$0x15A30] =	vst v15;
	v15 =	vld [tilespmem:s1+$0x43B0]  }
0x509: {  	v4 =	vadd.f32 v4, v52;
	v8 =	vadd.f32 v8, v39;
	v44 =	vmul.f32 s15, v27;
	[tilespmem:$0x1F620] =	vst v19;
	v19 =	vld [tilespmem:s3+$0xDDB0]  }
0x50a: {  	s6 =	sadd.f32 $9.999999960e-13, s0;
	s9 =	sshrl.u32 s8, $0x1;
	s25 =	sshrl.u32 s23, $0x7;
	v21 =	vmul.f32 s15, v48;
	v23 =	vadd.f32 v20, v1;
	[tilespmem:s17+$0x15AB0] =	vst v9;
	v9 =	vadd.f32 v62, v40;
	v62 =	vld [tilespmem:$0x1FF80]  }
0x50b: {  	s5 =	ssub.s32 $0x5F3759DF, s9;
	s9 =	sshrl.u32 s29, $0x7;
	s0 =	sand.u32 $0x40, s25;
	[tilespmem:s17+$0x15B00] =	vst v8;
	v45 =	vadd.f32 v44, v50;
	v2 =	vadd.f32 v10, v31  }
0x50c: {  	s9 =	sand.u32 $0x40, s9;
	s0 =	sadd.s32 s24, s0;
	[tilespmem:$0x1F600] =	vst v22;
	v20 =	vadd.f32 v21, v6;
	v0 =	vadd.f32 v0, v31;
	v8 =	vld [tilespmem:s1+$0x4000]  }
0x50d: {  	s29 =	sadd.s32 s24, s9;
	v43 =	vmul.f32 s15, v26;
	v10 =	vadd.f32 v12, v39;
	v12 =	vadd.f32 v18, v42;
	[tilespmem:s17+$0x15B30] =	vst v2;
	v2 =	vld [tilespmem:s0+$0xDA00]  }
0x50e: {  	v7 =	vadd.f32 v17, v7;
	[tilespmem:s17+$0x15BB0] =	vst v0;
	v0 =	vld [tilespmem:s29+$0xDA80];
	v11 =	vadd.f32 v16, v11  }
0x50f: {  	[tilespmem:s17+$0x15C00] =	vst v5;
	v5 =	vld [tilespmem:s29+$0xDA90];
	v22 =	vadd.f32 v43, v62;
	v15 =	vadd.f32 v15, v19  }
0x510: {  	s4 =	sadd.f32 $9.999999960e-13, s18;
	s18 =	spop (v2sf);
	[tilespmem:s17+$0x15B90] =	vst v4;
	v12 =	vadd.f32 v12, v23;
	v4 =	vadd.f32 v45, v7  }
0x511: {  	s31 =	sshrl.u32 s6, $0x1;
	s16 =	smul.f32 $1.562500000e-02, s19;
	s19 =	spop (v2sf);
	v11 =	vadd.f32 v22, v11;
	v47 =	vadd.f32 v15, v20  }
0x512: {  	s30 =	ssub.s32 $0x5F3759DF, s31;
	s31 =	spop (v2sf);
	[tilespmem:s17+$0x15BA0] =	vst v9;
	v9 =	vmul.f32 v4, v4;
	v54 =	vadd.f32 v8, v2;
	v2 =	vmul.f32 v12, v12  }
0x513: {  	s10 =	sadd.f32 $9.999999960e-13, s2;
	s2 =	spop (v2sf);
	[tilespmem:$0x1F4C0] =	vst v0;
	v7 =	vmul.f32 v11, v11;
	v8 =	vmul.f32 v47, v47  }
0x514: {  	s25 =	spop (v2sf);
	[tilespmem:$0x1F4D0] =	vst v5;
	v0 =	vadd.f32 v4, v11;
	v5 =	vadd.f32 v47, v12  }
0x515: {  	[dreg:$0xa] =	wrdreg s28;
	s28 =	spop (v2sf);
	v51 =	vadd.f32 v9, v7;
	v2 =	vadd.f32 v8, v2  }
0x516: {  	s26 =	sadd.f32 $9.999999960e-13, s11;
	s11 =	spop (v2sf);
	v0 =	vadd.f32 v5, v0  }
0x517: {  	[tilespmem:$0x1F5E0] =	vst v24;
	s11 =	scvt.s32.f32 s11;
	v24 =	vld [tilespmem:s1+$0x4010];
	v2 =	vadd.f32 v2, v51  }
0x518: {  	s15 =	sshrl.u32 s2, $0x7;
	s2 =	scvt.s32.f32 s25;
	s3 =	sshrl.u32 s31, $0x7;
	[tilespmem:s17+$0x15B80] =	vst v10;
	v10 =	vld [tilespmem:s0+$0xDA10];
	(xrf2) =	vadd.scan.msk.f32 $0xffff, v0  }
0x519: {  	[tilespmem:$0x1F7F0] =	vst v55;
	v3 =	vadd.f32 v3, v52;
	s28 =	scvt.s32.f32 s28;
	s3 =	sand.u32 $0x40, s3;
	v46 =	vld [tilespmem:s1+$0x4020];
	(xrf2) =	vadd.scan.msk.f32 $0xffff, v2;
	v2 =	vmul.f32 s11, v48  }
0x51a: {  	[tilespmem:$0x1F810] =	vst v59;
	s18 =	sshrl.u32 s18, $0x7;
	s19 =	sshrl.u32 s19, $0x7;
	v49 =	vmul.f32 s2, v27;
	v21 =	vmul.f32 s11, v38;
	s3 =	sadd.s32 s24, s3;
	v16 =	vld [tilespmem:s0+$0xDA20]  }
0x51b: {  	[tilespmem:s17+$0x15C10] =	vst v3;
	s18 =	sand.u32 $0x40, s18;
	s20 =	sand.u32 $0x40, s19;
	v53 =	vmul.f32 s28, v48;
	v55 =	vmul.f32 s11, v26;
	v14 =	vadd.f32 v2, v6;
	v2 =	vld [tilespmem:s3+$0xDCB0]  }
0x51c: {  	s19 =	sadd.s32 s24, s18;
	[tilespmem:$0x1F5C0] =	vst v25;
	s18 =	sadd.s32 s24, s20;
	v3 =	vmul.f32 s2, v26;
	v25 =	vadd.f32 v49, v50;
	v59 =	vadd.f32 v21, v1;
	s20 =	spop (v2sf)  }
0x51d: {  	s13 =	sshrl.u32 s13, $0x7;
	s15 =	sand.u32 $0x40, s15;
	v58 =	vld [tilespmem:s0+$0xDA30];
	v19 =	vmul.f32 s28, v38;
	v17 =	vadd.f32 v24, v10;
	v10 =	vmul.f32 s2, v48;
	s0 =	scvt.s32.f32 s20  }
0x51e: {  	s13 =	sand.u32 $0x40, s13;
	[tilespmem:$0x1F890] =	vst v33;
	v60 =	vld [tilespmem:s18+$0xDC20];
	s9 =	sadd.s32 s24, s15;
	v15 =	vmul.f32 s28, v26;
	v20 =	vadd.f32 v3, v62;
	v3 =	vmul.f32 s11, v27;
	s15 =	spop (v2sf)  }
0x51f: {  	s23 =	sadd.s32 s24, s13;
	v42 =	vld [tilespmem:s18+$0xDC10];
	[tilespmem:$0x1F590] =	vst v12;
	v33 =	vadd.f32 v10, v6;
	s13 =	scvt.s32.f32 s15;
	v12 =	vmul.f32 s0, v26;
	v24 =	vmul.f32 s0, v38  }
0x520: {  	v18 =	vadd.f32 v46, v16;
	v10 =	vmul.f32 s0, v48;
	v5 =	vmul.f32 s2, v38;
	[tilespmem:$0x1F500] =	vst v2;
	v2 =	vld [tilespmem:s9+$0xDD10]  }
0x521: {  	[tilespmem:$0x1F5A0] =	vst v28;
	v23 =	vld [tilespmem:s29+$0xDAA0];
	s25 =	spop (v2sf);
	v34 =	vadd.f32 v15, v62;
	v28 =	vmul.f32 s13, v26;
	v15 =	vmul.f32 s13, v27  }
0x522: {  	[tilespmem:$0x1F6A0] =	vst v32;
	v57 =	vld [tilespmem:s29+$0xDAB0];
	v16 =	vadd.f32 v53, v6;
	s20 =	scvt.s32.f32 s25;
	v35 =	vmul.f32 s13, v38;
	v0 =	vmul.f32 s28, v27  }
0x523: {  	[tilespmem:$0x1F580] =	vst v4;
	v4 =	vld [tilespmem:s23+$0xDB20];
	v44 =	vmul.f32 s13, v48;
	v7 =	vadd.f32 v19, v1;
	v8 =	vadd.f32 v55, v62  }
0x524: {  	[dreg:$0xe] =	wrdreg s12;
	[tilespmem:$0x1F560] =	vst v47;
	s12 =	spop (v2sf);
	v9 =	vadd.f32 v3, v50;
	v47 =	vmul.f32 s20, v26;
	v37 =	vadd.f32 v0, v50;
	v0 =	vld [tilespmem:s18+$0xDC30]  }
0x525: {  	s15 =	scvt.s32.f32 s12;
	v19 =	vmul.f32 s20, v27;
	v49 =	vmul.f32 s20, v38;
	v21 =	vadd.f32 v24, v1;
	[tilespmem:$0x1F510] =	vst v2;
	v2 =	vld [tilespmem:s9+$0xDD20]  }
0x526: {  	[tilespmem:$0x1F6C0] =	vst v13;
	v63 =	vld [tilespmem:s23+$0xDB00];
	v13 =	vmul.f32 s20, v48;
	v32 =	vadd.f32 v5, v1;
	v53 =	vadd.f32 v15, v50  }
0x527: {  	[tilespmem:$0x1F820] =	vst v61;
	v56 =	vld [tilespmem:s23+$0xDB10];
	v55 =	vmul.f32 s15, v38;
	v15 =	vadd.f32 v35, v1;
	v24 =	vadd.f32 v47, v62  }
0x528: {  	v61 =	vld [tilespmem:s23+$0xDB30];
	v5 =	vmul.f32 s0, v27;
	[tilespmem:$0x1F4E0] =	vst v4;
	v47 =	vadd.f32 v19, v50;
	v19 =	vadd.f32 v49, v1  }
0x529: {  	v29 =	vld [tilespmem:s19+$0xDB80];
	[tilespmem:$0x1F4F0] =	vst v0;
	v0 =	vmul.f32 s15, v26;
	v26 =	vadd.f32 v55, v1;
	v1 =	vadd.f32 v20, v54;
	v4, _, _ =	vpop (xrf2)  }
0x52a: {  	v30 =	vld [tilespmem:s19+$0xDB90];
	s12 =	spop (v2sf);
	v51 =	vmul.f32 s15, v27;
	(v2sf) =	vpush v4, $0xF;
	v4, _, _ =	vpop (xrf2);
	[tilespmem:$0x1F520] =	vst v2;
	v2 =	vadd.f32 v25, v17  }
0x52b: {  	[tilespmem:$0x1F570] =	vst v11;
	v11 =	vmul.f32 s15, v48;
	v48 =	vadd.f32 v44, v6;
	v44 =	vld [tilespmem:s1+$0x4080];
	(v2sf) =	vpush v4, $0xF  }
0x52c: {  	[tilespmem:$0x1F630] =	vst v1;
	v4 =	vadd.f32 v5, v50;
	v5 =	vmul.f32 v1, v1;
	v25 =	vadd.f32 v2, v1;
	v1 =	vld [tilespmem:$0x1F4C0]  }
0x52d: {  	v10 =	vadd.f32 v10, v6;
	v35 =	vld [tilespmem:s1+$0x4030];
	v13 =	vadd.f32 v13, v6  }
0x52e: {  	v49 =	vadd.f32 v0, v62;
	v0 =	vld [tilespmem:s1+$0x40A0];
	v50 =	vadd.f32 v51, v50  }
0x52f: {  	v36 =	vld [tilespmem:s19+$0xDBA0];
	v51 =	vadd.f32 v11, v6;
	v6 =	vadd.f32 v18, v32  }
0x530: {  	v41 =	vld [tilespmem:s19+$0xDBB0]  }
0x531: {  	v3 =	vld [tilespmem:s1+$0x4090];
	v44 =	vadd.f32 v44, v1;
	v1 =	vmul.f32 v6, v6  }
0x532: {  	v18 =	vadd.f32 v35, v58;
	v58 =	vld [tilespmem:s1+$0x4100]  }
0x533: {  	v0 =	vadd.f32 v0, v23;
	v11 =	vmov v6;
	[tilespmem:$0x1F540] =	vst v1;
	v1 =	vld [tilespmem:$0x1F4D0];
	v6 =	vadd.f32 v34, v44  }
0x534: {  	v45 =	vld [tilespmem:s3+$0xDC80]  }
0x535: {  	[tilespmem:$0x1F530] =	vst v5;
	v5 =	vld [tilespmem:$0x1F4B0];
	v32 =	vadd.f32 v0, v7;
	v0 =	vmul.f32 v6, v6  }
0x536: {  	v17 =	vld [tilespmem:s1+$0x40B0];
	[tilespmem:$0x1F640] =	vst v2  }
0x537: {  	s29 =	rddreg [dreg:$0x12];
	v20 =	vmul.f32 v2, v2;
	v2 =	vld [tilespmem:s1+$0x4110];
	[tilespmem:$0x1F550] =	vst v0;
	v0 =	vadd.f32 v58, v63  }
0x538: {  	s16 =	ssub.f32 s16, s29;
	v1 =	vadd.f32 v3, v1;
	v3 =	vld [tilespmem:s1+$0x4120]  }
0x539: {  	s23 =	smul.f32 $5.000000000e-01, s26;
	v35 =	vadd.f32 v8, v0;
	v0 =	vld [tilespmem:$0x1F4E0]  }
0x53a: {  	s29 =	sadd.f32 $9.999999960e-13, s16;
	s2 =	smul.f32 $5.000000000e-01, s6;
	v44 =	vld [tilespmem:s1+$0x4130]  }
0x53b: {  	s6 =	smul.f32 $5.000000000e-01, s8;
	v23 =	vadd.f32 v37, v1;
	v1 =	vadd.f32 v17, v57;
	v17 =	vld [tilespmem:s1+$0x4180]  }
0x53c: {  	s8 =	sshrl.u32 s29, $0x1;
	s29 =	smul.f32 $5.000000000e-01, s29;
	v12 =	vadd.f32 v12, v62;
	v2 =	vadd.f32 v2, v56;
	v37 =	vld [tilespmem:s1+$0x4190]  }
0x53d: {  	s12 =	smul.f32 $1.562500000e-02, s12;
	v22 =	vadd.f32 v28, v62;
	v7 =	vld [tilespmem:s1+$0x41A0];
	v62 =	vadd.f32 v5, v40  }
0x53e: {  	s31 =	sshrl.u32 s26, $0x1;
	s28 =	smul.f32 $5.000000000e-01, s4;
	v5 =	vadd.f32 v9, v2;
	v8 =	vld [tilespmem:s1+$0x41B0];
	v0 =	vadd.f32 v3, v0  }
0x53f: {  	s21 =	sshrl.u32 s4, $0x1;
	v43 =	vld [tilespmem:s18+$0xDC00];
	s25 =	ssub.s32 $0x5F3759DF, s31;
	s13 =	smul.f32 s5, s6;
	v2 =	vadd.f32 v44, v61;
	v16 =	vadd.f32 v1, v16  }
0x540: {  	v46 =	vld [tilespmem:s3+$0xDC90];
	s31 =	ssub.s32 $0x5F3759DF, s21;
	s21 =	ssub.f32 s12, s7;
	s7 =	smul.f32 $5.000000000e-01, s10;
	[tilespmem:s17+$0x15C20] =	vst v62;
	v54 =	vadd.f32 v0, v59;
	v0 =	vadd.f32 v17, v29  }
0x541: {  	s18 =	smul.f32 s25, s23;
	v61 =	vld [tilespmem:s1+$0x4210];
	v3 =	vadd.f32 v2, v14;
	v2 =	vadd.f32 v37, v30  }
0x542: {  	s14 =	sshrl.u32 s10, $0x1;
	v38 =	vld [tilespmem:s3+$0xDCA0];
	s20 =	smul.f32 s31, s28;
	v17 =	vadd.f32 v12, v0;
	v0 =	vadd.f32 v7, v36  }
0x543: {  	s14 =	ssub.s32 $0x5F3759DF, s14;
	s4 =	smul.f32 s5, s13;
	v9 =	vld [tilespmem:s1+$0x4200];
	v1 =	vadd.f32 v4, v2;
	v2 =	vadd.f32 v8, v41  }
0x544: {  	s8 =	ssub.s32 $0x5F3759DF, s8;
	s12 =	sadd.f32 $9.999999960e-13, s21;
	s16 =	smul.f32 s14, s7;
	v14 =	vld [tilespmem:s1+$0x4220];
	v0 =	vadd.f32 v0, v21  }
0x545: {  	s21 =	smul.f32 s8, s29;
	v7 =	vld [tilespmem:s1+$0x4230];
	v62 =	vadd.f32 v2, v10  }
0x546: {  	s26 =	smul.f32 $5.000000000e-01, s12;
	v10 =	vadd.f32 v61, v42;
	v41 =	vmul.f32 v0, v0;
	v61 =	vmov v0;
	[tilespmem:$0x1F6D0] =	vst v0;
	v0 =	vld [tilespmem:$0x1F4F0]  }
0x547: {  	s11 =	sshrl.u32 s12, $0x1;
	s12 =	smul.f32 s30, s2;
	v4 =	vld [tilespmem:s1+$0x4280]  }
0x548: {  	s10 =	smul.f32 s14, s16;
	v8 =	vadd.f32 v9, v43;
	v9 =	vld [tilespmem:s1+$0x4290]  }
0x549: {  	s19 =	ssub.s32 $0x5F3759DF, s11;
	s11 =	smul.f32 s25, s18;
	v12 =	vld [tilespmem:s1+$0x42A0]  }
0x54a: {  	s3 =	ssub.f32 $1.500000000e+00, s4;
	s18 =	smul.f32 s31, s20;
	v42 =	vadd.f32 v22, v8;
	v8 =	vadd.f32 v14, v60;
	v14 =	vld [tilespmem:s1+$0x42B0]  }
0x54b: {  	s20 =	smul.f32 s8, s21;
	v7 =	vadd.f32 v7, v0;
	v0 =	vld [tilespmem:$0x1F500]  }
0x54c: {  	s4 =	smul.f32 s5, s3  }
0x54d: {  	s15 =	smul.f32 s19, s26;
	v4 =	vadd.f32 v4, v45  }
0x54e: {  	v27 =	vld [tilespmem:s9+$0xDD00];
	s0 =	smul.f32 s30, s12;
	s16 =	ssub.f32 $1.500000000e+00, s10;
	v9 =	vadd.f32 v9, v46  }
0x54f: {  	v28 =	vld [tilespmem:s9+$0xDD30];
	s10 =	ssub.f32 $1.500000000e+00, s11;
	s15 =	smul.f32 s19, s15;
	v22 =	vadd.f32 v24, v4;
	v4 =	vadd.f32 v12, v38  }
0x550: {  	s21 =	ssub.f32 $1.500000000e+00, s18;
	s16 =	smul.f32 s14, s16;
	v30 =	vld [tilespmem:s1+$0x4310];
	v63 =	vadd.f32 v47, v9;
	v9 =	vadd.f32 v14, v0  }
0x551: {  	s10 =	smul.f32 s25, s10;
	v43 =	vadd.f32 v53, v10;
	v10 =	vld [tilespmem:s1+$0x4300];
	v45 =	vadd.f32 v7, v48  }
0x552: {  	s5 =	smul.f32 s31, s21;
	s12 =	ssub.f32 $1.500000000e+00, s15;
	v38 =	vld [tilespmem:s1+$0x4330];
	v48 =	vadd.f32 v4, v19;
	v0 =	vadd.f32 v9, v13  }
0x553: {  	s0 =	ssub.f32 $1.500000000e+00, s0;
	s21 =	smul.f32 s16, s7;
	v53 =	vadd.f32 v8, v15;
	v8 =	vmul.f32 v42, v42;
	[tilespmem:$0x1F940] =	vst v42;
	v47 =	vld [tilespmem:$0x1F510]  }
0x554: {  	s25 =	smul.f32 s19, s12;
	v60 =	vadd.f32 v43, v42;
	v19 =	vmul.f32 v0, v0;
	[tilespmem:$0x1F9B0] =	vst v0;
	v42 =	vadd.f32 v0, v48;
	v0 =	vld [tilespmem:$0x1F530]  }
0x555: {  	s9 =	smul.f32 s30, s0;
	s15 =	spop (v2sf)  }
0x556: {  	s14 =	smul.f32 $1.562500000e-02, s15;
	s18 =	spop (v2sf)  }
0x557: {  	v33 =	vadd.f32 v18, v33;
	s0 =	smul.f32 $1.562500000e-02, s18  }
0x558: {  	s19 =	smul.f32 s14, s14;
	v10 =	vadd.f32 v10, v27;
	v12 =	vadd.f32 v38, v28  }
0x559: {  	v13 =	vadd.f32 v30, v47;
	v20 =	vadd.f32 v20, v0;
	v0 =	vld [tilespmem:$0x1F540]  }
0x55a: {  	s21 =	smul.f32 s21, s16;
	s0 =	ssub.f32 s0, s19;
	v36 =	vld [tilespmem:s1+$0x4320];
	v28 =	vadd.f32 v3, v54;
	v47 =	vadd.f32 v49, v10  }
0x55b: {  	s30 =	ssub.f32 $1.500000000e+00, s20;
	s20 =	smul.f32 s4, s6;
	v37 =	vmul.f32 v3, v3;
	[tilespmem:$0x1F6B0] =	vst v3;
	v3 =	vld [tilespmem:$0x1F560];
	v49 =	vadd.f32 v50, v13;
	v13 =	vadd.f32 v33, v11  }
0x55c: {  	s13 =	smul.f32 s25, s26;
	v18 =	vmul.f32 v33, v33;
	s11 =	sadd.f32 $9.999999960e-13, s0;
	v21 =	vadd.f32 v23, v6;
	v24 =	vadd.f32 v16, v32;
	v10 =	vld [tilespmem:$0x1F520]  }
0x55d: {  	s8 =	smul.f32 s8, s30;
	[tilespmem:$0x1F650] =	vst v33;
	v13 =	vadd.f32 v13, v25  }
0x55e: {  	s31 =	sshrl.u32 s11, $0x1;
	s18 =	smul.f32 $5.000000000e-01, s11;
	v7 =	vmul.f32 v43, v43;
	v33 =	vmovc v11;
	v11 =	vadd.f32 v18, v0;
	v18 =	vadd.f32 v24, v21  }
0x55f: {  	s3 =	smul.f32 s9, s2;
	v57 =	vmul.f32 v32, v32;
	s11 =	ssub.s32 $0x5F3759DF, s31;
	(xrf2) =	vadd.scan.msk.f32 $0xffff, v13  }
0x560: {  	s12 =	smul.f32 s11, s18;
	v56 =	vmul.f32 v16, v16;
	v7 =	vadd.f32 v7, v8;
	(xrf2) =	vadd.scan.msk.f32 $0xffff, v18;
	v18 =	vmov s14  }
0x561: {  	s30 =	smul.f32 s10, s23;
	v4 =	vmul.f32 v22, v22;
	v10 =	vadd.f32 v36, v10;
	v8 =	vsub.f32 v3, v18;
	v3 =	vld [tilespmem:$0x1F570]  }
0x562: {  	s12 =	smul.f32 s11, s12;
	v51 =	vadd.f32 v12, v51;
	v14 =	vmul.f32 v48, v48;
	v9 =	vmul.f32 v63, v63  }
0x563: {  	s15 =	smul.f32 s5, s28;
	v12 =	vmul.f32 v49, v49;
	v50 =	vadd.f32 v10, v26;
	v10 =	vmul.f32 v47, v47;
	v0 =	vld [tilespmem:$0x1F550]  }
0x564: {  	s3 =	smul.f32 s3, s9;
	s12 =	ssub.f32 $1.500000000e+00, s12;
	v4 =	vadd.f32 v9, v4;
	v9 =	vadd.f32 v19, v14  }
0x565: {  	s15 =	smul.f32 s15, s5;
	[tilespmem:$0x1F660] =	vst v6;
	v6 =	vadd.f32 v56, v57;
	v10 =	vadd.f32 v12, v10  }
0x566: {  	v58 =	vmul.f32 v23, v23;
	s11 =	smul.f32 s11, s12;
	v12 =	vadd.f32 v9, v4;
	v4 =	vsub.f32 v3, v18;
	v3 =	vld [tilespmem:$0x1F590]  }
0x567: {  	[tilespmem:$0x1F690] =	vst v5;
	v44 =	vmul.f32 v5, v5;
	s31 =	smul.f32 s30, s10;
	v30 =	vadd.f32 v1, v17  }
0x568: {  	s12 =	ssub.f32 $1.500000000e+00, s21;
	v29 =	vmul.f32 v1, v1;
	s21 =	smul.f32 s11, s18;
	v26 =	vadd.f32 v5, v35;
	v5 =	vmovc v1;
	v1 =	vadd.f32 v58, v0  }
0x569: {  	s3 =	ssub.f32 $1.500000000e+00, s3;
	s19 =	smul.f32 s20, s4  }
0x56a: {  	s20 =	ssub.f32 $1.500000000e+00, s31;
	s31 =	smul.f32 s21, s11;
	v1 =	vadd.f32 v6, v1;
	v6, _, _ =	vpop (xrf2)  }
0x56b: {  	s30 =	ssub.f32 $1.500000000e+00, s15;
	(v2sf) =	vpush v6, $0xF;
	v6 =	vsub.f32 v3, v18;
	v3 =	vld [tilespmem:$0x1F5A0]  }
0x56c: {  	s13 =	smul.f32 s13, s25;
	s15 =	ssub.f32 $1.500000000e+00, s31;
	v36 =	vmul.f32 v51, v51;
	v27 =	vmul.f32 v50, v50  }
0x56d: {  	s9 =	smul.f32 s3, s9;
	s19 =	ssub.f32 $1.500000000e+00, s19  }
0x56e: {  	s11 =	smul.f32 s15, s11;
	v19 =	vadd.f32 v36, v27  }
0x56f: {  	s3 =	smul.f32 s19, s4;
	v20 =	vadd.f32 v11, v20  }
0x570: {  	s19 =	smul.f32 s11, s18;
	v11 =	vadd.f32 v19, v10;
	v10 =	vadd.f32 v3, v31;
	v3 =	vld [tilespmem:$0x1F5B0]  }
0x571: {  	s16 =	smul.f32 s12, s16  }
0x572: {  	s12 =	smul.f32 s19, s11;
	v57 =	vadd.f32 v28, v26  }
0x573: {  	s13 =	ssub.f32 $1.500000000e+00, s13;
	[tilespmem:$0x1F9C0] =	vst v51;
	v25 =	vadd.f32 v51, v50;
	v51 =	vld [tilespmem:$0x1FF20]  }
0x574: {  	s12 =	ssub.f32 $1.500000000e+00, s12;
	(xrf2) =	vadd.scan.msk.f32 $0xffff, v57  }
0x575: {  	s4 =	smul.f32 s13, s25;
	v2 =	vmul.f32 v62, v62;
	v38 =	vadd.f32 v62, v61;
	v9 =	vadd.f32 v3, v39;
	v3 =	vld [tilespmem:$0x1F5C0]  }
0x576: {  	v46 =	vmul.f32 v53, v53;
	[tilespmem:$0x1F960] =	vst v53;
	v61 =	vadd.f32 v45, v53;
	s25 =	smul.f32 s12, s11;
	v53 =	vadd.f32 v49, v47  }
0x577: {  	v55 =	vmul.f32 v35, v35;
	v34 =	vmul.f32 v17, v17;
	v2 =	vadd.f32 v2, v41  }
0x578: {  	v15 =	vmul.f32 v45, v45;
	v58 =	vadd.f32 v25, v53;
	v25 =	vmul.f32 s25, v51  }
0x579: {  	[tilespmem:$0x1F670] =	vst v16;
	v59 =	vmul.f32 v54, v54;
	v16 =	vadd.f32 v61, v60;
	v0 =	vadd.f32 v29, v34  }
0x57a: {  	v15 =	vadd.f32 v15, v46;
	v60 =	vmul.f32 v25, v6;
	v6 =	vadd.f32 v3, v52;
	v3 =	vld [tilespmem:$0x1F5D0]  }
0x57b: {  	[tilespmem:$0x1F980] =	vst v22;
	v21 =	vadd.f32 v44, v55;
	v24 =	vadd.f32 v37, v59  }
0x57c: {  	[tilespmem:$0x1F990] =	vst v63;
	v63 =	vadd.f32 v63, v22;
	v22 =	vld [tilespmem:$0x1FF30];
	v26 =	vadd.f32 v38, v30  }
0x57d: {  	s2 =	smul.f32 s9, s2;
	v21 =	vadd.f32 v24, v21;
	v24 =	vadd.f32 v2, v0;
	v0, _, _ =	vpop (xrf2)  }
0x57e: {  	v2 =	vadd.f32 v15, v7;
	(v2sf) =	vpush v0, $0xF;
	v7, _, _ =	vpop (xrf2)  }
0x57f: {  	s2 =	smul.f32 s2, s9;
	(xrf2) =	vadd.scan.msk.f32 $0xffff, v26;
	(v2sf) =	vpush v7, $0xF;
	v7 =	vadd.f32 v3, v40;
	v3 =	vld [tilespmem:$0x1F5E0]  }
0x580: {  	s0 =	smul.f32 s8, s29  }
0x581: {  	s6 =	smul.f32 s3, s6;
	v28 =	vmul.f32 s25, v22  }
0x582: {  	s0 =	smul.f32 s0, s8;
	(xrf2) =	vadd.scan.msk.f32 $0xffff, v16  }
0x583: {  	s6 =	smul.f32 s6, s3;
	[tilespmem:$0x1F950] =	vst v43;
	v43 =	vld [tilespmem:$0x1FF10];
	v8 =	vmul.f32 v28, v8  }
0x584: {  	s0 =	ssub.f32 $1.500000000e+00, s0;
	s10 =	smul.f32 s20, s10;
	v61 =	vadd.f32 v3, v31;
	v3 =	vld [tilespmem:$0x1F5F0]  }
0x585: {  	s20 =	smul.f32 s30, s5;
	v46 =	vld [tilespmem:$0x1FF00];
	v29 =	vadd.f32 v42, v63;
	v8 =	vadd.f32 v8, v31  }
0x586: {  	s21 =	smul.f32 s0, s8;
	v0 =	vld [tilespmem:$0x1F580]  }
0x587: {  	s7 =	smul.f32 s16, s7;
	(xrf2) =	vadd.scan.msk.f32 $0xffff, v29  }
0x588: {  	s6 =	ssub.f32 $1.500000000e+00, s6;
	s31 =	smul.f32 s20, s28;
	(xrf2) =	vadd.scan.msk.f32 $0xffff, v58  }
0x589: {  	s7 =	smul.f32 s7, s16;
	[tilespmem:s24+$0x15DB0] =	vst v8;
	v8, _, _ =	vpop (xrf2);
	(xrf2) =	vadd.scan.msk.f32 $0xffff, v20;
	v15 =	vadd.f32 v3, v39;
	v3 =	vld [tilespmem:$0x1F600]  }
0x58a: {  	s1 =	smul.f32 s6, s3;
	v30 =	vmul.f32 s25, v46  }
0x58b: {  	s12 =	smul.f32 s21, s29;
	v59 =	vmul.f32 s25, v43;
	v0 =	vsub.f32 v0, v18  }
0x58c: {  	s7 =	ssub.f32 $1.500000000e+00, s7;
	s11 =	smul.f32 s31, s20;
	v4 =	vmul.f32 v30, v4;
	[tilespmem:s17+$0x15C90] =	vst v6;
	v6, _, _ =	vpop (xrf2);
	(xrf2) =	vadd.scan.msk.f32 $0xffff, v1;
	v1 =	vld [tilespmem:$0x1F620]  }
0x58d: {  	s2 =	ssub.f32 $1.500000000e+00, s2;
	s0 =	smul.f32 s12, s21;
	v0 =	vmul.f32 v59, v0  }
0x58e: {  	s3 =	smul.f32 s7, s16;
	s11 =	ssub.f32 $1.500000000e+00, s11;
	v25 =	vadd.f32 v4, v39;
	v18 =	vadd.f32 v3, v52  }
0x58f: {  	s2 =	smul.f32 s2, s9;
	s0 =	ssub.f32 $1.500000000e+00, s0;
	[tilespmem:s17+$0x15D00] =	vst v15;
	v15 =	vadd.f32 v0, v52  }
0x590: {  	s16 =	smul.f32 s11, s20;
	v56 =	vmul.f32 s3, v22;
	(v2sf) =	vpush v8, $0xF;
	v8 =	vmul.f32 s3, v46;
	[tilespmem:s24+$0x15D80] =	vst v25;
	s20 =	spop (v2sf)  }
0x591: {  	s18 =	smul.f32 s0, s21;
	s21 =	spop (v2sf);
	(v2sf) =	vpush v6, $0xF;
	[tilespmem:s17+$0x15CA0] =	vst v7;
	v63 =	vadd.f32 v1, v31;
	v1, _, _ =	vpop (xrf2);
	(xrf2) =	vadd.scan.msk.f32 $0xffff, v21  }
0x592: {  	v6 =	vmul.f32 s3, v43;
	v7 =	vmul.f32 s3, v51;
	s3 =	smul.f32 $1.562500000e-02, s21;
	s21 =	smov.u32 s24;
	[tilespmem:s17+$0x15D10] =	vst v18;
	v18, _, _ =	vpop (xrf2);
	(xrf2) =	vadd.scan.msk.f32 $0xffff, v24  }
0x593: {  	[tilespmem:s21+$0x15D90] =	vst v15;
	v15, _, _ =	vpop (xrf2);
	(xrf2) =	vadd.scan.msk.f32 $0xffff, v2;
	v2 =	vld [tilespmem:$0x1F640]  }
0x594: {  	v44 =	vmul.f32 s2, v22;
	v42 =	vmul.f32 s2, v43  }
0x595: {  	v16 =	vmul.f32 s2, v46;
	v20 =	vmul.f32 s2, v51;
	s2 =	smul.f32 $1.562500000e-02, s20  }
0x596: {  	(v2sf) =	vpush v1, $0xF  }
0x597: {  	v34 =	vmov s2;
	(v2sf) =	vpush v18, $0xF  }
0x598: {  	(v2sf) =	vpush v15, $0xF;
	v15 =	vsub.f32 v2, v34;
	v2, _, _ =	vpop (xrf2)  }
0x599: {  	s25 =	spop (v2sf);
	(v2sf) =	vpush v2, $0xF;
	v2 =	vld [tilespmem:$0x1F660];
	_ =	sdelay $0x3  }
0x59a: {  	v21 =	vmov s3;
	v3 =	vld [tilespmem:$0x1F610]  }
0x59b: {  	[tilespmem:$0x1F9A0] =	vst v48;
	v48 =	vmov v47;
	v47 =	vsub.f32 v2, v21;
	v2 =	vld [tilespmem:$0x1F9D0];
	_ =	sdelay $0x3  }
0x59c: {  	v19 =	vadd.f32 v3, v40;
	v3 =	vld [tilespmem:$0x1F630]  }
0x59d: {  	v53 =	vmul.f32 v16, v2;
	v2 =	vld [tilespmem:$0x1F670];
	_ =	sdelay $0x1  }
0x59e: {  	v14 =	vadd.f32 v60, v40;
	_ =	sdelay $0x1  }
0x59f: {  	[tilespmem:s21+$0x15DA0] =	vst v14;
	v14 =	vsub.f32 v3, v34;
	v3 =	vld [tilespmem:$0x1F650]  }
0x5a0: {  	v59 =	vsub.f32 v2, v21;
	v2, _, _ =	vpop (xrf2)  }
0x5a1: {  	[tilespmem:$0x1F970] =	vst v45;
	s29 =	spop (v2sf);
	(v2sf) =	vpush v2, $0xF;
	v2 =	vld [tilespmem:$0x1F690]  }
0x5a2: {  	s30 =	smul.f32 s10, s23;
	v45 =	vmul.f32 s1, v46;
	v41 =	vmul.f32 s1, v22;
	[tilespmem:s17+$0x15C30] =	vst v10  }
0x5a3: {  	v10 =	vmul.f32 s1, v43;
	[tilespmem:s17+$0x15C80] =	vst v9;
	v9 =	vmul.f32 s1, v51;
	s1 =	smul.f32 $1.562500000e-02, s25  }
0x5a4: {  	s13 =	smul.f32 s4, s26;
	v60 =	vsub.f32 v3, v34;
	v3 =	vld [tilespmem:$0x1F680]  }
0x5a5: {  	s8 =	smul.f32 s30, s10;
	v37 =	vmov s1  }
0x5a6: {  	v40 =	vsub.f32 v2, v37;
	v2 =	vld [tilespmem:$0x1F6A0]  }
0x5a7: {  	s8 =	ssub.f32 $1.500000000e+00, s8;
	s12 =	smul.f32 s13, s4  }
0x5a8: {  	_ = 	snop  }
0x5a9: {  	s15 =	smul.f32 s8, s10;
	s14 =	ssub.f32 $1.500000000e+00, s12;
	v31 =	vmul.f32 v42, v3;
	v3 =	vmov v14  }
0x5aa: {  	v36 =	vmul.f32 s16, v46;
	v27 =	vmul.f32 s18, v22;
	[tilespmem:$0x1F9D0] =	vst v3;
	v3 =	vld [tilespmem:$0x1F6D0]  }
0x5ab: {  	v38 =	vmul.f32 s15, v51;
	s19 =	smul.f32 s14, s4;
	[tilespmem:s17+$0x15CB0] =	vst v61;
	v61 =	vsub.f32 v23, v21;
	v23 =	vmul.f32 v20, v2;
	v2 =	vld [tilespmem:$0x1F6B0]  }
0x5ac: {  	v26 =	vmul.f32 s18, v51;
	v28 =	vmul.f32 s16, v43;
	s0 =	smul.f32 $1.562500000e-02, s29  }
0x5ad: {  	v4 =	vmul.f32 s15, v46;
	v25 =	vmul.f32 s18, v43  }
0x5ae: {  	s26 =	rddreg [dreg:$0x7];
	s4 =	smul.f32 s2, s2;
	v58 =	vmov s0;
	v1 =	vmul.f32 s15, v43;
	[tilespmem:s17+$0x15D30] =	vst v63;
	v63 =	vmul.f32 s19, v46  }
0x5af: {  	s23 =	rddreg [dreg:$0x11];
	s5 =	smul.f32 s1, s1;
	v24 =	vmul.f32 s18, v46;
	v46 =	vsub.f32 v32, v21;
	v21 =	vsub.f32 v3, v58;
	v3 =	vld [tilespmem:$0x1F6E0]  }
0x5b0: {  	s28 =	rddreg [dreg:$0xa];
	s1 =	smul.f32 s0, s0;
	[tilespmem:s17+$0x15D20] =	vst v19;
	v19 =	vmul.f32 s19, v43;
	v43 =	vsub.f32 v33, v34;
	v33 =	vsub.f32 v2, v37;
	v2 =	vld [tilespmem:$0x1F6C0]  }
.Ltmp3:
0x5b1: {  	s11 =	rddreg [dreg:$0xc];
	v30 =	vmul.f32 s16, v22;
	v29 =	vmul.f32 s16, v51;
	(pc) =	sbr.rel @p1 .LBB2_5-.Ltmp3, $4  }
0x5b2: {  	v55 =	vsub.f32 v35, v37;
	s8 =	smul.f32 s3, s3;
	v0 =	vmul.f32 s15, v22;
	s30 =	spop (v2sf);
	v52 =	vsub.f32 v54, v37;
	(xrf2) =	vadd.scan.msk.f32 $0xffff, v12  }
0x5b3: {  	s0 =	smul.f32 $1.562500000e-02, s30;
	v18 =	vmul.f32 s19, v51;
	v51 =	vmul.f32 s19, v22;
	s31 =	spop (v2sf);
	v22 =	vsub.f32 v62, v58;
	(xrf2) =	vadd.scan.msk.f32 $0xffff, v11;
	v11, _, _ =	vpop (xrf2)  }
0x5b4: {  	s22 =	sadd.s32 $0x8, s22;
	s12 =	rddreg [dreg:$0xe];
	s6 =	smul.f32 $1.562500000e-02, s31;
	v16 =	vsub.f32 v17, v58;
	(v2sf) =	vpush v11, $0xF;
	v34 =	vmul.f32 v45, v3  }
0x5b5: {  	s3 =	rddreg [dreg:$0xd];
	s17 =	smov.u32 s23;
	s23 =	smul.f32 s0, s0;
	v32 =	vmovc v43;
	v20 =	vsub.f32 v5, v58;
	v54 =	vmul.f32 v44, v2;
	v2 =	vmov s0;
	v44 =	vmovc v15  }
0x5b6: {  	v3, _, _ =	vpop (xrf2)  }
0x5b7: {  	s0 =	spop (v2sf);
	(v2sf) =	vpush v3, $0xF  }
0x5b8: {  	s2 =	spop (v2sf)  }
0x5b9: {  	s2 =	smul.f32 $1.562500000e-02, s2;
	_ =	sdelay $0x1  }
0x5ba: {  	s3 =	spop (v2sf);
	s2 =	ssub.f32 s2, s4  }
0x5bb: {  	s9 =	smul.f32 s6, s6;
	s30 =	spop (v2sf);
	v13, _, _ =	vpop (xrf2)  }
0x5bc: {  	v39 =	vld [tilespmem:$0x1FF40];
	s4 =	smul.f32 $1.562500000e-02, s30;
	s2 =	sadd.f32 $9.999999960e-13, s2;
	(v2sf) =	vpush v13, $0xF  }
0x5bd: {  	s7 =	smul.f32 $1.562500000e-02, s0  }
0x5be: {  	v37 =	vld [tilespmem:$0x1FF50];
	s16 =	ssub.f32 s4, s5;
	v14, _, _ =	vpop (xrf2);
	s10 =	smul.f32 $5.000000000e-01, s2;
	s2 =	sshrl.u32 s2, $0x1  }
0x5bf: {  	s3 =	smul.f32 $1.562500000e-02, s3;
	(v2sf) =	vpush v14, $0xF;
	s14 =	ssub.s32 $0x5F3759DF, s2  }
0x5c0: {  	s11 =	sadd.f32 $9.999999960e-13, s16;
	s16 =	smul.f32 s14, s10  }
0x5c1: {  	s22 =	smul.f32 s7, s7;
	v15 =	vadd.f32 v53, v39  }
0x5c2: {  	s16 =	smul.f32 s14, s16;
	s18 =	spop (v2sf)  }
0x5c3: {  	s3 =	ssub.f32 s3, s8;
	v5 =	vadd.f32 v31, v37;
	[tilespmem:s17+$0x15A00] =	vst v15;
	s4 =	smul.f32 $1.562500000e-02, s18  }
0x5c4: {  	v42 =	vld [tilespmem:$0x1FF60];
	s8 =	smul.f32 $5.000000000e-01, s11;
	s16 =	ssub.f32 $1.500000000e+00, s16  }
0x5c5: {  	v11 =	vld [tilespmem:$0x1F7B0];
	[tilespmem:s17+$0x15A10] =	vst v5;
	s19 =	spop (v2sf);
	s1 =	ssub.f32 s4, s1  }
0x5c6: {  	s31 =	sadd.f32 $9.999999960e-13, s3;
	v35 =	vld [tilespmem:$0x1FF70];
	s11 =	sshrl.u32 s11, $0x1;
	s20 =	smul.f32 $1.562500000e-02, s19  }
0x5c7: {  	s11 =	ssub.s32 $0x5F3759DF, s11;
	s14 =	smul.f32 s14, s16;
	s12 =	sadd.f32 $9.999999960e-13, s1  }
0x5c8: {  	s19 =	smul.f32 s11, s8;
	s3 =	ssub.f32 s20, s23  }
0x5c9: {  	v17 =	vadd.f32 v23, v42;
	s5 =	smul.f32 $5.000000000e-01, s12;
	s12 =	sshrl.u32 s12, $0x1  }
0x5ca: {  	s19 =	smul.f32 s11, s19;
	s13 =	sadd.f32 $9.999999960e-13, s3;
	s12 =	ssub.s32 $0x5F3759DF, s12  }
0x5cb: {  	v31 =	vld [tilespmem:$0x1F7C0];
	v23 =	vadd.f32 v54, v35;
	[tilespmem:s17+$0x15A20] =	vst v17;
	s23 =	spop (v2sf);
	s29 =	smul.f32 s12, s5  }
0x5cc: {  	v43 =	vadd.f32 v34, v39;
	v10 =	vmul.f32 v10, v11;
	v45 =	vld [tilespmem:$0x1F7D0];
	s19 =	ssub.f32 $1.500000000e+00, s19;
	s4 =	smul.f32 $1.562500000e-02, s23  }
0x5cd: {  	[tilespmem:s17+$0x15A30] =	vst v23;
	s3 =	smul.f32 $5.000000000e-01, s13  }
0x5ce: {  	v53 =	vadd.f32 v10, v37;
	v54 =	vld [tilespmem:$0x1F7E0];
	[tilespmem:s17+$0x15A80] =	vst v43;
	s24 =	spop (v2sf);
	s11 =	smul.f32 s11, s19  }
0x5cf: {  	v58 =	vld [tilespmem:$0x1F7F0];
	s25 =	smul.f32 $1.562500000e-02, s24  }
0x5d0: {  	v9 =	vmul.f32 v9, v31;
	[tilespmem:s17+$0x15A90] =	vst v53;
	s13 =	sshrl.u32 s13, $0x1;
	s16 =	smul.f32 s12, s29  }
0x5d1: {  	v12 =	vld [tilespmem:$0x1F800];
	v11 =	vmul.f32 v41, v45;
	s13 =	ssub.s32 $0x5F3759DF, s13;
	s28 =	ssub.f32 s4, s9;
	s9 =	smul.f32 $5.000000000e-01, s31  }
0x5d2: {  	s0 =	sshrl.u32 s31, $0x1;
	v57 =	vadd.f32 v9, v42;
	s30 =	smul.f32 s13, s3;
	s1 =	ssub.f32 s25, s22  }
0x5d3: {  	s0 =	ssub.s32 $0x5F3759DF, s0;
	v8 =	vmul.f32 v8, v54;
	v62 =	vadd.f32 v11, v35;
	s16 =	ssub.f32 $1.500000000e+00, s16;
	s25 =	smul.f32 s11, s8  }
0x5d4: {  	[tilespmem:s17+$0x15AA0] =	vst v57;
	v6 =	vmul.f32 v6, v58;
	s4 =	sadd.f32 $9.999999960e-13, s28;
	s18 =	smul.f32 s0, s9  }
0x5d5: {  	v14 =	vld [tilespmem:$0x1F810];
	v13 =	vadd.f32 v8, v39;
	[tilespmem:s17+$0x15AB0] =	vst v62;
	s16 =	smul.f32 s12, s16  }
0x5d6: {  	v7 =	vmul.f32 v7, v12;
	v15 =	vadd.f32 v6, v37;
	v17 =	vld [tilespmem:$0x1F820];
	s15 =	sadd.f32 $9.999999960e-13, s1;
	s2 =	smul.f32 $5.000000000e-01, s4  }
0x5d7: {  	[tilespmem:s17+$0x15B00] =	vst v13;
	s18 =	smul.f32 s0, s18  }
0x5d8: {  	v23 =	vadd.f32 v7, v42;
	v31 =	vld [tilespmem:$0x1F830];
	[tilespmem:s17+$0x15B10] =	vst v15;
	s4 =	sshrl.u32 s4, $0x1;
	s1 =	smul.f32 $5.000000000e-01, s15  }
0x5d9: {  	v41 =	vld [tilespmem:$0x1F840];
	s4 =	ssub.s32 $0x5F3759DF, s4;
	s15 =	sshrl.u32 s15, $0x1;
	s28 =	smul.f32 s16, s5  }
0x5da: {  	v8 =	vmul.f32 v56, v14;
	v43 =	vld [tilespmem:$0x1F860];
	[tilespmem:s17+$0x15B20] =	vst v23;
	s18 =	ssub.f32 $1.500000000e+00, s18;
	s31 =	smul.f32 s4, s2;
	s15 =	ssub.s32 $0x5F3759DF, s15  }
0x5db: {  	v6 =	vld [tilespmem:$0x1F870];
	v4 =	vmul.f32 v4, v17;
	s20 =	smul.f32 s15, s1  }
0x5dc: {  	v34 =	vadd.f32 v8, v35;
	s18 =	smul.f32 s0, s18  }
0x5dd: {  	s0 =	smul.f32 s13, s30;
	v4 =	vadd.f32 v4, v39  }
0x5de: {  	[tilespmem:s17+$0x15B30] =	vst v34;
	s19 =	smul.f32 s4, s31  }
0x5df: {  	v7 =	vmul.f32 v1, v31;
	v8 =	vmul.f32 v38, v41;
	v38 =	vmov v33;
	v33 =	vld [tilespmem:$0x1FF00];
	s12 =	smul.f32 s15, s20;
	[tilespmem:s17+$0x15B80] =	vst v4  }
0x5e0: {  	s20 =	smul.f32 s14, s10;
	v6 =	vmul.f32 v36, v6;
	v36 =	vld [tilespmem:$0x1FF10]  }
0x5e1: {  	v7 =	vadd.f32 v7, v37;
	s0 =	ssub.f32 $1.500000000e+00, s0;
	s23 =	smul.f32 s18, s9;
	v34 =	vld [tilespmem:$0x1FF20]  }
0x5e2: {  	s19 =	ssub.f32 $1.500000000e+00, s19;
	s22 =	smul.f32 s20, s14;
	v31 =	vld [tilespmem:$0x1FF30]  }
0x5e3: {  	v45 =	vld [tilespmem:$0x1F890];
	[tilespmem:s17+$0x15B90] =	vst v7;
	s13 =	smul.f32 s13, s0  }
0x5e4: {  	v8 =	vadd.f32 v8, v42;
	s12 =	ssub.f32 $1.500000000e+00, s12;
	s0 =	smul.f32 s4, s19;
	v7 =	vld [tilespmem:$0x1F8A0]  }
0x5e5: {  	v0 =	vmul.f32 v0, v43;
	s19 =	smul.f32 s25, s11  }
0x5e6: {  	v12 =	vld [tilespmem:$0x1F8B0];
	[tilespmem:s17+$0x15BA0] =	vst v8;
	s4 =	smul.f32 s15, s12  }
0x5e7: {  	v0 =	vadd.f32 v0, v35;
	s24 =	ssub.f32 $1.500000000e+00, s22;
	s12 =	smul.f32 s23, s18;
	v8 =	vld [tilespmem:$0x1F8C0]  }
0x5e8: {  	s15 =	smul.f32 s28, s16;
	s29 =	ssub.f32 $1.500000000e+00, s19;
	v11 =	vmul.f32 v28, v45  }
0x5e9: {  	v6 =	vadd.f32 v6, v39;
	v13 =	vld [tilespmem:$0x1F8D0];
	[tilespmem:s17+$0x15BB0] =	vst v0;
	s14 =	smul.f32 s24, s14;
	v7 =	vmul.f32 v29, v7  }
0x5ea: {  	v54 =	vld [tilespmem:$0x1F8E0];
	s12 =	ssub.f32 $1.500000000e+00, s12;
	s11 =	smul.f32 s29, s11;
	v53 =	vadd.f32 v11, v37  }
0x5eb: {  	v14 =	vld [tilespmem:$0x1F8F0];
	[tilespmem:s17+$0x15C00] =	vst v6;
	s15 =	ssub.f32 $1.500000000e+00, s15;
	s10 =	smul.f32 s14, s10;
	v12 =	vmul.f32 v30, v12;
	v56 =	vadd.f32 v7, v42  }
0x5ec: {  	s12 =	smul.f32 s12, s18;
	v8 =	vmul.f32 v24, v8;
	[tilespmem:s17+$0x15C10] =	vst v53  }
0x5ed: {  	s31 =	smul.f32 s15, s16;
	v57 =	vadd.f32 v12, v35;
	[tilespmem:s17+$0x15C20] =	vst v56  }
0x5ee: {  	s8 =	smul.f32 s11, s8;
	v8 =	vadd.f32 v8, v39;
	v62 =	vld [tilespmem:$0x1F900]  }
0x5ef: {  	s30 =	smul.f32 s10, s14;
	[tilespmem:s17+$0x15C30] =	vst v57  }
0x5f0: {  	s9 =	smul.f32 s12, s9;
	[tilespmem:s17+$0x15C80] =	vst v8  }
0x5f1: {  	v13 =	vmul.f32 v25, v13;
	s8 =	smul.f32 s8, s11;
	s16 =	ssub.f32 $1.500000000e+00, s30;
	v28 =	vld [tilespmem:$0x1F910]  }
0x5f2: {  	s9 =	smul.f32 s9, s12  }
0x5f3: {  	v11 =	vmul.f32 v26, v54;
	s8 =	ssub.f32 $1.500000000e+00, s8;
	s14 =	smul.f32 s16, s14;
	v23 =	vmul.f32 v63, v62;
	v63 =	vadd.f32 v13, v37  }
0x5f4: {  	v14 =	vmul.f32 v27, v14;
	s9 =	ssub.f32 $1.500000000e+00, s9  }
0x5f5: {  	v11 =	vadd.f32 v11, v42;
	s8 =	smul.f32 s8, s11;
	v4 =	vmul.f32 s14, v36;
	v9 =	vmul.f32 s14, v34;
	[tilespmem:s17+$0x15C90] =	vst v63  }
0x5f6: {  	v29 =	vadd.f32 v14, v35;
	s24 =	smul.f32 s9, s12;
	v10 =	vmul.f32 s14, v31;
	v19 =	vmul.f32 v19, v28;
	v30 =	vld [tilespmem:$0x1F920]  }
0x5f7: {  	v8 =	vmul.f32 s8, v36;
	v4 =	vmul.f32 v4, v44;
	v23 =	vadd.f32 v23, v39;
	v41 =	vld [tilespmem:$0x1F930];
	[tilespmem:s17+$0x15CA0] =	vst v11  }
0x5f8: {  	v58 =	vmul.f32 s24, v33;
	v9 =	vmul.f32 v9, v32;
	v43 =	vadd.f32 v19, v37;
	[tilespmem:s17+$0x15CB0] =	vst v29  }
0x5f9: {  	v12 =	vmul.f32 s24, v36;
	v10 =	vmul.f32 v10, v60;
	v4 =	vadd.f32 v4, v37;
	[tilespmem:s17+$0x15D00] =	vst v23  }
0x5fa: {  	v8 =	vmul.f32 v8, v40;
	v7 =	vmul.f32 v58, v47;
	v58 =	vadd.f32 v9, v42;
	v17 =	vld [tilespmem:$0x1F9D0];
	[tilespmem:s17+$0x15D10] =	vst v43  }
0x5fb: {  	s5 =	smul.f32 s31, s5;
	v6 =	vmul.f32 s24, v34;
	v12 =	vmul.f32 v12, v61;
	v61 =	vadd.f32 v10, v35;
	[tilespmem:s21+$0x15A10] =	vst v4  }
0x5fc: {  	s18 =	smul.f32 s13, s3;
	v15 =	vmul.f32 s24, v31;
	v8 =	vadd.f32 v8, v37;
	[tilespmem:s21+$0x15A20] =	vst v58  }
0x5fd: {  	s5 =	smul.f32 s5, s31;
	v13 =	vmul.f32 s8, v33;
	v6 =	vmul.f32 v6, v46;
	v63 =	vadd.f32 v7, v39;
	[tilespmem:s21+$0x15A30] =	vst v61  }
0x5fe: {  	s19 =	smul.f32 s0, s2;
	v24 =	vmul.f32 s8, v34;
	v62 =	vmul.f32 v15, v59;
	v12 =	vadd.f32 v12, v37;
	[tilespmem:s21+$0x15B10] =	vst v8  }
0x5ff: {  	s16 =	smul.f32 s18, s13;
	s5 =	ssub.f32 $1.500000000e+00, s5;
	v13 =	vmul.f32 v13, v55;
	v6 =	vadd.f32 v6, v42;
	[tilespmem:s21+$0x15A80] =	vst v63  }
0x600: {  	s15 =	smul.f32 s19, s0;
	v32 =	vmul.f32 v24, v52;
	v10 =	vadd.f32 v62, v35;
	[tilespmem:s21+$0x15A90] =	vst v12  }
0x601: {  	s20 =	ssub.f32 $1.500000000e+00, s16;
	v5 =	vmul.f32 s14, v33;
	s5 =	smul.f32 s5, s31;
	v13 =	vadd.f32 v13, v39;
	[tilespmem:s21+$0x15AA0] =	vst v6;
	v14 =	vmul.f32 v18, v30  }
0x602: {  	s25 =	smul.f32 s4, s1;
	s23 =	ssub.f32 $1.500000000e+00, s15;
	v25 =	vmul.f32 s8, v31;
	[tilespmem:s21+$0x15AB0] =	vst v10;
	v12 =	vadd.f32 v32, v42;
	v18 =	vmul.f32 v51, v41  }
0x603: {  	s22 =	smul.f32 s20, s13;
	v45 =	vmul.f32 s5, v33;
	[tilespmem:s21+$0x15B00] =	vst v13;
	v14 =	vadd.f32 v14, v42;
	v5 =	vmul.f32 v5, v17  }
0x604: {  	v3 =	vmov s6;
	s6 =	smul.f32 s23, s0;
	v40 =	vmul.f32 v25, v38;
	[tilespmem:s21+$0x15B20] =	vst v12;
	v53 =	vadd.f32 v18, v35  }
0x605: {  	s3 =	smul.f32 s22, s3;
	v0 =	vmul.f32 v45, v16;
	v19 =	vmul.f32 s5, v36;
	[tilespmem:s17+$0x15D20] =	vst v14;
	v5 =	vadd.f32 v5, v39  }
0x606: {  	s0 =	smul.f32 s25, s4;
	v46 =	vadd.f32 v40, v35;
	v23 =	vmul.f32 s5, v34;
	[tilespmem:s17+$0x15D30] =	vst v53  }
0x607: {  	s3 =	smul.f32 s3, s22;
	v0 =	vadd.f32 v0, v39;
	v19 =	vmul.f32 v19, v20;
	[tilespmem:s21+$0x15A00] =	vst v5  }
0x608: {  	s2 =	smul.f32 s6, s2;
	v47 =	vmul.f32 v23, v21;
	v12 =	vld [tilespmem:$0x1F940];
	[tilespmem:s21+$0x15B30] =	vst v46  }
0x609: {  	s3 =	ssub.f32 $1.500000000e+00, s3;
	v19 =	vadd.f32 v19, v37;
	v8 =	vld [tilespmem:$0x1F950];
	[tilespmem:s21+$0x15B80] =	vst v0  }
0x60a: {  	s0 =	ssub.f32 $1.500000000e+00, s0;
	s2 =	smul.f32 s2, s6;
	v52 =	vadd.f32 v47, v42;
	v0 =	vld [tilespmem:$0x1F960]  }
0x60b: {  	s3 =	smul.f32 s3, s22;
	v53 =	vld [tilespmem:$0x1F970];
	[tilespmem:s21+$0x15B90] =	vst v19  }
0x60c: {  	s0 =	smul.f32 s0, s4;
	v51 =	vmul.f32 s5, v31;
	[tilespmem:s21+$0x15BA0] =	vst v52  }
0x60d: {  	s2 =	ssub.f32 $1.500000000e+00, s2;
	v54 =	vmul.f32 s3, v33;
	v14 =	vld [tilespmem:$0x1F980];
	v12 =	vsub.f32 v12, v2  }
0x60e: {  	s1 =	smul.f32 s0, s1;
	v56 =	vmul.f32 s3, v36;
	v51 =	vmul.f32 v51, v22  }
0x60f: {  	s2 =	smul.f32 s2, s6;
	v57 =	vmul.f32 s3, v34;
	v8 =	vsub.f32 v8, v2;
	v12 =	vmul.f32 v54, v12  }
0x610: {  	s1 =	smul.f32 s1, s0;
	v60 =	vmul.f32 s3, v31;
	v55 =	vadd.f32 v51, v35;
	v0 =	vsub.f32 v0, v2  }
0x611: {  	v54 =	vsub.f32 v53, v2;
	v8 =	vmul.f32 v56, v8;
	v12 =	vadd.f32 v12, v39  }
0x612: {  	s1 =	ssub.f32 $1.500000000e+00, s1;
	v27 =	vmul.f32 s2, v33;
	[tilespmem:s21+$0x15BB0] =	vst v55;
	v14 =	vsub.f32 v14, v3;
	v0 =	vmul.f32 v57, v0  }
0x613: {  	v56 =	vld [tilespmem:$0x1F990];
	v2 =	vmul.f32 v60, v54;
	v8 =	vadd.f32 v8, v37;
	[tilespmem:s21+$0x15C00] =	vst v12  }
0x614: {  	s0 =	smul.f32 s1, s0;
	v7 =	vmul.f32 v27, v14;
	v0 =	vadd.f32 v0, v42;
	v11 =	vld [tilespmem:$0x1F9A0]  }
0x615: {  	v1 =	vmov s7;
	v28 =	vmul.f32 s2, v36;
	v2 =	vadd.f32 v2, v35;
	v12 =	vld [tilespmem:$0x1F9B0];
	[tilespmem:s21+$0x15C10] =	vst v8  }
0x616: {  	v44 =	vmul.f32 s0, v34;
	v60 =	vsub.f32 v50, v1;
	v7 =	vadd.f32 v7, v39;
	[tilespmem:s21+$0x15C20] =	vst v0  }
0x617: {  	v29 =	vmul.f32 s2, v34;
	v58 =	vsub.f32 v48, v1;
	v41 =	vmul.f32 s0, v33;
	[tilespmem:s21+$0x15C30] =	vst v2  }
0x618: {  	v59 =	vsub.f32 v49, v1;
	v43 =	vmul.f32 s0, v36;
	v62 =	vmul.f32 v44, v60;
	[tilespmem:s21+$0x15C80] =	vst v7  }
0x619: {  	v30 =	vmul.f32 s2, v31;
	v9 =	vsub.f32 v56, v3;
	v0 =	vmul.f32 v41, v58;
	v7 =	vld [tilespmem:$0x1F9C0]  }
0x61a: {  	v2 =	vmul.f32 v43, v59;
	v63 =	vadd.f32 v62, v42;
	v11 =	vsub.f32 v11, v3  }
0x61b: {  	v4 =	vmul.f32 v28, v9;
	v0 =	vadd.f32 v0, v39;
	v3 =	vsub.f32 v12, v3  }
0x61c: {  	v2 =	vadd.f32 v2, v37;
	[tilespmem:s21+$0x15D20] =	vst v63;
	v57 =	vmul.f32 v29, v11  }
0x61d: {  	v4 =	vadd.f32 v4, v37;
	[tilespmem:s21+$0x15D00] =	vst v0;
	v3 =	vmul.f32 v30, v3  }
0x61e: {  	v45 =	vmul.f32 s0, v31;
	[tilespmem:s21+$0x15D10] =	vst v2;
	v1 =	vsub.f32 v7, v1;
	v61 =	vadd.f32 v57, v42  }
0x61f: {  	[tilespmem:s21+$0x15C90] =	vst v4;
	v3 =	vadd.f32 v3, v35  }
0x620: {  	v1 =	vmul.f32 v45, v1;
	[tilespmem:s21+$0x15CA0] =	vst v61  }
0x621: {  	[tilespmem:s21+$0x15CB0] =	vst v3  }
0x622: {  	v1 =	vadd.f32 v1, v35;
	s28 =	sld [smem:$0x7F2]  }
.Ltmp4:
0x623: {  	_ = 	snop;
	(pc) =	sbr.rel @p0 .LBB2_8-.Ltmp4, $4  }
0x624: {  	[tilespmem:s21+$0x15D30] =	vst v1  }
0x625: {  	s0 =	sshll.u32 s28, $0x4;
	s29 =	rddreg [dreg:$0x18]  }
0x626: {  	s30 =	simm.s32 $0x0;
	s31 =	simm.s32 $0x15A00;
	s0 =	sadd.s32 s29, s0  }
0x627: {  	[hbm4b:s0+s30] =	stream.linear.scatter [tilespmem:s31], [sflag:$0x4], $0x4000, $0x38;
	[tilespmem:$0x19A00] =	vst v63  }
0x628: {  	s0 =	simm.s32 $0x1;
	s26 =	sadd.s32 $0x8000, s26  }
0x629: {  	_ =	swait.ge [sflag:s0], $0x4000;
	[dreg:$0x7] =	wrdreg s26  }
0x62a: {  	s5 =	sld [smem:$0x7F3]  }
0x62b: {  	s4 =	sld [smem:$0x7F4]  }
0x62c: {  	s11 =	sld [smem:$0x7F7]  }
0x62d: {  	s8 =	sld [smem:$0x7F5]  }
0x62e: {  	s9 =	sld [smem:$0x7F6];
	v34 =	vld [tilespmem:$0x1FF80]  }
0x62f: {  	s29 =	sld [smem:$0x7FB];
	v37 =	vld [tilespmem:$0x1FF90]  }
0x630: {  	s30 =	sld [smem:$0x7FC];
	v57 =	vld [tilespmem:$0x1FFA0]  }
.Ltmp5:
0x631: {  	[sflag:s0] =	ssyncset.done $0x0;
	s31 =	sld [smem:$0x7FD];
	v62 =	vld [tilespmem:$0x1FFB0];
	(pc) =	sbr.rel .LBB2_2-.Ltmp5, $4  }
0x632: {  	v58 =	vld [tilespmem:$0x1FFC0];
	[sflag:s0] =	ssyncadd.s32 $0xFFFFC000;
	s5 =	sadd.s32 $0x1, s5;
	s0 =	sadd.s32 $0x100, s29  }
0x633: {  	v59 =	vld [tilespmem:$0x1FFD0];
	s4 =	sadd.s32 $0x20000, s4;
	[smem:$0x7FB] =	sst s0;
	s0 =	sadd.s32 $0x100, s30  }
0x634: {  	v60 =	vld [tilespmem:$0x1FFE0];
	s11 =	sadd.s32 $0x100, s11;
	[smem:$0x7FC] =	sst s0;
	s0 =	sadd.s32 $0x100, s31  }
0x635: {  	v61 =	vld [tilespmem:$0x1FFF0];
	s8 =	sadd.s32 $0x100, s8;
	s9 =	sadd.s32 $0x100, s9;
	[smem:$0x7FD] =	sst s0  }
.LBB2_9:
0x636: {  	_ =	sfence.sel $0x180000  }
0x637: {  	[bflag:$0x0] =	sbarrier.arrive $0xFFFF  }
0x638: {  	_ =	strace $0x90000047  }
0x639: {  	s0 =	stileid.u32;
	[bflag:$0x2] =	sbarrier.arrive $0xFFFF  }
0x63a: {  	p0 =	sne.s32 s0, $0x0;
	s0 =	rddreg [dreg:$0x5]  }
0x63b: {  	s0 =	sadd.s32 @!p0 $0x100000, s0  }
0x63c: {  	[sflag:s0] =	ssyncadd.tile.s32 @!p0 $0x1;
	_ =	shalt  }
.Lfunc_end2:
_tile_overlayer_lowered:
.L_overlay_start_2:
0x63d: {  	(tag) =	ssettag $0x2  }
0x63e: {  	s0 =	rddreg [dreg:$0x0];
	s2 =	stileid.u32  }
0x63f: {  	s1 =	rddreg [dreg:$0x1];
	p0 =	sne.s32 s2, $0x0  }
0x640: {  	s3 =	rddreg [dreg:$0x2];
	[bflag:$0x3] =	sbarrier.arrive $0xFFFF;
	s2 =	simm.s32 @!p0 $0x1C05  }
0x641: {  	[timem:s3], [sflag:s2] =	dma.local @!p0 [hbm:s0], s1  }
0x642: {  	s0 =	simm.s32 @!p0 $0x5  }
0x643: {  	_ =	swait.ge @!p0 [sflag:s0], s1  }
0x644: {  	s1 =	ssub.s32 @!p0 $0x0, s1;
	[sflag:s0] =	ssyncset.done @!p0 $0x0  }
0x645: {  	[sflag:s0] =	ssyncadd.s32 @!p0 s1  }
0x646: {  	[bflag:$0x3] =	sbarrier.arrive $0xFFFF  }
0x647: {  	_ =	shalt  }

// kernel: sparse-core-data-format-call.cloned.1.call-start
scs
called_computation_lowered:
.L_overlay_start_0:
0x0: {  	s2 =	sld [smem:$0x3FD9]  }
0x1: {  	s3 =	sld [smem:$0x3FFE];
	_ =	sdelay $0x1  }
0x2: {  	s1 =	srdreg.scid  }
0x3: {  	s0 =	sand.u32 $0x1, s1  }
0x4: {  	s18 =	sshll.u32 s0, $0xA;
	s2 =	sadd.s32 s3, s2  }
0x5: {  	s2 =	sadd.s32 s2, s18  }
0x6: {  	[smem:$0x3FC1] =	sst s2  }
0x7: {  	_ = 	snop  }
0x8: {  	s2 =	sld [smem:$0x3FD0];
	(tm) =	ssettm $0x1  }
0x9: {  	s19 =	sld [smem:$0x3FFB];
	_ =	sdelay $0x3  }
0xa: {  	_ =	strace s19  }
0xb: {  	s3 =	sld [smem:$0x3FFC];
	_ =	sdelay $0x3  }
0xc: {  	_ =	strace s3  }
0xd: {  	s3 =	sld [smem:$0x3FFD];
	_ =	sdelay $0x3  }
0xe: {  	_ =	strace s3  }
0xf: {  	_ =	strace $0x8FFFFFFF  }
0x10: {  	s20 =	sld [smem:$0x3FDB];
	_ =	sdelay $0x1  }
0x11: {  	s4 =	simm.s32 $_scs_section_size  }
0x12: {  	s5 =	simm.s32 $_size__tile_overlayer_lowered;
	s6 =	simm.s32 $_tile_overlayer_lowered  }
0x13: {  	s23 =	simm.s32 $0x1BFF;
	s22 =	sshll.u32 s6, $0x1;
	s3 =	sadd.s32 s4, s20  }
0x14: {  	s7 =	simm.s32 $0x0;
	s21 =	sshll.u32 s5, $0x1;
	s5 =	sadd.s32 s22, s3  }
0x15: {  	[timem:s7], [sflag:s23] =	dma.local [hbm:s5], s21  }
0x16: {  	_ =	swait.ge [sflag:s23], s21  }
0x17: {  	s4 =	ssub.s32 $0x0, s21;
	[sflag:s23] =	ssyncset.done $0x0  }
0x18: {  	[sflag:s23] =	ssyncadd.s32 s4;
	_ =	sdelay $0x1  }
0x19: {  	s24 =	simm.s32 $0x1B8B  }
0x1a: {  	_ =	swait.ge [sflag:s24], $0x1  }
0x1b: {  	[sflag:s24] =	ssyncset.done $0x0  }
0x1c: {  	s26 =	simm.s32 $0x1B8E;
	s25 =	sld [smem:$0x3FFE];
	[sflag:s24] =	ssyncadd.s32 $0xFFFFFFFF  }
0x1d: {  	s27 =	simm.s32 $execute0_lowered;
	[smem:$0x3FD2] =	sst s26  }
0x1e: {  	s5 =	sshll.u32 s27, $0x1;
	_ =	strace $0x80000049;
	[dreg:$0x1] =	wrdreg $0xFFFFFFFF  }
0x1f: {  	s28 =	simm.s32 $_size_execute0_lowered;
	s3 =	sadd.s32 s3, s5;
	[dreg:$0x0] =	wrdreg $0x0  }
0x20: {  	s5 =	sshll.u32 s28, $0x1;
	[dreg:$0x2] =	wrdreg s3  }
0x21: {  	[dreg:$0x3] =	wrdreg s5  }
0x22: {  	[dreg:$0x4] =	wrdreg $0xC0  }
0x23: {  	_ =	task [dreg:s7], $0x5FFFF  }
0x24: {  	[dreg:$0x1] =	wrdreg $0xFFFFFFFF  }
0x25: {  	[dreg:$0x0] =	wrdreg $0x60  }
0x26: {  	[dreg:$0x2] =	wrdreg s25  }
0x27: {  	[dreg:$0x3] =	wrdreg s2  }
0x28: {  	[dreg:$0x4] =	wrdreg $0x9  }
0x29: {  	_ =	task.clear_ibuf [dreg:s7], $0x5FFFF;
	_ =	strace $0x90000049  }
0x2a: {  	s29 =	simm.s32 $0x9;
	_ =	strace $0x8000004B  }
0x2b: {  	_ =	swait.ge [sflag:s29], $0x1  }
0x2c: {  	[sflag:s29] =	ssyncadd.s32 $0xFFFFFFFF  }
0x2d: {  	_ =	strace $0x9000004B  }
0x2e: {  	_ =	sfence  }
0x2f: {  	s30 =	sld [smem:$0x0];
	_ =	sdelay $0x2  }
0x30: {  	s31 =	sshll.u32 s1, $0xD;
	s1 =	sshrl.u32 s1, $0x2  }
0x31: {  	s3 =	sand.u32 $0x4000, s31;
	s1 =	sadd.s32 s1, s30  }
0x32: {  	s0 =	sor.u32 s3, s0;
	s1 =	sshll.u32 s1, $0x11  }
0x33: {  	s0 =	sor.u32 s1, s0  }
0x34: {  	s0 =	sadd.s32 $0x8F2B, s0  }
0x35: {  	[sflag:s0] =	ssyncadd.remote.s32 $0x1  }
0x36: {  	_ =	sfence.sel $0xFFFF  }
0x37: {  	[dreg:$0x0] =	wrdreg $0xFFFFFFFF;
	(pc) =	sbr.abs _section_cstart, $3  }
0x38: {  	[dreg:$0x1] =	wrdreg $0xFFFFFFFF  }
0x39: {  	_ =	task.clear_ibuf [dreg:s7], $0x2FFFF;
	_ =	strace $0x9FFFFFFF  }
0x3a: {  	(tm) =	ssettm $0x7FFFFFFF  }
0x3b: {  	_ =	shalt  }
tec
execute0_lowered:
.L_overlay_start_1:
0x0: {  	(tag) =	ssettag $0x1  }
0x1: {  	s0 =	stileid.u32;
	s6 =	rddreg [dreg:$0x0]  }
0x2: {  	s2 =	rddreg [dreg:$0x1];
	s5 =	srdreg.scid  }
0x3: {  	s31 =	simm.s32 $0x2;
	s13 =	simm.s32 $0x0;
	s1 =	sshll.u32 s0, $0x7  }
0x4: {  	s14 =	simm.s32 $0x0;
	s12 =	simm.s32 $0x0;
	s3 =	sand.u32 $0x380, s1  }
0x5: {  	s5 =	sshll.u32 s5, $0x4;
	s6 =	sadd.s32 $0x7C7A00, s6;
	s4 =	ssub.s32 $0x400, s3  }
0x6: {  	s1 =	rddreg [dreg:$0x2];
	_ =	strace $0x8000004A;
	s7 =	sand.u32 $0x380, s4  }
0x7: {  	s5 =	sand.u32 $0x10, s5;
	p0 =	sne.s32 s7, $0x0;
	s7 =	simm.s32 $0x1  }
.Ltmp0:
0x8: {  	s8 =	sshrl.u32 s4, $0xA;
	s7 =	simm.s32 @!p0 $0x0;
	(pc) =	sbr.rel .LBB1_1-.Ltmp0, $4  }
0x9: {  	s9 =	sor.u32 s0, s5;
	s4 =	simm.s32 $0x1;
	s30 =	sadd.s32 s7, s8  }
0xa: {  	s11 =	smov.u32 s3;
	[sflag:s4] =	ssyncpa.u1 $0x0;
	s5 =	smul.u32 $0x32, s30  }
0xb: {  	[sflag:s31] =	ssyncpa.u1 $0x0;
	p0 =	por $0x0, $0x0;
	s7 =	sshrl.u32 s9, $0x3  }
0xc: {  	s9 =	simm.s32 $0x2000;
	s10 =	smov.u32 s7;
	s8 =	sor.u32 $0x1, s5  }
.LBB1_4:
0xd: {  	s17 =	sand.u32 $0x1F80, s14;
	s13 =	sshll.u32 s13, $0xD  }
0xe: {  	[tilespmem:s16+$0x810 ss:$0x81] =	vst.msk $0xffff, v2;
	s18 =	sshrl.u32 s14, $0x3;
	s31 =	sand.u32 $0x7, s14;
	s17 =	sadd.s32 s2, s17  }
0xf: {  	[tilespmem:s16+$0x1020 ss:$0x81] =	vst.msk $0xffff, v0;
	s18 =	sand.u32 $0xF, s18;
	s14 =	sshll.u32 s31, $0x12;
	s13 =	sadd.s32 s13, s17  }
0x10: {  	[tilespmem:s16+$0x0 ss:$0x81] =	vst.msk $0xffff, v1;
	s14 =	sor.u32 $0x400, s14;
	s13 =	sadd.s32 s18, s13  }
0x11: {  	[hbm4b:s13+s14] =	stream.strided.scatter [tilespmem:s15], [sflag:$0x2], $0x2000, s9, s14, $0x20;
	[tilespmem:$0x8080] =	vst v63  }
.LBB1_5:
0x12: {  	s15 =	sadd.s32 $0x4, s10  }
0x13: {  	s13 =	sadd.s32 $0x400, s11;
	s17 =	smov.u32 s11;
	p2 =	sgt.s32 s15, $0xC7  }
0x14: {  	s17 =	smov.u32 @p2 s13  }
0x15: {  	s15 =	smov.u32 @p2 s7;
	p2 =	sgt.s32 s17, $0x3FF  }
0x16: {  	s17 =	smov.u32 @p2 s3;
	p2 =	sne.s32 s12, s8  }
.Ltmp1:
0x17: {  	p1 =	slt.u32 s12, $0x2;
	(pc) =	sbr.rel @!p2 .LBB1_6-.Ltmp1, $4  }
0x18: {  	s16 =	simm.s32 @!p1 $0x2  }
0x19: {  	s14 =	smov.u32 s11;
	p0 =	por !p0, !p0;
	_ =	swait.ge @!p1 [sflag:s16], $0x2000  }
0x1a: {  	s13 =	smov.u32 s10;
	[sflag:s16] =	ssyncset.done @!p1 $0x0;
	s10 =	smov.u32 s15  }
0x1b: {  	s12 =	sadd.s32 $0x1, s12;
	[sflag:s16] =	ssyncadd.s32 @!p1 $0xFFFFE000;
	s11 =	smov.u32 s17  }
.LBB1_1:
0x1c: {  	p1 =	sge.u32 s12, s5  }
0x1d: {  	s15 =	sand.u32 @!p1 $0x1FFFFFF, s10  }
0x1e: {  	s16 =	smulhi.u32 @!p1 $0x147AE15, s15;
	_ =	sdelay $0x1  }
0x1f: {  	s16 =	smul.u32 @!p1 $0xC8, s16  }
0x20: {  	s17 =	sxor.u32 @!p1 $0xFFFFFFFF, s12;
	s18 =	smul.u32 @!p1 $0xC80, s11  }
0x21: {  	s31 =	sadd.s32 $0xFFFFFFFF, s12;
	s17 =	sshll.u32 @!p1 s17, $0xD;
	s15 =	ssub.s32 @!p1 s15, s16  }
0x22: {  	s16 =	sand.u32 @!p1 $0x2000, s17;
	s17 =	sadd.s32 @!p1 s6, s18;
	s15 =	sshll.u32 @!p1 s15, $0x4  }
0x23: {  	s18 =	simm.s32 @!p1 $0x6400;
	s15 =	sadd.s32 @!p1 s15, s17;
	s17 =	simm.s32 @!p1 $0x40  }
0x24: {  	[tilespmem:s16], [sflag:$0x1] =	stream.strided.gather @!p1 [hbm4b:s15+s17], $0x2000, s18, s17, $0x38;
	[tilespmem:$0x8080] =	vst v63  }
0x25: {  	p1 =	sge.u32 s31, s5  }
.Ltmp2:
0x26: {  	_ = 	snop;
	(pc) =	sbr.rel @p1 .LBB1_5-.Ltmp2, $1  }
0x27: {  	_ =	sdelay $0x3  }
0x28: {  	s15 =	simm.s32 $0x1  }
0x29: {  	_ =	swait.ge [sflag:s4], $0x2000;
	s15 =	simm.s32 @!p0 $0x0  }
0x2a: {  	[sflag:s4] =	ssyncset.done $0x0;
	s16 =	sshll.u32 s15, $0xD  }
0x2b: {  	[sflag:s4] =	ssyncadd.s32 $0xFFFFE000;
	s19 =	sor.u32 $0x20, s16  }
0x2c: {  	s15 =	smul.u32 $0x8100, s15;
	v3 =	vld [tilespmem:s19+$0x10]  }
0x2d: {  	s30 =	sand.u32 $0x1, s12;
	v2 =	vld [tilespmem:s19+$0xFFFFFFF0]  }
0x2e: {  	s16 =	smul.u32 $0x8100, s30;
	s15 =	sshrl.u32 s15, $0x2;
	v0 =	vld [tilespmem:s19+$0x0]  }
0x2f: {  	v1 =	vld [tilespmem:s19+$0xFFFFFFE0];
	s17 =	sor.u32 $0x4000, s15  }
0x30: {  	s31 =	sshrl.u32 s16, $0x2;
	s16 =	sadd.s32 $0x0, s17  }
0x31: {  	s18 =	simm.s32 $0x4;
	s19 =	sadd.s32 $0x40, s19;
	s15 =	sor.u32 $0x4000, s31;
	[tilespmem:s16+$0x1830 ss:$0x81] =	vst.msk $0xffff, v3  }
.LBB1_3:
0x32: {  	v3 =	vld [tilespmem:s19+$0x10];
	p1 =	sne.s32 s18, $0x1FC;
	[tilespmem:s16+$0x810 ss:$0x81] =	vst.msk $0xffff, v2;
	s20 =	smov.u32 s18;
	s18 =	sadd.s32 $0x4, s18  }
.Ltmp3:
0x33: {  	v2 =	vld [tilespmem:s19+$0xFFFFFFF0];
	[tilespmem:s16+$0x1020 ss:$0x81] =	vst.msk $0xffff, v0;
	(pc) =	sbr.rel @p1 .LBB1_3-.Ltmp3, $4  }
0x34: {  	v0 =	vld [tilespmem:s19+$0x0];
	[tilespmem:s16+$0x0 ss:$0x81] =	vst.msk $0xffff, v1  }
0x35: {  	s16 =	sshra.s32 s20, $0x2;
	v1 =	vld [tilespmem:s19+$0xFFFFFFE0]  }
0x36: {  	s16 =	sadd.s32 s16, s17  }
0x37: {  	s19 =	sadd.s32 $0x40, s19;
	[tilespmem:s16+$0x1830 ss:$0x81] =	vst.msk $0xffff, v3  }
.Ltmp4:
0x38: {  	_ = 	snop;
	(pc) =	sbr.rel .LBB1_4-.Ltmp4, $1  }
0x39: {  	_ =	sdelay $0x3  }
.LBB1_6:
0x3a: {  	_ =	sfence.sel $0x180000  }
0x3b: {  	s2 =	simm.s32 $0x1;
	[bflag:$0x0] =	sbarrier.arrive $0xFFFF  }
0x3c: {  	s31 =	simm.s32 $0x2;
	[sflag:s2] =	ssyncpa.u1 $0x1  }
0x3d: {  	[sflag:s31] =	ssyncpa.u1 $0x1  }
0x3e: {  	p0 =	sne.s32 s0, $0x0;
	_ =	strace $0x9000004A  }
0x3f: {  	s0 =	sadd.s32 @!p0 $0x100000, s1;
	[bflag:$0x2] =	sbarrier.arrive $0xFFFF  }
0x40: {  	[sflag:s0] =	ssyncadd.tile.s32 @!p0 $0x1;
	_ =	shalt  }
.Lfunc_end1:
_tile_overlayer_lowered:
.L_overlay_start_2:
0x41: {  	(tag) =	ssettag $0x2  }
0x42: {  	s0 =	rddreg [dreg:$0x0];
	s2 =	stileid.u32  }
0x43: {  	s1 =	rddreg [dreg:$0x1];
	p0 =	sne.s32 s2, $0x0  }
0x44: {  	s3 =	rddreg [dreg:$0x2];
	[bflag:$0x3] =	sbarrier.arrive $0xFFFF;
	s2 =	simm.s32 @!p0 $0x1C01  }
0x45: {  	[timem:s3], [sflag:s2] =	dma.local @!p0 [hbm:s0], s1  }
0x46: {  	s0 =	simm.s32 @!p0 $0x1  }
0x47: {  	_ =	swait.ge @!p0 [sflag:s0], s1  }
0x48: {  	s1 =	ssub.s32 @!p0 $0x0, s1;
	[sflag:s0] =	ssyncset.done @!p0 $0x0  }
0x49: {  	[sflag:s0] =	ssyncadd.s32 @!p0 s1  }
0x4a: {  	[bflag:$0x3] =	sbarrier.arrive $0xFFFF  }
0x4b: {  	_ =	shalt  }

</sc_bundles>
